<compile_context>
chip_gen: v7x
topology: tpu7x:2x2x1
jax: 0.10.2.dev20260603
libtpu: 0.0.44.dev20260713+nightly
codegen_flags: <defaults>
</compile_context>

<pallas_src>
import functools

import jax
import jax.numpy as jnp
import numpy as np
from jax import lax
from jax.experimental import pallas as pl
from jax.experimental.pallas import tpu as pltpu
from jax.experimental.pallas import tpu_sc as plsc

_K = 32
_BIG_IDX = np.int32(2147483647)

_R, _N = 128, 32768
_NC, _NS = 2, 16
_NW = _NC * _NS
_RPW = _R // _NW
_NV = _N // 16


def _sort16d(v):
    return -jnp.sort(-v)


def _merge32(a0, a1):
    rb = lax.rev(a1, (0,))
    hi = jnp.maximum(a0, rb)
    lo = jnp.minimum(a0, rb)
    return _sort16d(hi), _sort16d(lo)


def _top32_fold(acc, sv):
    a0, a1 = acc
    m0, _ = _merge32(a1, sv)
    return _merge32(a0, m0)


def _sc_body(x_hbm, out_hbm, buf0, buf1, idxb, gmax_s, res_v, sem0, sem1,
             rsem):
    wid = lax.axis_index("s") * _NC + lax.axis_index("c")
    base = wid * _RPW
    iota = lax.iota(jnp.int32, 16)
    ninf = jnp.full((16,), -jnp.inf, jnp.float32)

    bufs = (buf0, buf1)
    sems = (sem0, sem1)
    buf0[pl.ds(_N, 16)] = ninf
    buf1[pl.ds(_N, 16)] = ninf

    pending = pltpu.async_copy(x_hbm.at[base], buf0.at[pl.ds(0, _N)], sem0)
    res = jnp.zeros((16,), jnp.int32)

    for j in range(_RPW):
        row_v = bufs[j % 2]
        pending.wait()
        if j + 1 < _RPW:
            pending = pltpu.async_copy(
                x_hbm.at[base + j + 1],
                bufs[(j + 1) % 2].at[pl.ds(0, _N)], sems[(j + 1) % 2])

        def p1(g, accs, row_v=row_v):
            vs = [row_v[pl.ds(g * 128 + u * 16, 16)] for u in range(8)]
            f01 = jnp.maximum(vs[0], vs[1])
            f23 = jnp.maximum(vs[2], vs[3])
            f45 = jnp.maximum(vs[4], vs[5])
            f67 = jnp.maximum(vs[6], vs[7])
            gmax_s[g] = jnp.max(jnp.maximum(jnp.maximum(f01, f23),
                                            jnp.maximum(f45, f67)))
            return tuple(jnp.maximum(accs[u], vs[u]) for u in range(8))

        accs = lax.fori_loop(0, _N // 128, p1, (ninf,) * 8)
        sacc = _merge32(_sort16d(accs[0]), _sort16d(accs[1]))
        for u in range(2, 8):
            sacc = _top32_fold(sacc, _sort16d(accs[u]))
        s = sacc[1][15]
        svec = jnp.full((16,), s, jnp.float32)

        def collect8(g, cntv, row_v=row_v, svec=svec):
            def c1(u, cv):
                v = row_v[pl.ds(g * 128 + u * 16, 16)]
                msk = v >= svec
                plsc.store_compressed(
                    idxb.at[pl.ds(cv[0], 16)],
                    iota + (g * 128 + u * 16), mask=msk)
                return cv + plsc.all_reduce_population_count(msk)

            return lax.fori_loop(0, 8, c1, cntv)

        def p2(b, cntv, s=s, collect8=collect8):
            g0 = b * 4
            hit = ((gmax_s[g0] >= s) | (gmax_s[g0 + 1] >= s) |
                   (gmax_s[g0 + 2] >= s) | (gmax_s[g0 + 3] >= s))

            def slow(cv):
                for u in range(4):
                    cv = lax.cond(gmax_s[g0 + u] >= s,
                                  lambda c, gu=g0 + u: collect8(gu, c),
                                  lambda c: c, cv)
                return cv

            return lax.cond(hit, slow, lambda cv: cv, cntv)

        cntv = lax.fori_loop(0, _N // 512, p2, jnp.zeros((16,), jnp.int32))
        cnt = cntv[0]
        idxb[pl.ds(cnt, 16)] = jnp.full((16,), _N, jnp.int32)
        nvq = (cnt + 15) // 16

        def mstep(q, acc, row_v=row_v):
            iq = idxb[pl.ds(q * 16, 16)]
            vq = plsc.load_gather(row_v, [iq])
            return _top32_fold(acc, _sort16d(vq))

        acc0, acc1 = lax.fori_loop(0, nvq, mstep, (ninf, ninf))
        tval = acc1[15]
        tv = jnp.full((16,), tval, jnp.float32)

        def cgt(q, c, row_v=row_v):
            iq = idxb[pl.ds(q * 16, 16)]
            vq = plsc.load_gather(row_v, [iq])
            return c + plsc.all_reduce_population_count(vq > tv)

        r = _K - lax.fori_loop(0, nvq, cgt,
                               jnp.zeros((16,), jnp.int32))[0]

        def min_eq_idx(_, row_v=row_v, nvq=nvq):
            def fmin(q, acc):
                iq = idxb[pl.ds(q * 16, 16)]
                vq = plsc.load_gather(row_v, [iq])
                return jnp.minimum(acc, jnp.where(vq == tv, iq, _BIG_IDX))

            mi = lax.fori_loop(0, nvq, fmin,
                               jnp.full((16,), _BIG_IDX, jnp.int32))
            return -jnp.max(-mi)

        def rth_eq_idx(_, row_v=row_v, nvq=nvq, r=r):
            def bstep(b, ans):
                cand = ans | (jnp.int32(1) << (14 - b))
                cv = jnp.full((16,), cand, jnp.int32)

                def fcnt(q, c):
                    iq = idxb[pl.ds(q * 16, 16)]
                    vq = plsc.load_gather(row_v, [iq])
                    return c + plsc.all_reduce_population_count(
                        (vq == tv) & (iq < cv))

                cnt = lax.fori_loop(0, nvq, fcnt,
                                    jnp.zeros((16,), jnp.int32))[0]
                return jnp.where(cnt < r, cand, ans)

            return lax.fori_loop(0, 15, bstep, jnp.int32(0))

        tidx = lax.cond(r == 1, min_eq_idx, rth_eq_idx, 0)
        tbits = lax.bitcast_convert_type(tval, jnp.int32)
        res = jnp.where(iota == 2 * j, jnp.full((16,), tbits, jnp.int32),
                        res)
        res = jnp.where(iota == 2 * j + 1, jnp.full((16,), tidx, jnp.int32),
                        res)

    res_v[...] = res
    pltpu.async_copy(res_v, out_hbm.at[wid], rsem).wait()


_sc_thresholds = functools.partial(
    pl.kernel,
    out_type=jax.ShapeDtypeStruct((_NW, 16), jnp.int32),
    mesh=plsc.VectorSubcoreMesh(core_axis_name="c", subcore_axis_name="s"),
    compiler_params=pltpu.CompilerParams(needs_layout_passes=False),
    scratch_types=[
        pltpu.VMEM((_N + 16,), jnp.float32),
        pltpu.VMEM((_N + 16,), jnp.float32),
        pltpu.VMEM((_N + 16,), jnp.int32),
        pltpu.SMEM((_N // 128,), jnp.float32),
        pltpu.VMEM((16,), jnp.int32),
        pltpu.SemaphoreType.DMA,
        pltpu.SemaphoreType.DMA,
        pltpu.SemaphoreType.DMA,
    ],
)(_sc_body)


def _mask_body(x_ref, t_ref, i_ref, o_ref):
    xb = x_ref[...]
    t = t_ref[...]
    ir = i_ref[...]
    col = lax.broadcasted_iota(jnp.int32, xb.shape, 1)
    keep = (xb > t) | ((xb == t) & (col <= ir))
    o_ref[...] = jnp.where(keep, jnp.maximum(xb, 0.0), 0.0)


def kernel(x, k):
    del k
    packed = _sc_thresholds(x)
    q = packed[:, :8].reshape(_R, 2)
    tf = lax.bitcast_convert_type(q[:, 0], jnp.float32).reshape(_R, 1)
    ir = q[:, 1].reshape(_R, 1)

    BR = 32
    return pl.pallas_call(
        _mask_body,
        grid=(_R // BR,),
        in_specs=[
            pl.BlockSpec((BR, _N), lambda i: (i, 0)),
            pl.BlockSpec((BR, 1), lambda i: (i, 0)),
            pl.BlockSpec((BR, 1), lambda i: (i, 0)),
        ],
        out_specs=pl.BlockSpec((BR, _N), lambda i: (i, 0)),
        out_shape=jax.ShapeDtypeStruct(x.shape, x.dtype),
    )(x, tf, ir)

# --- scband reference (transcript-rebuilt; emitter-appended) ---
"""Pipeline reference for scband-top-k-26594437496962 (READ-ONLY COPY).

The authoritative reference and input builder live on the scoring server;
editing this copy changes nothing except your own understanding.
"""

import jax, jax.numpy as jnp
import numpy as np


def setup_inputs(seed: int = 0) -> dict:
    key = jax.random.key(seed)
    x = jax.random.normal(key, (128, 32768), dtype=jnp.float32)
    return {"x": x, "k": 32}


def reference(x, k):
    # torch.topk(x, k, dim=-1)
    K_STATIC = 32
    vals, idx = jax.lax.top_k(x, K_STATIC)
    k_arr = jnp.asarray(k)
    vals = vals * (k_arr // k_arr).astype(vals.dtype)
    # postact_fn = ReLU applied to topk values
    vals = jax.nn.relu(vals)
    # result = zeros_like(x); result.scatter_(-1, idx, vals)
    rows = jnp.arange(x.shape[0])[:, None]
    result = jnp.zeros_like(x).at[rows, idx].set(vals)
    return result

if __name__ == "__main__":
    import jax
    _d = setup_inputs()
    print(jax.jit(kernel)(*tuple(_d.values())))

</pallas_src>

<mosaic_0001>
#map = affine_map<(d0, d1) -> (0, 0)>
module attributes {stable_mosaic.version = 14 : i64} {
  func.func @_sc_body(%arg0: i32, %arg1: i32, %arg2: memref<128x32768xf32, #tpu.memory_space<hbm>>, %arg3: memref<32x16xi32, #tpu.memory_space<hbm>>, %arg4: memref<32784xf32, #tpu.memory_space<vmem>>, %arg5: memref<32784xf32, #tpu.memory_space<vmem>>, %arg6: memref<32784xi32, #tpu.memory_space<vmem>>, %arg7: memref<256xf32, #tpu.memory_space<smem>>, %arg8: memref<16xi32, #tpu.memory_space<vmem>>, %arg9: memref<!tpu.dma_semaphore, #tpu.memory_space<semaphore_mem>>, %arg10: memref<!tpu.dma_semaphore, #tpu.memory_space<semaphore_mem>>, %arg11: memref<!tpu.dma_semaphore, #tpu.memory_space<semaphore_mem>>) attributes {dimension_semantics = [#tpu.dimension_semantics<core_parallel>, #tpu.dimension_semantics<subcore_parallel>], iteration_bounds = array<i64: 2, 16>, scalar_prefetch = 0 : i64, scratch_operands = 8 : i64, tpu.core_type = #tpu.core_type<sc_vector_subcore>, window_params = [{transform_indices = #map}, {transform_indices = #map}]} {
    %mul3A = arith.constant 2 : i32
    %mul3A_0 = arith.muli %arg1, %mul3A : i32
    %add3A = arith.addi %mul3A_0, %arg0 : i32
    %mul3A_1 = arith.constant 4 : i32
    %mul3A_2 = arith.muli %add3A, %mul3A_1 : i32
    %iota3A = tpu.iota {dimensions = array<i32: 0>} : vector<16xi32>
    %broadcast_in_dim3A = arith.constant 0xFF800000 : f32
    %broadcast_in_dim3A_3 = vector.broadcast %broadcast_in_dim3A : f32 to vector<16xf32>
    %swap3A = arith.constant 32768 : index
    %swap3A_4 = tpu.vector_load %arg4[%swap3A] {strides = array<i32>} : memref<32784xf32, #tpu.memory_space<vmem>>, vector<16xf32>,
    tpu.vector_store %arg4[%swap3A], %broadcast_in_dim3A_3 {strides = array<i32>} : memref<32784xf32, #tpu.memory_space<vmem>>, vector<16xf32>,
    %swap3A_5 = arith.constant 32768 : index
    %swap3A_6 = tpu.vector_load %arg5[%swap3A_5] {strides = array<i32>} : memref<32784xf32, #tpu.memory_space<vmem>>, vector<16xf32>,
    tpu.vector_store %arg5[%swap3A_5], %broadcast_in_dim3A_3 {strides = array<i32>} : memref<32784xf32, #tpu.memory_space<vmem>>, vector<16xf32>,
    %dma_start3A = arith.constant 0 : i32
    %dma_start3A_7 = tpu.memref_slice %arg4[%dma_start3A] : memref<32784xf32, #tpu.memory_space<vmem>> -> memref<32768xf32, #tpu.memory_space<vmem>>
    %dma_start3A_8 = arith.constant 0 : i32
    %dma_start3A_9 = tpu.memref_slice %arg2[%mul3A_2, %dma_start3A_8] : memref<128x32768xf32, #tpu.memory_space<hbm>> -> memref<1x32768xf32, #tpu.memory_space<hbm>>
    %dma_start3A_10 = tpu.memref_squeeze %dma_start3A_9 : memref<1x32768xf32, #tpu.memory_space<hbm>> -> memref<32768xf32, #tpu.memory_space<hbm>>
    %dma_start3A_11 = arith.constant 0 : i32
    %dma_start3A_12 = tpu.memref_slice %arg4[%dma_start3A_11] : memref<32784xf32, #tpu.memory_space<vmem>> -> memref<32768xf32, #tpu.memory_space<vmem>>
    %dma_start3A_13 = arith.constant 0 : i32
    %dma_start3A_14 = tpu.memref_slice %arg2[%mul3A_2, %dma_start3A_13] : memref<128x32768xf32, #tpu.memory_space<hbm>> -> memref<1x32768xf32, #tpu.memory_space<hbm>>
    %dma_start3A_15 = tpu.memref_squeeze %dma_start3A_14 : memref<1x32768xf32, #tpu.memory_space<hbm>> -> memref<32768xf32, #tpu.memory_space<hbm>>
    tpu.enqueue_dma source(%dma_start3A_15 : memref<32768xf32, #tpu.memory_space<hbm>>) target(%dma_start3A_12 : memref<32768xf32, #tpu.memory_space<vmem>>) target_semaphore(%arg9 : memref<!tpu.dma_semaphore, #tpu.memory_space<semaphore_mem>>)
    %broadcast_in_dim3A_16 = arith.constant 0 : i32
    %broadcast_in_dim3A_17 = vector.broadcast %broadcast_in_dim3A_16 : i32 to vector<16xi32>
    %dma_wait3A = arith.constant 0 : i32
    %dma_wait3A_18 = tpu.memref_slice %arg4[%dma_wait3A] : memref<32784xf32, #tpu.memory_space<vmem>> -> memref<32768xf32, #tpu.memory_space<vmem>>
    %dma_wait3A_19 = arith.constant 0 : i32
    %dma_wait3A_20 = tpu.memref_slice %arg2[%mul3A_2, %dma_wait3A_19] : memref<128x32768xf32, #tpu.memory_space<hbm>> -> memref<1x32768xf32, #tpu.memory_space<hbm>>
    %dma_wait3A_21 = tpu.memref_squeeze %dma_wait3A_20 : memref<1x32768xf32, #tpu.memory_space<hbm>> -> memref<32768xf32, #tpu.memory_space<hbm>>
    %dma_wait3A_22 = arith.constant 0 : i32
    %dma_wait3A_23 = tpu.memref_slice %arg4[%dma_wait3A_22] : memref<32784xf32, #tpu.memory_space<vmem>> -> memref<32768xf32, #tpu.memory_space<vmem>>
    %dma_wait3A_24 = arith.constant 0 : i32
    %dma_wait3A_25 = tpu.memref_slice %arg2[%mul3A_2, %dma_wait3A_24] : memref<128x32768xf32, #tpu.memory_space<hbm>> -> memref<1x32768xf32, #tpu.memory_space<hbm>>
    %dma_wait3A_26 = tpu.memref_squeeze %dma_wait3A_25 : memref<1x32768xf32, #tpu.memory_space<hbm>> -> memref<32768xf32, #tpu.memory_space<hbm>>
    tpu.wait_dma2 semaphore(%arg9 : memref<!tpu.dma_semaphore, #tpu.memory_space<semaphore_mem>>) src(%dma_wait3A_26 : memref<32768xf32, #tpu.memory_space<hbm>>) dst(%dma_wait3A_23 : memref<32768xf32, #tpu.memory_space<vmem>>)
    %add3A_27 = arith.constant 0 : i32
    %add3A_28 = arith.addi %mul3A_2, %add3A_27 : i32
    %add3A_29 = arith.constant 1 : i32
    %add3A_30 = arith.addi %add3A_28, %add3A_29 : i32
    %dma_start3A_31 = arith.constant 0 : i32
    %dma_start3A_32 = tpu.memref_slice %arg5[%dma_start3A_31] : memref<32784xf32, #tpu.memory_space<vmem>> -> memref<32768xf32, #tpu.memory_space<vmem>>
    %dma_start3A_33 = arith.constant 0 : i32
    %dma_start3A_34 = tpu.memref_slice %arg2[%add3A_30, %dma_start3A_33] : memref<128x32768xf32, #tpu.memory_space<hbm>> -> memref<1x32768xf32, #tpu.memory_space<hbm>>
    %dma_start3A_35 = tpu.memref_squeeze %dma_start3A_34 : memref<1x32768xf32, #tpu.memory_space<hbm>> -> memref<32768xf32, #tpu.memory_space<hbm>>
    %dma_start3A_36 = arith.constant 0 : i32
    %dma_start3A_37 = tpu.memref_slice %arg5[%dma_start3A_36] : memref<32784xf32, #tpu.memory_space<vmem>> -> memref<32768xf32, #tpu.memory_space<vmem>>
    %dma_start3A_38 = arith.constant 0 : i32
    %dma_start3A_39 = tpu.memref_slice %arg2[%add3A_30, %dma_start3A_38] : memref<128x32768xf32, #tpu.memory_space<hbm>> -> memref<1x32768xf32, #tpu.memory_space<hbm>>
    %dma_start3A_40 = tpu.memref_squeeze %dma_start3A_39 : memref<1x32768xf32, #tpu.memory_space<hbm>> -> memref<32768xf32, #tpu.memory_space<hbm>>
    tpu.enqueue_dma source(%dma_start3A_40 : memref<32768xf32, #tpu.memory_space<hbm>>) target(%dma_start3A_37 : memref<32768xf32, #tpu.memory_space<vmem>>) target_semaphore(%arg10 : memref<!tpu.dma_semaphore, #tpu.memory_space<semaphore_mem>>)
    %scan3A = arith.constant 0 : i32
    %scan3A_41 = arith.constant 256 : i32
    %scan3A_42 = arith.addi %scan3A, %scan3A_41 : i32
    %scan3A_43 = arith.constant 1 : i32
    %scan3A_44:8 = scf.for %scan3A_2208 = %scan3A to %scan3A_42 step %scan3A_43 iter_args(%scan3A_2209 = %broadcast_in_dim3A_3, %scan3A_2210 = %broadcast_in_dim3A_3, %scan3A_2211 = %broadcast_in_dim3A_3, %scan3A_2212 = %broadcast_in_dim3A_3, %scan3A_2213 = %broadcast_in_dim3A_3, %scan3A_2214 = %broadcast_in_dim3A_3, %scan3A_2215 = %broadcast_in_dim3A_3, %scan3A_2216 = %broadcast_in_dim3A_3) -> (vector<16xf32>, vector<16xf32>, vector<16xf32>, vector<16xf32>, vector<16xf32>, vector<16xf32>, vector<16xf32>, vector<16xf32>)  : i32 {
      %mul3A_2217 = arith.constant 128 : i32
      %mul3A_2218 = arith.muli %scan3A_2208, %mul3A_2217 : i32
      %add3A_2219 = arith.constant 0 : i32
      %add3A_2220 = arith.addi %mul3A_2218, %add3A_2219 : i32
      %get3A = arith.index_cast %add3A_2220 : i32 to index
      %get3A_2221 = tpu.vector_load %arg4[%get3A] {strides = array<i32>} : memref<32784xf32, #tpu.memory_space<vmem>>, vector<16xf32>,
      %mul3A_2222 = arith.constant 128 : i32
      %mul3A_2223 = arith.muli %scan3A_2208, %mul3A_2222 : i32
      %add3A_2224 = arith.constant 16 : i32
      %add3A_2225 = arith.addi %mul3A_2223, %add3A_2224 : i32
      %get3A_2226 = arith.index_cast %add3A_2225 : i32 to index
      %get3A_2227 = tpu.vector_load %arg4[%get3A_2226] {strides = array<i32>} : memref<32784xf32, #tpu.memory_space<vmem>>, vector<16xf32>,
      %mul3A_2228 = arith.constant 128 : i32
      %mul3A_2229 = arith.muli %scan3A_2208, %mul3A_2228 : i32
      %add3A_2230 = arith.constant 32 : i32
      %add3A_2231 = arith.addi %mul3A_2229, %add3A_2230 : i32
      %get3A_2232 = arith.index_cast %add3A_2231 : i32 to index
      %get3A_2233 = tpu.vector_load %arg4[%get3A_2232] {strides = array<i32>} : memref<32784xf32, #tpu.memory_space<vmem>>, vector<16xf32>,
      %mul3A_2234 = arith.constant 128 : i32
      %mul3A_2235 = arith.muli %scan3A_2208, %mul3A_2234 : i32
      %add3A_2236 = arith.constant 48 : i32
      %add3A_2237 = arith.addi %mul3A_2235, %add3A_2236 : i32
      %get3A_2238 = arith.index_cast %add3A_2237 : i32 to index
      %get3A_2239 = tpu.vector_load %arg4[%get3A_2238] {strides = array<i32>} : memref<32784xf32, #tpu.memory_space<vmem>>, vector<16xf32>,
      %mul3A_2240 = arith.constant 128 : i32
      %mul3A_2241 = arith.muli %scan3A_2208, %mul3A_2240 : i32
      %add3A_2242 = arith.constant 64 : i32
      %add3A_2243 = arith.addi %mul3A_2241, %add3A_2242 : i32
      %get3A_2244 = arith.index_cast %add3A_2243 : i32 to index
      %get3A_2245 = tpu.vector_load %arg4[%get3A_2244] {strides = array<i32>} : memref<32784xf32, #tpu.memory_space<vmem>>, vector<16xf32>,
      %mul3A_2246 = arith.constant 128 : i32
      %mul3A_2247 = arith.muli %scan3A_2208, %mul3A_2246 : i32
      %add3A_2248 = arith.constant 80 : i32
      %add3A_2249 = arith.addi %mul3A_2247, %add3A_2248 : i32
      %get3A_2250 = arith.index_cast %add3A_2249 : i32 to index
      %get3A_2251 = tpu.vector_load %arg4[%get3A_2250] {strides = array<i32>} : memref<32784xf32, #tpu.memory_space<vmem>>, vector<16xf32>,
      %mul3A_2252 = arith.constant 128 : i32
      %mul3A_2253 = arith.muli %scan3A_2208, %mul3A_2252 : i32
      %add3A_2254 = arith.constant 96 : i32
      %add3A_2255 = arith.addi %mul3A_2253, %add3A_2254 : i32
      %get3A_2256 = arith.index_cast %add3A_2255 : i32 to index
      %get3A_2257 = tpu.vector_load %arg4[%get3A_2256] {strides = array<i32>} : memref<32784xf32, #tpu.memory_space<vmem>>, vector<16xf32>,
      %mul3A_2258 = arith.constant 128 : i32
      %mul3A_2259 = arith.muli %scan3A_2208, %mul3A_2258 : i32
      %add3A_2260 = arith.constant 112 : i32
      %add3A_2261 = arith.addi %mul3A_2259, %add3A_2260 : i32
      %get3A_2262 = arith.index_cast %add3A_2261 : i32 to index
      %get3A_2263 = tpu.vector_load %arg4[%get3A_2262] {strides = array<i32>} : memref<32784xf32, #tpu.memory_space<vmem>>, vector<16xf32>,
      %max3A_2264 = arith.maximumf %get3A_2221, %get3A_2227 : vector<16xf32>
      %max3A_2265 = arith.maximumf %get3A_2233, %get3A_2239 : vector<16xf32>
      %max3A_2266 = arith.maximumf %get3A_2245, %get3A_2251 : vector<16xf32>
      %max3A_2267 = arith.maximumf %get3A_2257, %get3A_2263 : vector<16xf32>
      %max3A_2268 = arith.maximumf %max3A_2264, %max3A_2265 : vector<16xf32>
      %max3A_2269 = arith.maximumf %max3A_2266, %max3A_2267 : vector<16xf32>
      %max3A_2270 = arith.maximumf %max3A_2268, %max3A_2269 : vector<16xf32>
      %reduce_max3A = arith.constant true
      %reduce_max3A_2271 = vector.broadcast %reduce_max3A : i1 to vector<16xi1>
      %reduce_max3A_2272 = tpu.scan <max>, %max3A_2270 masked %reduce_max3A_2271 : vector<16xf32>, vector<16xi1> -> vector<16xf32>
      %reduce_max3A_2273 = vector.extract %reduce_max3A_2272[15] : f32 from vector<16xf32>
      %swap3A_2274 = arith.index_cast %scan3A_2208 : i32 to index
      %swap3A_2275 = memref.load %arg7[%swap3A_2274] : memref<256xf32, #tpu.memory_space<smem>>
      memref.store %reduce_max3A_2273, %arg7[%swap3A_2274] : memref<256xf32, #tpu.memory_space<smem>>
      %max3A_2276 = arith.maximumf %scan3A_2209, %get3A_2221 : vector<16xf32>
      %max3A_2277 = arith.maximumf %scan3A_2210, %get3A_2227 : vector<16xf32>
      %max3A_2278 = arith.maximumf %scan3A_2211, %get3A_2233 : vector<16xf32>
      %max3A_2279 = arith.maximumf %scan3A_2212, %get3A_2239 : vector<16xf32>
      %max3A_2280 = arith.maximumf %scan3A_2213, %get3A_2245 : vector<16xf32>
      %max3A_2281 = arith.maximumf %scan3A_2214, %get3A_2251 : vector<16xf32>
      %max3A_2282 = arith.maximumf %scan3A_2215, %get3A_2257 : vector<16xf32>
      %max3A_2283 = arith.maximumf %scan3A_2216, %get3A_2263 : vector<16xf32>
      scf.yield %max3A_2276, %max3A_2277, %max3A_2278, %max3A_2279, %max3A_2280, %max3A_2281, %max3A_2282, %max3A_2283 : vector<16xf32>, vector<16xf32>, vector<16xf32>, vector<16xf32>, vector<16xf32>, vector<16xf32>, vector<16xf32>, vector<16xf32>
    }
    %scan3A_45 = arith.constant 256 : i32
    %neg3A = arith.constant 0.000000e+00 : f32
    %neg3A_46 = vector.broadcast %neg3A : f32 to vector<16xf32>
    %neg3A_47 = arith.subf %neg3A_46, %scan3A_44#0 : vector<16xf32>
    %sort3A = arith.constant dense<true> : vector<16xi1>
    %sort3A_48, %sort3A_49, %sort3A_50 = tpu.sort %neg3A_47, %neg3A_47 masked %sort3A : (vector<16xf32>, vector<16xf32>, vector<16xi1>) -> (vector<16xi1>, vector<16xf32>, vector<16xf32>)
    %neg3A_51 = arith.constant 0.000000e+00 : f32
    %neg3A_52 = vector.broadcast %neg3A_51 : f32 to vector<16xf32>
    %neg3A_53 = arith.subf %neg3A_52, %sort3A_49 : vector<16xf32>
    %neg3A_54 = arith.constant 0.000000e+00 : f32
    %neg3A_55 = vector.broadcast %neg3A_54 : f32 to vector<16xf32>
    %neg3A_56 = arith.subf %neg3A_55, %scan3A_44#1 : vector<16xf32>
    %sort3A_57 = arith.constant dense<true> : vector<16xi1>
    %sort3A_58, %sort3A_59, %sort3A_60 = tpu.sort %neg3A_56, %neg3A_56 masked %sort3A_57 : (vector<16xf32>, vector<16xf32>, vector<16xi1>) -> (vector<16xi1>, vector<16xf32>, vector<16xf32>)
    %neg3A_61 = arith.constant 0.000000e+00 : f32
    %neg3A_62 = vector.broadcast %neg3A_61 : f32 to vector<16xf32>
    %neg3A_63 = arith.subf %neg3A_62, %sort3A_59 : vector<16xf32>
    %rev3A = arith.constant 15 : i32
    %rev3A_64 = vector.broadcast %rev3A : i32 to vector<16xi32>
    %rev3A_65 = tpu.iota {dimensions = array<i32: 0>} : vector<16xi32>
    %rev3A_66 = arith.subi %rev3A_64, %rev3A_65 : vector<16xi32>
    %rev3A_67 = tpu.dynamic_gather %neg3A_63[%rev3A_66] in [0] : vector<16xf32>, vector<16xi32> -> vector<16xf32>
    %max3A = arith.maximumf %neg3A_53, %rev3A_67 : vector<16xf32>
    %min3A = arith.minimumf %neg3A_53, %rev3A_67 : vector<16xf32>
    %neg3A_68 = arith.constant 0.000000e+00 : f32
    %neg3A_69 = vector.broadcast %neg3A_68 : f32 to vector<16xf32>
    %neg3A_70 = arith.subf %neg3A_69, %max3A : vector<16xf32>
    %sort3A_71 = arith.constant dense<true> : vector<16xi1>
    %sort3A_72, %sort3A_73, %sort3A_74 = tpu.sort %neg3A_70, %neg3A_70 masked %sort3A_71 : (vector<16xf32>, vector<16xf32>, vector<16xi1>) -> (vector<16xi1>, vector<16xf32>, vector<16xf32>)
    %neg3A_75 = arith.constant 0.000000e+00 : f32
    %neg3A_76 = vector.broadcast %neg3A_75 : f32 to vector<16xf32>
    %neg3A_77 = arith.subf %neg3A_76, %sort3A_73 : vector<16xf32>
    %neg3A_78 = arith.constant 0.000000e+00 : f32
    %neg3A_79 = vector.broadcast %neg3A_78 : f32 to vector<16xf32>
    %neg3A_80 = arith.subf %neg3A_79, %min3A : vector<16xf32>
    %sort3A_81 = arith.constant dense<true> : vector<16xi1>
    %sort3A_82, %sort3A_83, %sort3A_84 = tpu.sort %neg3A_80, %neg3A_80 masked %sort3A_81 : (vector<16xf32>, vector<16xf32>, vector<16xi1>) -> (vector<16xi1>, vector<16xf32>, vector<16xf32>)
    %neg3A_85 = arith.constant 0.000000e+00 : f32
    %neg3A_86 = vector.broadcast %neg3A_85 : f32 to vector<16xf32>
    %neg3A_87 = arith.subf %neg3A_86, %sort3A_83 : vector<16xf32>
    %neg3A_88 = arith.constant 0.000000e+00 : f32
    %neg3A_89 = vector.broadcast %neg3A_88 : f32 to vector<16xf32>
    %neg3A_90 = arith.subf %neg3A_89, %scan3A_44#2 : vector<16xf32>
    %sort3A_91 = arith.constant dense<true> : vector<16xi1>
    %sort3A_92, %sort3A_93, %sort3A_94 = tpu.sort %neg3A_90, %neg3A_90 masked %sort3A_91 : (vector<16xf32>, vector<16xf32>, vector<16xi1>) -> (vector<16xi1>, vector<16xf32>, vector<16xf32>)
    %neg3A_95 = arith.constant 0.000000e+00 : f32
    %neg3A_96 = vector.broadcast %neg3A_95 : f32 to vector<16xf32>
    %neg3A_97 = arith.subf %neg3A_96, %sort3A_93 : vector<16xf32>
    %rev3A_98 = arith.constant 15 : i32
    %rev3A_99 = vector.broadcast %rev3A_98 : i32 to vector<16xi32>
    %rev3A_100 = tpu.iota {dimensions = array<i32: 0>} : vector<16xi32>
    %rev3A_101 = arith.subi %rev3A_99, %rev3A_100 : vector<16xi32>
    %rev3A_102 = tpu.dynamic_gather %neg3A_97[%rev3A_101] in [0] : vector<16xf32>, vector<16xi32> -> vector<16xf32>
    %max3A_103 = arith.maximumf %neg3A_87, %rev3A_102 : vector<16xf32>
    %min3A_104 = arith.minimumf %neg3A_87, %rev3A_102 : vector<16xf32>
    %neg3A_105 = arith.constant 0.000000e+00 : f32
    %neg3A_106 = vector.broadcast %neg3A_105 : f32 to vector<16xf32>
    %neg3A_107 = arith.subf %neg3A_106, %max3A_103 : vector<16xf32>
    %sort3A_108 = arith.constant dense<true> : vector<16xi1>
    %sort3A_109, %sort3A_110, %sort3A_111 = tpu.sort %neg3A_107, %neg3A_107 masked %sort3A_108 : (vector<16xf32>, vector<16xf32>, vector<16xi1>) -> (vector<16xi1>, vector<16xf32>, vector<16xf32>)
    %neg3A_112 = arith.constant 0.000000e+00 : f32
    %neg3A_113 = vector.broadcast %neg3A_112 : f32 to vector<16xf32>
    %neg3A_114 = arith.subf %neg3A_113, %sort3A_110 : vector<16xf32>
    %neg3A_115 = arith.constant 0.000000e+00 : f32
    %neg3A_116 = vector.broadcast %neg3A_115 : f32 to vector<16xf32>
    %neg3A_117 = arith.subf %neg3A_116, %min3A_104 : vector<16xf32>
    %sort3A_118 = arith.constant dense<true> : vector<16xi1>
    %sort3A_119, %sort3A_120, %sort3A_121 = tpu.sort %neg3A_117, %neg3A_117 masked %sort3A_118 : (vector<16xf32>, vector<16xf32>, vector<16xi1>) -> (vector<16xi1>, vector<16xf32>, vector<16xf32>)
    %neg3A_122 = arith.constant 0.000000e+00 : f32
    %neg3A_123 = vector.broadcast %neg3A_122 : f32 to vector<16xf32>
    %neg3A_124 = arith.subf %neg3A_123, %sort3A_120 : vector<16xf32>
    %rev3A_125 = arith.constant 15 : i32
    %rev3A_126 = vector.broadcast %rev3A_125 : i32 to vector<16xi32>
    %rev3A_127 = tpu.iota {dimensions = array<i32: 0>} : vector<16xi32>
    %rev3A_128 = arith.subi %rev3A_126, %rev3A_127 : vector<16xi32>
    %rev3A_129 = tpu.dynamic_gather %neg3A_114[%rev3A_128] in [0] : vector<16xf32>, vector<16xi32> -> vector<16xf32>
    %max3A_130 = arith.maximumf %neg3A_77, %rev3A_129 : vector<16xf32>
    %min3A_131 = arith.minimumf %neg3A_77, %rev3A_129 : vector<16xf32>
    %neg3A_132 = arith.constant 0.000000e+00 : f32
    %neg3A_133 = vector.broadcast %neg3A_132 : f32 to vector<16xf32>
    %neg3A_134 = arith.subf %neg3A_133, %max3A_130 : vector<16xf32>
    %sort3A_135 = arith.constant dense<true> : vector<16xi1>
    %sort3A_136, %sort3A_137, %sort3A_138 = tpu.sort %neg3A_134, %neg3A_134 masked %sort3A_135 : (vector<16xf32>, vector<16xf32>, vector<16xi1>) -> (vector<16xi1>, vector<16xf32>, vector<16xf32>)
    %neg3A_139 = arith.constant 0.000000e+00 : f32
    %neg3A_140 = vector.broadcast %neg3A_139 : f32 to vector<16xf32>
    %neg3A_141 = arith.subf %neg3A_140, %sort3A_137 : vector<16xf32>
    %neg3A_142 = arith.constant 0.000000e+00 : f32
    %neg3A_143 = vector.broadcast %neg3A_142 : f32 to vector<16xf32>
    %neg3A_144 = arith.subf %neg3A_143, %min3A_131 : vector<16xf32>
    %sort3A_145 = arith.constant dense<true> : vector<16xi1>
    %sort3A_146, %sort3A_147, %sort3A_148 = tpu.sort %neg3A_144, %neg3A_144 masked %sort3A_145 : (vector<16xf32>, vector<16xf32>, vector<16xi1>) -> (vector<16xi1>, vector<16xf32>, vector<16xf32>)
    %neg3A_149 = arith.constant 0.000000e+00 : f32
    %neg3A_150 = vector.broadcast %neg3A_149 : f32 to vector<16xf32>
    %neg3A_151 = arith.subf %neg3A_150, %sort3A_147 : vector<16xf32>
    %neg3A_152 = arith.constant 0.000000e+00 : f32
    %neg3A_153 = vector.broadcast %neg3A_152 : f32 to vector<16xf32>
    %neg3A_154 = arith.subf %neg3A_153, %scan3A_44#3 : vector<16xf32>
    %sort3A_155 = arith.constant dense<true> : vector<16xi1>
    %sort3A_156, %sort3A_157, %sort3A_158 = tpu.sort %neg3A_154, %neg3A_154 masked %sort3A_155 : (vector<16xf32>, vector<16xf32>, vector<16xi1>) -> (vector<16xi1>, vector<16xf32>, vector<16xf32>)
    %neg3A_159 = arith.constant 0.000000e+00 : f32
    %neg3A_160 = vector.broadcast %neg3A_159 : f32 to vector<16xf32>
    %neg3A_161 = arith.subf %neg3A_160, %sort3A_157 : vector<16xf32>
    %rev3A_162 = arith.constant 15 : i32
    %rev3A_163 = vector.broadcast %rev3A_162 : i32 to vector<16xi32>
    %rev3A_164 = tpu.iota {dimensions = array<i32: 0>} : vector<16xi32>
    %rev3A_165 = arith.subi %rev3A_163, %rev3A_164 : vector<16xi32>
    %rev3A_166 = tpu.dynamic_gather %neg3A_161[%rev3A_165] in [0] : vector<16xf32>, vector<16xi32> -> vector<16xf32>
    %max3A_167 = arith.maximumf %neg3A_151, %rev3A_166 : vector<16xf32>
    %min3A_168 = arith.minimumf %neg3A_151, %rev3A_166 : vector<16xf32>
    %neg3A_169 = arith.constant 0.000000e+00 : f32
    %neg3A_170 = vector.broadcast %neg3A_169 : f32 to vector<16xf32>
    %neg3A_171 = arith.subf %neg3A_170, %max3A_167 : vector<16xf32>
    %sort3A_172 = arith.constant dense<true> : vector<16xi1>
    %sort3A_173, %sort3A_174, %sort3A_175 = tpu.sort %neg3A_171, %neg3A_171 masked %sort3A_172 : (vector<16xf32>, vector<16xf32>, vector<16xi1>) -> (vector<16xi1>, vector<16xf32>, vector<16xf32>)
    %neg3A_176 = arith.constant 0.000000e+00 : f32
    %neg3A_177 = vector.broadcast %neg3A_176 : f32 to vector<16xf32>
    %neg3A_178 = arith.subf %neg3A_177, %sort3A_174 : vector<16xf32>
    %neg3A_179 = arith.constant 0.000000e+00 : f32
    %neg3A_180 = vector.broadcast %neg3A_179 : f32 to vector<16xf32>
    %neg3A_181 = arith.subf %neg3A_180, %min3A_168 : vector<16xf32>
    %sort3A_182 = arith.constant dense<true> : vector<16xi1>
    %sort3A_183, %sort3A_184, %sort3A_185 = tpu.sort %neg3A_181, %neg3A_181 masked %sort3A_182 : (vector<16xf32>, vector<16xf32>, vector<16xi1>) -> (vector<16xi1>, vector<16xf32>, vector<16xf32>)
    %neg3A_186 = arith.constant 0.000000e+00 : f32
    %neg3A_187 = vector.broadcast %neg3A_186 : f32 to vector<16xf32>
    %neg3A_188 = arith.subf %neg3A_187, %sort3A_184 : vector<16xf32>
    %rev3A_189 = arith.constant 15 : i32
    %rev3A_190 = vector.broadcast %rev3A_189 : i32 to vector<16xi32>
    %rev3A_191 = tpu.iota {dimensions = array<i32: 0>} : vector<16xi32>
    %rev3A_192 = arith.subi %rev3A_190, %rev3A_191 : vector<16xi32>
    %rev3A_193 = tpu.dynamic_gather %neg3A_178[%rev3A_192] in [0] : vector<16xf32>, vector<16xi32> -> vector<16xf32>
    %max3A_194 = arith.maximumf %neg3A_141, %rev3A_193 : vector<16xf32>
    %min3A_195 = arith.minimumf %neg3A_141, %rev3A_193 : vector<16xf32>
    %neg3A_196 = arith.constant 0.000000e+00 : f32
    %neg3A_197 = vector.broadcast %neg3A_196 : f32 to vector<16xf32>
    %neg3A_198 = arith.subf %neg3A_197, %max3A_194 : vector<16xf32>
    %sort3A_199 = arith.constant dense<true> : vector<16xi1>
    %sort3A_200, %sort3A_201, %sort3A_202 = tpu.sort %neg3A_198, %neg3A_198 masked %sort3A_199 : (vector<16xf32>, vector<16xf32>, vector<16xi1>) -> (vector<16xi1>, vector<16xf32>, vector<16xf32>)
    %neg3A_203 = arith.constant 0.000000e+00 : f32
    %neg3A_204 = vector.broadcast %neg3A_203 : f32 to vector<16xf32>
    %neg3A_205 = arith.subf %neg3A_204, %sort3A_201 : vector<16xf32>
    %neg3A_206 = arith.constant 0.000000e+00 : f32
    %neg3A_207 = vector.broadcast %neg3A_206 : f32 to vector<16xf32>
    %neg3A_208 = arith.subf %neg3A_207, %min3A_195 : vector<16xf32>
    %sort3A_209 = arith.constant dense<true> : vector<16xi1>
    %sort3A_210, %sort3A_211, %sort3A_212 = tpu.sort %neg3A_208, %neg3A_208 masked %sort3A_209 : (vector<16xf32>, vector<16xf32>, vector<16xi1>) -> (vector<16xi1>, vector<16xf32>, vector<16xf32>)
    %neg3A_213 = arith.constant 0.000000e+00 : f32
    %neg3A_214 = vector.broadcast %neg3A_213 : f32 to vector<16xf32>
    %neg3A_215 = arith.subf %neg3A_214, %sort3A_211 : vector<16xf32>
    %neg3A_216 = arith.constant 0.000000e+00 : f32
    %neg3A_217 = vector.broadcast %neg3A_216 : f32 to vector<16xf32>
    %neg3A_218 = arith.subf %neg3A_217, %scan3A_44#4 : vector<16xf32>
    %sort3A_219 = arith.constant dense<true> : vector<16xi1>
    %sort3A_220, %sort3A_221, %sort3A_222 = tpu.sort %neg3A_218, %neg3A_218 masked %sort3A_219 : (vector<16xf32>, vector<16xf32>, vector<16xi1>) -> (vector<16xi1>, vector<16xf32>, vector<16xf32>)
    %neg3A_223 = arith.constant 0.000000e+00 : f32
    %neg3A_224 = vector.broadcast %neg3A_223 : f32 to vector<16xf32>
    %neg3A_225 = arith.subf %neg3A_224, %sort3A_221 : vector<16xf32>
    %rev3A_226 = arith.constant 15 : i32
    %rev3A_227 = vector.broadcast %rev3A_226 : i32 to vector<16xi32>
    %rev3A_228 = tpu.iota {dimensions = array<i32: 0>} : vector<16xi32>
    %rev3A_229 = arith.subi %rev3A_227, %rev3A_228 : vector<16xi32>
    %rev3A_230 = tpu.dynamic_gather %neg3A_225[%rev3A_229] in [0] : vector<16xf32>, vector<16xi32> -> vector<16xf32>
    %max3A_231 = arith.maximumf %neg3A_215, %rev3A_230 : vector<16xf32>
    %min3A_232 = arith.minimumf %neg3A_215, %rev3A_230 : vector<16xf32>
    %neg3A_233 = arith.constant 0.000000e+00 : f32
    %neg3A_234 = vector.broadcast %neg3A_233 : f32 to vector<16xf32>
    %neg3A_235 = arith.subf %neg3A_234, %max3A_231 : vector<16xf32>
    %sort3A_236 = arith.constant dense<true> : vector<16xi1>
    %sort3A_237, %sort3A_238, %sort3A_239 = tpu.sort %neg3A_235, %neg3A_235 masked %sort3A_236 : (vector<16xf32>, vector<16xf32>, vector<16xi1>) -> (vector<16xi1>, vector<16xf32>, vector<16xf32>)
    %neg3A_240 = arith.constant 0.000000e+00 : f32
    %neg3A_241 = vector.broadcast %neg3A_240 : f32 to vector<16xf32>
    %neg3A_242 = arith.subf %neg3A_241, %sort3A_238 : vector<16xf32>
    %neg3A_243 = arith.constant 0.000000e+00 : f32
    %neg3A_244 = vector.broadcast %neg3A_243 : f32 to vector<16xf32>
    %neg3A_245 = arith.subf %neg3A_244, %min3A_232 : vector<16xf32>
    %sort3A_246 = arith.constant dense<true> : vector<16xi1>
    %sort3A_247, %sort3A_248, %sort3A_249 = tpu.sort %neg3A_245, %neg3A_245 masked %sort3A_246 : (vector<16xf32>, vector<16xf32>, vector<16xi1>) -> (vector<16xi1>, vector<16xf32>, vector<16xf32>)
    %neg3A_250 = arith.constant 0.000000e+00 : f32
    %neg3A_251 = vector.broadcast %neg3A_250 : f32 to vector<16xf32>
    %neg3A_252 = arith.subf %neg3A_251, %sort3A_248 : vector<16xf32>
    %rev3A_253 = arith.constant 15 : i32
    %rev3A_254 = vector.broadcast %rev3A_253 : i32 to vector<16xi32>
    %rev3A_255 = tpu.iota {dimensions = array<i32: 0>} : vector<16xi32>
    %rev3A_256 = arith.subi %rev3A_254, %rev3A_255 : vector<16xi32>
    %rev3A_257 = tpu.dynamic_gather %neg3A_242[%rev3A_256] in [0] : vector<16xf32>, vector<16xi32> -> vector<16xf32>
    %max3A_258 = arith.maximumf %neg3A_205, %rev3A_257 : vector<16xf32>
    %min3A_259 = arith.minimumf %neg3A_205, %rev3A_257 : vector<16xf32>
    %neg3A_260 = arith.constant 0.000000e+00 : f32
    %neg3A_261 = vector.broadcast %neg3A_260 : f32 to vector<16xf32>
    %neg3A_262 = arith.subf %neg3A_261, %max3A_258 : vector<16xf32>
    %sort3A_263 = arith.constant dense<true> : vector<16xi1>
    %sort3A_264, %sort3A_265, %sort3A_266 = tpu.sort %neg3A_262, %neg3A_262 masked %sort3A_263 : (vector<16xf32>, vector<16xf32>, vector<16xi1>) -> (vector<16xi1>, vector<16xf32>, vector<16xf32>)
    %neg3A_267 = arith.constant 0.000000e+00 : f32
    %neg3A_268 = vector.broadcast %neg3A_267 : f32 to vector<16xf32>
    %neg3A_269 = arith.subf %neg3A_268, %sort3A_265 : vector<16xf32>
    %neg3A_270 = arith.constant 0.000000e+00 : f32
    %neg3A_271 = vector.broadcast %neg3A_270 : f32 to vector<16xf32>
    %neg3A_272 = arith.subf %neg3A_271, %min3A_259 : vector<16xf32>
    %sort3A_273 = arith.constant dense<true> : vector<16xi1>
    %sort3A_274, %sort3A_275, %sort3A_276 = tpu.sort %neg3A_272, %neg3A_272 masked %sort3A_273 : (vector<16xf32>, vector<16xf32>, vector<16xi1>) -> (vector<16xi1>, vector<16xf32>, vector<16xf32>)
    %neg3A_277 = arith.constant 0.000000e+00 : f32
    %neg3A_278 = vector.broadcast %neg3A_277 : f32 to vector<16xf32>
    %neg3A_279 = arith.subf %neg3A_278, %sort3A_275 : vector<16xf32>
    %neg3A_280 = arith.constant 0.000000e+00 : f32
    %neg3A_281 = vector.broadcast %neg3A_280 : f32 to vector<16xf32>
    %neg3A_282 = arith.subf %neg3A_281, %scan3A_44#5 : vector<16xf32>
    %sort3A_283 = arith.constant dense<true> : vector<16xi1>
    %sort3A_284, %sort3A_285, %sort3A_286 = tpu.sort %neg3A_282, %neg3A_282 masked %sort3A_283 : (vector<16xf32>, vector<16xf32>, vector<16xi1>) -> (vector<16xi1>, vector<16xf32>, vector<16xf32>)
    %neg3A_287 = arith.constant 0.000000e+00 : f32
    %neg3A_288 = vector.broadcast %neg3A_287 : f32 to vector<16xf32>
    %neg3A_289 = arith.subf %neg3A_288, %sort3A_285 : vector<16xf32>
    %rev3A_290 = arith.constant 15 : i32
    %rev3A_291 = vector.broadcast %rev3A_290 : i32 to vector<16xi32>
    %rev3A_292 = tpu.iota {dimensions = array<i32: 0>} : vector<16xi32>
    %rev3A_293 = arith.subi %rev3A_291, %rev3A_292 : vector<16xi32>
    %rev3A_294 = tpu.dynamic_gather %neg3A_289[%rev3A_293] in [0] : vector<16xf32>, vector<16xi32> -> vector<16xf32>
    %max3A_295 = arith.maximumf %neg3A_279, %rev3A_294 : vector<16xf32>
    %min3A_296 = arith.minimumf %neg3A_279, %rev3A_294 : vector<16xf32>
    %neg3A_297 = arith.constant 0.000000e+00 : f32
    %neg3A_298 = vector.broadcast %neg3A_297 : f32 to vector<16xf32>
    %neg3A_299 = arith.subf %neg3A_298, %max3A_295 : vector<16xf32>
    %sort3A_300 = arith.constant dense<true> : vector<16xi1>
    %sort3A_301, %sort3A_302, %sort3A_303 = tpu.sort %neg3A_299, %neg3A_299 masked %sort3A_300 : (vector<16xf32>, vector<16xf32>, vector<16xi1>) -> (vector<16xi1>, vector<16xf32>, vector<16xf32>)
    %neg3A_304 = arith.constant 0.000000e+00 : f32
    %neg3A_305 = vector.broadcast %neg3A_304 : f32 to vector<16xf32>
    %neg3A_306 = arith.subf %neg3A_305, %sort3A_302 : vector<16xf32>
    %neg3A_307 = arith.constant 0.000000e+00 : f32
    %neg3A_308 = vector.broadcast %neg3A_307 : f32 to vector<16xf32>
    %neg3A_309 = arith.subf %neg3A_308, %min3A_296 : vector<16xf32>
    %sort3A_310 = arith.constant dense<true> : vector<16xi1>
    %sort3A_311, %sort3A_312, %sort3A_313 = tpu.sort %neg3A_309, %neg3A_309 masked %sort3A_310 : (vector<16xf32>, vector<16xf32>, vector<16xi1>) -> (vector<16xi1>, vector<16xf32>, vector<16xf32>)
    %neg3A_314 = arith.constant 0.000000e+00 : f32
    %neg3A_315 = vector.broadcast %neg3A_314 : f32 to vector<16xf32>
    %neg3A_316 = arith.subf %neg3A_315, %sort3A_312 : vector<16xf32>
    %rev3A_317 = arith.constant 15 : i32
    %rev3A_318 = vector.broadcast %rev3A_317 : i32 to vector<16xi32>
    %rev3A_319 = tpu.iota {dimensions = array<i32: 0>} : vector<16xi32>
    %rev3A_320 = arith.subi %rev3A_318, %rev3A_319 : vector<16xi32>
    %rev3A_321 = tpu.dynamic_gather %neg3A_306[%rev3A_320] in [0] : vector<16xf32>, vector<16xi32> -> vector<16xf32>
    %max3A_322 = arith.maximumf %neg3A_269, %rev3A_321 : vector<16xf32>
    %min3A_323 = arith.minimumf %neg3A_269, %rev3A_321 : vector<16xf32>
    %neg3A_324 = arith.constant 0.000000e+00 : f32
    %neg3A_325 = vector.broadcast %neg3A_324 : f32 to vector<16xf32>
    %neg3A_326 = arith.subf %neg3A_325, %max3A_322 : vector<16xf32>
    %sort3A_327 = arith.constant dense<true> : vector<16xi1>
    %sort3A_328, %sort3A_329, %sort3A_330 = tpu.sort %neg3A_326, %neg3A_326 masked %sort3A_327 : (vector<16xf32>, vector<16xf32>, vector<16xi1>) -> (vector<16xi1>, vector<16xf32>, vector<16xf32>)
    %neg3A_331 = arith.constant 0.000000e+00 : f32
    %neg3A_332 = vector.broadcast %neg3A_331 : f32 to vector<16xf32>
    %neg3A_333 = arith.subf %neg3A_332, %sort3A_329 : vector<16xf32>
    %neg3A_334 = arith.constant 0.000000e+00 : f32
    %neg3A_335 = vector.broadcast %neg3A_334 : f32 to vector<16xf32>
    %neg3A_336 = arith.subf %neg3A_335, %min3A_323 : vector<16xf32>
    %sort3A_337 = arith.constant dense<true> : vector<16xi1>
    %sort3A_338, %sort3A_339, %sort3A_340 = tpu.sort %neg3A_336, %neg3A_336 masked %sort3A_337 : (vector<16xf32>, vector<16xf32>, vector<16xi1>) -> (vector<16xi1>, vector<16xf32>, vector<16xf32>)
    %neg3A_341 = arith.constant 0.000000e+00 : f32
    %neg3A_342 = vector.broadcast %neg3A_341 : f32 to vector<16xf32>
    %neg3A_343 = arith.subf %neg3A_342, %sort3A_339 : vector<16xf32>
    %neg3A_344 = arith.constant 0.000000e+00 : f32
    %neg3A_345 = vector.broadcast %neg3A_344 : f32 to vector<16xf32>
    %neg3A_346 = arith.subf %neg3A_345, %scan3A_44#6 : vector<16xf32>
    %sort3A_347 = arith.constant dense<true> : vector<16xi1>
    %sort3A_348, %sort3A_349, %sort3A_350 = tpu.sort %neg3A_346, %neg3A_346 masked %sort3A_347 : (vector<16xf32>, vector<16xf32>, vector<16xi1>) -> (vector<16xi1>, vector<16xf32>, vector<16xf32>)
    %neg3A_351 = arith.constant 0.000000e+00 : f32
    %neg3A_352 = vector.broadcast %neg3A_351 : f32 to vector<16xf32>
    %neg3A_353 = arith.subf %neg3A_352, %sort3A_349 : vector<16xf32>
    %rev3A_354 = arith.constant 15 : i32
    %rev3A_355 = vector.broadcast %rev3A_354 : i32 to vector<16xi32>
    %rev3A_356 = tpu.iota {dimensions = array<i32: 0>} : vector<16xi32>
    %rev3A_357 = arith.subi %rev3A_355, %rev3A_356 : vector<16xi32>
    %rev3A_358 = tpu.dynamic_gather %neg3A_353[%rev3A_357] in [0] : vector<16xf32>, vector<16xi32> -> vector<16xf32>
    %max3A_359 = arith.maximumf %neg3A_343, %rev3A_358 : vector<16xf32>
    %min3A_360 = arith.minimumf %neg3A_343, %rev3A_358 : vector<16xf32>
    %neg3A_361 = arith.constant 0.000000e+00 : f32
    %neg3A_362 = vector.broadcast %neg3A_361 : f32 to vector<16xf32>
    %neg3A_363 = arith.subf %neg3A_362, %max3A_359 : vector<16xf32>
    %sort3A_364 = arith.constant dense<true> : vector<16xi1>
    %sort3A_365, %sort3A_366, %sort3A_367 = tpu.sort %neg3A_363, %neg3A_363 masked %sort3A_364 : (vector<16xf32>, vector<16xf32>, vector<16xi1>) -> (vector<16xi1>, vector<16xf32>, vector<16xf32>)
    %neg3A_368 = arith.constant 0.000000e+00 : f32
    %neg3A_369 = vector.broadcast %neg3A_368 : f32 to vector<16xf32>
    %neg3A_370 = arith.subf %neg3A_369, %sort3A_366 : vector<16xf32>
    %neg3A_371 = arith.constant 0.000000e+00 : f32
    %neg3A_372 = vector.broadcast %neg3A_371 : f32 to vector<16xf32>
    %neg3A_373 = arith.subf %neg3A_372, %min3A_360 : vector<16xf32>
    %sort3A_374 = arith.constant dense<true> : vector<16xi1>
    %sort3A_375, %sort3A_376, %sort3A_377 = tpu.sort %neg3A_373, %neg3A_373 masked %sort3A_374 : (vector<16xf32>, vector<16xf32>, vector<16xi1>) -> (vector<16xi1>, vector<16xf32>, vector<16xf32>)
    %neg3A_378 = arith.constant 0.000000e+00 : f32
    %neg3A_379 = vector.broadcast %neg3A_378 : f32 to vector<16xf32>
    %neg3A_380 = arith.subf %neg3A_379, %sort3A_376 : vector<16xf32>
    %rev3A_381 = arith.constant 15 : i32
    %rev3A_382 = vector.broadcast %rev3A_381 : i32 to vector<16xi32>
    %rev3A_383 = tpu.iota {dimensions = array<i32: 0>} : vector<16xi32>
    %rev3A_384 = arith.subi %rev3A_382, %rev3A_383 : vector<16xi32>
    %rev3A_385 = tpu.dynamic_gather %neg3A_370[%rev3A_384] in [0] : vector<16xf32>, vector<16xi32> -> vector<16xf32>
    %max3A_386 = arith.maximumf %neg3A_333, %rev3A_385 : vector<16xf32>
    %min3A_387 = arith.minimumf %neg3A_333, %rev3A_385 : vector<16xf32>
    %neg3A_388 = arith.constant 0.000000e+00 : f32
    %neg3A_389 = vector.broadcast %neg3A_388 : f32 to vector<16xf32>
    %neg3A_390 = arith.subf %neg3A_389, %max3A_386 : vector<16xf32>
    %sort3A_391 = arith.constant dense<true> : vector<16xi1>
    %sort3A_392, %sort3A_393, %sort3A_394 = tpu.sort %neg3A_390, %neg3A_390 masked %sort3A_391 : (vector<16xf32>, vector<16xf32>, vector<16xi1>) -> (vector<16xi1>, vector<16xf32>, vector<16xf32>)
    %neg3A_395 = arith.constant 0.000000e+00 : f32
    %neg3A_396 = vector.broadcast %neg3A_395 : f32 to vector<16xf32>
    %neg3A_397 = arith.subf %neg3A_396, %sort3A_393 : vector<16xf32>
    %neg3A_398 = arith.constant 0.000000e+00 : f32
    %neg3A_399 = vector.broadcast %neg3A_398 : f32 to vector<16xf32>
    %neg3A_400 = arith.subf %neg3A_399, %min3A_387 : vector<16xf32>
    %sort3A_401 = arith.constant dense<true> : vector<16xi1>
    %sort3A_402, %sort3A_403, %sort3A_404 = tpu.sort %neg3A_400, %neg3A_400 masked %sort3A_401 : (vector<16xf32>, vector<16xf32>, vector<16xi1>) -> (vector<16xi1>, vector<16xf32>, vector<16xf32>)
    %neg3A_405 = arith.constant 0.000000e+00 : f32
    %neg3A_406 = vector.broadcast %neg3A_405 : f32 to vector<16xf32>
    %neg3A_407 = arith.subf %neg3A_406, %sort3A_403 : vector<16xf32>
    %neg3A_408 = arith.constant 0.000000e+00 : f32
    %neg3A_409 = vector.broadcast %neg3A_408 : f32 to vector<16xf32>
    %neg3A_410 = arith.subf %neg3A_409, %scan3A_44#7 : vector<16xf32>
    %sort3A_411 = arith.constant dense<true> : vector<16xi1>
    %sort3A_412, %sort3A_413, %sort3A_414 = tpu.sort %neg3A_410, %neg3A_410 masked %sort3A_411 : (vector<16xf32>, vector<16xf32>, vector<16xi1>) -> (vector<16xi1>, vector<16xf32>, vector<16xf32>)
    %neg3A_415 = arith.constant 0.000000e+00 : f32
    %neg3A_416 = vector.broadcast %neg3A_415 : f32 to vector<16xf32>
    %neg3A_417 = arith.subf %neg3A_416, %sort3A_413 : vector<16xf32>
    %rev3A_418 = arith.constant 15 : i32
    %rev3A_419 = vector.broadcast %rev3A_418 : i32 to vector<16xi32>
    %rev3A_420 = tpu.iota {dimensions = array<i32: 0>} : vector<16xi32>
    %rev3A_421 = arith.subi %rev3A_419, %rev3A_420 : vector<16xi32>
    %rev3A_422 = tpu.dynamic_gather %neg3A_417[%rev3A_421] in [0] : vector<16xf32>, vector<16xi32> -> vector<16xf32>
    %max3A_423 = arith.maximumf %neg3A_407, %rev3A_422 : vector<16xf32>
    %min3A_424 = arith.minimumf %neg3A_407, %rev3A_422 : vector<16xf32>
    %neg3A_425 = arith.constant 0.000000e+00 : f32
    %neg3A_426 = vector.broadcast %neg3A_425 : f32 to vector<16xf32>
    %neg3A_427 = arith.subf %neg3A_426, %max3A_423 : vector<16xf32>
    %sort3A_428 = arith.constant dense<true> : vector<16xi1>
    %sort3A_429, %sort3A_430, %sort3A_431 = tpu.sort %neg3A_427, %neg3A_427 masked %sort3A_428 : (vector<16xf32>, vector<16xf32>, vector<16xi1>) -> (vector<16xi1>, vector<16xf32>, vector<16xf32>)
    %neg3A_432 = arith.constant 0.000000e+00 : f32
    %neg3A_433 = vector.broadcast %neg3A_432 : f32 to vector<16xf32>
    %neg3A_434 = arith.subf %neg3A_433, %sort3A_430 : vector<16xf32>
    %neg3A_435 = arith.constant 0.000000e+00 : f32
    %neg3A_436 = vector.broadcast %neg3A_435 : f32 to vector<16xf32>
    %neg3A_437 = arith.subf %neg3A_436, %min3A_424 : vector<16xf32>
    %sort3A_438 = arith.constant dense<true> : vector<16xi1>
    %sort3A_439, %sort3A_440, %sort3A_441 = tpu.sort %neg3A_437, %neg3A_437 masked %sort3A_438 : (vector<16xf32>, vector<16xf32>, vector<16xi1>) -> (vector<16xi1>, vector<16xf32>, vector<16xf32>)
    %neg3A_442 = arith.constant 0.000000e+00 : f32
    %neg3A_443 = vector.broadcast %neg3A_442 : f32 to vector<16xf32>
    %neg3A_444 = arith.subf %neg3A_443, %sort3A_440 : vector<16xf32>
    %rev3A_445 = arith.constant 15 : i32
    %rev3A_446 = vector.broadcast %rev3A_445 : i32 to vector<16xi32>
    %rev3A_447 = tpu.iota {dimensions = array<i32: 0>} : vector<16xi32>
    %rev3A_448 = arith.subi %rev3A_446, %rev3A_447 : vector<16xi32>
    %rev3A_449 = tpu.dynamic_gather %neg3A_434[%rev3A_448] in [0] : vector<16xf32>, vector<16xi32> -> vector<16xf32>
    %max3A_450 = arith.maximumf %neg3A_397, %rev3A_449 : vector<16xf32>
    %min3A_451 = arith.minimumf %neg3A_397, %rev3A_449 : vector<16xf32>
    %neg3A_452 = arith.constant 0.000000e+00 : f32
    %neg3A_453 = vector.broadcast %neg3A_452 : f32 to vector<16xf32>
    %neg3A_454 = arith.subf %neg3A_453, %max3A_450 : vector<16xf32>
    %sort3A_455 = arith.constant dense<true> : vector<16xi1>
    %sort3A_456, %sort3A_457, %sort3A_458 = tpu.sort %neg3A_454, %neg3A_454 masked %sort3A_455 : (vector<16xf32>, vector<16xf32>, vector<16xi1>) -> (vector<16xi1>, vector<16xf32>, vector<16xf32>)
    %neg3A_459 = arith.constant 0.000000e+00 : f32
    %neg3A_460 = vector.broadcast %neg3A_459 : f32 to vector<16xf32>
    %neg3A_461 = arith.subf %neg3A_460, %sort3A_457 : vector<16xf32>
    %neg3A_462 = arith.constant 0.000000e+00 : f32
    %neg3A_463 = vector.broadcast %neg3A_462 : f32 to vector<16xf32>
    %neg3A_464 = arith.subf %neg3A_463, %min3A_451 : vector<16xf32>
    %sort3A_465 = arith.constant dense<true> : vector<16xi1>
    %sort3A_466, %sort3A_467, %sort3A_468 = tpu.sort %neg3A_464, %neg3A_464 masked %sort3A_465 : (vector<16xf32>, vector<16xf32>, vector<16xi1>) -> (vector<16xi1>, vector<16xf32>, vector<16xf32>)
    %neg3A_469 = arith.constant 0.000000e+00 : f32
    %neg3A_470 = vector.broadcast %neg3A_469 : f32 to vector<16xf32>
    %neg3A_471 = arith.subf %neg3A_470, %sort3A_467 : vector<16xf32>
    %slice3A = vector.extract_strided_slice %neg3A_471 {offsets = [15], sizes = [1], strides = [1]} : vector<16xf32> to vector<1xf32>
    %squeeze3A = vector.extract %slice3A[0] : f32 from vector<1xf32>
    %broadcast_in_dim3A_472 = vector.broadcast %squeeze3A : f32 to vector<16xf32>
    %broadcast_in_dim3A_473 = arith.constant 0 : i32
    %broadcast_in_dim3A_474 = vector.broadcast %broadcast_in_dim3A_473 : i32 to vector<16xi32>
    %scan3A_475 = arith.constant 0 : i32
    %scan3A_476 = arith.constant 64 : i32
    %scan3A_477 = arith.addi %scan3A_475, %scan3A_476 : i32
    %scan3A_478 = arith.constant 1 : i32
    %scan3A_479 = scf.for %scan3A_2208 = %scan3A_475 to %scan3A_477 step %scan3A_478 iter_args(%scan3A_2209 = %broadcast_in_dim3A_474) -> (vector<16xi32>)  : i32 {
      %mul3A_2210 = arith.constant 4 : i32
      %mul3A_2211 = arith.muli %scan3A_2208, %mul3A_2210 : i32
      %get3A = arith.index_cast %mul3A_2211 : i32 to index
      %get3A_2212 = memref.load %arg7[%get3A] : memref<256xf32, #tpu.memory_space<smem>>
      %ge3A = arith.cmpf oge, %get3A_2212, %squeeze3A : f32
      %add3A_2213 = arith.constant 1 : i32
      %add3A_2214 = arith.addi %mul3A_2211, %add3A_2213 : i32
      %get3A_2215 = arith.index_cast %add3A_2214 : i32 to index
      %get3A_2216 = memref.load %arg7[%get3A_2215] : memref<256xf32, #tpu.memory_space<smem>>
      %ge3A_2217 = arith.cmpf oge, %get3A_2216, %squeeze3A : f32
      %or3A = arith.ori %ge3A, %ge3A_2217 : i1
      %add3A_2218 = arith.constant 2 : i32
      %add3A_2219 = arith.addi %mul3A_2211, %add3A_2218 : i32
      %get3A_2220 = arith.index_cast %add3A_2219 : i32 to index
      %get3A_2221 = memref.load %arg7[%get3A_2220] : memref<256xf32, #tpu.memory_space<smem>>
      %ge3A_2222 = arith.cmpf oge, %get3A_2221, %squeeze3A : f32
      %or3A_2223 = arith.ori %or3A, %ge3A_2222 : i1
      %add3A_2224 = arith.constant 3 : i32
      %add3A_2225 = arith.addi %mul3A_2211, %add3A_2224 : i32
      %get3A_2226 = arith.index_cast %add3A_2225 : i32 to index
      %get3A_2227 = memref.load %arg7[%get3A_2226] : memref<256xf32, #tpu.memory_space<smem>>
      %ge3A_2228 = arith.cmpf oge, %get3A_2227, %squeeze3A : f32
      %or3A_2229 = arith.ori %or3A_2223, %ge3A_2228 : i1
      %convert_element_type3A_2230 = arith.extui %or3A_2229 : i1 to i32
      %cond3A_2231 = arith.constant 0 : i32
      %cond3A_2232 = arith.cmpi ne, %convert_element_type3A_2230, %cond3A_2231 : i32
      %cond3A_2233 = scf.if %cond3A_2232 -> (vector<16xi32>) {
        %add3A_2234 = arith.constant 0 : i32
        %add3A_2235 = arith.addi %mul3A_2211, %add3A_2234 : i32
        %get3A_2236 = arith.index_cast %add3A_2235 : i32 to index
        %get3A_2237 = memref.load %arg7[%get3A_2236] : memref<256xf32, #tpu.memory_space<smem>>
        %ge3A_2238 = arith.cmpf oge, %get3A_2237, %squeeze3A : f32
        %add3A_2239 = arith.constant 0 : i32
        %add3A_2240 = arith.addi %mul3A_2211, %add3A_2239 : i32
        %convert_element_type3A_2241 = arith.extui %ge3A_2238 : i1 to i32
        %cond3A_2242 = arith.constant 0 : i32
        %cond3A_2243 = arith.cmpi ne, %convert_element_type3A_2241, %cond3A_2242 : i32
        %cond3A_2244 = scf.if %cond3A_2243 -> (vector<16xi32>) {
          %scan3A_2278 = arith.constant 0 : i32
          %scan3A_2279 = arith.constant 8 : i32
          %scan3A_2280 = arith.addi %scan3A_2278, %scan3A_2279 : i32
          %scan3A_2281 = arith.constant 1 : i32
          %scan3A_2282 = scf.for %scan3A_2284 = %scan3A_2278 to %scan3A_2280 step %scan3A_2281 iter_args(%scan3A_2285 = %scan3A_2209) -> (vector<16xi32>)  : i32 {
            %mul3A_2286 = arith.constant 128 : i32
            %mul3A_2287 = arith.muli %add3A_2240, %mul3A_2286 : i32
            %mul3A_2288 = arith.constant 16 : i32
            %mul3A_2289 = arith.muli %scan3A_2284, %mul3A_2288 : i32
            %add3A_2290 = arith.addi %mul3A_2287, %mul3A_2289 : i32
            %get3A_2291 = arith.index_cast %add3A_2290 : i32 to index
            %get3A_2292 = tpu.vector_load %arg4[%get3A_2291] {strides = array<i32>} : memref<32784xf32, #tpu.memory_space<vmem>>, vector<16xf32>,
            %ge3A_2293 = arith.cmpf oge, %get3A_2292, %broadcast_in_dim3A_472 : vector<16xf32>
            %slice3A_2294 = vector.extract_strided_slice %scan3A_2285 {offsets = [0], sizes = [1], strides = [1]} : vector<16xi32> to vector<1xi32>
            %squeeze3A_2295 = vector.extract %slice3A_2294[0] : i32 from vector<1xi32>
            %mul3A_2296 = arith.constant 128 : i32
            %mul3A_2297 = arith.muli %add3A_2240, %mul3A_2296 : i32
            %mul3A_2298 = arith.constant 16 : i32
            %mul3A_2299 = arith.muli %scan3A_2284, %mul3A_2298 : i32
            %add3A_2300 = arith.addi %mul3A_2297, %mul3A_2299 : i32
            %add3A_2301 = vector.broadcast %add3A_2300 : i32 to vector<16xi32>
            %add3A_2302 = arith.addi %iota3A, %add3A_2301 : vector<16xi32>
            %swap3A_2303 = arith.index_cast %squeeze3A_2295 : i32 to index
            %swap3A_2304 = tpu.vector_load %arg6[%swap3A_2303] masked %ge3A_2293 {strides = array<i32>} : memref<32784xi32, #tpu.memory_space<vmem>>, vector<16xi32>, vector<16xi1>
            tpu.vector_store %arg6[%swap3A_2303], %add3A_2302 masked %ge3A_2293 {strides = array<i32>} : memref<32784xi32, #tpu.memory_space<vmem>>, vector<16xi32>, vector<16xi1>
            %all_reduce_population_count3A = tpu.all_reduce %ge3A_2293 {dim = 0 : i64, kind = #tpu.reduction_kind<sum>} : vector<16xi1> -> vector<16xi32>
            %add3A_2305 = arith.addi %scan3A_2285, %all_reduce_population_count3A : vector<16xi32>
            scf.yield %add3A_2305 : vector<16xi32>
          }
          %scan3A_2283 = arith.constant 8 : i32
          scf.yield %scan3A_2282 : vector<16xi32>
        } else {
          scf.yield %scan3A_2209 : vector<16xi32>
        }
        %add3A_2245 = arith.constant 1 : i32
        %add3A_2246 = arith.addi %mul3A_2211, %add3A_2245 : i32
        %get3A_2247 = arith.index_cast %add3A_2246 : i32 to index
        %get3A_2248 = memref.load %arg7[%get3A_2247] : memref<256xf32, #tpu.memory_space<smem>>
        %ge3A_2249 = arith.cmpf oge, %get3A_2248, %squeeze3A : f32
        %add3A_2250 = arith.constant 1 : i32
        %add3A_2251 = arith.addi %mul3A_2211, %add3A_2250 : i32
        %convert_element_type3A_2252 = arith.extui %ge3A_2249 : i1 to i32
        %cond3A_2253 = arith.constant 0 : i32
        %cond3A_2254 = arith.cmpi ne, %convert_element_type3A_2252, %cond3A_2253 : i32
        %cond3A_2255 = scf.if %cond3A_2254 -> (vector<16xi32>) {
          %scan3A_2278 = arith.constant 0 : i32
          %scan3A_2279 = arith.constant 8 : i32
          %scan3A_2280 = arith.addi %scan3A_2278, %scan3A_2279 : i32
          %scan3A_2281 = arith.constant 1 : i32
          %scan3A_2282 = scf.for %scan3A_2284 = %scan3A_2278 to %scan3A_2280 step %scan3A_2281 iter_args(%scan3A_2285 = %cond3A_2244) -> (vector<16xi32>)  : i32 {
            %mul3A_2286 = arith.constant 128 : i32
            %mul3A_2287 = arith.muli %add3A_2251, %mul3A_2286 : i32
            %mul3A_2288 = arith.constant 16 : i32
            %mul3A_2289 = arith.muli %scan3A_2284, %mul3A_2288 : i32
            %add3A_2290 = arith.addi %mul3A_2287, %mul3A_2289 : i32
            %get3A_2291 = arith.index_cast %add3A_2290 : i32 to index
            %get3A_2292 = tpu.vector_load %arg4[%get3A_2291] {strides = array<i32>} : memref<32784xf32, #tpu.memory_space<vmem>>, vector<16xf32>,
            %ge3A_2293 = arith.cmpf oge, %get3A_2292, %broadcast_in_dim3A_472 : vector<16xf32>
            %slice3A_2294 = vector.extract_strided_slice %scan3A_2285 {offsets = [0], sizes = [1], strides = [1]} : vector<16xi32> to vector<1xi32>
            %squeeze3A_2295 = vector.extract %slice3A_2294[0] : i32 from vector<1xi32>
            %mul3A_2296 = arith.constant 128 : i32
            %mul3A_2297 = arith.muli %add3A_2251, %mul3A_2296 : i32
            %mul3A_2298 = arith.constant 16 : i32
            %mul3A_2299 = arith.muli %scan3A_2284, %mul3A_2298 : i32
            %add3A_2300 = arith.addi %mul3A_2297, %mul3A_2299 : i32
            %add3A_2301 = vector.broadcast %add3A_2300 : i32 to vector<16xi32>
            %add3A_2302 = arith.addi %iota3A, %add3A_2301 : vector<16xi32>
            %swap3A_2303 = arith.index_cast %squeeze3A_2295 : i32 to index
            %swap3A_2304 = tpu.vector_load %arg6[%swap3A_2303] masked %ge3A_2293 {strides = array<i32>} : memref<32784xi32, #tpu.memory_space<vmem>>, vector<16xi32>, vector<16xi1>
            tpu.vector_store %arg6[%swap3A_2303], %add3A_2302 masked %ge3A_2293 {strides = array<i32>} : memref<32784xi32, #tpu.memory_space<vmem>>, vector<16xi32>, vector<16xi1>
            %all_reduce_population_count3A = tpu.all_reduce %ge3A_2293 {dim = 0 : i64, kind = #tpu.reduction_kind<sum>} : vector<16xi1> -> vector<16xi32>
            %add3A_2305 = arith.addi %scan3A_2285, %all_reduce_population_count3A : vector<16xi32>
            scf.yield %add3A_2305 : vector<16xi32>
          }
          %scan3A_2283 = arith.constant 8 : i32
          scf.yield %scan3A_2282 : vector<16xi32>
        } else {
          scf.yield %cond3A_2244 : vector<16xi32>
        }
        %add3A_2256 = arith.constant 2 : i32
        %add3A_2257 = arith.addi %mul3A_2211, %add3A_2256 : i32
        %get3A_2258 = arith.index_cast %add3A_2257 : i32 to index
        %get3A_2259 = memref.load %arg7[%get3A_2258] : memref<256xf32, #tpu.memory_space<smem>>
        %ge3A_2260 = arith.cmpf oge, %get3A_2259, %squeeze3A : f32
        %add3A_2261 = arith.constant 2 : i32
        %add3A_2262 = arith.addi %mul3A_2211, %add3A_2261 : i32
        %convert_element_type3A_2263 = arith.extui %ge3A_2260 : i1 to i32
        %cond3A_2264 = arith.constant 0 : i32
        %cond3A_2265 = arith.cmpi ne, %convert_element_type3A_2263, %cond3A_2264 : i32
        %cond3A_2266 = scf.if %cond3A_2265 -> (vector<16xi32>) {
          %scan3A_2278 = arith.constant 0 : i32
          %scan3A_2279 = arith.constant 8 : i32
          %scan3A_2280 = arith.addi %scan3A_2278, %scan3A_2279 : i32
          %scan3A_2281 = arith.constant 1 : i32
          %scan3A_2282 = scf.for %scan3A_2284 = %scan3A_2278 to %scan3A_2280 step %scan3A_2281 iter_args(%scan3A_2285 = %cond3A_2255) -> (vector<16xi32>)  : i32 {
            %mul3A_2286 = arith.constant 128 : i32
            %mul3A_2287 = arith.muli %add3A_2262, %mul3A_2286 : i32
            %mul3A_2288 = arith.constant 16 : i32
            %mul3A_2289 = arith.muli %scan3A_2284, %mul3A_2288 : i32
            %add3A_2290 = arith.addi %mul3A_2287, %mul3A_2289 : i32
            %get3A_2291 = arith.index_cast %add3A_2290 : i32 to index
            %get3A_2292 = tpu.vector_load %arg4[%get3A_2291] {strides = array<i32>} : memref<32784xf32, #tpu.memory_space<vmem>>, vector<16xf32>,
            %ge3A_2293 = arith.cmpf oge, %get3A_2292, %broadcast_in_dim3A_472 : vector<16xf32>
            %slice3A_2294 = vector.extract_strided_slice %scan3A_2285 {offsets = [0], sizes = [1], strides = [1]} : vector<16xi32> to vector<1xi32>
            %squeeze3A_2295 = vector.extract %slice3A_2294[0] : i32 from vector<1xi32>
            %mul3A_2296 = arith.constant 128 : i32
            %mul3A_2297 = arith.muli %add3A_2262, %mul3A_2296 : i32
            %mul3A_2298 = arith.constant 16 : i32
            %mul3A_2299 = arith.muli %scan3A_2284, %mul3A_2298 : i32
            %add3A_2300 = arith.addi %mul3A_2297, %mul3A_2299 : i32
            %add3A_2301 = vector.broadcast %add3A_2300 : i32 to vector<16xi32>
            %add3A_2302 = arith.addi %iota3A, %add3A_2301 : vector<16xi32>
            %swap3A_2303 = arith.index_cast %squeeze3A_2295 : i32 to index
            %swap3A_2304 = tpu.vector_load %arg6[%swap3A_2303] masked %ge3A_2293 {strides = array<i32>} : memref<32784xi32, #tpu.memory_space<vmem>>, vector<16xi32>, vector<16xi1>
            tpu.vector_store %arg6[%swap3A_2303], %add3A_2302 masked %ge3A_2293 {strides = array<i32>} : memref<32784xi32, #tpu.memory_space<vmem>>, vector<16xi32>, vector<16xi1>
            %all_reduce_population_count3A = tpu.all_reduce %ge3A_2293 {dim = 0 : i64, kind = #tpu.reduction_kind<sum>} : vector<16xi1> -> vector<16xi32>
            %add3A_2305 = arith.addi %scan3A_2285, %all_reduce_population_count3A : vector<16xi32>
            scf.yield %add3A_2305 : vector<16xi32>
          }
          %scan3A_2283 = arith.constant 8 : i32
          scf.yield %scan3A_2282 : vector<16xi32>
        } else {
          scf.yield %cond3A_2255 : vector<16xi32>
        }
        %add3A_2267 = arith.constant 3 : i32
        %add3A_2268 = arith.addi %mul3A_2211, %add3A_2267 : i32
        %get3A_2269 = arith.index_cast %add3A_2268 : i32 to index
        %get3A_2270 = memref.load %arg7[%get3A_2269] : memref<256xf32, #tpu.memory_space<smem>>
        %ge3A_2271 = arith.cmpf oge, %get3A_2270, %squeeze3A : f32
        %add3A_2272 = arith.constant 3 : i32
        %add3A_2273 = arith.addi %mul3A_2211, %add3A_2272 : i32
        %convert_element_type3A_2274 = arith.extui %ge3A_2271 : i1 to i32
        %cond3A_2275 = arith.constant 0 : i32
        %cond3A_2276 = arith.cmpi ne, %convert_element_type3A_2274, %cond3A_2275 : i32
        %cond3A_2277 = scf.if %cond3A_2276 -> (vector<16xi32>) {
          %scan3A_2278 = arith.constant 0 : i32
          %scan3A_2279 = arith.constant 8 : i32
          %scan3A_2280 = arith.addi %scan3A_2278, %scan3A_2279 : i32
          %scan3A_2281 = arith.constant 1 : i32
          %scan3A_2282 = scf.for %scan3A_2284 = %scan3A_2278 to %scan3A_2280 step %scan3A_2281 iter_args(%scan3A_2285 = %cond3A_2266) -> (vector<16xi32>)  : i32 {
            %mul3A_2286 = arith.constant 128 : i32
            %mul3A_2287 = arith.muli %add3A_2273, %mul3A_2286 : i32
            %mul3A_2288 = arith.constant 16 : i32
            %mul3A_2289 = arith.muli %scan3A_2284, %mul3A_2288 : i32
            %add3A_2290 = arith.addi %mul3A_2287, %mul3A_2289 : i32
            %get3A_2291 = arith.index_cast %add3A_2290 : i32 to index
            %get3A_2292 = tpu.vector_load %arg4[%get3A_2291] {strides = array<i32>} : memref<32784xf32, #tpu.memory_space<vmem>>, vector<16xf32>,
            %ge3A_2293 = arith.cmpf oge, %get3A_2292, %broadcast_in_dim3A_472 : vector<16xf32>
            %slice3A_2294 = vector.extract_strided_slice %scan3A_2285 {offsets = [0], sizes = [1], strides = [1]} : vector<16xi32> to vector<1xi32>
            %squeeze3A_2295 = vector.extract %slice3A_2294[0] : i32 from vector<1xi32>
            %mul3A_2296 = arith.constant 128 : i32
            %mul3A_2297 = arith.muli %add3A_2273, %mul3A_2296 : i32
            %mul3A_2298 = arith.constant 16 : i32
            %mul3A_2299 = arith.muli %scan3A_2284, %mul3A_2298 : i32
            %add3A_2300 = arith.addi %mul3A_2297, %mul3A_2299 : i32
            %add3A_2301 = vector.broadcast %add3A_2300 : i32 to vector<16xi32>
            %add3A_2302 = arith.addi %iota3A, %add3A_2301 : vector<16xi32>
            %swap3A_2303 = arith.index_cast %squeeze3A_2295 : i32 to index
            %swap3A_2304 = tpu.vector_load %arg6[%swap3A_2303] masked %ge3A_2293 {strides = array<i32>} : memref<32784xi32, #tpu.memory_space<vmem>>, vector<16xi32>, vector<16xi1>
            tpu.vector_store %arg6[%swap3A_2303], %add3A_2302 masked %ge3A_2293 {strides = array<i32>} : memref<32784xi32, #tpu.memory_space<vmem>>, vector<16xi32>, vector<16xi1>
            %all_reduce_population_count3A = tpu.all_reduce %ge3A_2293 {dim = 0 : i64, kind = #tpu.reduction_kind<sum>} : vector<16xi1> -> vector<16xi32>
            %add3A_2305 = arith.addi %scan3A_2285, %all_reduce_population_count3A : vector<16xi32>
            scf.yield %add3A_2305 : vector<16xi32>
          }
          %scan3A_2283 = arith.constant 8 : i32
          scf.yield %scan3A_2282 : vector<16xi32>
        } else {
          scf.yield %cond3A_2266 : vector<16xi32>
        }
        scf.yield %cond3A_2277 : vector<16xi32>
      } else {
        scf.yield %scan3A_2209 : vector<16xi32>
      }
      scf.yield %cond3A_2233 : vector<16xi32>
    }
    %scan3A_480 = arith.constant 64 : i32
    %slice3A_481 = vector.extract_strided_slice %scan3A_479 {offsets = [0], sizes = [1], strides = [1]} : vector<16xi32> to vector<1xi32>
    %squeeze3A_482 = vector.extract %slice3A_481[0] : i32 from vector<1xi32>
    %broadcast_in_dim3A_483 = arith.constant 32768 : i32
    %broadcast_in_dim3A_484 = vector.broadcast %broadcast_in_dim3A_483 : i32 to vector<16xi32>
    %swap3A_485 = arith.index_cast %squeeze3A_482 : i32 to index
    %swap3A_486 = tpu.vector_load %arg6[%swap3A_485] {strides = array<i32>} : memref<32784xi32, #tpu.memory_space<vmem>>, vector<16xi32>,
    tpu.vector_store %arg6[%swap3A_485], %broadcast_in_dim3A_484 {strides = array<i32>} : memref<32784xi32, #tpu.memory_space<vmem>>, vector<16xi32>,
    %add3A_487 = arith.constant 15 : i32
    %add3A_488 = arith.addi %squeeze3A_482, %add3A_487 : i32
    %jit3A = arith.constant 16 : i32
    %div3A = arith.divsi %add3A_488, %jit3A : i32
    %sign3A = arith.constant 0 : i32
    %sign3A_489 = arith.cmpi sgt, %add3A_488, %sign3A : i32
    %sign3A_490 = arith.extui %sign3A_489 : i1 to i32
    %sign3A_491 = arith.constant 0 : i32
    %sign3A_492 = arith.cmpi slt, %add3A_488, %sign3A_491 : i32
    %sign3A_493 = arith.extui %sign3A_492 : i1 to i32
    %sign3A_494 = arith.subi %sign3A_490, %sign3A_493 : i32
    %sign3A_495 = arith.constant 0 : i32
    %sign3A_496 = arith.cmpi sgt, %jit3A, %sign3A_495 : i32
    %sign3A_497 = arith.extui %sign3A_496 : i1 to i32
    %sign3A_498 = arith.constant 0 : i32
    %sign3A_499 = arith.cmpi slt, %jit3A, %sign3A_498 : i32
    %sign3A_500 = arith.extui %sign3A_499 : i1 to i32
    %sign3A_501 = arith.subi %sign3A_497, %sign3A_500 : i32
    %ne3A = arith.cmpi ne, %sign3A_494, %sign3A_501 : i32
    %rem3A = arith.remsi %add3A_488, %jit3A : i32
    %ne3A_502 = arith.constant 0 : i32
    %ne3A_503 = arith.cmpi ne, %rem3A, %ne3A_502 : i32
    %and3A = arith.andi %ne3A, %ne3A_503 : i1
    %sub3A = arith.constant 1 : i32
    %sub3A_504 = arith.subi %div3A, %sub3A : i32
    %select_n3A = arith.select %and3A, %sub3A_504, %div3A : i32
    %while3A = arith.constant 0 : i32
    %while3A_505 = arith.subi %select_n3A, %while3A : i32
    %while3A_506 = arith.addi %while3A, %while3A_505 : i32
    %while3A_507 = arith.constant 1 : i32
    %while3A_508 = arith.divsi %while3A_505, %while3A_507 : i32
    %while3A_509 = arith.muli %while3A_508, %while3A_507 : i32
    %while3A_510 = arith.addi %while3A, %while3A_509 : i32
    %while3A_511 = arith.constant 1 : i32
    %while3A_512:2 = scf.for %while3A_2208 = %while3A to %while3A_510 step %while3A_511 iter_args(%while3A_2209 = %broadcast_in_dim3A_3, %while3A_2210 = %broadcast_in_dim3A_3) -> (vector<16xf32>, vector<16xf32>)  : i32 {
      %mul3A_2211 = arith.constant 16 : i32
      %mul3A_2212 = arith.muli %while3A_2208, %mul3A_2211 : i32
      %get3A = arith.index_cast %mul3A_2212 : i32 to index
      %get3A_2213 = tpu.vector_load %arg6[%get3A] {strides = array<i32>} : memref<32784xi32, #tpu.memory_space<vmem>>, vector<16xi32>,
      %gather3A = tpu.vector_load_idx %arg4[%get3A_2213] : memref<32784xf32, #tpu.memory_space<vmem>>[vector<16xi32>], vector<16xf32>,
      %neg3A_2214 = arith.constant 0.000000e+00 : f32
      %neg3A_2215 = vector.broadcast %neg3A_2214 : f32 to vector<16xf32>
      %neg3A_2216 = arith.subf %neg3A_2215, %gather3A : vector<16xf32>
      %sort3A_2217 = arith.constant dense<true> : vector<16xi1>
      %sort3A_2218, %sort3A_2219, %sort3A_2220 = tpu.sort %neg3A_2216, %neg3A_2216 masked %sort3A_2217 : (vector<16xf32>, vector<16xf32>, vector<16xi1>) -> (vector<16xi1>, vector<16xf32>, vector<16xf32>)
      %neg3A_2221 = arith.constant 0.000000e+00 : f32
      %neg3A_2222 = vector.broadcast %neg3A_2221 : f32 to vector<16xf32>
      %neg3A_2223 = arith.subf %neg3A_2222, %sort3A_2219 : vector<16xf32>
      %rev3A_2224 = arith.constant 15 : i32
      %rev3A_2225 = vector.broadcast %rev3A_2224 : i32 to vector<16xi32>
      %rev3A_2226 = tpu.iota {dimensions = array<i32: 0>} : vector<16xi32>
      %rev3A_2227 = arith.subi %rev3A_2225, %rev3A_2226 : vector<16xi32>
      %rev3A_2228 = tpu.dynamic_gather %neg3A_2223[%rev3A_2227] in [0] : vector<16xf32>, vector<16xi32> -> vector<16xf32>
      %max3A_2229 = arith.maximumf %while3A_2210, %rev3A_2228 : vector<16xf32>
      %min3A_2230 = arith.minimumf %while3A_2210, %rev3A_2228 : vector<16xf32>
      %neg3A_2231 = arith.constant 0.000000e+00 : f32
      %neg3A_2232 = vector.broadcast %neg3A_2231 : f32 to vector<16xf32>
      %neg3A_2233 = arith.subf %neg3A_2232, %max3A_2229 : vector<16xf32>
      %sort3A_2234 = arith.constant dense<true> : vector<16xi1>
      %sort3A_2235, %sort3A_2236, %sort3A_2237 = tpu.sort %neg3A_2233, %neg3A_2233 masked %sort3A_2234 : (vector<16xf32>, vector<16xf32>, vector<16xi1>) -> (vector<16xi1>, vector<16xf32>, vector<16xf32>)
      %neg3A_2238 = arith.constant 0.000000e+00 : f32
      %neg3A_2239 = vector.broadcast %neg3A_2238 : f32 to vector<16xf32>
      %neg3A_2240 = arith.subf %neg3A_2239, %sort3A_2236 : vector<16xf32>
      %neg3A_2241 = arith.constant 0.000000e+00 : f32
      %neg3A_2242 = vector.broadcast %neg3A_2241 : f32 to vector<16xf32>
      %neg3A_2243 = arith.subf %neg3A_2242, %min3A_2230 : vector<16xf32>
      %sort3A_2244 = arith.constant dense<true> : vector<16xi1>
      %sort3A_2245, %sort3A_2246, %sort3A_2247 = tpu.sort %neg3A_2243, %neg3A_2243 masked %sort3A_2244 : (vector<16xf32>, vector<16xf32>, vector<16xi1>) -> (vector<16xi1>, vector<16xf32>, vector<16xf32>)
      %neg3A_2248 = arith.constant 0.000000e+00 : f32
      %neg3A_2249 = vector.broadcast %neg3A_2248 : f32 to vector<16xf32>
      %neg3A_2250 = arith.subf %neg3A_2249, %sort3A_2246 : vector<16xf32>
      %rev3A_2251 = arith.constant 15 : i32
      %rev3A_2252 = vector.broadcast %rev3A_2251 : i32 to vector<16xi32>
      %rev3A_2253 = tpu.iota {dimensions = array<i32: 0>} : vector<16xi32>
      %rev3A_2254 = arith.subi %rev3A_2252, %rev3A_2253 : vector<16xi32>
      %rev3A_2255 = tpu.dynamic_gather %neg3A_2240[%rev3A_2254] in [0] : vector<16xf32>, vector<16xi32> -> vector<16xf32>
      %max3A_2256 = arith.maximumf %while3A_2209, %rev3A_2255 : vector<16xf32>
      %min3A_2257 = arith.minimumf %while3A_2209, %rev3A_2255 : vector<16xf32>
      %neg3A_2258 = arith.constant 0.000000e+00 : f32
      %neg3A_2259 = vector.broadcast %neg3A_2258 : f32 to vector<16xf32>
      %neg3A_2260 = arith.subf %neg3A_2259, %max3A_2256 : vector<16xf32>
      %sort3A_2261 = arith.constant dense<true> : vector<16xi1>
      %sort3A_2262, %sort3A_2263, %sort3A_2264 = tpu.sort %neg3A_2260, %neg3A_2260 masked %sort3A_2261 : (vector<16xf32>, vector<16xf32>, vector<16xi1>) -> (vector<16xi1>, vector<16xf32>, vector<16xf32>)
      %neg3A_2265 = arith.constant 0.000000e+00 : f32
      %neg3A_2266 = vector.broadcast %neg3A_2265 : f32 to vector<16xf32>
      %neg3A_2267 = arith.subf %neg3A_2266, %sort3A_2263 : vector<16xf32>
      %neg3A_2268 = arith.constant 0.000000e+00 : f32
      %neg3A_2269 = vector.broadcast %neg3A_2268 : f32 to vector<16xf32>
      %neg3A_2270 = arith.subf %neg3A_2269, %min3A_2257 : vector<16xf32>
      %sort3A_2271 = arith.constant dense<true> : vector<16xi1>
      %sort3A_2272, %sort3A_2273, %sort3A_2274 = tpu.sort %neg3A_2270, %neg3A_2270 masked %sort3A_2271 : (vector<16xf32>, vector<16xf32>, vector<16xi1>) -> (vector<16xi1>, vector<16xf32>, vector<16xf32>)
      %neg3A_2275 = arith.constant 0.000000e+00 : f32
      %neg3A_2276 = vector.broadcast %neg3A_2275 : f32 to vector<16xf32>
      %neg3A_2277 = arith.subf %neg3A_2276, %sort3A_2273 : vector<16xf32>
      scf.yield %neg3A_2267, %neg3A_2277 : vector<16xf32>, vector<16xf32>
    }
    %while3A_513 = arith.constant 1 : i32
    %while3A_514:2 = scf.for %while3A_2208 = %while3A_510 to %while3A_506 step %while3A_513 iter_args(%while3A_2209 = %while3A_512#0, %while3A_2210 = %while3A_512#1) -> (vector<16xf32>, vector<16xf32>)  : i32 {
      %mul3A_2211 = arith.constant 16 : i32
      %mul3A_2212 = arith.muli %while3A_2208, %mul3A_2211 : i32
      %get3A = arith.index_cast %mul3A_2212 : i32 to index
      %get3A_2213 = tpu.vector_load %arg6[%get3A] {strides = array<i32>} : memref<32784xi32, #tpu.memory_space<vmem>>, vector<16xi32>,
      %gather3A = tpu.vector_load_idx %arg4[%get3A_2213] : memref<32784xf32, #tpu.memory_space<vmem>>[vector<16xi32>], vector<16xf32>,
      %neg3A_2214 = arith.constant 0.000000e+00 : f32
      %neg3A_2215 = vector.broadcast %neg3A_2214 : f32 to vector<16xf32>
      %neg3A_2216 = arith.subf %neg3A_2215, %gather3A : vector<16xf32>
      %sort3A_2217 = arith.constant dense<true> : vector<16xi1>
      %sort3A_2218, %sort3A_2219, %sort3A_2220 = tpu.sort %neg3A_2216, %neg3A_2216 masked %sort3A_2217 : (vector<16xf32>, vector<16xf32>, vector<16xi1>) -> (vector<16xi1>, vector<16xf32>, vector<16xf32>)
      %neg3A_2221 = arith.constant 0.000000e+00 : f32
      %neg3A_2222 = vector.broadcast %neg3A_2221 : f32 to vector<16xf32>
      %neg3A_2223 = arith.subf %neg3A_2222, %sort3A_2219 : vector<16xf32>
      %rev3A_2224 = arith.constant 15 : i32
      %rev3A_2225 = vector.broadcast %rev3A_2224 : i32 to vector<16xi32>
      %rev3A_2226 = tpu.iota {dimensions = array<i32: 0>} : vector<16xi32>
      %rev3A_2227 = arith.subi %rev3A_2225, %rev3A_2226 : vector<16xi32>
      %rev3A_2228 = tpu.dynamic_gather %neg3A_2223[%rev3A_2227] in [0] : vector<16xf32>, vector<16xi32> -> vector<16xf32>
      %max3A_2229 = arith.maximumf %while3A_2210, %rev3A_2228 : vector<16xf32>
      %min3A_2230 = arith.minimumf %while3A_2210, %rev3A_2228 : vector<16xf32>
      %neg3A_2231 = arith.constant 0.000000e+00 : f32
      %neg3A_2232 = vector.broadcast %neg3A_2231 : f32 to vector<16xf32>
      %neg3A_2233 = arith.subf %neg3A_2232, %max3A_2229 : vector<16xf32>
      %sort3A_2234 = arith.constant dense<true> : vector<16xi1>
      %sort3A_2235, %sort3A_2236, %sort3A_2237 = tpu.sort %neg3A_2233, %neg3A_2233 masked %sort3A_2234 : (vector<16xf32>, vector<16xf32>, vector<16xi1>) -> (vector<16xi1>, vector<16xf32>, vector<16xf32>)
      %neg3A_2238 = arith.constant 0.000000e+00 : f32
      %neg3A_2239 = vector.broadcast %neg3A_2238 : f32 to vector<16xf32>
      %neg3A_2240 = arith.subf %neg3A_2239, %sort3A_2236 : vector<16xf32>
      %neg3A_2241 = arith.constant 0.000000e+00 : f32
      %neg3A_2242 = vector.broadcast %neg3A_2241 : f32 to vector<16xf32>
      %neg3A_2243 = arith.subf %neg3A_2242, %min3A_2230 : vector<16xf32>
      %sort3A_2244 = arith.constant dense<true> : vector<16xi1>
      %sort3A_2245, %sort3A_2246, %sort3A_2247 = tpu.sort %neg3A_2243, %neg3A_2243 masked %sort3A_2244 : (vector<16xf32>, vector<16xf32>, vector<16xi1>) -> (vector<16xi1>, vector<16xf32>, vector<16xf32>)
      %neg3A_2248 = arith.constant 0.000000e+00 : f32
      %neg3A_2249 = vector.broadcast %neg3A_2248 : f32 to vector<16xf32>
      %neg3A_2250 = arith.subf %neg3A_2249, %sort3A_2246 : vector<16xf32>
      %rev3A_2251 = arith.constant 15 : i32
      %rev3A_2252 = vector.broadcast %rev3A_2251 : i32 to vector<16xi32>
      %rev3A_2253 = tpu.iota {dimensions = array<i32: 0>} : vector<16xi32>
      %rev3A_2254 = arith.subi %rev3A_2252, %rev3A_2253 : vector<16xi32>
      %rev3A_2255 = tpu.dynamic_gather %neg3A_2240[%rev3A_2254] in [0] : vector<16xf32>, vector<16xi32> -> vector<16xf32>
      %max3A_2256 = arith.maximumf %while3A_2209, %rev3A_2255 : vector<16xf32>
      %min3A_2257 = arith.minimumf %while3A_2209, %rev3A_2255 : vector<16xf32>
      %neg3A_2258 = arith.constant 0.000000e+00 : f32
      %neg3A_2259 = vector.broadcast %neg3A_2258 : f32 to vector<16xf32>
      %neg3A_2260 = arith.subf %neg3A_2259, %max3A_2256 : vector<16xf32>
      %sort3A_2261 = arith.constant dense<true> : vector<16xi1>
      %sort3A_2262, %sort3A_2263, %sort3A_2264 = tpu.sort %neg3A_2260, %neg3A_2260 masked %sort3A_2261 : (vector<16xf32>, vector<16xf32>, vector<16xi1>) -> (vector<16xi1>, vector<16xf32>, vector<16xf32>)
      %neg3A_2265 = arith.constant 0.000000e+00 : f32
      %neg3A_2266 = vector.broadcast %neg3A_2265 : f32 to vector<16xf32>
      %neg3A_2267 = arith.subf %neg3A_2266, %sort3A_2263 : vector<16xf32>
      %neg3A_2268 = arith.constant 0.000000e+00 : f32
      %neg3A_2269 = vector.broadcast %neg3A_2268 : f32 to vector<16xf32>
      %neg3A_2270 = arith.subf %neg3A_2269, %min3A_2257 : vector<16xf32>
      %sort3A_2271 = arith.constant dense<true> : vector<16xi1>
      %sort3A_2272, %sort3A_2273, %sort3A_2274 = tpu.sort %neg3A_2270, %neg3A_2270 masked %sort3A_2271 : (vector<16xf32>, vector<16xf32>, vector<16xi1>) -> (vector<16xi1>, vector<16xf32>, vector<16xf32>)
      %neg3A_2275 = arith.constant 0.000000e+00 : f32
      %neg3A_2276 = vector.broadcast %neg3A_2275 : f32 to vector<16xf32>
      %neg3A_2277 = arith.subf %neg3A_2276, %sort3A_2273 : vector<16xf32>
      scf.yield %neg3A_2267, %neg3A_2277 : vector<16xf32>, vector<16xf32>
    }
    %slice3A_515 = vector.extract_strided_slice %while3A_514#1 {offsets = [15], sizes = [1], strides = [1]} : vector<16xf32> to vector<1xf32>
    %squeeze3A_516 = vector.extract %slice3A_515[0] : f32 from vector<1xf32>
    %broadcast_in_dim3A_517 = vector.broadcast %squeeze3A_516 : f32 to vector<16xf32>
    %broadcast_in_dim3A_518 = arith.constant 0 : i32
    %broadcast_in_dim3A_519 = vector.broadcast %broadcast_in_dim3A_518 : i32 to vector<16xi32>
    %while3A_520 = arith.constant 0 : i32
    %while3A_521 = arith.subi %select_n3A, %while3A_520 : i32
    %while3A_522 = arith.addi %while3A_520, %while3A_521 : i32
    %while3A_523 = arith.constant 1 : i32
    %while3A_524 = arith.divsi %while3A_521, %while3A_523 : i32
    %while3A_525 = arith.muli %while3A_524, %while3A_523 : i32
    %while3A_526 = arith.addi %while3A_520, %while3A_525 : i32
    %while3A_527 = arith.constant 1 : i32
    %while3A_528 = scf.for %while3A_2208 = %while3A_520 to %while3A_526 step %while3A_527 iter_args(%while3A_2209 = %broadcast_in_dim3A_519) -> (vector<16xi32>)  : i32 {
      %mul3A_2210 = arith.constant 16 : i32
      %mul3A_2211 = arith.muli %while3A_2208, %mul3A_2210 : i32
      %get3A = arith.index_cast %mul3A_2211 : i32 to index
      %get3A_2212 = tpu.vector_load %arg6[%get3A] {strides = array<i32>} : memref<32784xi32, #tpu.memory_space<vmem>>, vector<16xi32>,
      %gather3A = tpu.vector_load_idx %arg4[%get3A_2212] : memref<32784xf32, #tpu.memory_space<vmem>>[vector<16xi32>], vector<16xf32>,
      %gt3A = arith.cmpf ogt, %gather3A, %broadcast_in_dim3A_517 : vector<16xf32>
      %all_reduce_population_count3A = tpu.all_reduce %gt3A {dim = 0 : i64, kind = #tpu.reduction_kind<sum>} : vector<16xi1> -> vector<16xi32>
      %add3A_2213 = arith.addi %while3A_2209, %all_reduce_population_count3A : vector<16xi32>
      scf.yield %add3A_2213 : vector<16xi32>
    }
    %while3A_529 = arith.constant 1 : i32
    %while3A_530 = scf.for %while3A_2208 = %while3A_526 to %while3A_522 step %while3A_529 iter_args(%while3A_2209 = %while3A_528) -> (vector<16xi32>)  : i32 {
      %mul3A_2210 = arith.constant 16 : i32
      %mul3A_2211 = arith.muli %while3A_2208, %mul3A_2210 : i32
      %get3A = arith.index_cast %mul3A_2211 : i32 to index
      %get3A_2212 = tpu.vector_load %arg6[%get3A] {strides = array<i32>} : memref<32784xi32, #tpu.memory_space<vmem>>, vector<16xi32>,
      %gather3A = tpu.vector_load_idx %arg4[%get3A_2212] : memref<32784xf32, #tpu.memory_space<vmem>>[vector<16xi32>], vector<16xf32>,
      %gt3A = arith.cmpf ogt, %gather3A, %broadcast_in_dim3A_517 : vector<16xf32>
      %all_reduce_population_count3A = tpu.all_reduce %gt3A {dim = 0 : i64, kind = #tpu.reduction_kind<sum>} : vector<16xi1> -> vector<16xi32>
      %add3A_2213 = arith.addi %while3A_2209, %all_reduce_population_count3A : vector<16xi32>
      scf.yield %add3A_2213 : vector<16xi32>
    }
    %slice3A_531 = vector.extract_strided_slice %while3A_530 {offsets = [0], sizes = [1], strides = [1]} : vector<16xi32> to vector<1xi32>
    %squeeze3A_532 = vector.extract %slice3A_531[0] : i32 from vector<1xi32>
    %sub3A_533 = arith.constant 32 : i32
    %sub3A_534 = arith.subi %sub3A_533, %squeeze3A_532 : i32
    %eq3A = arith.constant 1 : i32
    %eq3A_535 = arith.cmpi eq, %sub3A_534, %eq3A : i32
    %convert_element_type3A = arith.extui %eq3A_535 : i1 to i32
    %cond3A = arith.constant 0 : i32
    %cond3A_536 = arith.constant 0 : i32
    %cond3A_537 = arith.cmpi ne, %convert_element_type3A, %cond3A_536 : i32
    %cond3A_538 = scf.if %cond3A_537 -> (i32) {
      %broadcast_in_dim3A_2208 = arith.constant 2147483647 : i32
      %broadcast_in_dim3A_2209 = vector.broadcast %broadcast_in_dim3A_2208 : i32 to vector<16xi32>
      %while3A_2210 = arith.constant 0 : i32
      %while3A_2211 = arith.subi %select_n3A, %while3A_2210 : i32
      %while3A_2212 = arith.addi %while3A_2210, %while3A_2211 : i32
      %while3A_2213 = arith.constant 1 : i32
      %while3A_2214 = arith.divsi %while3A_2211, %while3A_2213 : i32
      %while3A_2215 = arith.muli %while3A_2214, %while3A_2213 : i32
      %while3A_2216 = arith.addi %while3A_2210, %while3A_2215 : i32
      %while3A_2217 = arith.constant 1 : i32
      %while3A_2218 = scf.for %while3A_2233 = %while3A_2210 to %while3A_2216 step %while3A_2217 iter_args(%while3A_2234 = %broadcast_in_dim3A_2209) -> (vector<16xi32>)  : i32 {
        %mul3A_2235 = arith.constant 16 : i32
        %mul3A_2236 = arith.muli %while3A_2233, %mul3A_2235 : i32
        %get3A = arith.index_cast %mul3A_2236 : i32 to index
        %get3A_2237 = tpu.vector_load %arg6[%get3A] {strides = array<i32>} : memref<32784xi32, #tpu.memory_space<vmem>>, vector<16xi32>,
        %gather3A = tpu.vector_load_idx %arg4[%get3A_2237] : memref<32784xf32, #tpu.memory_space<vmem>>[vector<16xi32>], vector<16xf32>,
        %eq3A_2238 = arith.cmpf oeq, %gather3A, %broadcast_in_dim3A_517 : vector<16xf32>
        %jit3A_2239 = arith.constant 2147483647 : i32
        %broadcast_in_dim3A_2240 = vector.broadcast %jit3A_2239 : i32 to vector<16xi32>
        %select_n3A_2241 = arith.select %eq3A_2238, %get3A_2237, %broadcast_in_dim3A_2240 : vector<16xi1>, vector<16xi32>
        %min3A_2242 = arith.minsi %while3A_2234, %select_n3A_2241 : vector<16xi32>
        scf.yield %min3A_2242 : vector<16xi32>
      }
      %while3A_2219 = arith.constant 1 : i32
      %while3A_2220 = scf.for %while3A_2233 = %while3A_2216 to %while3A_2212 step %while3A_2219 iter_args(%while3A_2234 = %while3A_2218) -> (vector<16xi32>)  : i32 {
        %mul3A_2235 = arith.constant 16 : i32
        %mul3A_2236 = arith.muli %while3A_2233, %mul3A_2235 : i32
        %get3A = arith.index_cast %mul3A_2236 : i32 to index
        %get3A_2237 = tpu.vector_load %arg6[%get3A] {strides = array<i32>} : memref<32784xi32, #tpu.memory_space<vmem>>, vector<16xi32>,
        %gather3A = tpu.vector_load_idx %arg4[%get3A_2237] : memref<32784xf32, #tpu.memory_space<vmem>>[vector<16xi32>], vector<16xf32>,
        %eq3A_2238 = arith.cmpf oeq, %gather3A, %broadcast_in_dim3A_517 : vector<16xf32>
        %jit3A_2239 = arith.constant 2147483647 : i32
        %broadcast_in_dim3A_2240 = vector.broadcast %jit3A_2239 : i32 to vector<16xi32>
        %select_n3A_2241 = arith.select %eq3A_2238, %get3A_2237, %broadcast_in_dim3A_2240 : vector<16xi1>, vector<16xi32>
        %min3A_2242 = arith.minsi %while3A_2234, %select_n3A_2241 : vector<16xi32>
        scf.yield %min3A_2242 : vector<16xi32>
      }
      %neg3A_2221 = arith.constant 0 : i32
      %neg3A_2222 = vector.broadcast %neg3A_2221 : i32 to vector<16xi32>
      %neg3A_2223 = arith.subi %neg3A_2222, %while3A_2220 : vector<16xi32>
      %reduce_max3A = arith.constant true
      %reduce_max3A_2224 = vector.broadcast %reduce_max3A : i1 to vector<16xi1>
      %reduce_max3A_2225 = arith.constant -2147483648 : i32
      %reduce_max3A_2226 = vector.broadcast %reduce_max3A_2225 : i32 to vector<16xi32>
      %reduce_max3A_2227 = arith.xori %neg3A_2223, %reduce_max3A_2226 : vector<16xi32>
      %reduce_max3A_2228 = tpu.scan <max>, %reduce_max3A_2227 masked %reduce_max3A_2224 : vector<16xi32>, vector<16xi1> -> vector<16xi32>
      %reduce_max3A_2229 = arith.xori %reduce_max3A_2228, %reduce_max3A_2226 : vector<16xi32>
      %reduce_max3A_2230 = vector.extract %reduce_max3A_2229[15] : i32 from vector<16xi32>
      %neg3A_2231 = arith.constant 0 : i32
      %neg3A_2232 = arith.subi %neg3A_2231, %reduce_max3A_2230 : i32
      scf.yield %neg3A_2232 : i32
    } else {
      %scan3A_2208 = arith.constant 0 : i32
      %scan3A_2209 = arith.constant 0 : i32
      %scan3A_2210 = arith.constant 15 : i32
      %scan3A_2211 = arith.addi %scan3A_2209, %scan3A_2210 : i32
      %scan3A_2212 = arith.constant 1 : i32
      %scan3A_2213 = scf.for %scan3A_2215 = %scan3A_2209 to %scan3A_2211 step %scan3A_2212 iter_args(%scan3A_2216 = %scan3A_2208) -> (i32)  : i32 {
        %sub3A_2217 = arith.constant 14 : i32
        %sub3A_2218 = arith.subi %sub3A_2217, %scan3A_2215 : i32
        %shift_left3A = arith.constant 1 : i32
        %shift_left3A_2219 = arith.shli %shift_left3A, %sub3A_2218 : i32
        %or3A = arith.ori %scan3A_2216, %shift_left3A_2219 : i32
        %broadcast_in_dim3A_2220 = vector.broadcast %or3A : i32 to vector<16xi32>
        %broadcast_in_dim3A_2221 = arith.constant 0 : i32
        %broadcast_in_dim3A_2222 = vector.broadcast %broadcast_in_dim3A_2221 : i32 to vector<16xi32>
        %while3A_2223 = arith.constant 0 : i32
        %while3A_2224 = arith.subi %select_n3A, %while3A_2223 : i32
        %while3A_2225 = arith.addi %while3A_2223, %while3A_2224 : i32
        %while3A_2226 = arith.constant 1 : i32
        %while3A_2227 = arith.divsi %while3A_2224, %while3A_2226 : i32
        %while3A_2228 = arith.muli %while3A_2227, %while3A_2226 : i32
        %while3A_2229 = arith.addi %while3A_2223, %while3A_2228 : i32
        %while3A_2230 = arith.constant 1 : i32
        %while3A_2231 = scf.for %while3A_2237 = %while3A_2223 to %while3A_2229 step %while3A_2230 iter_args(%while3A_2238 = %broadcast_in_dim3A_2222) -> (vector<16xi32>)  : i32 {
          %mul3A_2239 = arith.constant 16 : i32
          %mul3A_2240 = arith.muli %while3A_2237, %mul3A_2239 : i32
          %get3A = arith.index_cast %mul3A_2240 : i32 to index
          %get3A_2241 = tpu.vector_load %arg6[%get3A] {strides = array<i32>} : memref<32784xi32, #tpu.memory_space<vmem>>, vector<16xi32>,
          %gather3A = tpu.vector_load_idx %arg4[%get3A_2241] : memref<32784xf32, #tpu.memory_space<vmem>>[vector<16xi32>], vector<16xf32>,
          %eq3A_2242 = arith.cmpf oeq, %gather3A, %broadcast_in_dim3A_517 : vector<16xf32>
          %lt3A_2243 = arith.cmpi slt, %get3A_2241, %broadcast_in_dim3A_2220 : vector<16xi32>
          %and3A_2244 = arith.andi %eq3A_2242, %lt3A_2243 : vector<16xi1>
          %all_reduce_population_count3A = tpu.all_reduce %and3A_2244 {dim = 0 : i64, kind = #tpu.reduction_kind<sum>} : vector<16xi1> -> vector<16xi32>
          %add3A_2245 = arith.addi %while3A_2238, %all_reduce_population_count3A : vector<16xi32>
          scf.yield %add3A_2245 : vector<16xi32>
        }
        %while3A_2232 = arith.constant 1 : i32
        %while3A_2233 = scf.for %while3A_2237 = %while3A_2229 to %while3A_2225 step %while3A_2232 iter_args(%while3A_2238 = %while3A_2231) -> (vector<16xi32>)  : i32 {
          %mul3A_2239 = arith.constant 16 : i32
          %mul3A_2240 = arith.muli %while3A_2237, %mul3A_2239 : i32
          %get3A = arith.index_cast %mul3A_2240 : i32 to index
          %get3A_2241 = tpu.vector_load %arg6[%get3A] {strides = array<i32>} : memref<32784xi32, #tpu.memory_space<vmem>>, vector<16xi32>,
          %gather3A = tpu.vector_load_idx %arg4[%get3A_2241] : memref<32784xf32, #tpu.memory_space<vmem>>[vector<16xi32>], vector<16xf32>,
          %eq3A_2242 = arith.cmpf oeq, %gather3A, %broadcast_in_dim3A_517 : vector<16xf32>
          %lt3A_2243 = arith.cmpi slt, %get3A_2241, %broadcast_in_dim3A_2220 : vector<16xi32>
          %and3A_2244 = arith.andi %eq3A_2242, %lt3A_2243 : vector<16xi1>
          %all_reduce_population_count3A = tpu.all_reduce %and3A_2244 {dim = 0 : i64, kind = #tpu.reduction_kind<sum>} : vector<16xi1> -> vector<16xi32>
          %add3A_2245 = arith.addi %while3A_2238, %all_reduce_population_count3A : vector<16xi32>
          scf.yield %add3A_2245 : vector<16xi32>
        }
        %slice3A_2234 = vector.extract_strided_slice %while3A_2233 {offsets = [0], sizes = [1], strides = [1]} : vector<16xi32> to vector<1xi32>
        %squeeze3A_2235 = vector.extract %slice3A_2234[0] : i32 from vector<1xi32>
        %lt3A = arith.cmpi slt, %squeeze3A_2235, %sub3A_534 : i32
        %select_n3A_2236 = arith.select %lt3A, %or3A, %scan3A_2216 : i32
        scf.yield %select_n3A_2236 : i32
      }
      %scan3A_2214 = arith.constant 15 : i32
      scf.yield %scan3A_2213 : i32
    }
    %bitcast_convert_type3A = arith.bitcast %squeeze3A_516 : f32 to i32
    %eq3A_539 = arith.constant 0 : i32
    %eq3A_540 = vector.broadcast %eq3A_539 : i32 to vector<16xi32>
    %eq3A_541 = arith.cmpi eq, %iota3A, %eq3A_540 : vector<16xi32>
    %broadcast_in_dim3A_542 = vector.broadcast %bitcast_convert_type3A : i32 to vector<16xi32>
    %select_n3A_543 = arith.select %eq3A_541, %broadcast_in_dim3A_542, %broadcast_in_dim3A_17 : vector<16xi1>, vector<16xi32>
    %eq3A_544 = arith.constant 1 : i32
    %eq3A_545 = vector.broadcast %eq3A_544 : i32 to vector<16xi32>
    %eq3A_546 = arith.cmpi eq, %iota3A, %eq3A_545 : vector<16xi32>
    %broadcast_in_dim3A_547 = vector.broadcast %cond3A_538 : i32 to vector<16xi32>
    %select_n3A_548 = arith.select %eq3A_546, %broadcast_in_dim3A_547, %select_n3A_543 : vector<16xi1>, vector<16xi32>
    %dma_wait3A_549 = arith.constant 0 : i32
    %dma_wait3A_550 = tpu.memref_slice %arg5[%dma_wait3A_549] : memref<32784xf32, #tpu.memory_space<vmem>> -> memref<32768xf32, #tpu.memory_space<vmem>>
    %dma_wait3A_551 = arith.constant 0 : i32
    %dma_wait3A_552 = tpu.memref_slice %arg2[%add3A_30, %dma_wait3A_551] : memref<128x32768xf32, #tpu.memory_space<hbm>> -> memref<1x32768xf32, #tpu.memory_space<hbm>>
    %dma_wait3A_553 = tpu.memref_squeeze %dma_wait3A_552 : memref<1x32768xf32, #tpu.memory_space<hbm>> -> memref<32768xf32, #tpu.memory_space<hbm>>
    %dma_wait3A_554 = arith.constant 0 : i32
    %dma_wait3A_555 = tpu.memref_slice %arg5[%dma_wait3A_554] : memref<32784xf32, #tpu.memory_space<vmem>> -> memref<32768xf32, #tpu.memory_space<vmem>>
    %dma_wait3A_556 = arith.constant 0 : i32
    %dma_wait3A_557 = tpu.memref_slice %arg2[%add3A_30, %dma_wait3A_556] : memref<128x32768xf32, #tpu.memory_space<hbm>> -> memref<1x32768xf32, #tpu.memory_space<hbm>>
    %dma_wait3A_558 = tpu.memref_squeeze %dma_wait3A_557 : memref<1x32768xf32, #tpu.memory_space<hbm>> -> memref<32768xf32, #tpu.memory_space<hbm>>
    tpu.wait_dma2 semaphore(%arg10 : memref<!tpu.dma_semaphore, #tpu.memory_space<semaphore_mem>>) src(%dma_wait3A_558 : memref<32768xf32, #tpu.memory_space<hbm>>) dst(%dma_wait3A_555 : memref<32768xf32, #tpu.memory_space<vmem>>)
    %add3A_559 = arith.constant 1 : i32
    %add3A_560 = arith.addi %mul3A_2, %add3A_559 : i32
    %add3A_561 = arith.constant 1 : i32
    %add3A_562 = arith.addi %add3A_560, %add3A_561 : i32
    %dma_start3A_563 = arith.constant 0 : i32
    %dma_start3A_564 = tpu.memref_slice %arg4[%dma_start3A_563] : memref<32784xf32, #tpu.memory_space<vmem>> -> memref<32768xf32, #tpu.memory_space<vmem>>
    %dma_start3A_565 = arith.constant 0 : i32
    %dma_start3A_566 = tpu.memref_slice %arg2[%add3A_562, %dma_start3A_565] : memref<128x32768xf32, #tpu.memory_space<hbm>> -> memref<1x32768xf32, #tpu.memory_space<hbm>>
    %dma_start3A_567 = tpu.memref_squeeze %dma_start3A_566 : memref<1x32768xf32, #tpu.memory_space<hbm>> -> memref<32768xf32, #tpu.memory_space<hbm>>
    %dma_start3A_568 = arith.constant 0 : i32
    %dma_start3A_569 = tpu.memref_slice %arg4[%dma_start3A_568] : memref<32784xf32, #tpu.memory_space<vmem>> -> memref<32768xf32, #tpu.memory_space<vmem>>
    %dma_start3A_570 = arith.constant 0 : i32
    %dma_start3A_571 = tpu.memref_slice %arg2[%add3A_562, %dma_start3A_570] : memref<128x32768xf32, #tpu.memory_space<hbm>> -> memref<1x32768xf32, #tpu.memory_space<hbm>>
    %dma_start3A_572 = tpu.memref_squeeze %dma_start3A_571 : memref<1x32768xf32, #tpu.memory_space<hbm>> -> memref<32768xf32, #tpu.memory_space<hbm>>
    tpu.enqueue_dma source(%dma_start3A_572 : memref<32768xf32, #tpu.memory_space<hbm>>) target(%dma_start3A_569 : memref<32768xf32, #tpu.memory_space<vmem>>) target_semaphore(%arg9 : memref<!tpu.dma_semaphore, #tpu.memory_space<semaphore_mem>>)
    %scan3A_573 = arith.constant 0 : i32
    %scan3A_574 = arith.constant 256 : i32
    %scan3A_575 = arith.addi %scan3A_573, %scan3A_574 : i32
    %scan3A_576 = arith.constant 1 : i32
    %scan3A_577:8 = scf.for %scan3A_2208 = %scan3A_573 to %scan3A_575 step %scan3A_576 iter_args(%scan3A_2209 = %broadcast_in_dim3A_3, %scan3A_2210 = %broadcast_in_dim3A_3, %scan3A_2211 = %broadcast_in_dim3A_3, %scan3A_2212 = %broadcast_in_dim3A_3, %scan3A_2213 = %broadcast_in_dim3A_3, %scan3A_2214 = %broadcast_in_dim3A_3, %scan3A_2215 = %broadcast_in_dim3A_3, %scan3A_2216 = %broadcast_in_dim3A_3) -> (vector<16xf32>, vector<16xf32>, vector<16xf32>, vector<16xf32>, vector<16xf32>, vector<16xf32>, vector<16xf32>, vector<16xf32>)  : i32 {
      %mul3A_2217 = arith.constant 128 : i32
      %mul3A_2218 = arith.muli %scan3A_2208, %mul3A_2217 : i32
      %add3A_2219 = arith.constant 0 : i32
      %add3A_2220 = arith.addi %mul3A_2218, %add3A_2219 : i32
      %get3A = arith.index_cast %add3A_2220 : i32 to index
      %get3A_2221 = tpu.vector_load %arg5[%get3A] {strides = array<i32>} : memref<32784xf32, #tpu.memory_space<vmem>>, vector<16xf32>,
      %mul3A_2222 = arith.constant 128 : i32
      %mul3A_2223 = arith.muli %scan3A_2208, %mul3A_2222 : i32
      %add3A_2224 = arith.constant 16 : i32
      %add3A_2225 = arith.addi %mul3A_2223, %add3A_2224 : i32
      %get3A_2226 = arith.index_cast %add3A_2225 : i32 to index
      %get3A_2227 = tpu.vector_load %arg5[%get3A_2226] {strides = array<i32>} : memref<32784xf32, #tpu.memory_space<vmem>>, vector<16xf32>,
      %mul3A_2228 = arith.constant 128 : i32
      %mul3A_2229 = arith.muli %scan3A_2208, %mul3A_2228 : i32
      %add3A_2230 = arith.constant 32 : i32
      %add3A_2231 = arith.addi %mul3A_2229, %add3A_2230 : i32
      %get3A_2232 = arith.index_cast %add3A_2231 : i32 to index
      %get3A_2233 = tpu.vector_load %arg5[%get3A_2232] {strides = array<i32>} : memref<32784xf32, #tpu.memory_space<vmem>>, vector<16xf32>,
      %mul3A_2234 = arith.constant 128 : i32
      %mul3A_2235 = arith.muli %scan3A_2208, %mul3A_2234 : i32
      %add3A_2236 = arith.constant 48 : i32
      %add3A_2237 = arith.addi %mul3A_2235, %add3A_2236 : i32
      %get3A_2238 = arith.index_cast %add3A_2237 : i32 to index
      %get3A_2239 = tpu.vector_load %arg5[%get3A_2238] {strides = array<i32>} : memref<32784xf32, #tpu.memory_space<vmem>>, vector<16xf32>,
      %mul3A_2240 = arith.constant 128 : i32
      %mul3A_2241 = arith.muli %scan3A_2208, %mul3A_2240 : i32
      %add3A_2242 = arith.constant 64 : i32
      %add3A_2243 = arith.addi %mul3A_2241, %add3A_2242 : i32
      %get3A_2244 = arith.index_cast %add3A_2243 : i32 to index
      %get3A_2245 = tpu.vector_load %arg5[%get3A_2244] {strides = array<i32>} : memref<32784xf32, #tpu.memory_space<vmem>>, vector<16xf32>,
      %mul3A_2246 = arith.constant 128 : i32
      %mul3A_2247 = arith.muli %scan3A_2208, %mul3A_2246 : i32
      %add3A_2248 = arith.constant 80 : i32
      %add3A_2249 = arith.addi %mul3A_2247, %add3A_2248 : i32
      %get3A_2250 = arith.index_cast %add3A_2249 : i32 to index
      %get3A_2251 = tpu.vector_load %arg5[%get3A_2250] {strides = array<i32>} : memref<32784xf32, #tpu.memory_space<vmem>>, vector<16xf32>,
      %mul3A_2252 = arith.constant 128 : i32
      %mul3A_2253 = arith.muli %scan3A_2208, %mul3A_2252 : i32
      %add3A_2254 = arith.constant 96 : i32
      %add3A_2255 = arith.addi %mul3A_2253, %add3A_2254 : i32
      %get3A_2256 = arith.index_cast %add3A_2255 : i32 to index
      %get3A_2257 = tpu.vector_load %arg5[%get3A_2256] {strides = array<i32>} : memref<32784xf32, #tpu.memory_space<vmem>>, vector<16xf32>,
      %mul3A_2258 = arith.constant 128 : i32
      %mul3A_2259 = arith.muli %scan3A_2208, %mul3A_2258 : i32
      %add3A_2260 = arith.constant 112 : i32
      %add3A_2261 = arith.addi %mul3A_2259, %add3A_2260 : i32
      %get3A_2262 = arith.index_cast %add3A_2261 : i32 to index
      %get3A_2263 = tpu.vector_load %arg5[%get3A_2262] {strides = array<i32>} : memref<32784xf32, #tpu.memory_space<vmem>>, vector<16xf32>,
      %max3A_2264 = arith.maximumf %get3A_2221, %get3A_2227 : vector<16xf32>
      %max3A_2265 = arith.maximumf %get3A_2233, %get3A_2239 : vector<16xf32>
      %max3A_2266 = arith.maximumf %get3A_2245, %get3A_2251 : vector<16xf32>
      %max3A_2267 = arith.maximumf %get3A_2257, %get3A_2263 : vector<16xf32>
      %max3A_2268 = arith.maximumf %max3A_2264, %max3A_2265 : vector<16xf32>
      %max3A_2269 = arith.maximumf %max3A_2266, %max3A_2267 : vector<16xf32>
      %max3A_2270 = arith.maximumf %max3A_2268, %max3A_2269 : vector<16xf32>
      %reduce_max3A = arith.constant true
      %reduce_max3A_2271 = vector.broadcast %reduce_max3A : i1 to vector<16xi1>
      %reduce_max3A_2272 = tpu.scan <max>, %max3A_2270 masked %reduce_max3A_2271 : vector<16xf32>, vector<16xi1> -> vector<16xf32>
      %reduce_max3A_2273 = vector.extract %reduce_max3A_2272[15] : f32 from vector<16xf32>
      %swap3A_2274 = arith.index_cast %scan3A_2208 : i32 to index
      %swap3A_2275 = memref.load %arg7[%swap3A_2274] : memref<256xf32, #tpu.memory_space<smem>>
      memref.store %reduce_max3A_2273, %arg7[%swap3A_2274] : memref<256xf32, #tpu.memory_space<smem>>
      %max3A_2276 = arith.maximumf %scan3A_2209, %get3A_2221 : vector<16xf32>
      %max3A_2277 = arith.maximumf %scan3A_2210, %get3A_2227 : vector<16xf32>
      %max3A_2278 = arith.maximumf %scan3A_2211, %get3A_2233 : vector<16xf32>
      %max3A_2279 = arith.maximumf %scan3A_2212, %get3A_2239 : vector<16xf32>
      %max3A_2280 = arith.maximumf %scan3A_2213, %get3A_2245 : vector<16xf32>
      %max3A_2281 = arith.maximumf %scan3A_2214, %get3A_2251 : vector<16xf32>
      %max3A_2282 = arith.maximumf %scan3A_2215, %get3A_2257 : vector<16xf32>
      %max3A_2283 = arith.maximumf %scan3A_2216, %get3A_2263 : vector<16xf32>
      scf.yield %max3A_2276, %max3A_2277, %max3A_2278, %max3A_2279, %max3A_2280, %max3A_2281, %max3A_2282, %max3A_2283 : vector<16xf32>, vector<16xf32>, vector<16xf32>, vector<16xf32>, vector<16xf32>, vector<16xf32>, vector<16xf32>, vector<16xf32>
    }
    %scan3A_578 = arith.constant 256 : i32
    %neg3A_579 = arith.constant 0.000000e+00 : f32
    %neg3A_580 = vector.broadcast %neg3A_579 : f32 to vector<16xf32>
    %neg3A_581 = arith.subf %neg3A_580, %scan3A_577#0 : vector<16xf32>
    %sort3A_582 = arith.constant dense<true> : vector<16xi1>
    %sort3A_583, %sort3A_584, %sort3A_585 = tpu.sort %neg3A_581, %neg3A_581 masked %sort3A_582 : (vector<16xf32>, vector<16xf32>, vector<16xi1>) -> (vector<16xi1>, vector<16xf32>, vector<16xf32>)
    %neg3A_586 = arith.constant 0.000000e+00 : f32
    %neg3A_587 = vector.broadcast %neg3A_586 : f32 to vector<16xf32>
    %neg3A_588 = arith.subf %neg3A_587, %sort3A_584 : vector<16xf32>
    %neg3A_589 = arith.constant 0.000000e+00 : f32
    %neg3A_590 = vector.broadcast %neg3A_589 : f32 to vector<16xf32>
    %neg3A_591 = arith.subf %neg3A_590, %scan3A_577#1 : vector<16xf32>
    %sort3A_592 = arith.constant dense<true> : vector<16xi1>
    %sort3A_593, %sort3A_594, %sort3A_595 = tpu.sort %neg3A_591, %neg3A_591 masked %sort3A_592 : (vector<16xf32>, vector<16xf32>, vector<16xi1>) -> (vector<16xi1>, vector<16xf32>, vector<16xf32>)
    %neg3A_596 = arith.constant 0.000000e+00 : f32
    %neg3A_597 = vector.broadcast %neg3A_596 : f32 to vector<16xf32>
    %neg3A_598 = arith.subf %neg3A_597, %sort3A_594 : vector<16xf32>
    %rev3A_599 = arith.constant 15 : i32
    %rev3A_600 = vector.broadcast %rev3A_599 : i32 to vector<16xi32>
    %rev3A_601 = tpu.iota {dimensions = array<i32: 0>} : vector<16xi32>
    %rev3A_602 = arith.subi %rev3A_600, %rev3A_601 : vector<16xi32>
    %rev3A_603 = tpu.dynamic_gather %neg3A_598[%rev3A_602] in [0] : vector<16xf32>, vector<16xi32> -> vector<16xf32>
    %max3A_604 = arith.maximumf %neg3A_588, %rev3A_603 : vector<16xf32>
    %min3A_605 = arith.minimumf %neg3A_588, %rev3A_603 : vector<16xf32>
    %neg3A_606 = arith.constant 0.000000e+00 : f32
    %neg3A_607 = vector.broadcast %neg3A_606 : f32 to vector<16xf32>
    %neg3A_608 = arith.subf %neg3A_607, %max3A_604 : vector<16xf32>
    %sort3A_609 = arith.constant dense<true> : vector<16xi1>
    %sort3A_610, %sort3A_611, %sort3A_612 = tpu.sort %neg3A_608, %neg3A_608 masked %sort3A_609 : (vector<16xf32>, vector<16xf32>, vector<16xi1>) -> (vector<16xi1>, vector<16xf32>, vector<16xf32>)
    %neg3A_613 = arith.constant 0.000000e+00 : f32
    %neg3A_614 = vector.broadcast %neg3A_613 : f32 to vector<16xf32>
    %neg3A_615 = arith.subf %neg3A_614, %sort3A_611 : vector<16xf32>
    %neg3A_616 = arith.constant 0.000000e+00 : f32
    %neg3A_617 = vector.broadcast %neg3A_616 : f32 to vector<16xf32>
    %neg3A_618 = arith.subf %neg3A_617, %min3A_605 : vector<16xf32>
    %sort3A_619 = arith.constant dense<true> : vector<16xi1>
    %sort3A_620, %sort3A_621, %sort3A_622 = tpu.sort %neg3A_618, %neg3A_618 masked %sort3A_619 : (vector<16xf32>, vector<16xf32>, vector<16xi1>) -> (vector<16xi1>, vector<16xf32>, vector<16xf32>)
    %neg3A_623 = arith.constant 0.000000e+00 : f32
    %neg3A_624 = vector.broadcast %neg3A_623 : f32 to vector<16xf32>
    %neg3A_625 = arith.subf %neg3A_624, %sort3A_621 : vector<16xf32>
    %neg3A_626 = arith.constant 0.000000e+00 : f32
    %neg3A_627 = vector.broadcast %neg3A_626 : f32 to vector<16xf32>
    %neg3A_628 = arith.subf %neg3A_627, %scan3A_577#2 : vector<16xf32>
    %sort3A_629 = arith.constant dense<true> : vector<16xi1>
    %sort3A_630, %sort3A_631, %sort3A_632 = tpu.sort %neg3A_628, %neg3A_628 masked %sort3A_629 : (vector<16xf32>, vector<16xf32>, vector<16xi1>) -> (vector<16xi1>, vector<16xf32>, vector<16xf32>)
    %neg3A_633 = arith.constant 0.000000e+00 : f32
    %neg3A_634 = vector.broadcast %neg3A_633 : f32 to vector<16xf32>
    %neg3A_635 = arith.subf %neg3A_634, %sort3A_631 : vector<16xf32>
    %rev3A_636 = arith.constant 15 : i32
    %rev3A_637 = vector.broadcast %rev3A_636 : i32 to vector<16xi32>
    %rev3A_638 = tpu.iota {dimensions = array<i32: 0>} : vector<16xi32>
    %rev3A_639 = arith.subi %rev3A_637, %rev3A_638 : vector<16xi32>
    %rev3A_640 = tpu.dynamic_gather %neg3A_635[%rev3A_639] in [0] : vector<16xf32>, vector<16xi32> -> vector<16xf32>
    %max3A_641 = arith.maximumf %neg3A_625, %rev3A_640 : vector<16xf32>
    %min3A_642 = arith.minimumf %neg3A_625, %rev3A_640 : vector<16xf32>
    %neg3A_643 = arith.constant 0.000000e+00 : f32
    %neg3A_644 = vector.broadcast %neg3A_643 : f32 to vector<16xf32>
    %neg3A_645 = arith.subf %neg3A_644, %max3A_641 : vector<16xf32>
    %sort3A_646 = arith.constant dense<true> : vector<16xi1>
    %sort3A_647, %sort3A_648, %sort3A_649 = tpu.sort %neg3A_645, %neg3A_645 masked %sort3A_646 : (vector<16xf32>, vector<16xf32>, vector<16xi1>) -> (vector<16xi1>, vector<16xf32>, vector<16xf32>)
    %neg3A_650 = arith.constant 0.000000e+00 : f32
    %neg3A_651 = vector.broadcast %neg3A_650 : f32 to vector<16xf32>
    %neg3A_652 = arith.subf %neg3A_651, %sort3A_648 : vector<16xf32>
    %neg3A_653 = arith.constant 0.000000e+00 : f32
    %neg3A_654 = vector.broadcast %neg3A_653 : f32 to vector<16xf32>
    %neg3A_655 = arith.subf %neg3A_654, %min3A_642 : vector<16xf32>
    %sort3A_656 = arith.constant dense<true> : vector<16xi1>
    %sort3A_657, %sort3A_658, %sort3A_659 = tpu.sort %neg3A_655, %neg3A_655 masked %sort3A_656 : (vector<16xf32>, vector<16xf32>, vector<16xi1>) -> (vector<16xi1>, vector<16xf32>, vector<16xf32>)
    %neg3A_660 = arith.constant 0.000000e+00 : f32
    %neg3A_661 = vector.broadcast %neg3A_660 : f32 to vector<16xf32>
    %neg3A_662 = arith.subf %neg3A_661, %sort3A_658 : vector<16xf32>
    %rev3A_663 = arith.constant 15 : i32
    %rev3A_664 = vector.broadcast %rev3A_663 : i32 to vector<16xi32>
    %rev3A_665 = tpu.iota {dimensions = array<i32: 0>} : vector<16xi32>
    %rev3A_666 = arith.subi %rev3A_664, %rev3A_665 : vector<16xi32>
    %rev3A_667 = tpu.dynamic_gather %neg3A_652[%rev3A_666] in [0] : vector<16xf32>, vector<16xi32> -> vector<16xf32>
    %max3A_668 = arith.maximumf %neg3A_615, %rev3A_667 : vector<16xf32>
    %min3A_669 = arith.minimumf %neg3A_615, %rev3A_667 : vector<16xf32>
    %neg3A_670 = arith.constant 0.000000e+00 : f32
    %neg3A_671 = vector.broadcast %neg3A_670 : f32 to vector<16xf32>
    %neg3A_672 = arith.subf %neg3A_671, %max3A_668 : vector<16xf32>
    %sort3A_673 = arith.constant dense<true> : vector<16xi1>
    %sort3A_674, %sort3A_675, %sort3A_676 = tpu.sort %neg3A_672, %neg3A_672 masked %sort3A_673 : (vector<16xf32>, vector<16xf32>, vector<16xi1>) -> (vector<16xi1>, vector<16xf32>, vector<16xf32>)
    %neg3A_677 = arith.constant 0.000000e+00 : f32
    %neg3A_678 = vector.broadcast %neg3A_677 : f32 to vector<16xf32>
    %neg3A_679 = arith.subf %neg3A_678, %sort3A_675 : vector<16xf32>
    %neg3A_680 = arith.constant 0.000000e+00 : f32
    %neg3A_681 = vector.broadcast %neg3A_680 : f32 to vector<16xf32>
    %neg3A_682 = arith.subf %neg3A_681, %min3A_669 : vector<16xf32>
    %sort3A_683 = arith.constant dense<true> : vector<16xi1>
    %sort3A_684, %sort3A_685, %sort3A_686 = tpu.sort %neg3A_682, %neg3A_682 masked %sort3A_683 : (vector<16xf32>, vector<16xf32>, vector<16xi1>) -> (vector<16xi1>, vector<16xf32>, vector<16xf32>)
    %neg3A_687 = arith.constant 0.000000e+00 : f32
    %neg3A_688 = vector.broadcast %neg3A_687 : f32 to vector<16xf32>
    %neg3A_689 = arith.subf %neg3A_688, %sort3A_685 : vector<16xf32>
    %neg3A_690 = arith.constant 0.000000e+00 : f32
    %neg3A_691 = vector.broadcast %neg3A_690 : f32 to vector<16xf32>
    %neg3A_692 = arith.subf %neg3A_691, %scan3A_577#3 : vector<16xf32>
    %sort3A_693 = arith.constant dense<true> : vector<16xi1>
    %sort3A_694, %sort3A_695, %sort3A_696 = tpu.sort %neg3A_692, %neg3A_692 masked %sort3A_693 : (vector<16xf32>, vector<16xf32>, vector<16xi1>) -> (vector<16xi1>, vector<16xf32>, vector<16xf32>)
    %neg3A_697 = arith.constant 0.000000e+00 : f32
    %neg3A_698 = vector.broadcast %neg3A_697 : f32 to vector<16xf32>
    %neg3A_699 = arith.subf %neg3A_698, %sort3A_695 : vector<16xf32>
    %rev3A_700 = arith.constant 15 : i32
    %rev3A_701 = vector.broadcast %rev3A_700 : i32 to vector<16xi32>
    %rev3A_702 = tpu.iota {dimensions = array<i32: 0>} : vector<16xi32>
    %rev3A_703 = arith.subi %rev3A_701, %rev3A_702 : vector<16xi32>
    %rev3A_704 = tpu.dynamic_gather %neg3A_699[%rev3A_703] in [0] : vector<16xf32>, vector<16xi32> -> vector<16xf32>
    %max3A_705 = arith.maximumf %neg3A_689, %rev3A_704 : vector<16xf32>
    %min3A_706 = arith.minimumf %neg3A_689, %rev3A_704 : vector<16xf32>
    %neg3A_707 = arith.constant 0.000000e+00 : f32
    %neg3A_708 = vector.broadcast %neg3A_707 : f32 to vector<16xf32>
    %neg3A_709 = arith.subf %neg3A_708, %max3A_705 : vector<16xf32>
    %sort3A_710 = arith.constant dense<true> : vector<16xi1>
    %sort3A_711, %sort3A_712, %sort3A_713 = tpu.sort %neg3A_709, %neg3A_709 masked %sort3A_710 : (vector<16xf32>, vector<16xf32>, vector<16xi1>) -> (vector<16xi1>, vector<16xf32>, vector<16xf32>)
    %neg3A_714 = arith.constant 0.000000e+00 : f32
    %neg3A_715 = vector.broadcast %neg3A_714 : f32 to vector<16xf32>
    %neg3A_716 = arith.subf %neg3A_715, %sort3A_712 : vector<16xf32>
    %neg3A_717 = arith.constant 0.000000e+00 : f32
    %neg3A_718 = vector.broadcast %neg3A_717 : f32 to vector<16xf32>
    %neg3A_719 = arith.subf %neg3A_718, %min3A_706 : vector<16xf32>
    %sort3A_720 = arith.constant dense<true> : vector<16xi1>
    %sort3A_721, %sort3A_722, %sort3A_723 = tpu.sort %neg3A_719, %neg3A_719 masked %sort3A_720 : (vector<16xf32>, vector<16xf32>, vector<16xi1>) -> (vector<16xi1>, vector<16xf32>, vector<16xf32>)
    %neg3A_724 = arith.constant 0.000000e+00 : f32
    %neg3A_725 = vector.broadcast %neg3A_724 : f32 to vector<16xf32>
    %neg3A_726 = arith.subf %neg3A_725, %sort3A_722 : vector<16xf32>
    %rev3A_727 = arith.constant 15 : i32
    %rev3A_728 = vector.broadcast %rev3A_727 : i32 to vector<16xi32>
    %rev3A_729 = tpu.iota {dimensions = array<i32: 0>} : vector<16xi32>
    %rev3A_730 = arith.subi %rev3A_728, %rev3A_729 : vector<16xi32>
    %rev3A_731 = tpu.dynamic_gather %neg3A_716[%rev3A_730] in [0] : vector<16xf32>, vector<16xi32> -> vector<16xf32>
    %max3A_732 = arith.maximumf %neg3A_679, %rev3A_731 : vector<16xf32>
    %min3A_733 = arith.minimumf %neg3A_679, %rev3A_731 : vector<16xf32>
    %neg3A_734 = arith.constant 0.000000e+00 : f32
    %neg3A_735 = vector.broadcast %neg3A_734 : f32 to vector<16xf32>
    %neg3A_736 = arith.subf %neg3A_735, %max3A_732 : vector<16xf32>
    %sort3A_737 = arith.constant dense<true> : vector<16xi1>
    %sort3A_738, %sort3A_739, %sort3A_740 = tpu.sort %neg3A_736, %neg3A_736 masked %sort3A_737 : (vector<16xf32>, vector<16xf32>, vector<16xi1>) -> (vector<16xi1>, vector<16xf32>, vector<16xf32>)
    %neg3A_741 = arith.constant 0.000000e+00 : f32
    %neg3A_742 = vector.broadcast %neg3A_741 : f32 to vector<16xf32>
    %neg3A_743 = arith.subf %neg3A_742, %sort3A_739 : vector<16xf32>
    %neg3A_744 = arith.constant 0.000000e+00 : f32
    %neg3A_745 = vector.broadcast %neg3A_744 : f32 to vector<16xf32>
    %neg3A_746 = arith.subf %neg3A_745, %min3A_733 : vector<16xf32>
    %sort3A_747 = arith.constant dense<true> : vector<16xi1>
    %sort3A_748, %sort3A_749, %sort3A_750 = tpu.sort %neg3A_746, %neg3A_746 masked %sort3A_747 : (vector<16xf32>, vector<16xf32>, vector<16xi1>) -> (vector<16xi1>, vector<16xf32>, vector<16xf32>)
    %neg3A_751 = arith.constant 0.000000e+00 : f32
    %neg3A_752 = vector.broadcast %neg3A_751 : f32 to vector<16xf32>
    %neg3A_753 = arith.subf %neg3A_752, %sort3A_749 : vector<16xf32>
    %neg3A_754 = arith.constant 0.000000e+00 : f32
    %neg3A_755 = vector.broadcast %neg3A_754 : f32 to vector<16xf32>
    %neg3A_756 = arith.subf %neg3A_755, %scan3A_577#4 : vector<16xf32>
    %sort3A_757 = arith.constant dense<true> : vector<16xi1>
    %sort3A_758, %sort3A_759, %sort3A_760 = tpu.sort %neg3A_756, %neg3A_756 masked %sort3A_757 : (vector<16xf32>, vector<16xf32>, vector<16xi1>) -> (vector<16xi1>, vector<16xf32>, vector<16xf32>)
    %neg3A_761 = arith.constant 0.000000e+00 : f32
    %neg3A_762 = vector.broadcast %neg3A_761 : f32 to vector<16xf32>
    %neg3A_763 = arith.subf %neg3A_762, %sort3A_759 : vector<16xf32>
    %rev3A_764 = arith.constant 15 : i32
    %rev3A_765 = vector.broadcast %rev3A_764 : i32 to vector<16xi32>
    %rev3A_766 = tpu.iota {dimensions = array<i32: 0>} : vector<16xi32>
    %rev3A_767 = arith.subi %rev3A_765, %rev3A_766 : vector<16xi32>
    %rev3A_768 = tpu.dynamic_gather %neg3A_763[%rev3A_767] in [0] : vector<16xf32>, vector<16xi32> -> vector<16xf32>
    %max3A_769 = arith.maximumf %neg3A_753, %rev3A_768 : vector<16xf32>
    %min3A_770 = arith.minimumf %neg3A_753, %rev3A_768 : vector<16xf32>
    %neg3A_771 = arith.constant 0.000000e+00 : f32
    %neg3A_772 = vector.broadcast %neg3A_771 : f32 to vector<16xf32>
    %neg3A_773 = arith.subf %neg3A_772, %max3A_769 : vector<16xf32>
    %sort3A_774 = arith.constant dense<true> : vector<16xi1>
    %sort3A_775, %sort3A_776, %sort3A_777 = tpu.sort %neg3A_773, %neg3A_773 masked %sort3A_774 : (vector<16xf32>, vector<16xf32>, vector<16xi1>) -> (vector<16xi1>, vector<16xf32>, vector<16xf32>)
    %neg3A_778 = arith.constant 0.000000e+00 : f32
    %neg3A_779 = vector.broadcast %neg3A_778 : f32 to vector<16xf32>
    %neg3A_780 = arith.subf %neg3A_779, %sort3A_776 : vector<16xf32>
    %neg3A_781 = arith.constant 0.000000e+00 : f32
    %neg3A_782 = vector.broadcast %neg3A_781 : f32 to vector<16xf32>
    %neg3A_783 = arith.subf %neg3A_782, %min3A_770 : vector<16xf32>
    %sort3A_784 = arith.constant dense<true> : vector<16xi1>
    %sort3A_785, %sort3A_786, %sort3A_787 = tpu.sort %neg3A_783, %neg3A_783 masked %sort3A_784 : (vector<16xf32>, vector<16xf32>, vector<16xi1>) -> (vector<16xi1>, vector<16xf32>, vector<16xf32>)
    %neg3A_788 = arith.constant 0.000000e+00 : f32
    %neg3A_789 = vector.broadcast %neg3A_788 : f32 to vector<16xf32>
    %neg3A_790 = arith.subf %neg3A_789, %sort3A_786 : vector<16xf32>
    %rev3A_791 = arith.constant 15 : i32
    %rev3A_792 = vector.broadcast %rev3A_791 : i32 to vector<16xi32>
    %rev3A_793 = tpu.iota {dimensions = array<i32: 0>} : vector<16xi32>
    %rev3A_794 = arith.subi %rev3A_792, %rev3A_793 : vector<16xi32>
    %rev3A_795 = tpu.dynamic_gather %neg3A_780[%rev3A_794] in [0] : vector<16xf32>, vector<16xi32> -> vector<16xf32>
    %max3A_796 = arith.maximumf %neg3A_743, %rev3A_795 : vector<16xf32>
    %min3A_797 = arith.minimumf %neg3A_743, %rev3A_795 : vector<16xf32>
    %neg3A_798 = arith.constant 0.000000e+00 : f32
    %neg3A_799 = vector.broadcast %neg3A_798 : f32 to vector<16xf32>
    %neg3A_800 = arith.subf %neg3A_799, %max3A_796 : vector<16xf32>
    %sort3A_801 = arith.constant dense<true> : vector<16xi1>
    %sort3A_802, %sort3A_803, %sort3A_804 = tpu.sort %neg3A_800, %neg3A_800 masked %sort3A_801 : (vector<16xf32>, vector<16xf32>, vector<16xi1>) -> (vector<16xi1>, vector<16xf32>, vector<16xf32>)
    %neg3A_805 = arith.constant 0.000000e+00 : f32
    %neg3A_806 = vector.broadcast %neg3A_805 : f32 to vector<16xf32>
    %neg3A_807 = arith.subf %neg3A_806, %sort3A_803 : vector<16xf32>
    %neg3A_808 = arith.constant 0.000000e+00 : f32
    %neg3A_809 = vector.broadcast %neg3A_808 : f32 to vector<16xf32>
    %neg3A_810 = arith.subf %neg3A_809, %min3A_797 : vector<16xf32>
    %sort3A_811 = arith.constant dense<true> : vector<16xi1>
    %sort3A_812, %sort3A_813, %sort3A_814 = tpu.sort %neg3A_810, %neg3A_810 masked %sort3A_811 : (vector<16xf32>, vector<16xf32>, vector<16xi1>) -> (vector<16xi1>, vector<16xf32>, vector<16xf32>)
    %neg3A_815 = arith.constant 0.000000e+00 : f32
    %neg3A_816 = vector.broadcast %neg3A_815 : f32 to vector<16xf32>
    %neg3A_817 = arith.subf %neg3A_816, %sort3A_813 : vector<16xf32>
    %neg3A_818 = arith.constant 0.000000e+00 : f32
    %neg3A_819 = vector.broadcast %neg3A_818 : f32 to vector<16xf32>
    %neg3A_820 = arith.subf %neg3A_819, %scan3A_577#5 : vector<16xf32>
    %sort3A_821 = arith.constant dense<true> : vector<16xi1>
    %sort3A_822, %sort3A_823, %sort3A_824 = tpu.sort %neg3A_820, %neg3A_820 masked %sort3A_821 : (vector<16xf32>, vector<16xf32>, vector<16xi1>) -> (vector<16xi1>, vector<16xf32>, vector<16xf32>)
    %neg3A_825 = arith.constant 0.000000e+00 : f32
    %neg3A_826 = vector.broadcast %neg3A_825 : f32 to vector<16xf32>
    %neg3A_827 = arith.subf %neg3A_826, %sort3A_823 : vector<16xf32>
    %rev3A_828 = arith.constant 15 : i32
    %rev3A_829 = vector.broadcast %rev3A_828 : i32 to vector<16xi32>
    %rev3A_830 = tpu.iota {dimensions = array<i32: 0>} : vector<16xi32>
    %rev3A_831 = arith.subi %rev3A_829, %rev3A_830 : vector<16xi32>
    %rev3A_832 = tpu.dynamic_gather %neg3A_827[%rev3A_831] in [0] : vector<16xf32>, vector<16xi32> -> vector<16xf32>
    %max3A_833 = arith.maximumf %neg3A_817, %rev3A_832 : vector<16xf32>
    %min3A_834 = arith.minimumf %neg3A_817, %rev3A_832 : vector<16xf32>
    %neg3A_835 = arith.constant 0.000000e+00 : f32
    %neg3A_836 = vector.broadcast %neg3A_835 : f32 to vector<16xf32>
    %neg3A_837 = arith.subf %neg3A_836, %max3A_833 : vector<16xf32>
    %sort3A_838 = arith.constant dense<true> : vector<16xi1>
    %sort3A_839, %sort3A_840, %sort3A_841 = tpu.sort %neg3A_837, %neg3A_837 masked %sort3A_838 : (vector<16xf32>, vector<16xf32>, vector<16xi1>) -> (vector<16xi1>, vector<16xf32>, vector<16xf32>)
    %neg3A_842 = arith.constant 0.000000e+00 : f32
    %neg3A_843 = vector.broadcast %neg3A_842 : f32 to vector<16xf32>
    %neg3A_844 = arith.subf %neg3A_843, %sort3A_840 : vector<16xf32>
    %neg3A_845 = arith.constant 0.000000e+00 : f32
    %neg3A_846 = vector.broadcast %neg3A_845 : f32 to vector<16xf32>
    %neg3A_847 = arith.subf %neg3A_846, %min3A_834 : vector<16xf32>
    %sort3A_848 = arith.constant dense<true> : vector<16xi1>
    %sort3A_849, %sort3A_850, %sort3A_851 = tpu.sort %neg3A_847, %neg3A_847 masked %sort3A_848 : (vector<16xf32>, vector<16xf32>, vector<16xi1>) -> (vector<16xi1>, vector<16xf32>, vector<16xf32>)
    %neg3A_852 = arith.constant 0.000000e+00 : f32
    %neg3A_853 = vector.broadcast %neg3A_852 : f32 to vector<16xf32>
    %neg3A_854 = arith.subf %neg3A_853, %sort3A_850 : vector<16xf32>
    %rev3A_855 = arith.constant 15 : i32
    %rev3A_856 = vector.broadcast %rev3A_855 : i32 to vector<16xi32>
    %rev3A_857 = tpu.iota {dimensions = array<i32: 0>} : vector<16xi32>
    %rev3A_858 = arith.subi %rev3A_856, %rev3A_857 : vector<16xi32>
    %rev3A_859 = tpu.dynamic_gather %neg3A_844[%rev3A_858] in [0] : vector<16xf32>, vector<16xi32> -> vector<16xf32>
    %max3A_860 = arith.maximumf %neg3A_807, %rev3A_859 : vector<16xf32>
    %min3A_861 = arith.minimumf %neg3A_807, %rev3A_859 : vector<16xf32>
    %neg3A_862 = arith.constant 0.000000e+00 : f32
    %neg3A_863 = vector.broadcast %neg3A_862 : f32 to vector<16xf32>
    %neg3A_864 = arith.subf %neg3A_863, %max3A_860 : vector<16xf32>
    %sort3A_865 = arith.constant dense<true> : vector<16xi1>
    %sort3A_866, %sort3A_867, %sort3A_868 = tpu.sort %neg3A_864, %neg3A_864 masked %sort3A_865 : (vector<16xf32>, vector<16xf32>, vector<16xi1>) -> (vector<16xi1>, vector<16xf32>, vector<16xf32>)
    %neg3A_869 = arith.constant 0.000000e+00 : f32
    %neg3A_870 = vector.broadcast %neg3A_869 : f32 to vector<16xf32>
    %neg3A_871 = arith.subf %neg3A_870, %sort3A_867 : vector<16xf32>
    %neg3A_872 = arith.constant 0.000000e+00 : f32
    %neg3A_873 = vector.broadcast %neg3A_872 : f32 to vector<16xf32>
    %neg3A_874 = arith.subf %neg3A_873, %min3A_861 : vector<16xf32>
    %sort3A_875 = arith.constant dense<true> : vector<16xi1>
    %sort3A_876, %sort3A_877, %sort3A_878 = tpu.sort %neg3A_874, %neg3A_874 masked %sort3A_875 : (vector<16xf32>, vector<16xf32>, vector<16xi1>) -> (vector<16xi1>, vector<16xf32>, vector<16xf32>)
    %neg3A_879 = arith.constant 0.000000e+00 : f32
    %neg3A_880 = vector.broadcast %neg3A_879 : f32 to vector<16xf32>
    %neg3A_881 = arith.subf %neg3A_880, %sort3A_877 : vector<16xf32>
    %neg3A_882 = arith.constant 0.000000e+00 : f32
    %neg3A_883 = vector.broadcast %neg3A_882 : f32 to vector<16xf32>
    %neg3A_884 = arith.subf %neg3A_883, %scan3A_577#6 : vector<16xf32>
    %sort3A_885 = arith.constant dense<true> : vector<16xi1>
    %sort3A_886, %sort3A_887, %sort3A_888 = tpu.sort %neg3A_884, %neg3A_884 masked %sort3A_885 : (vector<16xf32>, vector<16xf32>, vector<16xi1>) -> (vector<16xi1>, vector<16xf32>, vector<16xf32>)
    %neg3A_889 = arith.constant 0.000000e+00 : f32
    %neg3A_890 = vector.broadcast %neg3A_889 : f32 to vector<16xf32>
    %neg3A_891 = arith.subf %neg3A_890, %sort3A_887 : vector<16xf32>
    %rev3A_892 = arith.constant 15 : i32
    %rev3A_893 = vector.broadcast %rev3A_892 : i32 to vector<16xi32>
    %rev3A_894 = tpu.iota {dimensions = array<i32: 0>} : vector<16xi32>
    %rev3A_895 = arith.subi %rev3A_893, %rev3A_894 : vector<16xi32>
    %rev3A_896 = tpu.dynamic_gather %neg3A_891[%rev3A_895] in [0] : vector<16xf32>, vector<16xi32> -> vector<16xf32>
    %max3A_897 = arith.maximumf %neg3A_881, %rev3A_896 : vector<16xf32>
    %min3A_898 = arith.minimumf %neg3A_881, %rev3A_896 : vector<16xf32>
    %neg3A_899 = arith.constant 0.000000e+00 : f32
    %neg3A_900 = vector.broadcast %neg3A_899 : f32 to vector<16xf32>
    %neg3A_901 = arith.subf %neg3A_900, %max3A_897 : vector<16xf32>
    %sort3A_902 = arith.constant dense<true> : vector<16xi1>
    %sort3A_903, %sort3A_904, %sort3A_905 = tpu.sort %neg3A_901, %neg3A_901 masked %sort3A_902 : (vector<16xf32>, vector<16xf32>, vector<16xi1>) -> (vector<16xi1>, vector<16xf32>, vector<16xf32>)
    %neg3A_906 = arith.constant 0.000000e+00 : f32
    %neg3A_907 = vector.broadcast %neg3A_906 : f32 to vector<16xf32>
    %neg3A_908 = arith.subf %neg3A_907, %sort3A_904 : vector<16xf32>
    %neg3A_909 = arith.constant 0.000000e+00 : f32
    %neg3A_910 = vector.broadcast %neg3A_909 : f32 to vector<16xf32>
    %neg3A_911 = arith.subf %neg3A_910, %min3A_898 : vector<16xf32>
    %sort3A_912 = arith.constant dense<true> : vector<16xi1>
    %sort3A_913, %sort3A_914, %sort3A_915 = tpu.sort %neg3A_911, %neg3A_911 masked %sort3A_912 : (vector<16xf32>, vector<16xf32>, vector<16xi1>) -> (vector<16xi1>, vector<16xf32>, vector<16xf32>)
    %neg3A_916 = arith.constant 0.000000e+00 : f32
    %neg3A_917 = vector.broadcast %neg3A_916 : f32 to vector<16xf32>
    %neg3A_918 = arith.subf %neg3A_917, %sort3A_914 : vector<16xf32>
    %rev3A_919 = arith.constant 15 : i32
    %rev3A_920 = vector.broadcast %rev3A_919 : i32 to vector<16xi32>
    %rev3A_921 = tpu.iota {dimensions = array<i32: 0>} : vector<16xi32>
    %rev3A_922 = arith.subi %rev3A_920, %rev3A_921 : vector<16xi32>
    %rev3A_923 = tpu.dynamic_gather %neg3A_908[%rev3A_922] in [0] : vector<16xf32>, vector<16xi32> -> vector<16xf32>
    %max3A_924 = arith.maximumf %neg3A_871, %rev3A_923 : vector<16xf32>
    %min3A_925 = arith.minimumf %neg3A_871, %rev3A_923 : vector<16xf32>
    %neg3A_926 = arith.constant 0.000000e+00 : f32
    %neg3A_927 = vector.broadcast %neg3A_926 : f32 to vector<16xf32>
    %neg3A_928 = arith.subf %neg3A_927, %max3A_924 : vector<16xf32>
    %sort3A_929 = arith.constant dense<true> : vector<16xi1>
    %sort3A_930, %sort3A_931, %sort3A_932 = tpu.sort %neg3A_928, %neg3A_928 masked %sort3A_929 : (vector<16xf32>, vector<16xf32>, vector<16xi1>) -> (vector<16xi1>, vector<16xf32>, vector<16xf32>)
    %neg3A_933 = arith.constant 0.000000e+00 : f32
    %neg3A_934 = vector.broadcast %neg3A_933 : f32 to vector<16xf32>
    %neg3A_935 = arith.subf %neg3A_934, %sort3A_931 : vector<16xf32>
    %neg3A_936 = arith.constant 0.000000e+00 : f32
    %neg3A_937 = vector.broadcast %neg3A_936 : f32 to vector<16xf32>
    %neg3A_938 = arith.subf %neg3A_937, %min3A_925 : vector<16xf32>
    %sort3A_939 = arith.constant dense<true> : vector<16xi1>
    %sort3A_940, %sort3A_941, %sort3A_942 = tpu.sort %neg3A_938, %neg3A_938 masked %sort3A_939 : (vector<16xf32>, vector<16xf32>, vector<16xi1>) -> (vector<16xi1>, vector<16xf32>, vector<16xf32>)
    %neg3A_943 = arith.constant 0.000000e+00 : f32
    %neg3A_944 = vector.broadcast %neg3A_943 : f32 to vector<16xf32>
    %neg3A_945 = arith.subf %neg3A_944, %sort3A_941 : vector<16xf32>
    %neg3A_946 = arith.constant 0.000000e+00 : f32
    %neg3A_947 = vector.broadcast %neg3A_946 : f32 to vector<16xf32>
    %neg3A_948 = arith.subf %neg3A_947, %scan3A_577#7 : vector<16xf32>
    %sort3A_949 = arith.constant dense<true> : vector<16xi1>
    %sort3A_950, %sort3A_951, %sort3A_952 = tpu.sort %neg3A_948, %neg3A_948 masked %sort3A_949 : (vector<16xf32>, vector<16xf32>, vector<16xi1>) -> (vector<16xi1>, vector<16xf32>, vector<16xf32>)
    %neg3A_953 = arith.constant 0.000000e+00 : f32
    %neg3A_954 = vector.broadcast %neg3A_953 : f32 to vector<16xf32>
    %neg3A_955 = arith.subf %neg3A_954, %sort3A_951 : vector<16xf32>
    %rev3A_956 = arith.constant 15 : i32
    %rev3A_957 = vector.broadcast %rev3A_956 : i32 to vector<16xi32>
    %rev3A_958 = tpu.iota {dimensions = array<i32: 0>} : vector<16xi32>
    %rev3A_959 = arith.subi %rev3A_957, %rev3A_958 : vector<16xi32>
    %rev3A_960 = tpu.dynamic_gather %neg3A_955[%rev3A_959] in [0] : vector<16xf32>, vector<16xi32> -> vector<16xf32>
    %max3A_961 = arith.maximumf %neg3A_945, %rev3A_960 : vector<16xf32>
    %min3A_962 = arith.minimumf %neg3A_945, %rev3A_960 : vector<16xf32>
    %neg3A_963 = arith.constant 0.000000e+00 : f32
    %neg3A_964 = vector.broadcast %neg3A_963 : f32 to vector<16xf32>
    %neg3A_965 = arith.subf %neg3A_964, %max3A_961 : vector<16xf32>
    %sort3A_966 = arith.constant dense<true> : vector<16xi1>
    %sort3A_967, %sort3A_968, %sort3A_969 = tpu.sort %neg3A_965, %neg3A_965 masked %sort3A_966 : (vector<16xf32>, vector<16xf32>, vector<16xi1>) -> (vector<16xi1>, vector<16xf32>, vector<16xf32>)
    %neg3A_970 = arith.constant 0.000000e+00 : f32
    %neg3A_971 = vector.broadcast %neg3A_970 : f32 to vector<16xf32>
    %neg3A_972 = arith.subf %neg3A_971, %sort3A_968 : vector<16xf32>
    %neg3A_973 = arith.constant 0.000000e+00 : f32
    %neg3A_974 = vector.broadcast %neg3A_973 : f32 to vector<16xf32>
    %neg3A_975 = arith.subf %neg3A_974, %min3A_962 : vector<16xf32>
    %sort3A_976 = arith.constant dense<true> : vector<16xi1>
    %sort3A_977, %sort3A_978, %sort3A_979 = tpu.sort %neg3A_975, %neg3A_975 masked %sort3A_976 : (vector<16xf32>, vector<16xf32>, vector<16xi1>) -> (vector<16xi1>, vector<16xf32>, vector<16xf32>)
    %neg3A_980 = arith.constant 0.000000e+00 : f32
    %neg3A_981 = vector.broadcast %neg3A_980 : f32 to vector<16xf32>
    %neg3A_982 = arith.subf %neg3A_981, %sort3A_978 : vector<16xf32>
    %rev3A_983 = arith.constant 15 : i32
    %rev3A_984 = vector.broadcast %rev3A_983 : i32 to vector<16xi32>
    %rev3A_985 = tpu.iota {dimensions = array<i32: 0>} : vector<16xi32>
    %rev3A_986 = arith.subi %rev3A_984, %rev3A_985 : vector<16xi32>
    %rev3A_987 = tpu.dynamic_gather %neg3A_972[%rev3A_986] in [0] : vector<16xf32>, vector<16xi32> -> vector<16xf32>
    %max3A_988 = arith.maximumf %neg3A_935, %rev3A_987 : vector<16xf32>
    %min3A_989 = arith.minimumf %neg3A_935, %rev3A_987 : vector<16xf32>
    %neg3A_990 = arith.constant 0.000000e+00 : f32
    %neg3A_991 = vector.broadcast %neg3A_990 : f32 to vector<16xf32>
    %neg3A_992 = arith.subf %neg3A_991, %max3A_988 : vector<16xf32>
    %sort3A_993 = arith.constant dense<true> : vector<16xi1>
    %sort3A_994, %sort3A_995, %sort3A_996 = tpu.sort %neg3A_992, %neg3A_992 masked %sort3A_993 : (vector<16xf32>, vector<16xf32>, vector<16xi1>) -> (vector<16xi1>, vector<16xf32>, vector<16xf32>)
    %neg3A_997 = arith.constant 0.000000e+00 : f32
    %neg3A_998 = vector.broadcast %neg3A_997 : f32 to vector<16xf32>
    %neg3A_999 = arith.subf %neg3A_998, %sort3A_995 : vector<16xf32>
    %neg3A_1000 = arith.constant 0.000000e+00 : f32
    %neg3A_1001 = vector.broadcast %neg3A_1000 : f32 to vector<16xf32>
    %neg3A_1002 = arith.subf %neg3A_1001, %min3A_989 : vector<16xf32>
    %sort3A_1003 = arith.constant dense<true> : vector<16xi1>
    %sort3A_1004, %sort3A_1005, %sort3A_1006 = tpu.sort %neg3A_1002, %neg3A_1002 masked %sort3A_1003 : (vector<16xf32>, vector<16xf32>, vector<16xi1>) -> (vector<16xi1>, vector<16xf32>, vector<16xf32>)
    %neg3A_1007 = arith.constant 0.000000e+00 : f32
    %neg3A_1008 = vector.broadcast %neg3A_1007 : f32 to vector<16xf32>
    %neg3A_1009 = arith.subf %neg3A_1008, %sort3A_1005 : vector<16xf32>
    %slice3A_1010 = vector.extract_strided_slice %neg3A_1009 {offsets = [15], sizes = [1], strides = [1]} : vector<16xf32> to vector<1xf32>
    %squeeze3A_1011 = vector.extract %slice3A_1010[0] : f32 from vector<1xf32>
    %broadcast_in_dim3A_1012 = vector.broadcast %squeeze3A_1011 : f32 to vector<16xf32>
    %broadcast_in_dim3A_1013 = arith.constant 0 : i32
    %broadcast_in_dim3A_1014 = vector.broadcast %broadcast_in_dim3A_1013 : i32 to vector<16xi32>
    %scan3A_1015 = arith.constant 0 : i32
    %scan3A_1016 = arith.constant 64 : i32
    %scan3A_1017 = arith.addi %scan3A_1015, %scan3A_1016 : i32
    %scan3A_1018 = arith.constant 1 : i32
    %scan3A_1019 = scf.for %scan3A_2208 = %scan3A_1015 to %scan3A_1017 step %scan3A_1018 iter_args(%scan3A_2209 = %broadcast_in_dim3A_1014) -> (vector<16xi32>)  : i32 {
      %mul3A_2210 = arith.constant 4 : i32
      %mul3A_2211 = arith.muli %scan3A_2208, %mul3A_2210 : i32
      %get3A = arith.index_cast %mul3A_2211 : i32 to index
      %get3A_2212 = memref.load %arg7[%get3A] : memref<256xf32, #tpu.memory_space<smem>>
      %ge3A = arith.cmpf oge, %get3A_2212, %squeeze3A_1011 : f32
      %add3A_2213 = arith.constant 1 : i32
      %add3A_2214 = arith.addi %mul3A_2211, %add3A_2213 : i32
      %get3A_2215 = arith.index_cast %add3A_2214 : i32 to index
      %get3A_2216 = memref.load %arg7[%get3A_2215] : memref<256xf32, #tpu.memory_space<smem>>
      %ge3A_2217 = arith.cmpf oge, %get3A_2216, %squeeze3A_1011 : f32
      %or3A = arith.ori %ge3A, %ge3A_2217 : i1
      %add3A_2218 = arith.constant 2 : i32
      %add3A_2219 = arith.addi %mul3A_2211, %add3A_2218 : i32
      %get3A_2220 = arith.index_cast %add3A_2219 : i32 to index
      %get3A_2221 = memref.load %arg7[%get3A_2220] : memref<256xf32, #tpu.memory_space<smem>>
      %ge3A_2222 = arith.cmpf oge, %get3A_2221, %squeeze3A_1011 : f32
      %or3A_2223 = arith.ori %or3A, %ge3A_2222 : i1
      %add3A_2224 = arith.constant 3 : i32
      %add3A_2225 = arith.addi %mul3A_2211, %add3A_2224 : i32
      %get3A_2226 = arith.index_cast %add3A_2225 : i32 to index
      %get3A_2227 = memref.load %arg7[%get3A_2226] : memref<256xf32, #tpu.memory_space<smem>>
      %ge3A_2228 = arith.cmpf oge, %get3A_2227, %squeeze3A_1011 : f32
      %or3A_2229 = arith.ori %or3A_2223, %ge3A_2228 : i1
      %convert_element_type3A_2230 = arith.extui %or3A_2229 : i1 to i32
      %cond3A_2231 = arith.constant 0 : i32
      %cond3A_2232 = arith.cmpi ne, %convert_element_type3A_2230, %cond3A_2231 : i32
      %cond3A_2233 = scf.if %cond3A_2232 -> (vector<16xi32>) {
        %add3A_2234 = arith.constant 0 : i32
        %add3A_2235 = arith.addi %mul3A_2211, %add3A_2234 : i32
        %get3A_2236 = arith.index_cast %add3A_2235 : i32 to index
        %get3A_2237 = memref.load %arg7[%get3A_2236] : memref<256xf32, #tpu.memory_space<smem>>
        %ge3A_2238 = arith.cmpf oge, %get3A_2237, %squeeze3A_1011 : f32
        %add3A_2239 = arith.constant 0 : i32
        %add3A_2240 = arith.addi %mul3A_2211, %add3A_2239 : i32
        %convert_element_type3A_2241 = arith.extui %ge3A_2238 : i1 to i32
        %cond3A_2242 = arith.constant 0 : i32
        %cond3A_2243 = arith.cmpi ne, %convert_element_type3A_2241, %cond3A_2242 : i32
        %cond3A_2244 = scf.if %cond3A_2243 -> (vector<16xi32>) {
          %scan3A_2278 = arith.constant 0 : i32
          %scan3A_2279 = arith.constant 8 : i32
          %scan3A_2280 = arith.addi %scan3A_2278, %scan3A_2279 : i32
          %scan3A_2281 = arith.constant 1 : i32
          %scan3A_2282 = scf.for %scan3A_2284 = %scan3A_2278 to %scan3A_2280 step %scan3A_2281 iter_args(%scan3A_2285 = %scan3A_2209) -> (vector<16xi32>)  : i32 {
            %mul3A_2286 = arith.constant 128 : i32
            %mul3A_2287 = arith.muli %add3A_2240, %mul3A_2286 : i32
            %mul3A_2288 = arith.constant 16 : i32
            %mul3A_2289 = arith.muli %scan3A_2284, %mul3A_2288 : i32
            %add3A_2290 = arith.addi %mul3A_2287, %mul3A_2289 : i32
            %get3A_2291 = arith.index_cast %add3A_2290 : i32 to index
            %get3A_2292 = tpu.vector_load %arg5[%get3A_2291] {strides = array<i32>} : memref<32784xf32, #tpu.memory_space<vmem>>, vector<16xf32>,
            %ge3A_2293 = arith.cmpf oge, %get3A_2292, %broadcast_in_dim3A_1012 : vector<16xf32>
            %slice3A_2294 = vector.extract_strided_slice %scan3A_2285 {offsets = [0], sizes = [1], strides = [1]} : vector<16xi32> to vector<1xi32>
            %squeeze3A_2295 = vector.extract %slice3A_2294[0] : i32 from vector<1xi32>
            %mul3A_2296 = arith.constant 128 : i32
            %mul3A_2297 = arith.muli %add3A_2240, %mul3A_2296 : i32
            %mul3A_2298 = arith.constant 16 : i32
            %mul3A_2299 = arith.muli %scan3A_2284, %mul3A_2298 : i32
            %add3A_2300 = arith.addi %mul3A_2297, %mul3A_2299 : i32
            %add3A_2301 = vector.broadcast %add3A_2300 : i32 to vector<16xi32>
            %add3A_2302 = arith.addi %iota3A, %add3A_2301 : vector<16xi32>
            %swap3A_2303 = arith.index_cast %squeeze3A_2295 : i32 to index
            %swap3A_2304 = tpu.vector_load %arg6[%swap3A_2303] masked %ge3A_2293 {strides = array<i32>} : memref<32784xi32, #tpu.memory_space<vmem>>, vector<16xi32>, vector<16xi1>
            tpu.vector_store %arg6[%swap3A_2303], %add3A_2302 masked %ge3A_2293 {strides = array<i32>} : memref<32784xi32, #tpu.memory_space<vmem>>, vector<16xi32>, vector<16xi1>
            %all_reduce_population_count3A = tpu.all_reduce %ge3A_2293 {dim = 0 : i64, kind = #tpu.reduction_kind<sum>} : vector<16xi1> -> vector<16xi32>
            %add3A_2305 = arith.addi %scan3A_2285, %all_reduce_population_count3A : vector<16xi32>
            scf.yield %add3A_2305 : vector<16xi32>
          }
          %scan3A_2283 = arith.constant 8 : i32
          scf.yield %scan3A_2282 : vector<16xi32>
        } else {
          scf.yield %scan3A_2209 : vector<16xi32>
        }
        %add3A_2245 = arith.constant 1 : i32
        %add3A_2246 = arith.addi %mul3A_2211, %add3A_2245 : i32
        %get3A_2247 = arith.index_cast %add3A_2246 : i32 to index
        %get3A_2248 = memref.load %arg7[%get3A_2247] : memref<256xf32, #tpu.memory_space<smem>>
        %ge3A_2249 = arith.cmpf oge, %get3A_2248, %squeeze3A_1011 : f32
        %add3A_2250 = arith.constant 1 : i32
        %add3A_2251 = arith.addi %mul3A_2211, %add3A_2250 : i32
        %convert_element_type3A_2252 = arith.extui %ge3A_2249 : i1 to i32
        %cond3A_2253 = arith.constant 0 : i32
        %cond3A_2254 = arith.cmpi ne, %convert_element_type3A_2252, %cond3A_2253 : i32
        %cond3A_2255 = scf.if %cond3A_2254 -> (vector<16xi32>) {
          %scan3A_2278 = arith.constant 0 : i32
          %scan3A_2279 = arith.constant 8 : i32
          %scan3A_2280 = arith.addi %scan3A_2278, %scan3A_2279 : i32
          %scan3A_2281 = arith.constant 1 : i32
          %scan3A_2282 = scf.for %scan3A_2284 = %scan3A_2278 to %scan3A_2280 step %scan3A_2281 iter_args(%scan3A_2285 = %cond3A_2244) -> (vector<16xi32>)  : i32 {
            %mul3A_2286 = arith.constant 128 : i32
            %mul3A_2287 = arith.muli %add3A_2251, %mul3A_2286 : i32
            %mul3A_2288 = arith.constant 16 : i32
            %mul3A_2289 = arith.muli %scan3A_2284, %mul3A_2288 : i32
            %add3A_2290 = arith.addi %mul3A_2287, %mul3A_2289 : i32
            %get3A_2291 = arith.index_cast %add3A_2290 : i32 to index
            %get3A_2292 = tpu.vector_load %arg5[%get3A_2291] {strides = array<i32>} : memref<32784xf32, #tpu.memory_space<vmem>>, vector<16xf32>,
            %ge3A_2293 = arith.cmpf oge, %get3A_2292, %broadcast_in_dim3A_1012 : vector<16xf32>
            %slice3A_2294 = vector.extract_strided_slice %scan3A_2285 {offsets = [0], sizes = [1], strides = [1]} : vector<16xi32> to vector<1xi32>
            %squeeze3A_2295 = vector.extract %slice3A_2294[0] : i32 from vector<1xi32>
            %mul3A_2296 = arith.constant 128 : i32
            %mul3A_2297 = arith.muli %add3A_2251, %mul3A_2296 : i32
            %mul3A_2298 = arith.constant 16 : i32
            %mul3A_2299 = arith.muli %scan3A_2284, %mul3A_2298 : i32
            %add3A_2300 = arith.addi %mul3A_2297, %mul3A_2299 : i32
            %add3A_2301 = vector.broadcast %add3A_2300 : i32 to vector<16xi32>
            %add3A_2302 = arith.addi %iota3A, %add3A_2301 : vector<16xi32>
            %swap3A_2303 = arith.index_cast %squeeze3A_2295 : i32 to index
            %swap3A_2304 = tpu.vector_load %arg6[%swap3A_2303] masked %ge3A_2293 {strides = array<i32>} : memref<32784xi32, #tpu.memory_space<vmem>>, vector<16xi32>, vector<16xi1>
            tpu.vector_store %arg6[%swap3A_2303], %add3A_2302 masked %ge3A_2293 {strides = array<i32>} : memref<32784xi32, #tpu.memory_space<vmem>>, vector<16xi32>, vector<16xi1>
            %all_reduce_population_count3A = tpu.all_reduce %ge3A_2293 {dim = 0 : i64, kind = #tpu.reduction_kind<sum>} : vector<16xi1> -> vector<16xi32>
            %add3A_2305 = arith.addi %scan3A_2285, %all_reduce_population_count3A : vector<16xi32>
            scf.yield %add3A_2305 : vector<16xi32>
          }
          %scan3A_2283 = arith.constant 8 : i32
          scf.yield %scan3A_2282 : vector<16xi32>
        } else {
          scf.yield %cond3A_2244 : vector<16xi32>
        }
        %add3A_2256 = arith.constant 2 : i32
        %add3A_2257 = arith.addi %mul3A_2211, %add3A_2256 : i32
        %get3A_2258 = arith.index_cast %add3A_2257 : i32 to index
        %get3A_2259 = memref.load %arg7[%get3A_2258] : memref<256xf32, #tpu.memory_space<smem>>
        %ge3A_2260 = arith.cmpf oge, %get3A_2259, %squeeze3A_1011 : f32
        %add3A_2261 = arith.constant 2 : i32
        %add3A_2262 = arith.addi %mul3A_2211, %add3A_2261 : i32
        %convert_element_type3A_2263 = arith.extui %ge3A_2260 : i1 to i32
        %cond3A_2264 = arith.constant 0 : i32
        %cond3A_2265 = arith.cmpi ne, %convert_element_type3A_2263, %cond3A_2264 : i32
        %cond3A_2266 = scf.if %cond3A_2265 -> (vector<16xi32>) {
          %scan3A_2278 = arith.constant 0 : i32
          %scan3A_2279 = arith.constant 8 : i32
          %scan3A_2280 = arith.addi %scan3A_2278, %scan3A_2279 : i32
          %scan3A_2281 = arith.constant 1 : i32
          %scan3A_2282 = scf.for %scan3A_2284 = %scan3A_2278 to %scan3A_2280 step %scan3A_2281 iter_args(%scan3A_2285 = %cond3A_2255) -> (vector<16xi32>)  : i32 {
            %mul3A_2286 = arith.constant 128 : i32
            %mul3A_2287 = arith.muli %add3A_2262, %mul3A_2286 : i32
            %mul3A_2288 = arith.constant 16 : i32
            %mul3A_2289 = arith.muli %scan3A_2284, %mul3A_2288 : i32
            %add3A_2290 = arith.addi %mul3A_2287, %mul3A_2289 : i32
            %get3A_2291 = arith.index_cast %add3A_2290 : i32 to index
            %get3A_2292 = tpu.vector_load %arg5[%get3A_2291] {strides = array<i32>} : memref<32784xf32, #tpu.memory_space<vmem>>, vector<16xf32>,
            %ge3A_2293 = arith.cmpf oge, %get3A_2292, %broadcast_in_dim3A_1012 : vector<16xf32>
            %slice3A_2294 = vector.extract_strided_slice %scan3A_2285 {offsets = [0], sizes = [1], strides = [1]} : vector<16xi32> to vector<1xi32>
            %squeeze3A_2295 = vector.extract %slice3A_2294[0] : i32 from vector<1xi32>
            %mul3A_2296 = arith.constant 128 : i32
            %mul3A_2297 = arith.muli %add3A_2262, %mul3A_2296 : i32
            %mul3A_2298 = arith.constant 16 : i32
            %mul3A_2299 = arith.muli %scan3A_2284, %mul3A_2298 : i32
            %add3A_2300 = arith.addi %mul3A_2297, %mul3A_2299 : i32
            %add3A_2301 = vector.broadcast %add3A_2300 : i32 to vector<16xi32>
            %add3A_2302 = arith.addi %iota3A, %add3A_2301 : vector<16xi32>
            %swap3A_2303 = arith.index_cast %squeeze3A_2295 : i32 to index
            %swap3A_2304 = tpu.vector_load %arg6[%swap3A_2303] masked %ge3A_2293 {strides = array<i32>} : memref<32784xi32, #tpu.memory_space<vmem>>, vector<16xi32>, vector<16xi1>
            tpu.vector_store %arg6[%swap3A_2303], %add3A_2302 masked %ge3A_2293 {strides = array<i32>} : memref<32784xi32, #tpu.memory_space<vmem>>, vector<16xi32>, vector<16xi1>
            %all_reduce_population_count3A = tpu.all_reduce %ge3A_2293 {dim = 0 : i64, kind = #tpu.reduction_kind<sum>} : vector<16xi1> -> vector<16xi32>
            %add3A_2305 = arith.addi %scan3A_2285, %all_reduce_population_count3A : vector<16xi32>
            scf.yield %add3A_2305 : vector<16xi32>
          }
          %scan3A_2283 = arith.constant 8 : i32
          scf.yield %scan3A_2282 : vector<16xi32>
        } else {
          scf.yield %cond3A_2255 : vector<16xi32>
        }
        %add3A_2267 = arith.constant 3 : i32
        %add3A_2268 = arith.addi %mul3A_2211, %add3A_2267 : i32
        %get3A_2269 = arith.index_cast %add3A_2268 : i32 to index
        %get3A_2270 = memref.load %arg7[%get3A_2269] : memref<256xf32, #tpu.memory_space<smem>>
        %ge3A_2271 = arith.cmpf oge, %get3A_2270, %squeeze3A_1011 : f32
        %add3A_2272 = arith.constant 3 : i32
        %add3A_2273 = arith.addi %mul3A_2211, %add3A_2272 : i32
        %convert_element_type3A_2274 = arith.extui %ge3A_2271 : i1 to i32
        %cond3A_2275 = arith.constant 0 : i32
        %cond3A_2276 = arith.cmpi ne, %convert_element_type3A_2274, %cond3A_2275 : i32
        %cond3A_2277 = scf.if %cond3A_2276 -> (vector<16xi32>) {
          %scan3A_2278 = arith.constant 0 : i32
          %scan3A_2279 = arith.constant 8 : i32
          %scan3A_2280 = arith.addi %scan3A_2278, %scan3A_2279 : i32
          %scan3A_2281 = arith.constant 1 : i32
          %scan3A_2282 = scf.for %scan3A_2284 = %scan3A_2278 to %scan3A_2280 step %scan3A_2281 iter_args(%scan3A_2285 = %cond3A_2266) -> (vector<16xi32>)  : i32 {
            %mul3A_2286 = arith.constant 128 : i32
            %mul3A_2287 = arith.muli %add3A_2273, %mul3A_2286 : i32
            %mul3A_2288 = arith.constant 16 : i32
            %mul3A_2289 = arith.muli %scan3A_2284, %mul3A_2288 : i32
            %add3A_2290 = arith.addi %mul3A_2287, %mul3A_2289 : i32
            %get3A_2291 = arith.index_cast %add3A_2290 : i32 to index
            %get3A_2292 = tpu.vector_load %arg5[%get3A_2291] {strides = array<i32>} : memref<32784xf32, #tpu.memory_space<vmem>>, vector<16xf32>,
            %ge3A_2293 = arith.cmpf oge, %get3A_2292, %broadcast_in_dim3A_1012 : vector<16xf32>
            %slice3A_2294 = vector.extract_strided_slice %scan3A_2285 {offsets = [0], sizes = [1], strides = [1]} : vector<16xi32> to vector<1xi32>
            %squeeze3A_2295 = vector.extract %slice3A_2294[0] : i32 from vector<1xi32>
            %mul3A_2296 = arith.constant 128 : i32
            %mul3A_2297 = arith.muli %add3A_2273, %mul3A_2296 : i32
            %mul3A_2298 = arith.constant 16 : i32
            %mul3A_2299 = arith.muli %scan3A_2284, %mul3A_2298 : i32
            %add3A_2300 = arith.addi %mul3A_2297, %mul3A_2299 : i32
            %add3A_2301 = vector.broadcast %add3A_2300 : i32 to vector<16xi32>
            %add3A_2302 = arith.addi %iota3A, %add3A_2301 : vector<16xi32>
            %swap3A_2303 = arith.index_cast %squeeze3A_2295 : i32 to index
            %swap3A_2304 = tpu.vector_load %arg6[%swap3A_2303] masked %ge3A_2293 {strides = array<i32>} : memref<32784xi32, #tpu.memory_space<vmem>>, vector<16xi32>, vector<16xi1>
            tpu.vector_store %arg6[%swap3A_2303], %add3A_2302 masked %ge3A_2293 {strides = array<i32>} : memref<32784xi32, #tpu.memory_space<vmem>>, vector<16xi32>, vector<16xi1>
            %all_reduce_population_count3A = tpu.all_reduce %ge3A_2293 {dim = 0 : i64, kind = #tpu.reduction_kind<sum>} : vector<16xi1> -> vector<16xi32>
            %add3A_2305 = arith.addi %scan3A_2285, %all_reduce_population_count3A : vector<16xi32>
            scf.yield %add3A_2305 : vector<16xi32>
          }
          %scan3A_2283 = arith.constant 8 : i32
          scf.yield %scan3A_2282 : vector<16xi32>
        } else {
          scf.yield %cond3A_2266 : vector<16xi32>
        }
        scf.yield %cond3A_2277 : vector<16xi32>
      } else {
        scf.yield %scan3A_2209 : vector<16xi32>
      }
      scf.yield %cond3A_2233 : vector<16xi32>
    }
    %scan3A_1020 = arith.constant 64 : i32
    %slice3A_1021 = vector.extract_strided_slice %scan3A_1019 {offsets = [0], sizes = [1], strides = [1]} : vector<16xi32> to vector<1xi32>
    %squeeze3A_1022 = vector.extract %slice3A_1021[0] : i32 from vector<1xi32>
    %broadcast_in_dim3A_1023 = arith.constant 32768 : i32
    %broadcast_in_dim3A_1024 = vector.broadcast %broadcast_in_dim3A_1023 : i32 to vector<16xi32>
    %swap3A_1025 = arith.index_cast %squeeze3A_1022 : i32 to index
    %swap3A_1026 = tpu.vector_load %arg6[%swap3A_1025] {strides = array<i32>} : memref<32784xi32, #tpu.memory_space<vmem>>, vector<16xi32>,
    tpu.vector_store %arg6[%swap3A_1025], %broadcast_in_dim3A_1024 {strides = array<i32>} : memref<32784xi32, #tpu.memory_space<vmem>>, vector<16xi32>,
    %add3A_1027 = arith.constant 15 : i32
    %add3A_1028 = arith.addi %squeeze3A_1022, %add3A_1027 : i32
    %jit3A_1029 = arith.constant 16 : i32
    %div3A_1030 = arith.divsi %add3A_1028, %jit3A_1029 : i32
    %sign3A_1031 = arith.constant 0 : i32
    %sign3A_1032 = arith.cmpi sgt, %add3A_1028, %sign3A_1031 : i32
    %sign3A_1033 = arith.extui %sign3A_1032 : i1 to i32
    %sign3A_1034 = arith.constant 0 : i32
    %sign3A_1035 = arith.cmpi slt, %add3A_1028, %sign3A_1034 : i32
    %sign3A_1036 = arith.extui %sign3A_1035 : i1 to i32
    %sign3A_1037 = arith.subi %sign3A_1033, %sign3A_1036 : i32
    %sign3A_1038 = arith.constant 0 : i32
    %sign3A_1039 = arith.cmpi sgt, %jit3A_1029, %sign3A_1038 : i32
    %sign3A_1040 = arith.extui %sign3A_1039 : i1 to i32
    %sign3A_1041 = arith.constant 0 : i32
    %sign3A_1042 = arith.cmpi slt, %jit3A_1029, %sign3A_1041 : i32
    %sign3A_1043 = arith.extui %sign3A_1042 : i1 to i32
    %sign3A_1044 = arith.subi %sign3A_1040, %sign3A_1043 : i32
    %ne3A_1045 = arith.cmpi ne, %sign3A_1037, %sign3A_1044 : i32
    %rem3A_1046 = arith.remsi %add3A_1028, %jit3A_1029 : i32
    %ne3A_1047 = arith.constant 0 : i32
    %ne3A_1048 = arith.cmpi ne, %rem3A_1046, %ne3A_1047 : i32
    %and3A_1049 = arith.andi %ne3A_1045, %ne3A_1048 : i1
    %sub3A_1050 = arith.constant 1 : i32
    %sub3A_1051 = arith.subi %div3A_1030, %sub3A_1050 : i32
    %select_n3A_1052 = arith.select %and3A_1049, %sub3A_1051, %div3A_1030 : i32
    %while3A_1053 = arith.constant 0 : i32
    %while3A_1054 = arith.subi %select_n3A_1052, %while3A_1053 : i32
    %while3A_1055 = arith.addi %while3A_1053, %while3A_1054 : i32
    %while3A_1056 = arith.constant 1 : i32
    %while3A_1057 = arith.divsi %while3A_1054, %while3A_1056 : i32
    %while3A_1058 = arith.muli %while3A_1057, %while3A_1056 : i32
    %while3A_1059 = arith.addi %while3A_1053, %while3A_1058 : i32
    %while3A_1060 = arith.constant 1 : i32
    %while3A_1061:2 = scf.for %while3A_2208 = %while3A_1053 to %while3A_1059 step %while3A_1060 iter_args(%while3A_2209 = %broadcast_in_dim3A_3, %while3A_2210 = %broadcast_in_dim3A_3) -> (vector<16xf32>, vector<16xf32>)  : i32 {
      %mul3A_2211 = arith.constant 16 : i32
      %mul3A_2212 = arith.muli %while3A_2208, %mul3A_2211 : i32
      %get3A = arith.index_cast %mul3A_2212 : i32 to index
      %get3A_2213 = tpu.vector_load %arg6[%get3A] {strides = array<i32>} : memref<32784xi32, #tpu.memory_space<vmem>>, vector<16xi32>,
      %gather3A = tpu.vector_load_idx %arg5[%get3A_2213] : memref<32784xf32, #tpu.memory_space<vmem>>[vector<16xi32>], vector<16xf32>,
      %neg3A_2214 = arith.constant 0.000000e+00 : f32
      %neg3A_2215 = vector.broadcast %neg3A_2214 : f32 to vector<16xf32>
      %neg3A_2216 = arith.subf %neg3A_2215, %gather3A : vector<16xf32>
      %sort3A_2217 = arith.constant dense<true> : vector<16xi1>
      %sort3A_2218, %sort3A_2219, %sort3A_2220 = tpu.sort %neg3A_2216, %neg3A_2216 masked %sort3A_2217 : (vector<16xf32>, vector<16xf32>, vector<16xi1>) -> (vector<16xi1>, vector<16xf32>, vector<16xf32>)
      %neg3A_2221 = arith.constant 0.000000e+00 : f32
      %neg3A_2222 = vector.broadcast %neg3A_2221 : f32 to vector<16xf32>
      %neg3A_2223 = arith.subf %neg3A_2222, %sort3A_2219 : vector<16xf32>
      %rev3A_2224 = arith.constant 15 : i32
      %rev3A_2225 = vector.broadcast %rev3A_2224 : i32 to vector<16xi32>
      %rev3A_2226 = tpu.iota {dimensions = array<i32: 0>} : vector<16xi32>
      %rev3A_2227 = arith.subi %rev3A_2225, %rev3A_2226 : vector<16xi32>
      %rev3A_2228 = tpu.dynamic_gather %neg3A_2223[%rev3A_2227] in [0] : vector<16xf32>, vector<16xi32> -> vector<16xf32>
      %max3A_2229 = arith.maximumf %while3A_2210, %rev3A_2228 : vector<16xf32>
      %min3A_2230 = arith.minimumf %while3A_2210, %rev3A_2228 : vector<16xf32>
      %neg3A_2231 = arith.constant 0.000000e+00 : f32
      %neg3A_2232 = vector.broadcast %neg3A_2231 : f32 to vector<16xf32>
      %neg3A_2233 = arith.subf %neg3A_2232, %max3A_2229 : vector<16xf32>
      %sort3A_2234 = arith.constant dense<true> : vector<16xi1>
      %sort3A_2235, %sort3A_2236, %sort3A_2237 = tpu.sort %neg3A_2233, %neg3A_2233 masked %sort3A_2234 : (vector<16xf32>, vector<16xf32>, vector<16xi1>) -> (vector<16xi1>, vector<16xf32>, vector<16xf32>)
      %neg3A_2238 = arith.constant 0.000000e+00 : f32
      %neg3A_2239 = vector.broadcast %neg3A_2238 : f32 to vector<16xf32>
      %neg3A_2240 = arith.subf %neg3A_2239, %sort3A_2236 : vector<16xf32>
      %neg3A_2241 = arith.constant 0.000000e+00 : f32
      %neg3A_2242 = vector.broadcast %neg3A_2241 : f32 to vector<16xf32>
      %neg3A_2243 = arith.subf %neg3A_2242, %min3A_2230 : vector<16xf32>
      %sort3A_2244 = arith.constant dense<true> : vector<16xi1>
      %sort3A_2245, %sort3A_2246, %sort3A_2247 = tpu.sort %neg3A_2243, %neg3A_2243 masked %sort3A_2244 : (vector<16xf32>, vector<16xf32>, vector<16xi1>) -> (vector<16xi1>, vector<16xf32>, vector<16xf32>)
      %neg3A_2248 = arith.constant 0.000000e+00 : f32
      %neg3A_2249 = vector.broadcast %neg3A_2248 : f32 to vector<16xf32>
      %neg3A_2250 = arith.subf %neg3A_2249, %sort3A_2246 : vector<16xf32>
      %rev3A_2251 = arith.constant 15 : i32
      %rev3A_2252 = vector.broadcast %rev3A_2251 : i32 to vector<16xi32>
      %rev3A_2253 = tpu.iota {dimensions = array<i32: 0>} : vector<16xi32>
      %rev3A_2254 = arith.subi %rev3A_2252, %rev3A_2253 : vector<16xi32>
      %rev3A_2255 = tpu.dynamic_gather %neg3A_2240[%rev3A_2254] in [0] : vector<16xf32>, vector<16xi32> -> vector<16xf32>
      %max3A_2256 = arith.maximumf %while3A_2209, %rev3A_2255 : vector<16xf32>
      %min3A_2257 = arith.minimumf %while3A_2209, %rev3A_2255 : vector<16xf32>
      %neg3A_2258 = arith.constant 0.000000e+00 : f32
      %neg3A_2259 = vector.broadcast %neg3A_2258 : f32 to vector<16xf32>
      %neg3A_2260 = arith.subf %neg3A_2259, %max3A_2256 : vector<16xf32>
      %sort3A_2261 = arith.constant dense<true> : vector<16xi1>
      %sort3A_2262, %sort3A_2263, %sort3A_2264 = tpu.sort %neg3A_2260, %neg3A_2260 masked %sort3A_2261 : (vector<16xf32>, vector<16xf32>, vector<16xi1>) -> (vector<16xi1>, vector<16xf32>, vector<16xf32>)
      %neg3A_2265 = arith.constant 0.000000e+00 : f32
      %neg3A_2266 = vector.broadcast %neg3A_2265 : f32 to vector<16xf32>
      %neg3A_2267 = arith.subf %neg3A_2266, %sort3A_2263 : vector<16xf32>
      %neg3A_2268 = arith.constant 0.000000e+00 : f32
      %neg3A_2269 = vector.broadcast %neg3A_2268 : f32 to vector<16xf32>
      %neg3A_2270 = arith.subf %neg3A_2269, %min3A_2257 : vector<16xf32>
      %sort3A_2271 = arith.constant dense<true> : vector<16xi1>
      %sort3A_2272, %sort3A_2273, %sort3A_2274 = tpu.sort %neg3A_2270, %neg3A_2270 masked %sort3A_2271 : (vector<16xf32>, vector<16xf32>, vector<16xi1>) -> (vector<16xi1>, vector<16xf32>, vector<16xf32>)
      %neg3A_2275 = arith.constant 0.000000e+00 : f32
      %neg3A_2276 = vector.broadcast %neg3A_2275 : f32 to vector<16xf32>
      %neg3A_2277 = arith.subf %neg3A_2276, %sort3A_2273 : vector<16xf32>
      scf.yield %neg3A_2267, %neg3A_2277 : vector<16xf32>, vector<16xf32>
    }
    %while3A_1062 = arith.constant 1 : i32
    %while3A_1063:2 = scf.for %while3A_2208 = %while3A_1059 to %while3A_1055 step %while3A_1062 iter_args(%while3A_2209 = %while3A_1061#0, %while3A_2210 = %while3A_1061#1) -> (vector<16xf32>, vector<16xf32>)  : i32 {
      %mul3A_2211 = arith.constant 16 : i32
      %mul3A_2212 = arith.muli %while3A_2208, %mul3A_2211 : i32
      %get3A = arith.index_cast %mul3A_2212 : i32 to index
      %get3A_2213 = tpu.vector_load %arg6[%get3A] {strides = array<i32>} : memref<32784xi32, #tpu.memory_space<vmem>>, vector<16xi32>,
      %gather3A = tpu.vector_load_idx %arg5[%get3A_2213] : memref<32784xf32, #tpu.memory_space<vmem>>[vector<16xi32>], vector<16xf32>,
      %neg3A_2214 = arith.constant 0.000000e+00 : f32
      %neg3A_2215 = vector.broadcast %neg3A_2214 : f32 to vector<16xf32>
      %neg3A_2216 = arith.subf %neg3A_2215, %gather3A : vector<16xf32>
      %sort3A_2217 = arith.constant dense<true> : vector<16xi1>
      %sort3A_2218, %sort3A_2219, %sort3A_2220 = tpu.sort %neg3A_2216, %neg3A_2216 masked %sort3A_2217 : (vector<16xf32>, vector<16xf32>, vector<16xi1>) -> (vector<16xi1>, vector<16xf32>, vector<16xf32>)
      %neg3A_2221 = arith.constant 0.000000e+00 : f32
      %neg3A_2222 = vector.broadcast %neg3A_2221 : f32 to vector<16xf32>
      %neg3A_2223 = arith.subf %neg3A_2222, %sort3A_2219 : vector<16xf32>
      %rev3A_2224 = arith.constant 15 : i32
      %rev3A_2225 = vector.broadcast %rev3A_2224 : i32 to vector<16xi32>
      %rev3A_2226 = tpu.iota {dimensions = array<i32: 0>} : vector<16xi32>
      %rev3A_2227 = arith.subi %rev3A_2225, %rev3A_2226 : vector<16xi32>
      %rev3A_2228 = tpu.dynamic_gather %neg3A_2223[%rev3A_2227] in [0] : vector<16xf32>, vector<16xi32> -> vector<16xf32>
      %max3A_2229 = arith.maximumf %while3A_2210, %rev3A_2228 : vector<16xf32>
      %min3A_2230 = arith.minimumf %while3A_2210, %rev3A_2228 : vector<16xf32>
      %neg3A_2231 = arith.constant 0.000000e+00 : f32
      %neg3A_2232 = vector.broadcast %neg3A_2231 : f32 to vector<16xf32>
      %neg3A_2233 = arith.subf %neg3A_2232, %max3A_2229 : vector<16xf32>
      %sort3A_2234 = arith.constant dense<true> : vector<16xi1>
      %sort3A_2235, %sort3A_2236, %sort3A_2237 = tpu.sort %neg3A_2233, %neg3A_2233 masked %sort3A_2234 : (vector<16xf32>, vector<16xf32>, vector<16xi1>) -> (vector<16xi1>, vector<16xf32>, vector<16xf32>)
      %neg3A_2238 = arith.constant 0.000000e+00 : f32
      %neg3A_2239 = vector.broadcast %neg3A_2238 : f32 to vector<16xf32>
      %neg3A_2240 = arith.subf %neg3A_2239, %sort3A_2236 : vector<16xf32>
      %neg3A_2241 = arith.constant 0.000000e+00 : f32
      %neg3A_2242 = vector.broadcast %neg3A_2241 : f32 to vector<16xf32>
      %neg3A_2243 = arith.subf %neg3A_2242, %min3A_2230 : vector<16xf32>
      %sort3A_2244 = arith.constant dense<true> : vector<16xi1>
      %sort3A_2245, %sort3A_2246, %sort3A_2247 = tpu.sort %neg3A_2243, %neg3A_2243 masked %sort3A_2244 : (vector<16xf32>, vector<16xf32>, vector<16xi1>) -> (vector<16xi1>, vector<16xf32>, vector<16xf32>)
      %neg3A_2248 = arith.constant 0.000000e+00 : f32
      %neg3A_2249 = vector.broadcast %neg3A_2248 : f32 to vector<16xf32>
      %neg3A_2250 = arith.subf %neg3A_2249, %sort3A_2246 : vector<16xf32>
      %rev3A_2251 = arith.constant 15 : i32
      %rev3A_2252 = vector.broadcast %rev3A_2251 : i32 to vector<16xi32>
      %rev3A_2253 = tpu.iota {dimensions = array<i32: 0>} : vector<16xi32>
      %rev3A_2254 = arith.subi %rev3A_2252, %rev3A_2253 : vector<16xi32>
      %rev3A_2255 = tpu.dynamic_gather %neg3A_2240[%rev3A_2254] in [0] : vector<16xf32>, vector<16xi32> -> vector<16xf32>
      %max3A_2256 = arith.maximumf %while3A_2209, %rev3A_2255 : vector<16xf32>
      %min3A_2257 = arith.minimumf %while3A_2209, %rev3A_2255 : vector<16xf32>
      %neg3A_2258 = arith.constant 0.000000e+00 : f32
      %neg3A_2259 = vector.broadcast %neg3A_2258 : f32 to vector<16xf32>
      %neg3A_2260 = arith.subf %neg3A_2259, %max3A_2256 : vector<16xf32>
      %sort3A_2261 = arith.constant dense<true> : vector<16xi1>
      %sort3A_2262, %sort3A_2263, %sort3A_2264 = tpu.sort %neg3A_2260, %neg3A_2260 masked %sort3A_2261 : (vector<16xf32>, vector<16xf32>, vector<16xi1>) -> (vector<16xi1>, vector<16xf32>, vector<16xf32>)
      %neg3A_2265 = arith.constant 0.000000e+00 : f32
      %neg3A_2266 = vector.broadcast %neg3A_2265 : f32 to vector<16xf32>
      %neg3A_2267 = arith.subf %neg3A_2266, %sort3A_2263 : vector<16xf32>
      %neg3A_2268 = arith.constant 0.000000e+00 : f32
      %neg3A_2269 = vector.broadcast %neg3A_2268 : f32 to vector<16xf32>
      %neg3A_2270 = arith.subf %neg3A_2269, %min3A_2257 : vector<16xf32>
      %sort3A_2271 = arith.constant dense<true> : vector<16xi1>
      %sort3A_2272, %sort3A_2273, %sort3A_2274 = tpu.sort %neg3A_2270, %neg3A_2270 masked %sort3A_2271 : (vector<16xf32>, vector<16xf32>, vector<16xi1>) -> (vector<16xi1>, vector<16xf32>, vector<16xf32>)
      %neg3A_2275 = arith.constant 0.000000e+00 : f32
      %neg3A_2276 = vector.broadcast %neg3A_2275 : f32 to vector<16xf32>
      %neg3A_2277 = arith.subf %neg3A_2276, %sort3A_2273 : vector<16xf32>
      scf.yield %neg3A_2267, %neg3A_2277 : vector<16xf32>, vector<16xf32>
    }
    %slice3A_1064 = vector.extract_strided_slice %while3A_1063#1 {offsets = [15], sizes = [1], strides = [1]} : vector<16xf32> to vector<1xf32>
    %squeeze3A_1065 = vector.extract %slice3A_1064[0] : f32 from vector<1xf32>
    %broadcast_in_dim3A_1066 = vector.broadcast %squeeze3A_1065 : f32 to vector<16xf32>
    %broadcast_in_dim3A_1067 = arith.constant 0 : i32
    %broadcast_in_dim3A_1068 = vector.broadcast %broadcast_in_dim3A_1067 : i32 to vector<16xi32>
    %while3A_1069 = arith.constant 0 : i32
    %while3A_1070 = arith.subi %select_n3A_1052, %while3A_1069 : i32
    %while3A_1071 = arith.addi %while3A_1069, %while3A_1070 : i32
    %while3A_1072 = arith.constant 1 : i32
    %while3A_1073 = arith.divsi %while3A_1070, %while3A_1072 : i32
    %while3A_1074 = arith.muli %while3A_1073, %while3A_1072 : i32
    %while3A_1075 = arith.addi %while3A_1069, %while3A_1074 : i32
    %while3A_1076 = arith.constant 1 : i32
    %while3A_1077 = scf.for %while3A_2208 = %while3A_1069 to %while3A_1075 step %while3A_1076 iter_args(%while3A_2209 = %broadcast_in_dim3A_1068) -> (vector<16xi32>)  : i32 {
      %mul3A_2210 = arith.constant 16 : i32
      %mul3A_2211 = arith.muli %while3A_2208, %mul3A_2210 : i32
      %get3A = arith.index_cast %mul3A_2211 : i32 to index
      %get3A_2212 = tpu.vector_load %arg6[%get3A] {strides = array<i32>} : memref<32784xi32, #tpu.memory_space<vmem>>, vector<16xi32>,
      %gather3A = tpu.vector_load_idx %arg5[%get3A_2212] : memref<32784xf32, #tpu.memory_space<vmem>>[vector<16xi32>], vector<16xf32>,
      %gt3A = arith.cmpf ogt, %gather3A, %broadcast_in_dim3A_1066 : vector<16xf32>
      %all_reduce_population_count3A = tpu.all_reduce %gt3A {dim = 0 : i64, kind = #tpu.reduction_kind<sum>} : vector<16xi1> -> vector<16xi32>
      %add3A_2213 = arith.addi %while3A_2209, %all_reduce_population_count3A : vector<16xi32>
      scf.yield %add3A_2213 : vector<16xi32>
    }
    %while3A_1078 = arith.constant 1 : i32
    %while3A_1079 = scf.for %while3A_2208 = %while3A_1075 to %while3A_1071 step %while3A_1078 iter_args(%while3A_2209 = %while3A_1077) -> (vector<16xi32>)  : i32 {
      %mul3A_2210 = arith.constant 16 : i32
      %mul3A_2211 = arith.muli %while3A_2208, %mul3A_2210 : i32
      %get3A = arith.index_cast %mul3A_2211 : i32 to index
      %get3A_2212 = tpu.vector_load %arg6[%get3A] {strides = array<i32>} : memref<32784xi32, #tpu.memory_space<vmem>>, vector<16xi32>,
      %gather3A = tpu.vector_load_idx %arg5[%get3A_2212] : memref<32784xf32, #tpu.memory_space<vmem>>[vector<16xi32>], vector<16xf32>,
      %gt3A = arith.cmpf ogt, %gather3A, %broadcast_in_dim3A_1066 : vector<16xf32>
      %all_reduce_population_count3A = tpu.all_reduce %gt3A {dim = 0 : i64, kind = #tpu.reduction_kind<sum>} : vector<16xi1> -> vector<16xi32>
      %add3A_2213 = arith.addi %while3A_2209, %all_reduce_population_count3A : vector<16xi32>
      scf.yield %add3A_2213 : vector<16xi32>
    }
    %slice3A_1080 = vector.extract_strided_slice %while3A_1079 {offsets = [0], sizes = [1], strides = [1]} : vector<16xi32> to vector<1xi32>
    %squeeze3A_1081 = vector.extract %slice3A_1080[0] : i32 from vector<1xi32>
    %sub3A_1082 = arith.constant 32 : i32
    %sub3A_1083 = arith.subi %sub3A_1082, %squeeze3A_1081 : i32
    %eq3A_1084 = arith.constant 1 : i32
    %eq3A_1085 = arith.cmpi eq, %sub3A_1083, %eq3A_1084 : i32
    %convert_element_type3A_1086 = arith.extui %eq3A_1085 : i1 to i32
    %cond3A_1087 = arith.constant 0 : i32
    %cond3A_1088 = arith.constant 0 : i32
    %cond3A_1089 = arith.cmpi ne, %convert_element_type3A_1086, %cond3A_1088 : i32
    %cond3A_1090 = scf.if %cond3A_1089 -> (i32) {
      %broadcast_in_dim3A_2208 = arith.constant 2147483647 : i32
      %broadcast_in_dim3A_2209 = vector.broadcast %broadcast_in_dim3A_2208 : i32 to vector<16xi32>
      %while3A_2210 = arith.constant 0 : i32
      %while3A_2211 = arith.subi %select_n3A_1052, %while3A_2210 : i32
      %while3A_2212 = arith.addi %while3A_2210, %while3A_2211 : i32
      %while3A_2213 = arith.constant 1 : i32
      %while3A_2214 = arith.divsi %while3A_2211, %while3A_2213 : i32
      %while3A_2215 = arith.muli %while3A_2214, %while3A_2213 : i32
      %while3A_2216 = arith.addi %while3A_2210, %while3A_2215 : i32
      %while3A_2217 = arith.constant 1 : i32
      %while3A_2218 = scf.for %while3A_2233 = %while3A_2210 to %while3A_2216 step %while3A_2217 iter_args(%while3A_2234 = %broadcast_in_dim3A_2209) -> (vector<16xi32>)  : i32 {
        %mul3A_2235 = arith.constant 16 : i32
        %mul3A_2236 = arith.muli %while3A_2233, %mul3A_2235 : i32
        %get3A = arith.index_cast %mul3A_2236 : i32 to index
        %get3A_2237 = tpu.vector_load %arg6[%get3A] {strides = array<i32>} : memref<32784xi32, #tpu.memory_space<vmem>>, vector<16xi32>,
        %gather3A = tpu.vector_load_idx %arg5[%get3A_2237] : memref<32784xf32, #tpu.memory_space<vmem>>[vector<16xi32>], vector<16xf32>,
        %eq3A_2238 = arith.cmpf oeq, %gather3A, %broadcast_in_dim3A_1066 : vector<16xf32>
        %jit3A_2239 = arith.constant 2147483647 : i32
        %broadcast_in_dim3A_2240 = vector.broadcast %jit3A_2239 : i32 to vector<16xi32>
        %select_n3A_2241 = arith.select %eq3A_2238, %get3A_2237, %broadcast_in_dim3A_2240 : vector<16xi1>, vector<16xi32>
        %min3A_2242 = arith.minsi %while3A_2234, %select_n3A_2241 : vector<16xi32>
        scf.yield %min3A_2242 : vector<16xi32>
      }
      %while3A_2219 = arith.constant 1 : i32
      %while3A_2220 = scf.for %while3A_2233 = %while3A_2216 to %while3A_2212 step %while3A_2219 iter_args(%while3A_2234 = %while3A_2218) -> (vector<16xi32>)  : i32 {
        %mul3A_2235 = arith.constant 16 : i32
        %mul3A_2236 = arith.muli %while3A_2233, %mul3A_2235 : i32
        %get3A = arith.index_cast %mul3A_2236 : i32 to index
        %get3A_2237 = tpu.vector_load %arg6[%get3A] {strides = array<i32>} : memref<32784xi32, #tpu.memory_space<vmem>>, vector<16xi32>,
        %gather3A = tpu.vector_load_idx %arg5[%get3A_2237] : memref<32784xf32, #tpu.memory_space<vmem>>[vector<16xi32>], vector<16xf32>,
        %eq3A_2238 = arith.cmpf oeq, %gather3A, %broadcast_in_dim3A_1066 : vector<16xf32>
        %jit3A_2239 = arith.constant 2147483647 : i32
        %broadcast_in_dim3A_2240 = vector.broadcast %jit3A_2239 : i32 to vector<16xi32>
        %select_n3A_2241 = arith.select %eq3A_2238, %get3A_2237, %broadcast_in_dim3A_2240 : vector<16xi1>, vector<16xi32>
        %min3A_2242 = arith.minsi %while3A_2234, %select_n3A_2241 : vector<16xi32>
        scf.yield %min3A_2242 : vector<16xi32>
      }
      %neg3A_2221 = arith.constant 0 : i32
      %neg3A_2222 = vector.broadcast %neg3A_2221 : i32 to vector<16xi32>
      %neg3A_2223 = arith.subi %neg3A_2222, %while3A_2220 : vector<16xi32>
      %reduce_max3A = arith.constant true
      %reduce_max3A_2224 = vector.broadcast %reduce_max3A : i1 to vector<16xi1>
      %reduce_max3A_2225 = arith.constant -2147483648 : i32
      %reduce_max3A_2226 = vector.broadcast %reduce_max3A_2225 : i32 to vector<16xi32>
      %reduce_max3A_2227 = arith.xori %neg3A_2223, %reduce_max3A_2226 : vector<16xi32>
      %reduce_max3A_2228 = tpu.scan <max>, %reduce_max3A_2227 masked %reduce_max3A_2224 : vector<16xi32>, vector<16xi1> -> vector<16xi32>
      %reduce_max3A_2229 = arith.xori %reduce_max3A_2228, %reduce_max3A_2226 : vector<16xi32>
      %reduce_max3A_2230 = vector.extract %reduce_max3A_2229[15] : i32 from vector<16xi32>
      %neg3A_2231 = arith.constant 0 : i32
      %neg3A_2232 = arith.subi %neg3A_2231, %reduce_max3A_2230 : i32
      scf.yield %neg3A_2232 : i32
    } else {
      %scan3A_2208 = arith.constant 0 : i32
      %scan3A_2209 = arith.constant 0 : i32
      %scan3A_2210 = arith.constant 15 : i32
      %scan3A_2211 = arith.addi %scan3A_2209, %scan3A_2210 : i32
      %scan3A_2212 = arith.constant 1 : i32
      %scan3A_2213 = scf.for %scan3A_2215 = %scan3A_2209 to %scan3A_2211 step %scan3A_2212 iter_args(%scan3A_2216 = %scan3A_2208) -> (i32)  : i32 {
        %sub3A_2217 = arith.constant 14 : i32
        %sub3A_2218 = arith.subi %sub3A_2217, %scan3A_2215 : i32
        %shift_left3A = arith.constant 1 : i32
        %shift_left3A_2219 = arith.shli %shift_left3A, %sub3A_2218 : i32
        %or3A = arith.ori %scan3A_2216, %shift_left3A_2219 : i32
        %broadcast_in_dim3A_2220 = vector.broadcast %or3A : i32 to vector<16xi32>
        %broadcast_in_dim3A_2221 = arith.constant 0 : i32
        %broadcast_in_dim3A_2222 = vector.broadcast %broadcast_in_dim3A_2221 : i32 to vector<16xi32>
        %while3A_2223 = arith.constant 0 : i32
        %while3A_2224 = arith.subi %select_n3A_1052, %while3A_2223 : i32
        %while3A_2225 = arith.addi %while3A_2223, %while3A_2224 : i32
        %while3A_2226 = arith.constant 1 : i32
        %while3A_2227 = arith.divsi %while3A_2224, %while3A_2226 : i32
        %while3A_2228 = arith.muli %while3A_2227, %while3A_2226 : i32
        %while3A_2229 = arith.addi %while3A_2223, %while3A_2228 : i32
        %while3A_2230 = arith.constant 1 : i32
        %while3A_2231 = scf.for %while3A_2237 = %while3A_2223 to %while3A_2229 step %while3A_2230 iter_args(%while3A_2238 = %broadcast_in_dim3A_2222) -> (vector<16xi32>)  : i32 {
          %mul3A_2239 = arith.constant 16 : i32
          %mul3A_2240 = arith.muli %while3A_2237, %mul3A_2239 : i32
          %get3A = arith.index_cast %mul3A_2240 : i32 to index
          %get3A_2241 = tpu.vector_load %arg6[%get3A] {strides = array<i32>} : memref<32784xi32, #tpu.memory_space<vmem>>, vector<16xi32>,
          %gather3A = tpu.vector_load_idx %arg5[%get3A_2241] : memref<32784xf32, #tpu.memory_space<vmem>>[vector<16xi32>], vector<16xf32>,
          %eq3A_2242 = arith.cmpf oeq, %gather3A, %broadcast_in_dim3A_1066 : vector<16xf32>
          %lt3A_2243 = arith.cmpi slt, %get3A_2241, %broadcast_in_dim3A_2220 : vector<16xi32>
          %and3A_2244 = arith.andi %eq3A_2242, %lt3A_2243 : vector<16xi1>
          %all_reduce_population_count3A = tpu.all_reduce %and3A_2244 {dim = 0 : i64, kind = #tpu.reduction_kind<sum>} : vector<16xi1> -> vector<16xi32>
          %add3A_2245 = arith.addi %while3A_2238, %all_reduce_population_count3A : vector<16xi32>
          scf.yield %add3A_2245 : vector<16xi32>
        }
        %while3A_2232 = arith.constant 1 : i32
        %while3A_2233 = scf.for %while3A_2237 = %while3A_2229 to %while3A_2225 step %while3A_2232 iter_args(%while3A_2238 = %while3A_2231) -> (vector<16xi32>)  : i32 {
          %mul3A_2239 = arith.constant 16 : i32
          %mul3A_2240 = arith.muli %while3A_2237, %mul3A_2239 : i32
          %get3A = arith.index_cast %mul3A_2240 : i32 to index
          %get3A_2241 = tpu.vector_load %arg6[%get3A] {strides = array<i32>} : memref<32784xi32, #tpu.memory_space<vmem>>, vector<16xi32>,
          %gather3A = tpu.vector_load_idx %arg5[%get3A_2241] : memref<32784xf32, #tpu.memory_space<vmem>>[vector<16xi32>], vector<16xf32>,
          %eq3A_2242 = arith.cmpf oeq, %gather3A, %broadcast_in_dim3A_1066 : vector<16xf32>
          %lt3A_2243 = arith.cmpi slt, %get3A_2241, %broadcast_in_dim3A_2220 : vector<16xi32>
          %and3A_2244 = arith.andi %eq3A_2242, %lt3A_2243 : vector<16xi1>
          %all_reduce_population_count3A = tpu.all_reduce %and3A_2244 {dim = 0 : i64, kind = #tpu.reduction_kind<sum>} : vector<16xi1> -> vector<16xi32>
          %add3A_2245 = arith.addi %while3A_2238, %all_reduce_population_count3A : vector<16xi32>
          scf.yield %add3A_2245 : vector<16xi32>
        }
        %slice3A_2234 = vector.extract_strided_slice %while3A_2233 {offsets = [0], sizes = [1], strides = [1]} : vector<16xi32> to vector<1xi32>
        %squeeze3A_2235 = vector.extract %slice3A_2234[0] : i32 from vector<1xi32>
        %lt3A = arith.cmpi slt, %squeeze3A_2235, %sub3A_1083 : i32
        %select_n3A_2236 = arith.select %lt3A, %or3A, %scan3A_2216 : i32
        scf.yield %select_n3A_2236 : i32
      }
      %scan3A_2214 = arith.constant 15 : i32
      scf.yield %scan3A_2213 : i32
    }
    %bitcast_convert_type3A_1091 = arith.bitcast %squeeze3A_1065 : f32 to i32
    %eq3A_1092 = arith.constant 2 : i32
    %eq3A_1093 = vector.broadcast %eq3A_1092 : i32 to vector<16xi32>
    %eq3A_1094 = arith.cmpi eq, %iota3A, %eq3A_1093 : vector<16xi32>
    %broadcast_in_dim3A_1095 = vector.broadcast %bitcast_convert_type3A_1091 : i32 to vector<16xi32>
    %select_n3A_1096 = arith.select %eq3A_1094, %broadcast_in_dim3A_1095, %select_n3A_548 : vector<16xi1>, vector<16xi32>
    %eq3A_1097 = arith.constant 3 : i32
    %eq3A_1098 = vector.broadcast %eq3A_1097 : i32 to vector<16xi32>
    %eq3A_1099 = arith.cmpi eq, %iota3A, %eq3A_1098 : vector<16xi32>
    %broadcast_in_dim3A_1100 = vector.broadcast %cond3A_1090 : i32 to vector<16xi32>
    %select_n3A_1101 = arith.select %eq3A_1099, %broadcast_in_dim3A_1100, %select_n3A_1096 : vector<16xi1>, vector<16xi32>
    %dma_wait3A_1102 = arith.constant 0 : i32
    %dma_wait3A_1103 = tpu.memref_slice %arg4[%dma_wait3A_1102] : memref<32784xf32, #tpu.memory_space<vmem>> -> memref<32768xf32, #tpu.memory_space<vmem>>
    %dma_wait3A_1104 = arith.constant 0 : i32
    %dma_wait3A_1105 = tpu.memref_slice %arg2[%add3A_562, %dma_wait3A_1104] : memref<128x32768xf32, #tpu.memory_space<hbm>> -> memref<1x32768xf32, #tpu.memory_space<hbm>>
    %dma_wait3A_1106 = tpu.memref_squeeze %dma_wait3A_1105 : memref<1x32768xf32, #tpu.memory_space<hbm>> -> memref<32768xf32, #tpu.memory_space<hbm>>
    %dma_wait3A_1107 = arith.constant 0 : i32
    %dma_wait3A_1108 = tpu.memref_slice %arg4[%dma_wait3A_1107] : memref<32784xf32, #tpu.memory_space<vmem>> -> memref<32768xf32, #tpu.memory_space<vmem>>
    %dma_wait3A_1109 = arith.constant 0 : i32
    %dma_wait3A_1110 = tpu.memref_slice %arg2[%add3A_562, %dma_wait3A_1109] : memref<128x32768xf32, #tpu.memory_space<hbm>> -> memref<1x32768xf32, #tpu.memory_space<hbm>>
    %dma_wait3A_1111 = tpu.memref_squeeze %dma_wait3A_1110 : memref<1x32768xf32, #tpu.memory_space<hbm>> -> memref<32768xf32, #tpu.memory_space<hbm>>
    tpu.wait_dma2 semaphore(%arg9 : memref<!tpu.dma_semaphore, #tpu.memory_space<semaphore_mem>>) src(%dma_wait3A_1111 : memref<32768xf32, #tpu.memory_space<hbm>>) dst(%dma_wait3A_1108 : memref<32768xf32, #tpu.memory_space<vmem>>)
    %add3A_1112 = arith.constant 2 : i32
    %add3A_1113 = arith.addi %mul3A_2, %add3A_1112 : i32
    %add3A_1114 = arith.constant 1 : i32
    %add3A_1115 = arith.addi %add3A_1113, %add3A_1114 : i32
    %dma_start3A_1116 = arith.constant 0 : i32
    %dma_start3A_1117 = tpu.memref_slice %arg5[%dma_start3A_1116] : memref<32784xf32, #tpu.memory_space<vmem>> -> memref<32768xf32, #tpu.memory_space<vmem>>
    %dma_start3A_1118 = arith.constant 0 : i32
    %dma_start3A_1119 = tpu.memref_slice %arg2[%add3A_1115, %dma_start3A_1118] : memref<128x32768xf32, #tpu.memory_space<hbm>> -> memref<1x32768xf32, #tpu.memory_space<hbm>>
    %dma_start3A_1120 = tpu.memref_squeeze %dma_start3A_1119 : memref<1x32768xf32, #tpu.memory_space<hbm>> -> memref<32768xf32, #tpu.memory_space<hbm>>
    %dma_start3A_1121 = arith.constant 0 : i32
    %dma_start3A_1122 = tpu.memref_slice %arg5[%dma_start3A_1121] : memref<32784xf32, #tpu.memory_space<vmem>> -> memref<32768xf32, #tpu.memory_space<vmem>>
    %dma_start3A_1123 = arith.constant 0 : i32
    %dma_start3A_1124 = tpu.memref_slice %arg2[%add3A_1115, %dma_start3A_1123] : memref<128x32768xf32, #tpu.memory_space<hbm>> -> memref<1x32768xf32, #tpu.memory_space<hbm>>
    %dma_start3A_1125 = tpu.memref_squeeze %dma_start3A_1124 : memref<1x32768xf32, #tpu.memory_space<hbm>> -> memref<32768xf32, #tpu.memory_space<hbm>>
    tpu.enqueue_dma source(%dma_start3A_1125 : memref<32768xf32, #tpu.memory_space<hbm>>) target(%dma_start3A_1122 : memref<32768xf32, #tpu.memory_space<vmem>>) target_semaphore(%arg10 : memref<!tpu.dma_semaphore, #tpu.memory_space<semaphore_mem>>)
    %scan3A_1126 = arith.constant 0 : i32
    %scan3A_1127 = arith.constant 256 : i32
    %scan3A_1128 = arith.addi %scan3A_1126, %scan3A_1127 : i32
    %scan3A_1129 = arith.constant 1 : i32
    %scan3A_1130:8 = scf.for %scan3A_2208 = %scan3A_1126 to %scan3A_1128 step %scan3A_1129 iter_args(%scan3A_2209 = %broadcast_in_dim3A_3, %scan3A_2210 = %broadcast_in_dim3A_3, %scan3A_2211 = %broadcast_in_dim3A_3, %scan3A_2212 = %broadcast_in_dim3A_3, %scan3A_2213 = %broadcast_in_dim3A_3, %scan3A_2214 = %broadcast_in_dim3A_3, %scan3A_2215 = %broadcast_in_dim3A_3, %scan3A_2216 = %broadcast_in_dim3A_3) -> (vector<16xf32>, vector<16xf32>, vector<16xf32>, vector<16xf32>, vector<16xf32>, vector<16xf32>, vector<16xf32>, vector<16xf32>)  : i32 {
      %mul3A_2217 = arith.constant 128 : i32
      %mul3A_2218 = arith.muli %scan3A_2208, %mul3A_2217 : i32
      %add3A_2219 = arith.constant 0 : i32
      %add3A_2220 = arith.addi %mul3A_2218, %add3A_2219 : i32
      %get3A = arith.index_cast %add3A_2220 : i32 to index
      %get3A_2221 = tpu.vector_load %arg4[%get3A] {strides = array<i32>} : memref<32784xf32, #tpu.memory_space<vmem>>, vector<16xf32>,
      %mul3A_2222 = arith.constant 128 : i32
      %mul3A_2223 = arith.muli %scan3A_2208, %mul3A_2222 : i32
      %add3A_2224 = arith.constant 16 : i32
      %add3A_2225 = arith.addi %mul3A_2223, %add3A_2224 : i32
      %get3A_2226 = arith.index_cast %add3A_2225 : i32 to index
      %get3A_2227 = tpu.vector_load %arg4[%get3A_2226] {strides = array<i32>} : memref<32784xf32, #tpu.memory_space<vmem>>, vector<16xf32>,
      %mul3A_2228 = arith.constant 128 : i32
      %mul3A_2229 = arith.muli %scan3A_2208, %mul3A_2228 : i32
      %add3A_2230 = arith.constant 32 : i32
      %add3A_2231 = arith.addi %mul3A_2229, %add3A_2230 : i32
      %get3A_2232 = arith.index_cast %add3A_2231 : i32 to index
      %get3A_2233 = tpu.vector_load %arg4[%get3A_2232] {strides = array<i32>} : memref<32784xf32, #tpu.memory_space<vmem>>, vector<16xf32>,
      %mul3A_2234 = arith.constant 128 : i32
      %mul3A_2235 = arith.muli %scan3A_2208, %mul3A_2234 : i32
      %add3A_2236 = arith.constant 48 : i32
      %add3A_2237 = arith.addi %mul3A_2235, %add3A_2236 : i32
      %get3A_2238 = arith.index_cast %add3A_2237 : i32 to index
      %get3A_2239 = tpu.vector_load %arg4[%get3A_2238] {strides = array<i32>} : memref<32784xf32, #tpu.memory_space<vmem>>, vector<16xf32>,
      %mul3A_2240 = arith.constant 128 : i32
      %mul3A_2241 = arith.muli %scan3A_2208, %mul3A_2240 : i32
      %add3A_2242 = arith.constant 64 : i32
      %add3A_2243 = arith.addi %mul3A_2241, %add3A_2242 : i32
      %get3A_2244 = arith.index_cast %add3A_2243 : i32 to index
      %get3A_2245 = tpu.vector_load %arg4[%get3A_2244] {strides = array<i32>} : memref<32784xf32, #tpu.memory_space<vmem>>, vector<16xf32>,
      %mul3A_2246 = arith.constant 128 : i32
      %mul3A_2247 = arith.muli %scan3A_2208, %mul3A_2246 : i32
      %add3A_2248 = arith.constant 80 : i32
      %add3A_2249 = arith.addi %mul3A_2247, %add3A_2248 : i32
      %get3A_2250 = arith.index_cast %add3A_2249 : i32 to index
      %get3A_2251 = tpu.vector_load %arg4[%get3A_2250] {strides = array<i32>} : memref<32784xf32, #tpu.memory_space<vmem>>, vector<16xf32>,
      %mul3A_2252 = arith.constant 128 : i32
      %mul3A_2253 = arith.muli %scan3A_2208, %mul3A_2252 : i32
      %add3A_2254 = arith.constant 96 : i32
      %add3A_2255 = arith.addi %mul3A_2253, %add3A_2254 : i32
      %get3A_2256 = arith.index_cast %add3A_2255 : i32 to index
      %get3A_2257 = tpu.vector_load %arg4[%get3A_2256] {strides = array<i32>} : memref<32784xf32, #tpu.memory_space<vmem>>, vector<16xf32>,
      %mul3A_2258 = arith.constant 128 : i32
      %mul3A_2259 = arith.muli %scan3A_2208, %mul3A_2258 : i32
      %add3A_2260 = arith.constant 112 : i32
      %add3A_2261 = arith.addi %mul3A_2259, %add3A_2260 : i32
      %get3A_2262 = arith.index_cast %add3A_2261 : i32 to index
      %get3A_2263 = tpu.vector_load %arg4[%get3A_2262] {strides = array<i32>} : memref<32784xf32, #tpu.memory_space<vmem>>, vector<16xf32>,
      %max3A_2264 = arith.maximumf %get3A_2221, %get3A_2227 : vector<16xf32>
      %max3A_2265 = arith.maximumf %get3A_2233, %get3A_2239 : vector<16xf32>
      %max3A_2266 = arith.maximumf %get3A_2245, %get3A_2251 : vector<16xf32>
      %max3A_2267 = arith.maximumf %get3A_2257, %get3A_2263 : vector<16xf32>
      %max3A_2268 = arith.maximumf %max3A_2264, %max3A_2265 : vector<16xf32>
      %max3A_2269 = arith.maximumf %max3A_2266, %max3A_2267 : vector<16xf32>
      %max3A_2270 = arith.maximumf %max3A_2268, %max3A_2269 : vector<16xf32>
      %reduce_max3A = arith.constant true
      %reduce_max3A_2271 = vector.broadcast %reduce_max3A : i1 to vector<16xi1>
      %reduce_max3A_2272 = tpu.scan <max>, %max3A_2270 masked %reduce_max3A_2271 : vector<16xf32>, vector<16xi1> -> vector<16xf32>
      %reduce_max3A_2273 = vector.extract %reduce_max3A_2272[15] : f32 from vector<16xf32>
      %swap3A_2274 = arith.index_cast %scan3A_2208 : i32 to index
      %swap3A_2275 = memref.load %arg7[%swap3A_2274] : memref<256xf32, #tpu.memory_space<smem>>
      memref.store %reduce_max3A_2273, %arg7[%swap3A_2274] : memref<256xf32, #tpu.memory_space<smem>>
      %max3A_2276 = arith.maximumf %scan3A_2209, %get3A_2221 : vector<16xf32>
      %max3A_2277 = arith.maximumf %scan3A_2210, %get3A_2227 : vector<16xf32>
      %max3A_2278 = arith.maximumf %scan3A_2211, %get3A_2233 : vector<16xf32>
      %max3A_2279 = arith.maximumf %scan3A_2212, %get3A_2239 : vector<16xf32>
      %max3A_2280 = arith.maximumf %scan3A_2213, %get3A_2245 : vector<16xf32>
      %max3A_2281 = arith.maximumf %scan3A_2214, %get3A_2251 : vector<16xf32>
      %max3A_2282 = arith.maximumf %scan3A_2215, %get3A_2257 : vector<16xf32>
      %max3A_2283 = arith.maximumf %scan3A_2216, %get3A_2263 : vector<16xf32>
      scf.yield %max3A_2276, %max3A_2277, %max3A_2278, %max3A_2279, %max3A_2280, %max3A_2281, %max3A_2282, %max3A_2283 : vector<16xf32>, vector<16xf32>, vector<16xf32>, vector<16xf32>, vector<16xf32>, vector<16xf32>, vector<16xf32>, vector<16xf32>
    }
    %scan3A_1131 = arith.constant 256 : i32
    %neg3A_1132 = arith.constant 0.000000e+00 : f32
    %neg3A_1133 = vector.broadcast %neg3A_1132 : f32 to vector<16xf32>
    %neg3A_1134 = arith.subf %neg3A_1133, %scan3A_1130#0 : vector<16xf32>
    %sort3A_1135 = arith.constant dense<true> : vector<16xi1>
    %sort3A_1136, %sort3A_1137, %sort3A_1138 = tpu.sort %neg3A_1134, %neg3A_1134 masked %sort3A_1135 : (vector<16xf32>, vector<16xf32>, vector<16xi1>) -> (vector<16xi1>, vector<16xf32>, vector<16xf32>)
    %neg3A_1139 = arith.constant 0.000000e+00 : f32
    %neg3A_1140 = vector.broadcast %neg3A_1139 : f32 to vector<16xf32>
    %neg3A_1141 = arith.subf %neg3A_1140, %sort3A_1137 : vector<16xf32>
    %neg3A_1142 = arith.constant 0.000000e+00 : f32
    %neg3A_1143 = vector.broadcast %neg3A_1142 : f32 to vector<16xf32>
    %neg3A_1144 = arith.subf %neg3A_1143, %scan3A_1130#1 : vector<16xf32>
    %sort3A_1145 = arith.constant dense<true> : vector<16xi1>
    %sort3A_1146, %sort3A_1147, %sort3A_1148 = tpu.sort %neg3A_1144, %neg3A_1144 masked %sort3A_1145 : (vector<16xf32>, vector<16xf32>, vector<16xi1>) -> (vector<16xi1>, vector<16xf32>, vector<16xf32>)
    %neg3A_1149 = arith.constant 0.000000e+00 : f32
    %neg3A_1150 = vector.broadcast %neg3A_1149 : f32 to vector<16xf32>
    %neg3A_1151 = arith.subf %neg3A_1150, %sort3A_1147 : vector<16xf32>
    %rev3A_1152 = arith.constant 15 : i32
    %rev3A_1153 = vector.broadcast %rev3A_1152 : i32 to vector<16xi32>
    %rev3A_1154 = tpu.iota {dimensions = array<i32: 0>} : vector<16xi32>
    %rev3A_1155 = arith.subi %rev3A_1153, %rev3A_1154 : vector<16xi32>
    %rev3A_1156 = tpu.dynamic_gather %neg3A_1151[%rev3A_1155] in [0] : vector<16xf32>, vector<16xi32> -> vector<16xf32>
    %max3A_1157 = arith.maximumf %neg3A_1141, %rev3A_1156 : vector<16xf32>
    %min3A_1158 = arith.minimumf %neg3A_1141, %rev3A_1156 : vector<16xf32>
    %neg3A_1159 = arith.constant 0.000000e+00 : f32
    %neg3A_1160 = vector.broadcast %neg3A_1159 : f32 to vector<16xf32>
    %neg3A_1161 = arith.subf %neg3A_1160, %max3A_1157 : vector<16xf32>
    %sort3A_1162 = arith.constant dense<true> : vector<16xi1>
    %sort3A_1163, %sort3A_1164, %sort3A_1165 = tpu.sort %neg3A_1161, %neg3A_1161 masked %sort3A_1162 : (vector<16xf32>, vector<16xf32>, vector<16xi1>) -> (vector<16xi1>, vector<16xf32>, vector<16xf32>)
    %neg3A_1166 = arith.constant 0.000000e+00 : f32
    %neg3A_1167 = vector.broadcast %neg3A_1166 : f32 to vector<16xf32>
    %neg3A_1168 = arith.subf %neg3A_1167, %sort3A_1164 : vector<16xf32>
    %neg3A_1169 = arith.constant 0.000000e+00 : f32
    %neg3A_1170 = vector.broadcast %neg3A_1169 : f32 to vector<16xf32>
    %neg3A_1171 = arith.subf %neg3A_1170, %min3A_1158 : vector<16xf32>
    %sort3A_1172 = arith.constant dense<true> : vector<16xi1>
    %sort3A_1173, %sort3A_1174, %sort3A_1175 = tpu.sort %neg3A_1171, %neg3A_1171 masked %sort3A_1172 : (vector<16xf32>, vector<16xf32>, vector<16xi1>) -> (vector<16xi1>, vector<16xf32>, vector<16xf32>)
    %neg3A_1176 = arith.constant 0.000000e+00 : f32
    %neg3A_1177 = vector.broadcast %neg3A_1176 : f32 to vector<16xf32>
    %neg3A_1178 = arith.subf %neg3A_1177, %sort3A_1174 : vector<16xf32>
    %neg3A_1179 = arith.constant 0.000000e+00 : f32
    %neg3A_1180 = vector.broadcast %neg3A_1179 : f32 to vector<16xf32>
    %neg3A_1181 = arith.subf %neg3A_1180, %scan3A_1130#2 : vector<16xf32>
    %sort3A_1182 = arith.constant dense<true> : vector<16xi1>
    %sort3A_1183, %sort3A_1184, %sort3A_1185 = tpu.sort %neg3A_1181, %neg3A_1181 masked %sort3A_1182 : (vector<16xf32>, vector<16xf32>, vector<16xi1>) -> (vector<16xi1>, vector<16xf32>, vector<16xf32>)
    %neg3A_1186 = arith.constant 0.000000e+00 : f32
    %neg3A_1187 = vector.broadcast %neg3A_1186 : f32 to vector<16xf32>
    %neg3A_1188 = arith.subf %neg3A_1187, %sort3A_1184 : vector<16xf32>
    %rev3A_1189 = arith.constant 15 : i32
    %rev3A_1190 = vector.broadcast %rev3A_1189 : i32 to vector<16xi32>
    %rev3A_1191 = tpu.iota {dimensions = array<i32: 0>} : vector<16xi32>
    %rev3A_1192 = arith.subi %rev3A_1190, %rev3A_1191 : vector<16xi32>
    %rev3A_1193 = tpu.dynamic_gather %neg3A_1188[%rev3A_1192] in [0] : vector<16xf32>, vector<16xi32> -> vector<16xf32>
    %max3A_1194 = arith.maximumf %neg3A_1178, %rev3A_1193 : vector<16xf32>
    %min3A_1195 = arith.minimumf %neg3A_1178, %rev3A_1193 : vector<16xf32>
    %neg3A_1196 = arith.constant 0.000000e+00 : f32
    %neg3A_1197 = vector.broadcast %neg3A_1196 : f32 to vector<16xf32>
    %neg3A_1198 = arith.subf %neg3A_1197, %max3A_1194 : vector<16xf32>
    %sort3A_1199 = arith.constant dense<true> : vector<16xi1>
    %sort3A_1200, %sort3A_1201, %sort3A_1202 = tpu.sort %neg3A_1198, %neg3A_1198 masked %sort3A_1199 : (vector<16xf32>, vector<16xf32>, vector<16xi1>) -> (vector<16xi1>, vector<16xf32>, vector<16xf32>)
    %neg3A_1203 = arith.constant 0.000000e+00 : f32
    %neg3A_1204 = vector.broadcast %neg3A_1203 : f32 to vector<16xf32>
    %neg3A_1205 = arith.subf %neg3A_1204, %sort3A_1201 : vector<16xf32>
    %neg3A_1206 = arith.constant 0.000000e+00 : f32
    %neg3A_1207 = vector.broadcast %neg3A_1206 : f32 to vector<16xf32>
    %neg3A_1208 = arith.subf %neg3A_1207, %min3A_1195 : vector<16xf32>
    %sort3A_1209 = arith.constant dense<true> : vector<16xi1>
    %sort3A_1210, %sort3A_1211, %sort3A_1212 = tpu.sort %neg3A_1208, %neg3A_1208 masked %sort3A_1209 : (vector<16xf32>, vector<16xf32>, vector<16xi1>) -> (vector<16xi1>, vector<16xf32>, vector<16xf32>)
    %neg3A_1213 = arith.constant 0.000000e+00 : f32
    %neg3A_1214 = vector.broadcast %neg3A_1213 : f32 to vector<16xf32>
    %neg3A_1215 = arith.subf %neg3A_1214, %sort3A_1211 : vector<16xf32>
    %rev3A_1216 = arith.constant 15 : i32
    %rev3A_1217 = vector.broadcast %rev3A_1216 : i32 to vector<16xi32>
    %rev3A_1218 = tpu.iota {dimensions = array<i32: 0>} : vector<16xi32>
    %rev3A_1219 = arith.subi %rev3A_1217, %rev3A_1218 : vector<16xi32>
    %rev3A_1220 = tpu.dynamic_gather %neg3A_1205[%rev3A_1219] in [0] : vector<16xf32>, vector<16xi32> -> vector<16xf32>
    %max3A_1221 = arith.maximumf %neg3A_1168, %rev3A_1220 : vector<16xf32>
    %min3A_1222 = arith.minimumf %neg3A_1168, %rev3A_1220 : vector<16xf32>
    %neg3A_1223 = arith.constant 0.000000e+00 : f32
    %neg3A_1224 = vector.broadcast %neg3A_1223 : f32 to vector<16xf32>
    %neg3A_1225 = arith.subf %neg3A_1224, %max3A_1221 : vector<16xf32>
    %sort3A_1226 = arith.constant dense<true> : vector<16xi1>
    %sort3A_1227, %sort3A_1228, %sort3A_1229 = tpu.sort %neg3A_1225, %neg3A_1225 masked %sort3A_1226 : (vector<16xf32>, vector<16xf32>, vector<16xi1>) -> (vector<16xi1>, vector<16xf32>, vector<16xf32>)
    %neg3A_1230 = arith.constant 0.000000e+00 : f32
    %neg3A_1231 = vector.broadcast %neg3A_1230 : f32 to vector<16xf32>
    %neg3A_1232 = arith.subf %neg3A_1231, %sort3A_1228 : vector<16xf32>
    %neg3A_1233 = arith.constant 0.000000e+00 : f32
    %neg3A_1234 = vector.broadcast %neg3A_1233 : f32 to vector<16xf32>
    %neg3A_1235 = arith.subf %neg3A_1234, %min3A_1222 : vector<16xf32>
    %sort3A_1236 = arith.constant dense<true> : vector<16xi1>
    %sort3A_1237, %sort3A_1238, %sort3A_1239 = tpu.sort %neg3A_1235, %neg3A_1235 masked %sort3A_1236 : (vector<16xf32>, vector<16xf32>, vector<16xi1>) -> (vector<16xi1>, vector<16xf32>, vector<16xf32>)
    %neg3A_1240 = arith.constant 0.000000e+00 : f32
    %neg3A_1241 = vector.broadcast %neg3A_1240 : f32 to vector<16xf32>
    %neg3A_1242 = arith.subf %neg3A_1241, %sort3A_1238 : vector<16xf32>
    %neg3A_1243 = arith.constant 0.000000e+00 : f32
    %neg3A_1244 = vector.broadcast %neg3A_1243 : f32 to vector<16xf32>
    %neg3A_1245 = arith.subf %neg3A_1244, %scan3A_1130#3 : vector<16xf32>
    %sort3A_1246 = arith.constant dense<true> : vector<16xi1>
    %sort3A_1247, %sort3A_1248, %sort3A_1249 = tpu.sort %neg3A_1245, %neg3A_1245 masked %sort3A_1246 : (vector<16xf32>, vector<16xf32>, vector<16xi1>) -> (vector<16xi1>, vector<16xf32>, vector<16xf32>)
    %neg3A_1250 = arith.constant 0.000000e+00 : f32
    %neg3A_1251 = vector.broadcast %neg3A_1250 : f32 to vector<16xf32>
    %neg3A_1252 = arith.subf %neg3A_1251, %sort3A_1248 : vector<16xf32>
    %rev3A_1253 = arith.constant 15 : i32
    %rev3A_1254 = vector.broadcast %rev3A_1253 : i32 to vector<16xi32>
    %rev3A_1255 = tpu.iota {dimensions = array<i32: 0>} : vector<16xi32>
    %rev3A_1256 = arith.subi %rev3A_1254, %rev3A_1255 : vector<16xi32>
    %rev3A_1257 = tpu.dynamic_gather %neg3A_1252[%rev3A_1256] in [0] : vector<16xf32>, vector<16xi32> -> vector<16xf32>
    %max3A_1258 = arith.maximumf %neg3A_1242, %rev3A_1257 : vector<16xf32>
    %min3A_1259 = arith.minimumf %neg3A_1242, %rev3A_1257 : vector<16xf32>
    %neg3A_1260 = arith.constant 0.000000e+00 : f32
    %neg3A_1261 = vector.broadcast %neg3A_1260 : f32 to vector<16xf32>
    %neg3A_1262 = arith.subf %neg3A_1261, %max3A_1258 : vector<16xf32>
    %sort3A_1263 = arith.constant dense<true> : vector<16xi1>
    %sort3A_1264, %sort3A_1265, %sort3A_1266 = tpu.sort %neg3A_1262, %neg3A_1262 masked %sort3A_1263 : (vector<16xf32>, vector<16xf32>, vector<16xi1>) -> (vector<16xi1>, vector<16xf32>, vector<16xf32>)
    %neg3A_1267 = arith.constant 0.000000e+00 : f32
    %neg3A_1268 = vector.broadcast %neg3A_1267 : f32 to vector<16xf32>
    %neg3A_1269 = arith.subf %neg3A_1268, %sort3A_1265 : vector<16xf32>
    %neg3A_1270 = arith.constant 0.000000e+00 : f32
    %neg3A_1271 = vector.broadcast %neg3A_1270 : f32 to vector<16xf32>
    %neg3A_1272 = arith.subf %neg3A_1271, %min3A_1259 : vector<16xf32>
    %sort3A_1273 = arith.constant dense<true> : vector<16xi1>
    %sort3A_1274, %sort3A_1275, %sort3A_1276 = tpu.sort %neg3A_1272, %neg3A_1272 masked %sort3A_1273 : (vector<16xf32>, vector<16xf32>, vector<16xi1>) -> (vector<16xi1>, vector<16xf32>, vector<16xf32>)
    %neg3A_1277 = arith.constant 0.000000e+00 : f32
    %neg3A_1278 = vector.broadcast %neg3A_1277 : f32 to vector<16xf32>
    %neg3A_1279 = arith.subf %neg3A_1278, %sort3A_1275 : vector<16xf32>
    %rev3A_1280 = arith.constant 15 : i32
    %rev3A_1281 = vector.broadcast %rev3A_1280 : i32 to vector<16xi32>
    %rev3A_1282 = tpu.iota {dimensions = array<i32: 0>} : vector<16xi32>
    %rev3A_1283 = arith.subi %rev3A_1281, %rev3A_1282 : vector<16xi32>
    %rev3A_1284 = tpu.dynamic_gather %neg3A_1269[%rev3A_1283] in [0] : vector<16xf32>, vector<16xi32> -> vector<16xf32>
    %max3A_1285 = arith.maximumf %neg3A_1232, %rev3A_1284 : vector<16xf32>
    %min3A_1286 = arith.minimumf %neg3A_1232, %rev3A_1284 : vector<16xf32>
    %neg3A_1287 = arith.constant 0.000000e+00 : f32
    %neg3A_1288 = vector.broadcast %neg3A_1287 : f32 to vector<16xf32>
    %neg3A_1289 = arith.subf %neg3A_1288, %max3A_1285 : vector<16xf32>
    %sort3A_1290 = arith.constant dense<true> : vector<16xi1>
    %sort3A_1291, %sort3A_1292, %sort3A_1293 = tpu.sort %neg3A_1289, %neg3A_1289 masked %sort3A_1290 : (vector<16xf32>, vector<16xf32>, vector<16xi1>) -> (vector<16xi1>, vector<16xf32>, vector<16xf32>)
    %neg3A_1294 = arith.constant 0.000000e+00 : f32
    %neg3A_1295 = vector.broadcast %neg3A_1294 : f32 to vector<16xf32>
    %neg3A_1296 = arith.subf %neg3A_1295, %sort3A_1292 : vector<16xf32>
    %neg3A_1297 = arith.constant 0.000000e+00 : f32
    %neg3A_1298 = vector.broadcast %neg3A_1297 : f32 to vector<16xf32>
    %neg3A_1299 = arith.subf %neg3A_1298, %min3A_1286 : vector<16xf32>
    %sort3A_1300 = arith.constant dense<true> : vector<16xi1>
    %sort3A_1301, %sort3A_1302, %sort3A_1303 = tpu.sort %neg3A_1299, %neg3A_1299 masked %sort3A_1300 : (vector<16xf32>, vector<16xf32>, vector<16xi1>) -> (vector<16xi1>, vector<16xf32>, vector<16xf32>)
    %neg3A_1304 = arith.constant 0.000000e+00 : f32
    %neg3A_1305 = vector.broadcast %neg3A_1304 : f32 to vector<16xf32>
    %neg3A_1306 = arith.subf %neg3A_1305, %sort3A_1302 : vector<16xf32>
    %neg3A_1307 = arith.constant 0.000000e+00 : f32
    %neg3A_1308 = vector.broadcast %neg3A_1307 : f32 to vector<16xf32>
    %neg3A_1309 = arith.subf %neg3A_1308, %scan3A_1130#4 : vector<16xf32>
    %sort3A_1310 = arith.constant dense<true> : vector<16xi1>
    %sort3A_1311, %sort3A_1312, %sort3A_1313 = tpu.sort %neg3A_1309, %neg3A_1309 masked %sort3A_1310 : (vector<16xf32>, vector<16xf32>, vector<16xi1>) -> (vector<16xi1>, vector<16xf32>, vector<16xf32>)
    %neg3A_1314 = arith.constant 0.000000e+00 : f32
    %neg3A_1315 = vector.broadcast %neg3A_1314 : f32 to vector<16xf32>
    %neg3A_1316 = arith.subf %neg3A_1315, %sort3A_1312 : vector<16xf32>
    %rev3A_1317 = arith.constant 15 : i32
    %rev3A_1318 = vector.broadcast %rev3A_1317 : i32 to vector<16xi32>
    %rev3A_1319 = tpu.iota {dimensions = array<i32: 0>} : vector<16xi32>
    %rev3A_1320 = arith.subi %rev3A_1318, %rev3A_1319 : vector<16xi32>
    %rev3A_1321 = tpu.dynamic_gather %neg3A_1316[%rev3A_1320] in [0] : vector<16xf32>, vector<16xi32> -> vector<16xf32>
    %max3A_1322 = arith.maximumf %neg3A_1306, %rev3A_1321 : vector<16xf32>
    %min3A_1323 = arith.minimumf %neg3A_1306, %rev3A_1321 : vector<16xf32>
    %neg3A_1324 = arith.constant 0.000000e+00 : f32
    %neg3A_1325 = vector.broadcast %neg3A_1324 : f32 to vector<16xf32>
    %neg3A_1326 = arith.subf %neg3A_1325, %max3A_1322 : vector<16xf32>
    %sort3A_1327 = arith.constant dense<true> : vector<16xi1>
    %sort3A_1328, %sort3A_1329, %sort3A_1330 = tpu.sort %neg3A_1326, %neg3A_1326 masked %sort3A_1327 : (vector<16xf32>, vector<16xf32>, vector<16xi1>) -> (vector<16xi1>, vector<16xf32>, vector<16xf32>)
    %neg3A_1331 = arith.constant 0.000000e+00 : f32
    %neg3A_1332 = vector.broadcast %neg3A_1331 : f32 to vector<16xf32>
    %neg3A_1333 = arith.subf %neg3A_1332, %sort3A_1329 : vector<16xf32>
    %neg3A_1334 = arith.constant 0.000000e+00 : f32
    %neg3A_1335 = vector.broadcast %neg3A_1334 : f32 to vector<16xf32>
    %neg3A_1336 = arith.subf %neg3A_1335, %min3A_1323 : vector<16xf32>
    %sort3A_1337 = arith.constant dense<true> : vector<16xi1>
    %sort3A_1338, %sort3A_1339, %sort3A_1340 = tpu.sort %neg3A_1336, %neg3A_1336 masked %sort3A_1337 : (vector<16xf32>, vector<16xf32>, vector<16xi1>) -> (vector<16xi1>, vector<16xf32>, vector<16xf32>)
    %neg3A_1341 = arith.constant 0.000000e+00 : f32
    %neg3A_1342 = vector.broadcast %neg3A_1341 : f32 to vector<16xf32>
    %neg3A_1343 = arith.subf %neg3A_1342, %sort3A_1339 : vector<16xf32>
    %rev3A_1344 = arith.constant 15 : i32
    %rev3A_1345 = vector.broadcast %rev3A_1344 : i32 to vector<16xi32>
    %rev3A_1346 = tpu.iota {dimensions = array<i32: 0>} : vector<16xi32>
    %rev3A_1347 = arith.subi %rev3A_1345, %rev3A_1346 : vector<16xi32>
    %rev3A_1348 = tpu.dynamic_gather %neg3A_1333[%rev3A_1347] in [0] : vector<16xf32>, vector<16xi32> -> vector<16xf32>
    %max3A_1349 = arith.maximumf %neg3A_1296, %rev3A_1348 : vector<16xf32>
    %min3A_1350 = arith.minimumf %neg3A_1296, %rev3A_1348 : vector<16xf32>
    %neg3A_1351 = arith.constant 0.000000e+00 : f32
    %neg3A_1352 = vector.broadcast %neg3A_1351 : f32 to vector<16xf32>
    %neg3A_1353 = arith.subf %neg3A_1352, %max3A_1349 : vector<16xf32>
    %sort3A_1354 = arith.constant dense<true> : vector<16xi1>
    %sort3A_1355, %sort3A_1356, %sort3A_1357 = tpu.sort %neg3A_1353, %neg3A_1353 masked %sort3A_1354 : (vector<16xf32>, vector<16xf32>, vector<16xi1>) -> (vector<16xi1>, vector<16xf32>, vector<16xf32>)
    %neg3A_1358 = arith.constant 0.000000e+00 : f32
    %neg3A_1359 = vector.broadcast %neg3A_1358 : f32 to vector<16xf32>
    %neg3A_1360 = arith.subf %neg3A_1359, %sort3A_1356 : vector<16xf32>
    %neg3A_1361 = arith.constant 0.000000e+00 : f32
    %neg3A_1362 = vector.broadcast %neg3A_1361 : f32 to vector<16xf32>
    %neg3A_1363 = arith.subf %neg3A_1362, %min3A_1350 : vector<16xf32>
    %sort3A_1364 = arith.constant dense<true> : vector<16xi1>
    %sort3A_1365, %sort3A_1366, %sort3A_1367 = tpu.sort %neg3A_1363, %neg3A_1363 masked %sort3A_1364 : (vector<16xf32>, vector<16xf32>, vector<16xi1>) -> (vector<16xi1>, vector<16xf32>, vector<16xf32>)
    %neg3A_1368 = arith.constant 0.000000e+00 : f32
    %neg3A_1369 = vector.broadcast %neg3A_1368 : f32 to vector<16xf32>
    %neg3A_1370 = arith.subf %neg3A_1369, %sort3A_1366 : vector<16xf32>
    %neg3A_1371 = arith.constant 0.000000e+00 : f32
    %neg3A_1372 = vector.broadcast %neg3A_1371 : f32 to vector<16xf32>
    %neg3A_1373 = arith.subf %neg3A_1372, %scan3A_1130#5 : vector<16xf32>
    %sort3A_1374 = arith.constant dense<true> : vector<16xi1>
    %sort3A_1375, %sort3A_1376, %sort3A_1377 = tpu.sort %neg3A_1373, %neg3A_1373 masked %sort3A_1374 : (vector<16xf32>, vector<16xf32>, vector<16xi1>) -> (vector<16xi1>, vector<16xf32>, vector<16xf32>)
    %neg3A_1378 = arith.constant 0.000000e+00 : f32
    %neg3A_1379 = vector.broadcast %neg3A_1378 : f32 to vector<16xf32>
    %neg3A_1380 = arith.subf %neg3A_1379, %sort3A_1376 : vector<16xf32>
    %rev3A_1381 = arith.constant 15 : i32
    %rev3A_1382 = vector.broadcast %rev3A_1381 : i32 to vector<16xi32>
    %rev3A_1383 = tpu.iota {dimensions = array<i32: 0>} : vector<16xi32>
    %rev3A_1384 = arith.subi %rev3A_1382, %rev3A_1383 : vector<16xi32>
    %rev3A_1385 = tpu.dynamic_gather %neg3A_1380[%rev3A_1384] in [0] : vector<16xf32>, vector<16xi32> -> vector<16xf32>
    %max3A_1386 = arith.maximumf %neg3A_1370, %rev3A_1385 : vector<16xf32>
    %min3A_1387 = arith.minimumf %neg3A_1370, %rev3A_1385 : vector<16xf32>
    %neg3A_1388 = arith.constant 0.000000e+00 : f32
    %neg3A_1389 = vector.broadcast %neg3A_1388 : f32 to vector<16xf32>
    %neg3A_1390 = arith.subf %neg3A_1389, %max3A_1386 : vector<16xf32>
    %sort3A_1391 = arith.constant dense<true> : vector<16xi1>
    %sort3A_1392, %sort3A_1393, %sort3A_1394 = tpu.sort %neg3A_1390, %neg3A_1390 masked %sort3A_1391 : (vector<16xf32>, vector<16xf32>, vector<16xi1>) -> (vector<16xi1>, vector<16xf32>, vector<16xf32>)
    %neg3A_1395 = arith.constant 0.000000e+00 : f32
    %neg3A_1396 = vector.broadcast %neg3A_1395 : f32 to vector<16xf32>
    %neg3A_1397 = arith.subf %neg3A_1396, %sort3A_1393 : vector<16xf32>
    %neg3A_1398 = arith.constant 0.000000e+00 : f32
    %neg3A_1399 = vector.broadcast %neg3A_1398 : f32 to vector<16xf32>
    %neg3A_1400 = arith.subf %neg3A_1399, %min3A_1387 : vector<16xf32>
    %sort3A_1401 = arith.constant dense<true> : vector<16xi1>
    %sort3A_1402, %sort3A_1403, %sort3A_1404 = tpu.sort %neg3A_1400, %neg3A_1400 masked %sort3A_1401 : (vector<16xf32>, vector<16xf32>, vector<16xi1>) -> (vector<16xi1>, vector<16xf32>, vector<16xf32>)
    %neg3A_1405 = arith.constant 0.000000e+00 : f32
    %neg3A_1406 = vector.broadcast %neg3A_1405 : f32 to vector<16xf32>
    %neg3A_1407 = arith.subf %neg3A_1406, %sort3A_1403 : vector<16xf32>
    %rev3A_1408 = arith.constant 15 : i32
    %rev3A_1409 = vector.broadcast %rev3A_1408 : i32 to vector<16xi32>
    %rev3A_1410 = tpu.iota {dimensions = array<i32: 0>} : vector<16xi32>
    %rev3A_1411 = arith.subi %rev3A_1409, %rev3A_1410 : vector<16xi32>
    %rev3A_1412 = tpu.dynamic_gather %neg3A_1397[%rev3A_1411] in [0] : vector<16xf32>, vector<16xi32> -> vector<16xf32>
    %max3A_1413 = arith.maximumf %neg3A_1360, %rev3A_1412 : vector<16xf32>
    %min3A_1414 = arith.minimumf %neg3A_1360, %rev3A_1412 : vector<16xf32>
    %neg3A_1415 = arith.constant 0.000000e+00 : f32
    %neg3A_1416 = vector.broadcast %neg3A_1415 : f32 to vector<16xf32>
    %neg3A_1417 = arith.subf %neg3A_1416, %max3A_1413 : vector<16xf32>
    %sort3A_1418 = arith.constant dense<true> : vector<16xi1>
    %sort3A_1419, %sort3A_1420, %sort3A_1421 = tpu.sort %neg3A_1417, %neg3A_1417 masked %sort3A_1418 : (vector<16xf32>, vector<16xf32>, vector<16xi1>) -> (vector<16xi1>, vector<16xf32>, vector<16xf32>)
    %neg3A_1422 = arith.constant 0.000000e+00 : f32
    %neg3A_1423 = vector.broadcast %neg3A_1422 : f32 to vector<16xf32>
    %neg3A_1424 = arith.subf %neg3A_1423, %sort3A_1420 : vector<16xf32>
    %neg3A_1425 = arith.constant 0.000000e+00 : f32
    %neg3A_1426 = vector.broadcast %neg3A_1425 : f32 to vector<16xf32>
    %neg3A_1427 = arith.subf %neg3A_1426, %min3A_1414 : vector<16xf32>
    %sort3A_1428 = arith.constant dense<true> : vector<16xi1>
    %sort3A_1429, %sort3A_1430, %sort3A_1431 = tpu.sort %neg3A_1427, %neg3A_1427 masked %sort3A_1428 : (vector<16xf32>, vector<16xf32>, vector<16xi1>) -> (vector<16xi1>, vector<16xf32>, vector<16xf32>)
    %neg3A_1432 = arith.constant 0.000000e+00 : f32
    %neg3A_1433 = vector.broadcast %neg3A_1432 : f32 to vector<16xf32>
    %neg3A_1434 = arith.subf %neg3A_1433, %sort3A_1430 : vector<16xf32>
    %neg3A_1435 = arith.constant 0.000000e+00 : f32
    %neg3A_1436 = vector.broadcast %neg3A_1435 : f32 to vector<16xf32>
    %neg3A_1437 = arith.subf %neg3A_1436, %scan3A_1130#6 : vector<16xf32>
    %sort3A_1438 = arith.constant dense<true> : vector<16xi1>
    %sort3A_1439, %sort3A_1440, %sort3A_1441 = tpu.sort %neg3A_1437, %neg3A_1437 masked %sort3A_1438 : (vector<16xf32>, vector<16xf32>, vector<16xi1>) -> (vector<16xi1>, vector<16xf32>, vector<16xf32>)
    %neg3A_1442 = arith.constant 0.000000e+00 : f32
    %neg3A_1443 = vector.broadcast %neg3A_1442 : f32 to vector<16xf32>
    %neg3A_1444 = arith.subf %neg3A_1443, %sort3A_1440 : vector<16xf32>
    %rev3A_1445 = arith.constant 15 : i32
    %rev3A_1446 = vector.broadcast %rev3A_1445 : i32 to vector<16xi32>
    %rev3A_1447 = tpu.iota {dimensions = array<i32: 0>} : vector<16xi32>
    %rev3A_1448 = arith.subi %rev3A_1446, %rev3A_1447 : vector<16xi32>
    %rev3A_1449 = tpu.dynamic_gather %neg3A_1444[%rev3A_1448] in [0] : vector<16xf32>, vector<16xi32> -> vector<16xf32>
    %max3A_1450 = arith.maximumf %neg3A_1434, %rev3A_1449 : vector<16xf32>
    %min3A_1451 = arith.minimumf %neg3A_1434, %rev3A_1449 : vector<16xf32>
    %neg3A_1452 = arith.constant 0.000000e+00 : f32
    %neg3A_1453 = vector.broadcast %neg3A_1452 : f32 to vector<16xf32>
    %neg3A_1454 = arith.subf %neg3A_1453, %max3A_1450 : vector<16xf32>
    %sort3A_1455 = arith.constant dense<true> : vector<16xi1>
    %sort3A_1456, %sort3A_1457, %sort3A_1458 = tpu.sort %neg3A_1454, %neg3A_1454 masked %sort3A_1455 : (vector<16xf32>, vector<16xf32>, vector<16xi1>) -> (vector<16xi1>, vector<16xf32>, vector<16xf32>)
    %neg3A_1459 = arith.constant 0.000000e+00 : f32
    %neg3A_1460 = vector.broadcast %neg3A_1459 : f32 to vector<16xf32>
    %neg3A_1461 = arith.subf %neg3A_1460, %sort3A_1457 : vector<16xf32>
    %neg3A_1462 = arith.constant 0.000000e+00 : f32
    %neg3A_1463 = vector.broadcast %neg3A_1462 : f32 to vector<16xf32>
    %neg3A_1464 = arith.subf %neg3A_1463, %min3A_1451 : vector<16xf32>
    %sort3A_1465 = arith.constant dense<true> : vector<16xi1>
    %sort3A_1466, %sort3A_1467, %sort3A_1468 = tpu.sort %neg3A_1464, %neg3A_1464 masked %sort3A_1465 : (vector<16xf32>, vector<16xf32>, vector<16xi1>) -> (vector<16xi1>, vector<16xf32>, vector<16xf32>)
    %neg3A_1469 = arith.constant 0.000000e+00 : f32
    %neg3A_1470 = vector.broadcast %neg3A_1469 : f32 to vector<16xf32>
    %neg3A_1471 = arith.subf %neg3A_1470, %sort3A_1467 : vector<16xf32>
    %rev3A_1472 = arith.constant 15 : i32
    %rev3A_1473 = vector.broadcast %rev3A_1472 : i32 to vector<16xi32>
    %rev3A_1474 = tpu.iota {dimensions = array<i32: 0>} : vector<16xi32>
    %rev3A_1475 = arith.subi %rev3A_1473, %rev3A_1474 : vector<16xi32>
    %rev3A_1476 = tpu.dynamic_gather %neg3A_1461[%rev3A_1475] in [0] : vector<16xf32>, vector<16xi32> -> vector<16xf32>
    %max3A_1477 = arith.maximumf %neg3A_1424, %rev3A_1476 : vector<16xf32>
    %min3A_1478 = arith.minimumf %neg3A_1424, %rev3A_1476 : vector<16xf32>
    %neg3A_1479 = arith.constant 0.000000e+00 : f32
    %neg3A_1480 = vector.broadcast %neg3A_1479 : f32 to vector<16xf32>
    %neg3A_1481 = arith.subf %neg3A_1480, %max3A_1477 : vector<16xf32>
    %sort3A_1482 = arith.constant dense<true> : vector<16xi1>
    %sort3A_1483, %sort3A_1484, %sort3A_1485 = tpu.sort %neg3A_1481, %neg3A_1481 masked %sort3A_1482 : (vector<16xf32>, vector<16xf32>, vector<16xi1>) -> (vector<16xi1>, vector<16xf32>, vector<16xf32>)
    %neg3A_1486 = arith.constant 0.000000e+00 : f32
    %neg3A_1487 = vector.broadcast %neg3A_1486 : f32 to vector<16xf32>
    %neg3A_1488 = arith.subf %neg3A_1487, %sort3A_1484 : vector<16xf32>
    %neg3A_1489 = arith.constant 0.000000e+00 : f32
    %neg3A_1490 = vector.broadcast %neg3A_1489 : f32 to vector<16xf32>
    %neg3A_1491 = arith.subf %neg3A_1490, %min3A_1478 : vector<16xf32>
    %sort3A_1492 = arith.constant dense<true> : vector<16xi1>
    %sort3A_1493, %sort3A_1494, %sort3A_1495 = tpu.sort %neg3A_1491, %neg3A_1491 masked %sort3A_1492 : (vector<16xf32>, vector<16xf32>, vector<16xi1>) -> (vector<16xi1>, vector<16xf32>, vector<16xf32>)
    %neg3A_1496 = arith.constant 0.000000e+00 : f32
    %neg3A_1497 = vector.broadcast %neg3A_1496 : f32 to vector<16xf32>
    %neg3A_1498 = arith.subf %neg3A_1497, %sort3A_1494 : vector<16xf32>
    %neg3A_1499 = arith.constant 0.000000e+00 : f32
    %neg3A_1500 = vector.broadcast %neg3A_1499 : f32 to vector<16xf32>
    %neg3A_1501 = arith.subf %neg3A_1500, %scan3A_1130#7 : vector<16xf32>
    %sort3A_1502 = arith.constant dense<true> : vector<16xi1>
    %sort3A_1503, %sort3A_1504, %sort3A_1505 = tpu.sort %neg3A_1501, %neg3A_1501 masked %sort3A_1502 : (vector<16xf32>, vector<16xf32>, vector<16xi1>) -> (vector<16xi1>, vector<16xf32>, vector<16xf32>)
    %neg3A_1506 = arith.constant 0.000000e+00 : f32
    %neg3A_1507 = vector.broadcast %neg3A_1506 : f32 to vector<16xf32>
    %neg3A_1508 = arith.subf %neg3A_1507, %sort3A_1504 : vector<16xf32>
    %rev3A_1509 = arith.constant 15 : i32
    %rev3A_1510 = vector.broadcast %rev3A_1509 : i32 to vector<16xi32>
    %rev3A_1511 = tpu.iota {dimensions = array<i32: 0>} : vector<16xi32>
    %rev3A_1512 = arith.subi %rev3A_1510, %rev3A_1511 : vector<16xi32>
    %rev3A_1513 = tpu.dynamic_gather %neg3A_1508[%rev3A_1512] in [0] : vector<16xf32>, vector<16xi32> -> vector<16xf32>
    %max3A_1514 = arith.maximumf %neg3A_1498, %rev3A_1513 : vector<16xf32>
    %min3A_1515 = arith.minimumf %neg3A_1498, %rev3A_1513 : vector<16xf32>
    %neg3A_1516 = arith.constant 0.000000e+00 : f32
    %neg3A_1517 = vector.broadcast %neg3A_1516 : f32 to vector<16xf32>
    %neg3A_1518 = arith.subf %neg3A_1517, %max3A_1514 : vector<16xf32>
    %sort3A_1519 = arith.constant dense<true> : vector<16xi1>
    %sort3A_1520, %sort3A_1521, %sort3A_1522 = tpu.sort %neg3A_1518, %neg3A_1518 masked %sort3A_1519 : (vector<16xf32>, vector<16xf32>, vector<16xi1>) -> (vector<16xi1>, vector<16xf32>, vector<16xf32>)
    %neg3A_1523 = arith.constant 0.000000e+00 : f32
    %neg3A_1524 = vector.broadcast %neg3A_1523 : f32 to vector<16xf32>
    %neg3A_1525 = arith.subf %neg3A_1524, %sort3A_1521 : vector<16xf32>
    %neg3A_1526 = arith.constant 0.000000e+00 : f32
    %neg3A_1527 = vector.broadcast %neg3A_1526 : f32 to vector<16xf32>
    %neg3A_1528 = arith.subf %neg3A_1527, %min3A_1515 : vector<16xf32>
    %sort3A_1529 = arith.constant dense<true> : vector<16xi1>
    %sort3A_1530, %sort3A_1531, %sort3A_1532 = tpu.sort %neg3A_1528, %neg3A_1528 masked %sort3A_1529 : (vector<16xf32>, vector<16xf32>, vector<16xi1>) -> (vector<16xi1>, vector<16xf32>, vector<16xf32>)
    %neg3A_1533 = arith.constant 0.000000e+00 : f32
    %neg3A_1534 = vector.broadcast %neg3A_1533 : f32 to vector<16xf32>
    %neg3A_1535 = arith.subf %neg3A_1534, %sort3A_1531 : vector<16xf32>
    %rev3A_1536 = arith.constant 15 : i32
    %rev3A_1537 = vector.broadcast %rev3A_1536 : i32 to vector<16xi32>
    %rev3A_1538 = tpu.iota {dimensions = array<i32: 0>} : vector<16xi32>
    %rev3A_1539 = arith.subi %rev3A_1537, %rev3A_1538 : vector<16xi32>
    %rev3A_1540 = tpu.dynamic_gather %neg3A_1525[%rev3A_1539] in [0] : vector<16xf32>, vector<16xi32> -> vector<16xf32>
    %max3A_1541 = arith.maximumf %neg3A_1488, %rev3A_1540 : vector<16xf32>
    %min3A_1542 = arith.minimumf %neg3A_1488, %rev3A_1540 : vector<16xf32>
    %neg3A_1543 = arith.constant 0.000000e+00 : f32
    %neg3A_1544 = vector.broadcast %neg3A_1543 : f32 to vector<16xf32>
    %neg3A_1545 = arith.subf %neg3A_1544, %max3A_1541 : vector<16xf32>
    %sort3A_1546 = arith.constant dense<true> : vector<16xi1>
    %sort3A_1547, %sort3A_1548, %sort3A_1549 = tpu.sort %neg3A_1545, %neg3A_1545 masked %sort3A_1546 : (vector<16xf32>, vector<16xf32>, vector<16xi1>) -> (vector<16xi1>, vector<16xf32>, vector<16xf32>)
    %neg3A_1550 = arith.constant 0.000000e+00 : f32
    %neg3A_1551 = vector.broadcast %neg3A_1550 : f32 to vector<16xf32>
    %neg3A_1552 = arith.subf %neg3A_1551, %sort3A_1548 : vector<16xf32>
    %neg3A_1553 = arith.constant 0.000000e+00 : f32
    %neg3A_1554 = vector.broadcast %neg3A_1553 : f32 to vector<16xf32>
    %neg3A_1555 = arith.subf %neg3A_1554, %min3A_1542 : vector<16xf32>
    %sort3A_1556 = arith.constant dense<true> : vector<16xi1>
    %sort3A_1557, %sort3A_1558, %sort3A_1559 = tpu.sort %neg3A_1555, %neg3A_1555 masked %sort3A_1556 : (vector<16xf32>, vector<16xf32>, vector<16xi1>) -> (vector<16xi1>, vector<16xf32>, vector<16xf32>)
    %neg3A_1560 = arith.constant 0.000000e+00 : f32
    %neg3A_1561 = vector.broadcast %neg3A_1560 : f32 to vector<16xf32>
    %neg3A_1562 = arith.subf %neg3A_1561, %sort3A_1558 : vector<16xf32>
    %slice3A_1563 = vector.extract_strided_slice %neg3A_1562 {offsets = [15], sizes = [1], strides = [1]} : vector<16xf32> to vector<1xf32>
    %squeeze3A_1564 = vector.extract %slice3A_1563[0] : f32 from vector<1xf32>
    %broadcast_in_dim3A_1565 = vector.broadcast %squeeze3A_1564 : f32 to vector<16xf32>
    %broadcast_in_dim3A_1566 = arith.constant 0 : i32
    %broadcast_in_dim3A_1567 = vector.broadcast %broadcast_in_dim3A_1566 : i32 to vector<16xi32>
    %scan3A_1568 = arith.constant 0 : i32
    %scan3A_1569 = arith.constant 64 : i32
    %scan3A_1570 = arith.addi %scan3A_1568, %scan3A_1569 : i32
    %scan3A_1571 = arith.constant 1 : i32
    %scan3A_1572 = scf.for %scan3A_2208 = %scan3A_1568 to %scan3A_1570 step %scan3A_1571 iter_args(%scan3A_2209 = %broadcast_in_dim3A_1567) -> (vector<16xi32>)  : i32 {
      %mul3A_2210 = arith.constant 4 : i32
      %mul3A_2211 = arith.muli %scan3A_2208, %mul3A_2210 : i32
      %get3A = arith.index_cast %mul3A_2211 : i32 to index
      %get3A_2212 = memref.load %arg7[%get3A] : memref<256xf32, #tpu.memory_space<smem>>
      %ge3A = arith.cmpf oge, %get3A_2212, %squeeze3A_1564 : f32
      %add3A_2213 = arith.constant 1 : i32
      %add3A_2214 = arith.addi %mul3A_2211, %add3A_2213 : i32
      %get3A_2215 = arith.index_cast %add3A_2214 : i32 to index
      %get3A_2216 = memref.load %arg7[%get3A_2215] : memref<256xf32, #tpu.memory_space<smem>>
      %ge3A_2217 = arith.cmpf oge, %get3A_2216, %squeeze3A_1564 : f32
      %or3A = arith.ori %ge3A, %ge3A_2217 : i1
      %add3A_2218 = arith.constant 2 : i32
      %add3A_2219 = arith.addi %mul3A_2211, %add3A_2218 : i32
      %get3A_2220 = arith.index_cast %add3A_2219 : i32 to index
      %get3A_2221 = memref.load %arg7[%get3A_2220] : memref<256xf32, #tpu.memory_space<smem>>
      %ge3A_2222 = arith.cmpf oge, %get3A_2221, %squeeze3A_1564 : f32
      %or3A_2223 = arith.ori %or3A, %ge3A_2222 : i1
      %add3A_2224 = arith.constant 3 : i32
      %add3A_2225 = arith.addi %mul3A_2211, %add3A_2224 : i32
      %get3A_2226 = arith.index_cast %add3A_2225 : i32 to index
      %get3A_2227 = memref.load %arg7[%get3A_2226] : memref<256xf32, #tpu.memory_space<smem>>
      %ge3A_2228 = arith.cmpf oge, %get3A_2227, %squeeze3A_1564 : f32
      %or3A_2229 = arith.ori %or3A_2223, %ge3A_2228 : i1
      %convert_element_type3A_2230 = arith.extui %or3A_2229 : i1 to i32
      %cond3A_2231 = arith.constant 0 : i32
      %cond3A_2232 = arith.cmpi ne, %convert_element_type3A_2230, %cond3A_2231 : i32
      %cond3A_2233 = scf.if %cond3A_2232 -> (vector<16xi32>) {
        %add3A_2234 = arith.constant 0 : i32
        %add3A_2235 = arith.addi %mul3A_2211, %add3A_2234 : i32
        %get3A_2236 = arith.index_cast %add3A_2235 : i32 to index
        %get3A_2237 = memref.load %arg7[%get3A_2236] : memref<256xf32, #tpu.memory_space<smem>>
        %ge3A_2238 = arith.cmpf oge, %get3A_2237, %squeeze3A_1564 : f32
        %add3A_2239 = arith.constant 0 : i32
        %add3A_2240 = arith.addi %mul3A_2211, %add3A_2239 : i32
        %convert_element_type3A_2241 = arith.extui %ge3A_2238 : i1 to i32
        %cond3A_2242 = arith.constant 0 : i32
        %cond3A_2243 = arith.cmpi ne, %convert_element_type3A_2241, %cond3A_2242 : i32
        %cond3A_2244 = scf.if %cond3A_2243 -> (vector<16xi32>) {
          %scan3A_2278 = arith.constant 0 : i32
          %scan3A_2279 = arith.constant 8 : i32
          %scan3A_2280 = arith.addi %scan3A_2278, %scan3A_2279 : i32
          %scan3A_2281 = arith.constant 1 : i32
          %scan3A_2282 = scf.for %scan3A_2284 = %scan3A_2278 to %scan3A_2280 step %scan3A_2281 iter_args(%scan3A_2285 = %scan3A_2209) -> (vector<16xi32>)  : i32 {
            %mul3A_2286 = arith.constant 128 : i32
            %mul3A_2287 = arith.muli %add3A_2240, %mul3A_2286 : i32
            %mul3A_2288 = arith.constant 16 : i32
            %mul3A_2289 = arith.muli %scan3A_2284, %mul3A_2288 : i32
            %add3A_2290 = arith.addi %mul3A_2287, %mul3A_2289 : i32
            %get3A_2291 = arith.index_cast %add3A_2290 : i32 to index
            %get3A_2292 = tpu.vector_load %arg4[%get3A_2291] {strides = array<i32>} : memref<32784xf32, #tpu.memory_space<vmem>>, vector<16xf32>,
            %ge3A_2293 = arith.cmpf oge, %get3A_2292, %broadcast_in_dim3A_1565 : vector<16xf32>
            %slice3A_2294 = vector.extract_strided_slice %scan3A_2285 {offsets = [0], sizes = [1], strides = [1]} : vector<16xi32> to vector<1xi32>
            %squeeze3A_2295 = vector.extract %slice3A_2294[0] : i32 from vector<1xi32>
            %mul3A_2296 = arith.constant 128 : i32
            %mul3A_2297 = arith.muli %add3A_2240, %mul3A_2296 : i32
            %mul3A_2298 = arith.constant 16 : i32
            %mul3A_2299 = arith.muli %scan3A_2284, %mul3A_2298 : i32
            %add3A_2300 = arith.addi %mul3A_2297, %mul3A_2299 : i32
            %add3A_2301 = vector.broadcast %add3A_2300 : i32 to vector<16xi32>
            %add3A_2302 = arith.addi %iota3A, %add3A_2301 : vector<16xi32>
            %swap3A_2303 = arith.index_cast %squeeze3A_2295 : i32 to index
            %swap3A_2304 = tpu.vector_load %arg6[%swap3A_2303] masked %ge3A_2293 {strides = array<i32>} : memref<32784xi32, #tpu.memory_space<vmem>>, vector<16xi32>, vector<16xi1>
            tpu.vector_store %arg6[%swap3A_2303], %add3A_2302 masked %ge3A_2293 {strides = array<i32>} : memref<32784xi32, #tpu.memory_space<vmem>>, vector<16xi32>, vector<16xi1>
            %all_reduce_population_count3A = tpu.all_reduce %ge3A_2293 {dim = 0 : i64, kind = #tpu.reduction_kind<sum>} : vector<16xi1> -> vector<16xi32>
            %add3A_2305 = arith.addi %scan3A_2285, %all_reduce_population_count3A : vector<16xi32>
            scf.yield %add3A_2305 : vector<16xi32>
          }
          %scan3A_2283 = arith.constant 8 : i32
          scf.yield %scan3A_2282 : vector<16xi32>
        } else {
          scf.yield %scan3A_2209 : vector<16xi32>
        }
        %add3A_2245 = arith.constant 1 : i32
        %add3A_2246 = arith.addi %mul3A_2211, %add3A_2245 : i32
        %get3A_2247 = arith.index_cast %add3A_2246 : i32 to index
        %get3A_2248 = memref.load %arg7[%get3A_2247] : memref<256xf32, #tpu.memory_space<smem>>
        %ge3A_2249 = arith.cmpf oge, %get3A_2248, %squeeze3A_1564 : f32
        %add3A_2250 = arith.constant 1 : i32
        %add3A_2251 = arith.addi %mul3A_2211, %add3A_2250 : i32
        %convert_element_type3A_2252 = arith.extui %ge3A_2249 : i1 to i32
        %cond3A_2253 = arith.constant 0 : i32
        %cond3A_2254 = arith.cmpi ne, %convert_element_type3A_2252, %cond3A_2253 : i32
        %cond3A_2255 = scf.if %cond3A_2254 -> (vector<16xi32>) {
          %scan3A_2278 = arith.constant 0 : i32
          %scan3A_2279 = arith.constant 8 : i32
          %scan3A_2280 = arith.addi %scan3A_2278, %scan3A_2279 : i32
          %scan3A_2281 = arith.constant 1 : i32
          %scan3A_2282 = scf.for %scan3A_2284 = %scan3A_2278 to %scan3A_2280 step %scan3A_2281 iter_args(%scan3A_2285 = %cond3A_2244) -> (vector<16xi32>)  : i32 {
            %mul3A_2286 = arith.constant 128 : i32
            %mul3A_2287 = arith.muli %add3A_2251, %mul3A_2286 : i32
            %mul3A_2288 = arith.constant 16 : i32
            %mul3A_2289 = arith.muli %scan3A_2284, %mul3A_2288 : i32
            %add3A_2290 = arith.addi %mul3A_2287, %mul3A_2289 : i32
            %get3A_2291 = arith.index_cast %add3A_2290 : i32 to index
            %get3A_2292 = tpu.vector_load %arg4[%get3A_2291] {strides = array<i32>} : memref<32784xf32, #tpu.memory_space<vmem>>, vector<16xf32>,
            %ge3A_2293 = arith.cmpf oge, %get3A_2292, %broadcast_in_dim3A_1565 : vector<16xf32>
            %slice3A_2294 = vector.extract_strided_slice %scan3A_2285 {offsets = [0], sizes = [1], strides = [1]} : vector<16xi32> to vector<1xi32>
            %squeeze3A_2295 = vector.extract %slice3A_2294[0] : i32 from vector<1xi32>
            %mul3A_2296 = arith.constant 128 : i32
            %mul3A_2297 = arith.muli %add3A_2251, %mul3A_2296 : i32
            %mul3A_2298 = arith.constant 16 : i32
            %mul3A_2299 = arith.muli %scan3A_2284, %mul3A_2298 : i32
            %add3A_2300 = arith.addi %mul3A_2297, %mul3A_2299 : i32
            %add3A_2301 = vector.broadcast %add3A_2300 : i32 to vector<16xi32>
            %add3A_2302 = arith.addi %iota3A, %add3A_2301 : vector<16xi32>
            %swap3A_2303 = arith.index_cast %squeeze3A_2295 : i32 to index
            %swap3A_2304 = tpu.vector_load %arg6[%swap3A_2303] masked %ge3A_2293 {strides = array<i32>} : memref<32784xi32, #tpu.memory_space<vmem>>, vector<16xi32>, vector<16xi1>
            tpu.vector_store %arg6[%swap3A_2303], %add3A_2302 masked %ge3A_2293 {strides = array<i32>} : memref<32784xi32, #tpu.memory_space<vmem>>, vector<16xi32>, vector<16xi1>
            %all_reduce_population_count3A = tpu.all_reduce %ge3A_2293 {dim = 0 : i64, kind = #tpu.reduction_kind<sum>} : vector<16xi1> -> vector<16xi32>
            %add3A_2305 = arith.addi %scan3A_2285, %all_reduce_population_count3A : vector<16xi32>
            scf.yield %add3A_2305 : vector<16xi32>
          }
          %scan3A_2283 = arith.constant 8 : i32
          scf.yield %scan3A_2282 : vector<16xi32>
        } else {
          scf.yield %cond3A_2244 : vector<16xi32>
        }
        %add3A_2256 = arith.constant 2 : i32
        %add3A_2257 = arith.addi %mul3A_2211, %add3A_2256 : i32
        %get3A_2258 = arith.index_cast %add3A_2257 : i32 to index
        %get3A_2259 = memref.load %arg7[%get3A_2258] : memref<256xf32, #tpu.memory_space<smem>>
        %ge3A_2260 = arith.cmpf oge, %get3A_2259, %squeeze3A_1564 : f32
        %add3A_2261 = arith.constant 2 : i32
        %add3A_2262 = arith.addi %mul3A_2211, %add3A_2261 : i32
        %convert_element_type3A_2263 = arith.extui %ge3A_2260 : i1 to i32
        %cond3A_2264 = arith.constant 0 : i32
        %cond3A_2265 = arith.cmpi ne, %convert_element_type3A_2263, %cond3A_2264 : i32
        %cond3A_2266 = scf.if %cond3A_2265 -> (vector<16xi32>) {
          %scan3A_2278 = arith.constant 0 : i32
          %scan3A_2279 = arith.constant 8 : i32
          %scan3A_2280 = arith.addi %scan3A_2278, %scan3A_2279 : i32
          %scan3A_2281 = arith.constant 1 : i32
          %scan3A_2282 = scf.for %scan3A_2284 = %scan3A_2278 to %scan3A_2280 step %scan3A_2281 iter_args(%scan3A_2285 = %cond3A_2255) -> (vector<16xi32>)  : i32 {
            %mul3A_2286 = arith.constant 128 : i32
            %mul3A_2287 = arith.muli %add3A_2262, %mul3A_2286 : i32
            %mul3A_2288 = arith.constant 16 : i32
            %mul3A_2289 = arith.muli %scan3A_2284, %mul3A_2288 : i32
            %add3A_2290 = arith.addi %mul3A_2287, %mul3A_2289 : i32
            %get3A_2291 = arith.index_cast %add3A_2290 : i32 to index
            %get3A_2292 = tpu.vector_load %arg4[%get3A_2291] {strides = array<i32>} : memref<32784xf32, #tpu.memory_space<vmem>>, vector<16xf32>,
            %ge3A_2293 = arith.cmpf oge, %get3A_2292, %broadcast_in_dim3A_1565 : vector<16xf32>
            %slice3A_2294 = vector.extract_strided_slice %scan3A_2285 {offsets = [0], sizes = [1], strides = [1]} : vector<16xi32> to vector<1xi32>
            %squeeze3A_2295 = vector.extract %slice3A_2294[0] : i32 from vector<1xi32>
            %mul3A_2296 = arith.constant 128 : i32
            %mul3A_2297 = arith.muli %add3A_2262, %mul3A_2296 : i32
            %mul3A_2298 = arith.constant 16 : i32
            %mul3A_2299 = arith.muli %scan3A_2284, %mul3A_2298 : i32
            %add3A_2300 = arith.addi %mul3A_2297, %mul3A_2299 : i32
            %add3A_2301 = vector.broadcast %add3A_2300 : i32 to vector<16xi32>
            %add3A_2302 = arith.addi %iota3A, %add3A_2301 : vector<16xi32>
            %swap3A_2303 = arith.index_cast %squeeze3A_2295 : i32 to index
            %swap3A_2304 = tpu.vector_load %arg6[%swap3A_2303] masked %ge3A_2293 {strides = array<i32>} : memref<32784xi32, #tpu.memory_space<vmem>>, vector<16xi32>, vector<16xi1>
            tpu.vector_store %arg6[%swap3A_2303], %add3A_2302 masked %ge3A_2293 {strides = array<i32>} : memref<32784xi32, #tpu.memory_space<vmem>>, vector<16xi32>, vector<16xi1>
            %all_reduce_population_count3A = tpu.all_reduce %ge3A_2293 {dim = 0 : i64, kind = #tpu.reduction_kind<sum>} : vector<16xi1> -> vector<16xi32>
            %add3A_2305 = arith.addi %scan3A_2285, %all_reduce_population_count3A : vector<16xi32>
            scf.yield %add3A_2305 : vector<16xi32>
          }
          %scan3A_2283 = arith.constant 8 : i32
          scf.yield %scan3A_2282 : vector<16xi32>
        } else {
          scf.yield %cond3A_2255 : vector<16xi32>
        }
        %add3A_2267 = arith.constant 3 : i32
        %add3A_2268 = arith.addi %mul3A_2211, %add3A_2267 : i32
        %get3A_2269 = arith.index_cast %add3A_2268 : i32 to index
        %get3A_2270 = memref.load %arg7[%get3A_2269] : memref<256xf32, #tpu.memory_space<smem>>
        %ge3A_2271 = arith.cmpf oge, %get3A_2270, %squeeze3A_1564 : f32
        %add3A_2272 = arith.constant 3 : i32
        %add3A_2273 = arith.addi %mul3A_2211, %add3A_2272 : i32
        %convert_element_type3A_2274 = arith.extui %ge3A_2271 : i1 to i32
        %cond3A_2275 = arith.constant 0 : i32
        %cond3A_2276 = arith.cmpi ne, %convert_element_type3A_2274, %cond3A_2275 : i32
        %cond3A_2277 = scf.if %cond3A_2276 -> (vector<16xi32>) {
          %scan3A_2278 = arith.constant 0 : i32
          %scan3A_2279 = arith.constant 8 : i32
          %scan3A_2280 = arith.addi %scan3A_2278, %scan3A_2279 : i32
          %scan3A_2281 = arith.constant 1 : i32
          %scan3A_2282 = scf.for %scan3A_2284 = %scan3A_2278 to %scan3A_2280 step %scan3A_2281 iter_args(%scan3A_2285 = %cond3A_2266) -> (vector<16xi32>)  : i32 {
            %mul3A_2286 = arith.constant 128 : i32
            %mul3A_2287 = arith.muli %add3A_2273, %mul3A_2286 : i32
            %mul3A_2288 = arith.constant 16 : i32
            %mul3A_2289 = arith.muli %scan3A_2284, %mul3A_2288 : i32
            %add3A_2290 = arith.addi %mul3A_2287, %mul3A_2289 : i32
            %get3A_2291 = arith.index_cast %add3A_2290 : i32 to index
            %get3A_2292 = tpu.vector_load %arg4[%get3A_2291] {strides = array<i32>} : memref<32784xf32, #tpu.memory_space<vmem>>, vector<16xf32>,
            %ge3A_2293 = arith.cmpf oge, %get3A_2292, %broadcast_in_dim3A_1565 : vector<16xf32>
            %slice3A_2294 = vector.extract_strided_slice %scan3A_2285 {offsets = [0], sizes = [1], strides = [1]} : vector<16xi32> to vector<1xi32>
            %squeeze3A_2295 = vector.extract %slice3A_2294[0] : i32 from vector<1xi32>
            %mul3A_2296 = arith.constant 128 : i32
            %mul3A_2297 = arith.muli %add3A_2273, %mul3A_2296 : i32
            %mul3A_2298 = arith.constant 16 : i32
            %mul3A_2299 = arith.muli %scan3A_2284, %mul3A_2298 : i32
            %add3A_2300 = arith.addi %mul3A_2297, %mul3A_2299 : i32
            %add3A_2301 = vector.broadcast %add3A_2300 : i32 to vector<16xi32>
            %add3A_2302 = arith.addi %iota3A, %add3A_2301 : vector<16xi32>
            %swap3A_2303 = arith.index_cast %squeeze3A_2295 : i32 to index
            %swap3A_2304 = tpu.vector_load %arg6[%swap3A_2303] masked %ge3A_2293 {strides = array<i32>} : memref<32784xi32, #tpu.memory_space<vmem>>, vector<16xi32>, vector<16xi1>
            tpu.vector_store %arg6[%swap3A_2303], %add3A_2302 masked %ge3A_2293 {strides = array<i32>} : memref<32784xi32, #tpu.memory_space<vmem>>, vector<16xi32>, vector<16xi1>
            %all_reduce_population_count3A = tpu.all_reduce %ge3A_2293 {dim = 0 : i64, kind = #tpu.reduction_kind<sum>} : vector<16xi1> -> vector<16xi32>
            %add3A_2305 = arith.addi %scan3A_2285, %all_reduce_population_count3A : vector<16xi32>
            scf.yield %add3A_2305 : vector<16xi32>
          }
          %scan3A_2283 = arith.constant 8 : i32
          scf.yield %scan3A_2282 : vector<16xi32>
        } else {
          scf.yield %cond3A_2266 : vector<16xi32>
        }
        scf.yield %cond3A_2277 : vector<16xi32>
      } else {
        scf.yield %scan3A_2209 : vector<16xi32>
      }
      scf.yield %cond3A_2233 : vector<16xi32>
    }
    %scan3A_1573 = arith.constant 64 : i32
    %slice3A_1574 = vector.extract_strided_slice %scan3A_1572 {offsets = [0], sizes = [1], strides = [1]} : vector<16xi32> to vector<1xi32>
    %squeeze3A_1575 = vector.extract %slice3A_1574[0] : i32 from vector<1xi32>
    %broadcast_in_dim3A_1576 = arith.constant 32768 : i32
    %broadcast_in_dim3A_1577 = vector.broadcast %broadcast_in_dim3A_1576 : i32 to vector<16xi32>
    %swap3A_1578 = arith.index_cast %squeeze3A_1575 : i32 to index
    %swap3A_1579 = tpu.vector_load %arg6[%swap3A_1578] {strides = array<i32>} : memref<32784xi32, #tpu.memory_space<vmem>>, vector<16xi32>,
    tpu.vector_store %arg6[%swap3A_1578], %broadcast_in_dim3A_1577 {strides = array<i32>} : memref<32784xi32, #tpu.memory_space<vmem>>, vector<16xi32>,
    %add3A_1580 = arith.constant 15 : i32
    %add3A_1581 = arith.addi %squeeze3A_1575, %add3A_1580 : i32
    %jit3A_1582 = arith.constant 16 : i32
    %div3A_1583 = arith.divsi %add3A_1581, %jit3A_1582 : i32
    %sign3A_1584 = arith.constant 0 : i32
    %sign3A_1585 = arith.cmpi sgt, %add3A_1581, %sign3A_1584 : i32
    %sign3A_1586 = arith.extui %sign3A_1585 : i1 to i32
    %sign3A_1587 = arith.constant 0 : i32
    %sign3A_1588 = arith.cmpi slt, %add3A_1581, %sign3A_1587 : i32
    %sign3A_1589 = arith.extui %sign3A_1588 : i1 to i32
    %sign3A_1590 = arith.subi %sign3A_1586, %sign3A_1589 : i32
    %sign3A_1591 = arith.constant 0 : i32
    %sign3A_1592 = arith.cmpi sgt, %jit3A_1582, %sign3A_1591 : i32
    %sign3A_1593 = arith.extui %sign3A_1592 : i1 to i32
    %sign3A_1594 = arith.constant 0 : i32
    %sign3A_1595 = arith.cmpi slt, %jit3A_1582, %sign3A_1594 : i32
    %sign3A_1596 = arith.extui %sign3A_1595 : i1 to i32
    %sign3A_1597 = arith.subi %sign3A_1593, %sign3A_1596 : i32
    %ne3A_1598 = arith.cmpi ne, %sign3A_1590, %sign3A_1597 : i32
    %rem3A_1599 = arith.remsi %add3A_1581, %jit3A_1582 : i32
    %ne3A_1600 = arith.constant 0 : i32
    %ne3A_1601 = arith.cmpi ne, %rem3A_1599, %ne3A_1600 : i32
    %and3A_1602 = arith.andi %ne3A_1598, %ne3A_1601 : i1
    %sub3A_1603 = arith.constant 1 : i32
    %sub3A_1604 = arith.subi %div3A_1583, %sub3A_1603 : i32
    %select_n3A_1605 = arith.select %and3A_1602, %sub3A_1604, %div3A_1583 : i32
    %while3A_1606 = arith.constant 0 : i32
    %while3A_1607 = arith.subi %select_n3A_1605, %while3A_1606 : i32
    %while3A_1608 = arith.addi %while3A_1606, %while3A_1607 : i32
    %while3A_1609 = arith.constant 1 : i32
    %while3A_1610 = arith.divsi %while3A_1607, %while3A_1609 : i32
    %while3A_1611 = arith.muli %while3A_1610, %while3A_1609 : i32
    %while3A_1612 = arith.addi %while3A_1606, %while3A_1611 : i32
    %while3A_1613 = arith.constant 1 : i32
    %while3A_1614:2 = scf.for %while3A_2208 = %while3A_1606 to %while3A_1612 step %while3A_1613 iter_args(%while3A_2209 = %broadcast_in_dim3A_3, %while3A_2210 = %broadcast_in_dim3A_3) -> (vector<16xf32>, vector<16xf32>)  : i32 {
      %mul3A_2211 = arith.constant 16 : i32
      %mul3A_2212 = arith.muli %while3A_2208, %mul3A_2211 : i32
      %get3A = arith.index_cast %mul3A_2212 : i32 to index
      %get3A_2213 = tpu.vector_load %arg6[%get3A] {strides = array<i32>} : memref<32784xi32, #tpu.memory_space<vmem>>, vector<16xi32>,
      %gather3A = tpu.vector_load_idx %arg4[%get3A_2213] : memref<32784xf32, #tpu.memory_space<vmem>>[vector<16xi32>], vector<16xf32>,
      %neg3A_2214 = arith.constant 0.000000e+00 : f32
      %neg3A_2215 = vector.broadcast %neg3A_2214 : f32 to vector<16xf32>
      %neg3A_2216 = arith.subf %neg3A_2215, %gather3A : vector<16xf32>
      %sort3A_2217 = arith.constant dense<true> : vector<16xi1>
      %sort3A_2218, %sort3A_2219, %sort3A_2220 = tpu.sort %neg3A_2216, %neg3A_2216 masked %sort3A_2217 : (vector<16xf32>, vector<16xf32>, vector<16xi1>) -> (vector<16xi1>, vector<16xf32>, vector<16xf32>)
      %neg3A_2221 = arith.constant 0.000000e+00 : f32
      %neg3A_2222 = vector.broadcast %neg3A_2221 : f32 to vector<16xf32>
      %neg3A_2223 = arith.subf %neg3A_2222, %sort3A_2219 : vector<16xf32>
      %rev3A_2224 = arith.constant 15 : i32
      %rev3A_2225 = vector.broadcast %rev3A_2224 : i32 to vector<16xi32>
      %rev3A_2226 = tpu.iota {dimensions = array<i32: 0>} : vector<16xi32>
      %rev3A_2227 = arith.subi %rev3A_2225, %rev3A_2226 : vector<16xi32>
      %rev3A_2228 = tpu.dynamic_gather %neg3A_2223[%rev3A_2227] in [0] : vector<16xf32>, vector<16xi32> -> vector<16xf32>
      %max3A_2229 = arith.maximumf %while3A_2210, %rev3A_2228 : vector<16xf32>
      %min3A_2230 = arith.minimumf %while3A_2210, %rev3A_2228 : vector<16xf32>
      %neg3A_2231 = arith.constant 0.000000e+00 : f32
      %neg3A_2232 = vector.broadcast %neg3A_2231 : f32 to vector<16xf32>
      %neg3A_2233 = arith.subf %neg3A_2232, %max3A_2229 : vector<16xf32>
      %sort3A_2234 = arith.constant dense<true> : vector<16xi1>
      %sort3A_2235, %sort3A_2236, %sort3A_2237 = tpu.sort %neg3A_2233, %neg3A_2233 masked %sort3A_2234 : (vector<16xf32>, vector<16xf32>, vector<16xi1>) -> (vector<16xi1>, vector<16xf32>, vector<16xf32>)
      %neg3A_2238 = arith.constant 0.000000e+00 : f32
      %neg3A_2239 = vector.broadcast %neg3A_2238 : f32 to vector<16xf32>
      %neg3A_2240 = arith.subf %neg3A_2239, %sort3A_2236 : vector<16xf32>
      %neg3A_2241 = arith.constant 0.000000e+00 : f32
      %neg3A_2242 = vector.broadcast %neg3A_2241 : f32 to vector<16xf32>
      %neg3A_2243 = arith.subf %neg3A_2242, %min3A_2230 : vector<16xf32>
      %sort3A_2244 = arith.constant dense<true> : vector<16xi1>
      %sort3A_2245, %sort3A_2246, %sort3A_2247 = tpu.sort %neg3A_2243, %neg3A_2243 masked %sort3A_2244 : (vector<16xf32>, vector<16xf32>, vector<16xi1>) -> (vector<16xi1>, vector<16xf32>, vector<16xf32>)
      %neg3A_2248 = arith.constant 0.000000e+00 : f32
      %neg3A_2249 = vector.broadcast %neg3A_2248 : f32 to vector<16xf32>
      %neg3A_2250 = arith.subf %neg3A_2249, %sort3A_2246 : vector<16xf32>
      %rev3A_2251 = arith.constant 15 : i32
      %rev3A_2252 = vector.broadcast %rev3A_2251 : i32 to vector<16xi32>
      %rev3A_2253 = tpu.iota {dimensions = array<i32: 0>} : vector<16xi32>
      %rev3A_2254 = arith.subi %rev3A_2252, %rev3A_2253 : vector<16xi32>
      %rev3A_2255 = tpu.dynamic_gather %neg3A_2240[%rev3A_2254] in [0] : vector<16xf32>, vector<16xi32> -> vector<16xf32>
      %max3A_2256 = arith.maximumf %while3A_2209, %rev3A_2255 : vector<16xf32>
      %min3A_2257 = arith.minimumf %while3A_2209, %rev3A_2255 : vector<16xf32>
      %neg3A_2258 = arith.constant 0.000000e+00 : f32
      %neg3A_2259 = vector.broadcast %neg3A_2258 : f32 to vector<16xf32>
      %neg3A_2260 = arith.subf %neg3A_2259, %max3A_2256 : vector<16xf32>
      %sort3A_2261 = arith.constant dense<true> : vector<16xi1>
      %sort3A_2262, %sort3A_2263, %sort3A_2264 = tpu.sort %neg3A_2260, %neg3A_2260 masked %sort3A_2261 : (vector<16xf32>, vector<16xf32>, vector<16xi1>) -> (vector<16xi1>, vector<16xf32>, vector<16xf32>)
      %neg3A_2265 = arith.constant 0.000000e+00 : f32
      %neg3A_2266 = vector.broadcast %neg3A_2265 : f32 to vector<16xf32>
      %neg3A_2267 = arith.subf %neg3A_2266, %sort3A_2263 : vector<16xf32>
      %neg3A_2268 = arith.constant 0.000000e+00 : f32
      %neg3A_2269 = vector.broadcast %neg3A_2268 : f32 to vector<16xf32>
      %neg3A_2270 = arith.subf %neg3A_2269, %min3A_2257 : vector<16xf32>
      %sort3A_2271 = arith.constant dense<true> : vector<16xi1>
      %sort3A_2272, %sort3A_2273, %sort3A_2274 = tpu.sort %neg3A_2270, %neg3A_2270 masked %sort3A_2271 : (vector<16xf32>, vector<16xf32>, vector<16xi1>) -> (vector<16xi1>, vector<16xf32>, vector<16xf32>)
      %neg3A_2275 = arith.constant 0.000000e+00 : f32
      %neg3A_2276 = vector.broadcast %neg3A_2275 : f32 to vector<16xf32>
      %neg3A_2277 = arith.subf %neg3A_2276, %sort3A_2273 : vector<16xf32>
      scf.yield %neg3A_2267, %neg3A_2277 : vector<16xf32>, vector<16xf32>
    }
    %while3A_1615 = arith.constant 1 : i32
    %while3A_1616:2 = scf.for %while3A_2208 = %while3A_1612 to %while3A_1608 step %while3A_1615 iter_args(%while3A_2209 = %while3A_1614#0, %while3A_2210 = %while3A_1614#1) -> (vector<16xf32>, vector<16xf32>)  : i32 {
      %mul3A_2211 = arith.constant 16 : i32
      %mul3A_2212 = arith.muli %while3A_2208, %mul3A_2211 : i32
      %get3A = arith.index_cast %mul3A_2212 : i32 to index
      %get3A_2213 = tpu.vector_load %arg6[%get3A] {strides = array<i32>} : memref<32784xi32, #tpu.memory_space<vmem>>, vector<16xi32>,
      %gather3A = tpu.vector_load_idx %arg4[%get3A_2213] : memref<32784xf32, #tpu.memory_space<vmem>>[vector<16xi32>], vector<16xf32>,
      %neg3A_2214 = arith.constant 0.000000e+00 : f32
      %neg3A_2215 = vector.broadcast %neg3A_2214 : f32 to vector<16xf32>
      %neg3A_2216 = arith.subf %neg3A_2215, %gather3A : vector<16xf32>
      %sort3A_2217 = arith.constant dense<true> : vector<16xi1>
      %sort3A_2218, %sort3A_2219, %sort3A_2220 = tpu.sort %neg3A_2216, %neg3A_2216 masked %sort3A_2217 : (vector<16xf32>, vector<16xf32>, vector<16xi1>) -> (vector<16xi1>, vector<16xf32>, vector<16xf32>)
      %neg3A_2221 = arith.constant 0.000000e+00 : f32
      %neg3A_2222 = vector.broadcast %neg3A_2221 : f32 to vector<16xf32>
      %neg3A_2223 = arith.subf %neg3A_2222, %sort3A_2219 : vector<16xf32>
      %rev3A_2224 = arith.constant 15 : i32
      %rev3A_2225 = vector.broadcast %rev3A_2224 : i32 to vector<16xi32>
      %rev3A_2226 = tpu.iota {dimensions = array<i32: 0>} : vector<16xi32>
      %rev3A_2227 = arith.subi %rev3A_2225, %rev3A_2226 : vector<16xi32>
      %rev3A_2228 = tpu.dynamic_gather %neg3A_2223[%rev3A_2227] in [0] : vector<16xf32>, vector<16xi32> -> vector<16xf32>
      %max3A_2229 = arith.maximumf %while3A_2210, %rev3A_2228 : vector<16xf32>
      %min3A_2230 = arith.minimumf %while3A_2210, %rev3A_2228 : vector<16xf32>
      %neg3A_2231 = arith.constant 0.000000e+00 : f32
      %neg3A_2232 = vector.broadcast %neg3A_2231 : f32 to vector<16xf32>
      %neg3A_2233 = arith.subf %neg3A_2232, %max3A_2229 : vector<16xf32>
      %sort3A_2234 = arith.constant dense<true> : vector<16xi1>
      %sort3A_2235, %sort3A_2236, %sort3A_2237 = tpu.sort %neg3A_2233, %neg3A_2233 masked %sort3A_2234 : (vector<16xf32>, vector<16xf32>, vector<16xi1>) -> (vector<16xi1>, vector<16xf32>, vector<16xf32>)
      %neg3A_2238 = arith.constant 0.000000e+00 : f32
      %neg3A_2239 = vector.broadcast %neg3A_2238 : f32 to vector<16xf32>
      %neg3A_2240 = arith.subf %neg3A_2239, %sort3A_2236 : vector<16xf32>
      %neg3A_2241 = arith.constant 0.000000e+00 : f32
      %neg3A_2242 = vector.broadcast %neg3A_2241 : f32 to vector<16xf32>
      %neg3A_2243 = arith.subf %neg3A_2242, %min3A_2230 : vector<16xf32>
      %sort3A_2244 = arith.constant dense<true> : vector<16xi1>
      %sort3A_2245, %sort3A_2246, %sort3A_2247 = tpu.sort %neg3A_2243, %neg3A_2243 masked %sort3A_2244 : (vector<16xf32>, vector<16xf32>, vector<16xi1>) -> (vector<16xi1>, vector<16xf32>, vector<16xf32>)
      %neg3A_2248 = arith.constant 0.000000e+00 : f32
      %neg3A_2249 = vector.broadcast %neg3A_2248 : f32 to vector<16xf32>
      %neg3A_2250 = arith.subf %neg3A_2249, %sort3A_2246 : vector<16xf32>
      %rev3A_2251 = arith.constant 15 : i32
      %rev3A_2252 = vector.broadcast %rev3A_2251 : i32 to vector<16xi32>
      %rev3A_2253 = tpu.iota {dimensions = array<i32: 0>} : vector<16xi32>
      %rev3A_2254 = arith.subi %rev3A_2252, %rev3A_2253 : vector<16xi32>
      %rev3A_2255 = tpu.dynamic_gather %neg3A_2240[%rev3A_2254] in [0] : vector<16xf32>, vector<16xi32> -> vector<16xf32>
      %max3A_2256 = arith.maximumf %while3A_2209, %rev3A_2255 : vector<16xf32>
      %min3A_2257 = arith.minimumf %while3A_2209, %rev3A_2255 : vector<16xf32>
      %neg3A_2258 = arith.constant 0.000000e+00 : f32
      %neg3A_2259 = vector.broadcast %neg3A_2258 : f32 to vector<16xf32>
      %neg3A_2260 = arith.subf %neg3A_2259, %max3A_2256 : vector<16xf32>
      %sort3A_2261 = arith.constant dense<true> : vector<16xi1>
      %sort3A_2262, %sort3A_2263, %sort3A_2264 = tpu.sort %neg3A_2260, %neg3A_2260 masked %sort3A_2261 : (vector<16xf32>, vector<16xf32>, vector<16xi1>) -> (vector<16xi1>, vector<16xf32>, vector<16xf32>)
      %neg3A_2265 = arith.constant 0.000000e+00 : f32
      %neg3A_2266 = vector.broadcast %neg3A_2265 : f32 to vector<16xf32>
      %neg3A_2267 = arith.subf %neg3A_2266, %sort3A_2263 : vector<16xf32>
      %neg3A_2268 = arith.constant 0.000000e+00 : f32
      %neg3A_2269 = vector.broadcast %neg3A_2268 : f32 to vector<16xf32>
      %neg3A_2270 = arith.subf %neg3A_2269, %min3A_2257 : vector<16xf32>
      %sort3A_2271 = arith.constant dense<true> : vector<16xi1>
      %sort3A_2272, %sort3A_2273, %sort3A_2274 = tpu.sort %neg3A_2270, %neg3A_2270 masked %sort3A_2271 : (vector<16xf32>, vector<16xf32>, vector<16xi1>) -> (vector<16xi1>, vector<16xf32>, vector<16xf32>)
      %neg3A_2275 = arith.constant 0.000000e+00 : f32
      %neg3A_2276 = vector.broadcast %neg3A_2275 : f32 to vector<16xf32>
      %neg3A_2277 = arith.subf %neg3A_2276, %sort3A_2273 : vector<16xf32>
      scf.yield %neg3A_2267, %neg3A_2277 : vector<16xf32>, vector<16xf32>
    }
    %slice3A_1617 = vector.extract_strided_slice %while3A_1616#1 {offsets = [15], sizes = [1], strides = [1]} : vector<16xf32> to vector<1xf32>
    %squeeze3A_1618 = vector.extract %slice3A_1617[0] : f32 from vector<1xf32>
    %broadcast_in_dim3A_1619 = vector.broadcast %squeeze3A_1618 : f32 to vector<16xf32>
    %broadcast_in_dim3A_1620 = arith.constant 0 : i32
    %broadcast_in_dim3A_1621 = vector.broadcast %broadcast_in_dim3A_1620 : i32 to vector<16xi32>
    %while3A_1622 = arith.constant 0 : i32
    %while3A_1623 = arith.subi %select_n3A_1605, %while3A_1622 : i32
    %while3A_1624 = arith.addi %while3A_1622, %while3A_1623 : i32
    %while3A_1625 = arith.constant 1 : i32
    %while3A_1626 = arith.divsi %while3A_1623, %while3A_1625 : i32
    %while3A_1627 = arith.muli %while3A_1626, %while3A_1625 : i32
    %while3A_1628 = arith.addi %while3A_1622, %while3A_1627 : i32
    %while3A_1629 = arith.constant 1 : i32
    %while3A_1630 = scf.for %while3A_2208 = %while3A_1622 to %while3A_1628 step %while3A_1629 iter_args(%while3A_2209 = %broadcast_in_dim3A_1621) -> (vector<16xi32>)  : i32 {
      %mul3A_2210 = arith.constant 16 : i32
      %mul3A_2211 = arith.muli %while3A_2208, %mul3A_2210 : i32
      %get3A = arith.index_cast %mul3A_2211 : i32 to index
      %get3A_2212 = tpu.vector_load %arg6[%get3A] {strides = array<i32>} : memref<32784xi32, #tpu.memory_space<vmem>>, vector<16xi32>,
      %gather3A = tpu.vector_load_idx %arg4[%get3A_2212] : memref<32784xf32, #tpu.memory_space<vmem>>[vector<16xi32>], vector<16xf32>,
      %gt3A = arith.cmpf ogt, %gather3A, %broadcast_in_dim3A_1619 : vector<16xf32>
      %all_reduce_population_count3A = tpu.all_reduce %gt3A {dim = 0 : i64, kind = #tpu.reduction_kind<sum>} : vector<16xi1> -> vector<16xi32>
      %add3A_2213 = arith.addi %while3A_2209, %all_reduce_population_count3A : vector<16xi32>
      scf.yield %add3A_2213 : vector<16xi32>
    }
    %while3A_1631 = arith.constant 1 : i32
    %while3A_1632 = scf.for %while3A_2208 = %while3A_1628 to %while3A_1624 step %while3A_1631 iter_args(%while3A_2209 = %while3A_1630) -> (vector<16xi32>)  : i32 {
      %mul3A_2210 = arith.constant 16 : i32
      %mul3A_2211 = arith.muli %while3A_2208, %mul3A_2210 : i32
      %get3A = arith.index_cast %mul3A_2211 : i32 to index
      %get3A_2212 = tpu.vector_load %arg6[%get3A] {strides = array<i32>} : memref<32784xi32, #tpu.memory_space<vmem>>, vector<16xi32>,
      %gather3A = tpu.vector_load_idx %arg4[%get3A_2212] : memref<32784xf32, #tpu.memory_space<vmem>>[vector<16xi32>], vector<16xf32>,
      %gt3A = arith.cmpf ogt, %gather3A, %broadcast_in_dim3A_1619 : vector<16xf32>
      %all_reduce_population_count3A = tpu.all_reduce %gt3A {dim = 0 : i64, kind = #tpu.reduction_kind<sum>} : vector<16xi1> -> vector<16xi32>
      %add3A_2213 = arith.addi %while3A_2209, %all_reduce_population_count3A : vector<16xi32>
      scf.yield %add3A_2213 : vector<16xi32>
    }
    %slice3A_1633 = vector.extract_strided_slice %while3A_1632 {offsets = [0], sizes = [1], strides = [1]} : vector<16xi32> to vector<1xi32>
    %squeeze3A_1634 = vector.extract %slice3A_1633[0] : i32 from vector<1xi32>
    %sub3A_1635 = arith.constant 32 : i32
    %sub3A_1636 = arith.subi %sub3A_1635, %squeeze3A_1634 : i32
    %eq3A_1637 = arith.constant 1 : i32
    %eq3A_1638 = arith.cmpi eq, %sub3A_1636, %eq3A_1637 : i32
    %convert_element_type3A_1639 = arith.extui %eq3A_1638 : i1 to i32
    %cond3A_1640 = arith.constant 0 : i32
    %cond3A_1641 = arith.constant 0 : i32
    %cond3A_1642 = arith.cmpi ne, %convert_element_type3A_1639, %cond3A_1641 : i32
    %cond3A_1643 = scf.if %cond3A_1642 -> (i32) {
      %broadcast_in_dim3A_2208 = arith.constant 2147483647 : i32
      %broadcast_in_dim3A_2209 = vector.broadcast %broadcast_in_dim3A_2208 : i32 to vector<16xi32>
      %while3A_2210 = arith.constant 0 : i32
      %while3A_2211 = arith.subi %select_n3A_1605, %while3A_2210 : i32
      %while3A_2212 = arith.addi %while3A_2210, %while3A_2211 : i32
      %while3A_2213 = arith.constant 1 : i32
      %while3A_2214 = arith.divsi %while3A_2211, %while3A_2213 : i32
      %while3A_2215 = arith.muli %while3A_2214, %while3A_2213 : i32
      %while3A_2216 = arith.addi %while3A_2210, %while3A_2215 : i32
      %while3A_2217 = arith.constant 1 : i32
      %while3A_2218 = scf.for %while3A_2233 = %while3A_2210 to %while3A_2216 step %while3A_2217 iter_args(%while3A_2234 = %broadcast_in_dim3A_2209) -> (vector<16xi32>)  : i32 {
        %mul3A_2235 = arith.constant 16 : i32
        %mul3A_2236 = arith.muli %while3A_2233, %mul3A_2235 : i32
        %get3A = arith.index_cast %mul3A_2236 : i32 to index
        %get3A_2237 = tpu.vector_load %arg6[%get3A] {strides = array<i32>} : memref<32784xi32, #tpu.memory_space<vmem>>, vector<16xi32>,
        %gather3A = tpu.vector_load_idx %arg4[%get3A_2237] : memref<32784xf32, #tpu.memory_space<vmem>>[vector<16xi32>], vector<16xf32>,
        %eq3A_2238 = arith.cmpf oeq, %gather3A, %broadcast_in_dim3A_1619 : vector<16xf32>
        %jit3A_2239 = arith.constant 2147483647 : i32
        %broadcast_in_dim3A_2240 = vector.broadcast %jit3A_2239 : i32 to vector<16xi32>
        %select_n3A_2241 = arith.select %eq3A_2238, %get3A_2237, %broadcast_in_dim3A_2240 : vector<16xi1>, vector<16xi32>
        %min3A_2242 = arith.minsi %while3A_2234, %select_n3A_2241 : vector<16xi32>
        scf.yield %min3A_2242 : vector<16xi32>
      }
      %while3A_2219 = arith.constant 1 : i32
      %while3A_2220 = scf.for %while3A_2233 = %while3A_2216 to %while3A_2212 step %while3A_2219 iter_args(%while3A_2234 = %while3A_2218) -> (vector<16xi32>)  : i32 {
        %mul3A_2235 = arith.constant 16 : i32
        %mul3A_2236 = arith.muli %while3A_2233, %mul3A_2235 : i32
        %get3A = arith.index_cast %mul3A_2236 : i32 to index
        %get3A_2237 = tpu.vector_load %arg6[%get3A] {strides = array<i32>} : memref<32784xi32, #tpu.memory_space<vmem>>, vector<16xi32>,
        %gather3A = tpu.vector_load_idx %arg4[%get3A_2237] : memref<32784xf32, #tpu.memory_space<vmem>>[vector<16xi32>], vector<16xf32>,
        %eq3A_2238 = arith.cmpf oeq, %gather3A, %broadcast_in_dim3A_1619 : vector<16xf32>
        %jit3A_2239 = arith.constant 2147483647 : i32
        %broadcast_in_dim3A_2240 = vector.broadcast %jit3A_2239 : i32 to vector<16xi32>
        %select_n3A_2241 = arith.select %eq3A_2238, %get3A_2237, %broadcast_in_dim3A_2240 : vector<16xi1>, vector<16xi32>
        %min3A_2242 = arith.minsi %while3A_2234, %select_n3A_2241 : vector<16xi32>
        scf.yield %min3A_2242 : vector<16xi32>
      }
      %neg3A_2221 = arith.constant 0 : i32
      %neg3A_2222 = vector.broadcast %neg3A_2221 : i32 to vector<16xi32>
      %neg3A_2223 = arith.subi %neg3A_2222, %while3A_2220 : vector<16xi32>
      %reduce_max3A = arith.constant true
      %reduce_max3A_2224 = vector.broadcast %reduce_max3A : i1 to vector<16xi1>
      %reduce_max3A_2225 = arith.constant -2147483648 : i32
      %reduce_max3A_2226 = vector.broadcast %reduce_max3A_2225 : i32 to vector<16xi32>
      %reduce_max3A_2227 = arith.xori %neg3A_2223, %reduce_max3A_2226 : vector<16xi32>
      %reduce_max3A_2228 = tpu.scan <max>, %reduce_max3A_2227 masked %reduce_max3A_2224 : vector<16xi32>, vector<16xi1> -> vector<16xi32>
      %reduce_max3A_2229 = arith.xori %reduce_max3A_2228, %reduce_max3A_2226 : vector<16xi32>
      %reduce_max3A_2230 = vector.extract %reduce_max3A_2229[15] : i32 from vector<16xi32>
      %neg3A_2231 = arith.constant 0 : i32
      %neg3A_2232 = arith.subi %neg3A_2231, %reduce_max3A_2230 : i32
      scf.yield %neg3A_2232 : i32
    } else {
      %scan3A_2208 = arith.constant 0 : i32
      %scan3A_2209 = arith.constant 0 : i32
      %scan3A_2210 = arith.constant 15 : i32
      %scan3A_2211 = arith.addi %scan3A_2209, %scan3A_2210 : i32
      %scan3A_2212 = arith.constant 1 : i32
      %scan3A_2213 = scf.for %scan3A_2215 = %scan3A_2209 to %scan3A_2211 step %scan3A_2212 iter_args(%scan3A_2216 = %scan3A_2208) -> (i32)  : i32 {
        %sub3A_2217 = arith.constant 14 : i32
        %sub3A_2218 = arith.subi %sub3A_2217, %scan3A_2215 : i32
        %shift_left3A = arith.constant 1 : i32
        %shift_left3A_2219 = arith.shli %shift_left3A, %sub3A_2218 : i32
        %or3A = arith.ori %scan3A_2216, %shift_left3A_2219 : i32
        %broadcast_in_dim3A_2220 = vector.broadcast %or3A : i32 to vector<16xi32>
        %broadcast_in_dim3A_2221 = arith.constant 0 : i32
        %broadcast_in_dim3A_2222 = vector.broadcast %broadcast_in_dim3A_2221 : i32 to vector<16xi32>
        %while3A_2223 = arith.constant 0 : i32
        %while3A_2224 = arith.subi %select_n3A_1605, %while3A_2223 : i32
        %while3A_2225 = arith.addi %while3A_2223, %while3A_2224 : i32
        %while3A_2226 = arith.constant 1 : i32
        %while3A_2227 = arith.divsi %while3A_2224, %while3A_2226 : i32
        %while3A_2228 = arith.muli %while3A_2227, %while3A_2226 : i32
        %while3A_2229 = arith.addi %while3A_2223, %while3A_2228 : i32
        %while3A_2230 = arith.constant 1 : i32
        %while3A_2231 = scf.for %while3A_2237 = %while3A_2223 to %while3A_2229 step %while3A_2230 iter_args(%while3A_2238 = %broadcast_in_dim3A_2222) -> (vector<16xi32>)  : i32 {
          %mul3A_2239 = arith.constant 16 : i32
          %mul3A_2240 = arith.muli %while3A_2237, %mul3A_2239 : i32
          %get3A = arith.index_cast %mul3A_2240 : i32 to index
          %get3A_2241 = tpu.vector_load %arg6[%get3A] {strides = array<i32>} : memref<32784xi32, #tpu.memory_space<vmem>>, vector<16xi32>,
          %gather3A = tpu.vector_load_idx %arg4[%get3A_2241] : memref<32784xf32, #tpu.memory_space<vmem>>[vector<16xi32>], vector<16xf32>,
          %eq3A_2242 = arith.cmpf oeq, %gather3A, %broadcast_in_dim3A_1619 : vector<16xf32>
          %lt3A_2243 = arith.cmpi slt, %get3A_2241, %broadcast_in_dim3A_2220 : vector<16xi32>
          %and3A_2244 = arith.andi %eq3A_2242, %lt3A_2243 : vector<16xi1>
          %all_reduce_population_count3A = tpu.all_reduce %and3A_2244 {dim = 0 : i64, kind = #tpu.reduction_kind<sum>} : vector<16xi1> -> vector<16xi32>
          %add3A_2245 = arith.addi %while3A_2238, %all_reduce_population_count3A : vector<16xi32>
          scf.yield %add3A_2245 : vector<16xi32>
        }
        %while3A_2232 = arith.constant 1 : i32
        %while3A_2233 = scf.for %while3A_2237 = %while3A_2229 to %while3A_2225 step %while3A_2232 iter_args(%while3A_2238 = %while3A_2231) -> (vector<16xi32>)  : i32 {
          %mul3A_2239 = arith.constant 16 : i32
          %mul3A_2240 = arith.muli %while3A_2237, %mul3A_2239 : i32
          %get3A = arith.index_cast %mul3A_2240 : i32 to index
          %get3A_2241 = tpu.vector_load %arg6[%get3A] {strides = array<i32>} : memref<32784xi32, #tpu.memory_space<vmem>>, vector<16xi32>,
          %gather3A = tpu.vector_load_idx %arg4[%get3A_2241] : memref<32784xf32, #tpu.memory_space<vmem>>[vector<16xi32>], vector<16xf32>,
          %eq3A_2242 = arith.cmpf oeq, %gather3A, %broadcast_in_dim3A_1619 : vector<16xf32>
          %lt3A_2243 = arith.cmpi slt, %get3A_2241, %broadcast_in_dim3A_2220 : vector<16xi32>
          %and3A_2244 = arith.andi %eq3A_2242, %lt3A_2243 : vector<16xi1>
          %all_reduce_population_count3A = tpu.all_reduce %and3A_2244 {dim = 0 : i64, kind = #tpu.reduction_kind<sum>} : vector<16xi1> -> vector<16xi32>
          %add3A_2245 = arith.addi %while3A_2238, %all_reduce_population_count3A : vector<16xi32>
          scf.yield %add3A_2245 : vector<16xi32>
        }
        %slice3A_2234 = vector.extract_strided_slice %while3A_2233 {offsets = [0], sizes = [1], strides = [1]} : vector<16xi32> to vector<1xi32>
        %squeeze3A_2235 = vector.extract %slice3A_2234[0] : i32 from vector<1xi32>
        %lt3A = arith.cmpi slt, %squeeze3A_2235, %sub3A_1636 : i32
        %select_n3A_2236 = arith.select %lt3A, %or3A, %scan3A_2216 : i32
        scf.yield %select_n3A_2236 : i32
      }
      %scan3A_2214 = arith.constant 15 : i32
      scf.yield %scan3A_2213 : i32
    }
    %bitcast_convert_type3A_1644 = arith.bitcast %squeeze3A_1618 : f32 to i32
    %eq3A_1645 = arith.constant 4 : i32
    %eq3A_1646 = vector.broadcast %eq3A_1645 : i32 to vector<16xi32>
    %eq3A_1647 = arith.cmpi eq, %iota3A, %eq3A_1646 : vector<16xi32>
    %broadcast_in_dim3A_1648 = vector.broadcast %bitcast_convert_type3A_1644 : i32 to vector<16xi32>
    %select_n3A_1649 = arith.select %eq3A_1647, %broadcast_in_dim3A_1648, %select_n3A_1101 : vector<16xi1>, vector<16xi32>
    %eq3A_1650 = arith.constant 5 : i32
    %eq3A_1651 = vector.broadcast %eq3A_1650 : i32 to vector<16xi32>
    %eq3A_1652 = arith.cmpi eq, %iota3A, %eq3A_1651 : vector<16xi32>
    %broadcast_in_dim3A_1653 = vector.broadcast %cond3A_1643 : i32 to vector<16xi32>
    %select_n3A_1654 = arith.select %eq3A_1652, %broadcast_in_dim3A_1653, %select_n3A_1649 : vector<16xi1>, vector<16xi32>
    %dma_wait3A_1655 = arith.constant 0 : i32
    %dma_wait3A_1656 = tpu.memref_slice %arg5[%dma_wait3A_1655] : memref<32784xf32, #tpu.memory_space<vmem>> -> memref<32768xf32, #tpu.memory_space<vmem>>
    %dma_wait3A_1657 = arith.constant 0 : i32
    %dma_wait3A_1658 = tpu.memref_slice %arg2[%add3A_1115, %dma_wait3A_1657] : memref<128x32768xf32, #tpu.memory_space<hbm>> -> memref<1x32768xf32, #tpu.memory_space<hbm>>
    %dma_wait3A_1659 = tpu.memref_squeeze %dma_wait3A_1658 : memref<1x32768xf32, #tpu.memory_space<hbm>> -> memref<32768xf32, #tpu.memory_space<hbm>>
    %dma_wait3A_1660 = arith.constant 0 : i32
    %dma_wait3A_1661 = tpu.memref_slice %arg5[%dma_wait3A_1660] : memref<32784xf32, #tpu.memory_space<vmem>> -> memref<32768xf32, #tpu.memory_space<vmem>>
    %dma_wait3A_1662 = arith.constant 0 : i32
    %dma_wait3A_1663 = tpu.memref_slice %arg2[%add3A_1115, %dma_wait3A_1662] : memref<128x32768xf32, #tpu.memory_space<hbm>> -> memref<1x32768xf32, #tpu.memory_space<hbm>>
    %dma_wait3A_1664 = tpu.memref_squeeze %dma_wait3A_1663 : memref<1x32768xf32, #tpu.memory_space<hbm>> -> memref<32768xf32, #tpu.memory_space<hbm>>
    tpu.wait_dma2 semaphore(%arg10 : memref<!tpu.dma_semaphore, #tpu.memory_space<semaphore_mem>>) src(%dma_wait3A_1664 : memref<32768xf32, #tpu.memory_space<hbm>>) dst(%dma_wait3A_1661 : memref<32768xf32, #tpu.memory_space<vmem>>)
    %scan3A_1665 = arith.constant 0 : i32
    %scan3A_1666 = arith.constant 256 : i32
    %scan3A_1667 = arith.addi %scan3A_1665, %scan3A_1666 : i32
    %scan3A_1668 = arith.constant 1 : i32
    %scan3A_1669:8 = scf.for %scan3A_2208 = %scan3A_1665 to %scan3A_1667 step %scan3A_1668 iter_args(%scan3A_2209 = %broadcast_in_dim3A_3, %scan3A_2210 = %broadcast_in_dim3A_3, %scan3A_2211 = %broadcast_in_dim3A_3, %scan3A_2212 = %broadcast_in_dim3A_3, %scan3A_2213 = %broadcast_in_dim3A_3, %scan3A_2214 = %broadcast_in_dim3A_3, %scan3A_2215 = %broadcast_in_dim3A_3, %scan3A_2216 = %broadcast_in_dim3A_3) -> (vector<16xf32>, vector<16xf32>, vector<16xf32>, vector<16xf32>, vector<16xf32>, vector<16xf32>, vector<16xf32>, vector<16xf32>)  : i32 {
      %mul3A_2217 = arith.constant 128 : i32
      %mul3A_2218 = arith.muli %scan3A_2208, %mul3A_2217 : i32
      %add3A_2219 = arith.constant 0 : i32
      %add3A_2220 = arith.addi %mul3A_2218, %add3A_2219 : i32
      %get3A = arith.index_cast %add3A_2220 : i32 to index
      %get3A_2221 = tpu.vector_load %arg5[%get3A] {strides = array<i32>} : memref<32784xf32, #tpu.memory_space<vmem>>, vector<16xf32>,
      %mul3A_2222 = arith.constant 128 : i32
      %mul3A_2223 = arith.muli %scan3A_2208, %mul3A_2222 : i32
      %add3A_2224 = arith.constant 16 : i32
      %add3A_2225 = arith.addi %mul3A_2223, %add3A_2224 : i32
      %get3A_2226 = arith.index_cast %add3A_2225 : i32 to index
      %get3A_2227 = tpu.vector_load %arg5[%get3A_2226] {strides = array<i32>} : memref<32784xf32, #tpu.memory_space<vmem>>, vector<16xf32>,
      %mul3A_2228 = arith.constant 128 : i32
      %mul3A_2229 = arith.muli %scan3A_2208, %mul3A_2228 : i32
      %add3A_2230 = arith.constant 32 : i32
      %add3A_2231 = arith.addi %mul3A_2229, %add3A_2230 : i32
      %get3A_2232 = arith.index_cast %add3A_2231 : i32 to index
      %get3A_2233 = tpu.vector_load %arg5[%get3A_2232] {strides = array<i32>} : memref<32784xf32, #tpu.memory_space<vmem>>, vector<16xf32>,
      %mul3A_2234 = arith.constant 128 : i32
      %mul3A_2235 = arith.muli %scan3A_2208, %mul3A_2234 : i32
      %add3A_2236 = arith.constant 48 : i32
      %add3A_2237 = arith.addi %mul3A_2235, %add3A_2236 : i32
      %get3A_2238 = arith.index_cast %add3A_2237 : i32 to index
      %get3A_2239 = tpu.vector_load %arg5[%get3A_2238] {strides = array<i32>} : memref<32784xf32, #tpu.memory_space<vmem>>, vector<16xf32>,
      %mul3A_2240 = arith.constant 128 : i32
      %mul3A_2241 = arith.muli %scan3A_2208, %mul3A_2240 : i32
      %add3A_2242 = arith.constant 64 : i32
      %add3A_2243 = arith.addi %mul3A_2241, %add3A_2242 : i32
      %get3A_2244 = arith.index_cast %add3A_2243 : i32 to index
      %get3A_2245 = tpu.vector_load %arg5[%get3A_2244] {strides = array<i32>} : memref<32784xf32, #tpu.memory_space<vmem>>, vector<16xf32>,
      %mul3A_2246 = arith.constant 128 : i32
      %mul3A_2247 = arith.muli %scan3A_2208, %mul3A_2246 : i32
      %add3A_2248 = arith.constant 80 : i32
      %add3A_2249 = arith.addi %mul3A_2247, %add3A_2248 : i32
      %get3A_2250 = arith.index_cast %add3A_2249 : i32 to index
      %get3A_2251 = tpu.vector_load %arg5[%get3A_2250] {strides = array<i32>} : memref<32784xf32, #tpu.memory_space<vmem>>, vector<16xf32>,
      %mul3A_2252 = arith.constant 128 : i32
      %mul3A_2253 = arith.muli %scan3A_2208, %mul3A_2252 : i32
      %add3A_2254 = arith.constant 96 : i32
      %add3A_2255 = arith.addi %mul3A_2253, %add3A_2254 : i32
      %get3A_2256 = arith.index_cast %add3A_2255 : i32 to index
      %get3A_2257 = tpu.vector_load %arg5[%get3A_2256] {strides = array<i32>} : memref<32784xf32, #tpu.memory_space<vmem>>, vector<16xf32>,
      %mul3A_2258 = arith.constant 128 : i32
      %mul3A_2259 = arith.muli %scan3A_2208, %mul3A_2258 : i32
      %add3A_2260 = arith.constant 112 : i32
      %add3A_2261 = arith.addi %mul3A_2259, %add3A_2260 : i32
      %get3A_2262 = arith.index_cast %add3A_2261 : i32 to index
      %get3A_2263 = tpu.vector_load %arg5[%get3A_2262] {strides = array<i32>} : memref<32784xf32, #tpu.memory_space<vmem>>, vector<16xf32>,
      %max3A_2264 = arith.maximumf %get3A_2221, %get3A_2227 : vector<16xf32>
      %max3A_2265 = arith.maximumf %get3A_2233, %get3A_2239 : vector<16xf32>
      %max3A_2266 = arith.maximumf %get3A_2245, %get3A_2251 : vector<16xf32>
      %max3A_2267 = arith.maximumf %get3A_2257, %get3A_2263 : vector<16xf32>
      %max3A_2268 = arith.maximumf %max3A_2264, %max3A_2265 : vector<16xf32>
      %max3A_2269 = arith.maximumf %max3A_2266, %max3A_2267 : vector<16xf32>
      %max3A_2270 = arith.maximumf %max3A_2268, %max3A_2269 : vector<16xf32>
      %reduce_max3A = arith.constant true
      %reduce_max3A_2271 = vector.broadcast %reduce_max3A : i1 to vector<16xi1>
      %reduce_max3A_2272 = tpu.scan <max>, %max3A_2270 masked %reduce_max3A_2271 : vector<16xf32>, vector<16xi1> -> vector<16xf32>
      %reduce_max3A_2273 = vector.extract %reduce_max3A_2272[15] : f32 from vector<16xf32>
      %swap3A_2274 = arith.index_cast %scan3A_2208 : i32 to index
      %swap3A_2275 = memref.load %arg7[%swap3A_2274] : memref<256xf32, #tpu.memory_space<smem>>
      memref.store %reduce_max3A_2273, %arg7[%swap3A_2274] : memref<256xf32, #tpu.memory_space<smem>>
      %max3A_2276 = arith.maximumf %scan3A_2209, %get3A_2221 : vector<16xf32>
      %max3A_2277 = arith.maximumf %scan3A_2210, %get3A_2227 : vector<16xf32>
      %max3A_2278 = arith.maximumf %scan3A_2211, %get3A_2233 : vector<16xf32>
      %max3A_2279 = arith.maximumf %scan3A_2212, %get3A_2239 : vector<16xf32>
      %max3A_2280 = arith.maximumf %scan3A_2213, %get3A_2245 : vector<16xf32>
      %max3A_2281 = arith.maximumf %scan3A_2214, %get3A_2251 : vector<16xf32>
      %max3A_2282 = arith.maximumf %scan3A_2215, %get3A_2257 : vector<16xf32>
      %max3A_2283 = arith.maximumf %scan3A_2216, %get3A_2263 : vector<16xf32>
      scf.yield %max3A_2276, %max3A_2277, %max3A_2278, %max3A_2279, %max3A_2280, %max3A_2281, %max3A_2282, %max3A_2283 : vector<16xf32>, vector<16xf32>, vector<16xf32>, vector<16xf32>, vector<16xf32>, vector<16xf32>, vector<16xf32>, vector<16xf32>
    }
    %scan3A_1670 = arith.constant 256 : i32
    %neg3A_1671 = arith.constant 0.000000e+00 : f32
    %neg3A_1672 = vector.broadcast %neg3A_1671 : f32 to vector<16xf32>
    %neg3A_1673 = arith.subf %neg3A_1672, %scan3A_1669#0 : vector<16xf32>
    %sort3A_1674 = arith.constant dense<true> : vector<16xi1>
    %sort3A_1675, %sort3A_1676, %sort3A_1677 = tpu.sort %neg3A_1673, %neg3A_1673 masked %sort3A_1674 : (vector<16xf32>, vector<16xf32>, vector<16xi1>) -> (vector<16xi1>, vector<16xf32>, vector<16xf32>)
    %neg3A_1678 = arith.constant 0.000000e+00 : f32
    %neg3A_1679 = vector.broadcast %neg3A_1678 : f32 to vector<16xf32>
    %neg3A_1680 = arith.subf %neg3A_1679, %sort3A_1676 : vector<16xf32>
    %neg3A_1681 = arith.constant 0.000000e+00 : f32
    %neg3A_1682 = vector.broadcast %neg3A_1681 : f32 to vector<16xf32>
    %neg3A_1683 = arith.subf %neg3A_1682, %scan3A_1669#1 : vector<16xf32>
    %sort3A_1684 = arith.constant dense<true> : vector<16xi1>
    %sort3A_1685, %sort3A_1686, %sort3A_1687 = tpu.sort %neg3A_1683, %neg3A_1683 masked %sort3A_1684 : (vector<16xf32>, vector<16xf32>, vector<16xi1>) -> (vector<16xi1>, vector<16xf32>, vector<16xf32>)
    %neg3A_1688 = arith.constant 0.000000e+00 : f32
    %neg3A_1689 = vector.broadcast %neg3A_1688 : f32 to vector<16xf32>
    %neg3A_1690 = arith.subf %neg3A_1689, %sort3A_1686 : vector<16xf32>
    %rev3A_1691 = arith.constant 15 : i32
    %rev3A_1692 = vector.broadcast %rev3A_1691 : i32 to vector<16xi32>
    %rev3A_1693 = tpu.iota {dimensions = array<i32: 0>} : vector<16xi32>
    %rev3A_1694 = arith.subi %rev3A_1692, %rev3A_1693 : vector<16xi32>
    %rev3A_1695 = tpu.dynamic_gather %neg3A_1690[%rev3A_1694] in [0] : vector<16xf32>, vector<16xi32> -> vector<16xf32>
    %max3A_1696 = arith.maximumf %neg3A_1680, %rev3A_1695 : vector<16xf32>
    %min3A_1697 = arith.minimumf %neg3A_1680, %rev3A_1695 : vector<16xf32>
    %neg3A_1698 = arith.constant 0.000000e+00 : f32
    %neg3A_1699 = vector.broadcast %neg3A_1698 : f32 to vector<16xf32>
    %neg3A_1700 = arith.subf %neg3A_1699, %max3A_1696 : vector<16xf32>
    %sort3A_1701 = arith.constant dense<true> : vector<16xi1>
    %sort3A_1702, %sort3A_1703, %sort3A_1704 = tpu.sort %neg3A_1700, %neg3A_1700 masked %sort3A_1701 : (vector<16xf32>, vector<16xf32>, vector<16xi1>) -> (vector<16xi1>, vector<16xf32>, vector<16xf32>)
    %neg3A_1705 = arith.constant 0.000000e+00 : f32
    %neg3A_1706 = vector.broadcast %neg3A_1705 : f32 to vector<16xf32>
    %neg3A_1707 = arith.subf %neg3A_1706, %sort3A_1703 : vector<16xf32>
    %neg3A_1708 = arith.constant 0.000000e+00 : f32
    %neg3A_1709 = vector.broadcast %neg3A_1708 : f32 to vector<16xf32>
    %neg3A_1710 = arith.subf %neg3A_1709, %min3A_1697 : vector<16xf32>
    %sort3A_1711 = arith.constant dense<true> : vector<16xi1>
    %sort3A_1712, %sort3A_1713, %sort3A_1714 = tpu.sort %neg3A_1710, %neg3A_1710 masked %sort3A_1711 : (vector<16xf32>, vector<16xf32>, vector<16xi1>) -> (vector<16xi1>, vector<16xf32>, vector<16xf32>)
    %neg3A_1715 = arith.constant 0.000000e+00 : f32
    %neg3A_1716 = vector.broadcast %neg3A_1715 : f32 to vector<16xf32>
    %neg3A_1717 = arith.subf %neg3A_1716, %sort3A_1713 : vector<16xf32>
    %neg3A_1718 = arith.constant 0.000000e+00 : f32
    %neg3A_1719 = vector.broadcast %neg3A_1718 : f32 to vector<16xf32>
    %neg3A_1720 = arith.subf %neg3A_1719, %scan3A_1669#2 : vector<16xf32>
    %sort3A_1721 = arith.constant dense<true> : vector<16xi1>
    %sort3A_1722, %sort3A_1723, %sort3A_1724 = tpu.sort %neg3A_1720, %neg3A_1720 masked %sort3A_1721 : (vector<16xf32>, vector<16xf32>, vector<16xi1>) -> (vector<16xi1>, vector<16xf32>, vector<16xf32>)
    %neg3A_1725 = arith.constant 0.000000e+00 : f32
    %neg3A_1726 = vector.broadcast %neg3A_1725 : f32 to vector<16xf32>
    %neg3A_1727 = arith.subf %neg3A_1726, %sort3A_1723 : vector<16xf32>
    %rev3A_1728 = arith.constant 15 : i32
    %rev3A_1729 = vector.broadcast %rev3A_1728 : i32 to vector<16xi32>
    %rev3A_1730 = tpu.iota {dimensions = array<i32: 0>} : vector<16xi32>
    %rev3A_1731 = arith.subi %rev3A_1729, %rev3A_1730 : vector<16xi32>
    %rev3A_1732 = tpu.dynamic_gather %neg3A_1727[%rev3A_1731] in [0] : vector<16xf32>, vector<16xi32> -> vector<16xf32>
    %max3A_1733 = arith.maximumf %neg3A_1717, %rev3A_1732 : vector<16xf32>
    %min3A_1734 = arith.minimumf %neg3A_1717, %rev3A_1732 : vector<16xf32>
    %neg3A_1735 = arith.constant 0.000000e+00 : f32
    %neg3A_1736 = vector.broadcast %neg3A_1735 : f32 to vector<16xf32>
    %neg3A_1737 = arith.subf %neg3A_1736, %max3A_1733 : vector<16xf32>
    %sort3A_1738 = arith.constant dense<true> : vector<16xi1>
    %sort3A_1739, %sort3A_1740, %sort3A_1741 = tpu.sort %neg3A_1737, %neg3A_1737 masked %sort3A_1738 : (vector<16xf32>, vector<16xf32>, vector<16xi1>) -> (vector<16xi1>, vector<16xf32>, vector<16xf32>)
    %neg3A_1742 = arith.constant 0.000000e+00 : f32
    %neg3A_1743 = vector.broadcast %neg3A_1742 : f32 to vector<16xf32>
    %neg3A_1744 = arith.subf %neg3A_1743, %sort3A_1740 : vector<16xf32>
    %neg3A_1745 = arith.constant 0.000000e+00 : f32
    %neg3A_1746 = vector.broadcast %neg3A_1745 : f32 to vector<16xf32>
    %neg3A_1747 = arith.subf %neg3A_1746, %min3A_1734 : vector<16xf32>
    %sort3A_1748 = arith.constant dense<true> : vector<16xi1>
    %sort3A_1749, %sort3A_1750, %sort3A_1751 = tpu.sort %neg3A_1747, %neg3A_1747 masked %sort3A_1748 : (vector<16xf32>, vector<16xf32>, vector<16xi1>) -> (vector<16xi1>, vector<16xf32>, vector<16xf32>)
    %neg3A_1752 = arith.constant 0.000000e+00 : f32
    %neg3A_1753 = vector.broadcast %neg3A_1752 : f32 to vector<16xf32>
    %neg3A_1754 = arith.subf %neg3A_1753, %sort3A_1750 : vector<16xf32>
    %rev3A_1755 = arith.constant 15 : i32
    %rev3A_1756 = vector.broadcast %rev3A_1755 : i32 to vector<16xi32>
    %rev3A_1757 = tpu.iota {dimensions = array<i32: 0>} : vector<16xi32>
    %rev3A_1758 = arith.subi %rev3A_1756, %rev3A_1757 : vector<16xi32>
    %rev3A_1759 = tpu.dynamic_gather %neg3A_1744[%rev3A_1758] in [0] : vector<16xf32>, vector<16xi32> -> vector<16xf32>
    %max3A_1760 = arith.maximumf %neg3A_1707, %rev3A_1759 : vector<16xf32>
    %min3A_1761 = arith.minimumf %neg3A_1707, %rev3A_1759 : vector<16xf32>
    %neg3A_1762 = arith.constant 0.000000e+00 : f32
    %neg3A_1763 = vector.broadcast %neg3A_1762 : f32 to vector<16xf32>
    %neg3A_1764 = arith.subf %neg3A_1763, %max3A_1760 : vector<16xf32>
    %sort3A_1765 = arith.constant dense<true> : vector<16xi1>
    %sort3A_1766, %sort3A_1767, %sort3A_1768 = tpu.sort %neg3A_1764, %neg3A_1764 masked %sort3A_1765 : (vector<16xf32>, vector<16xf32>, vector<16xi1>) -> (vector<16xi1>, vector<16xf32>, vector<16xf32>)
    %neg3A_1769 = arith.constant 0.000000e+00 : f32
    %neg3A_1770 = vector.broadcast %neg3A_1769 : f32 to vector<16xf32>
    %neg3A_1771 = arith.subf %neg3A_1770, %sort3A_1767 : vector<16xf32>
    %neg3A_1772 = arith.constant 0.000000e+00 : f32
    %neg3A_1773 = vector.broadcast %neg3A_1772 : f32 to vector<16xf32>
    %neg3A_1774 = arith.subf %neg3A_1773, %min3A_1761 : vector<16xf32>
    %sort3A_1775 = arith.constant dense<true> : vector<16xi1>
    %sort3A_1776, %sort3A_1777, %sort3A_1778 = tpu.sort %neg3A_1774, %neg3A_1774 masked %sort3A_1775 : (vector<16xf32>, vector<16xf32>, vector<16xi1>) -> (vector<16xi1>, vector<16xf32>, vector<16xf32>)
    %neg3A_1779 = arith.constant 0.000000e+00 : f32
    %neg3A_1780 = vector.broadcast %neg3A_1779 : f32 to vector<16xf32>
    %neg3A_1781 = arith.subf %neg3A_1780, %sort3A_1777 : vector<16xf32>
    %neg3A_1782 = arith.constant 0.000000e+00 : f32
    %neg3A_1783 = vector.broadcast %neg3A_1782 : f32 to vector<16xf32>
    %neg3A_1784 = arith.subf %neg3A_1783, %scan3A_1669#3 : vector<16xf32>
    %sort3A_1785 = arith.constant dense<true> : vector<16xi1>
    %sort3A_1786, %sort3A_1787, %sort3A_1788 = tpu.sort %neg3A_1784, %neg3A_1784 masked %sort3A_1785 : (vector<16xf32>, vector<16xf32>, vector<16xi1>) -> (vector<16xi1>, vector<16xf32>, vector<16xf32>)
    %neg3A_1789 = arith.constant 0.000000e+00 : f32
    %neg3A_1790 = vector.broadcast %neg3A_1789 : f32 to vector<16xf32>
    %neg3A_1791 = arith.subf %neg3A_1790, %sort3A_1787 : vector<16xf32>
    %rev3A_1792 = arith.constant 15 : i32
    %rev3A_1793 = vector.broadcast %rev3A_1792 : i32 to vector<16xi32>
    %rev3A_1794 = tpu.iota {dimensions = array<i32: 0>} : vector<16xi32>
    %rev3A_1795 = arith.subi %rev3A_1793, %rev3A_1794 : vector<16xi32>
    %rev3A_1796 = tpu.dynamic_gather %neg3A_1791[%rev3A_1795] in [0] : vector<16xf32>, vector<16xi32> -> vector<16xf32>
    %max3A_1797 = arith.maximumf %neg3A_1781, %rev3A_1796 : vector<16xf32>
    %min3A_1798 = arith.minimumf %neg3A_1781, %rev3A_1796 : vector<16xf32>
    %neg3A_1799 = arith.constant 0.000000e+00 : f32
    %neg3A_1800 = vector.broadcast %neg3A_1799 : f32 to vector<16xf32>
    %neg3A_1801 = arith.subf %neg3A_1800, %max3A_1797 : vector<16xf32>
    %sort3A_1802 = arith.constant dense<true> : vector<16xi1>
    %sort3A_1803, %sort3A_1804, %sort3A_1805 = tpu.sort %neg3A_1801, %neg3A_1801 masked %sort3A_1802 : (vector<16xf32>, vector<16xf32>, vector<16xi1>) -> (vector<16xi1>, vector<16xf32>, vector<16xf32>)
    %neg3A_1806 = arith.constant 0.000000e+00 : f32
    %neg3A_1807 = vector.broadcast %neg3A_1806 : f32 to vector<16xf32>
    %neg3A_1808 = arith.subf %neg3A_1807, %sort3A_1804 : vector<16xf32>
    %neg3A_1809 = arith.constant 0.000000e+00 : f32
    %neg3A_1810 = vector.broadcast %neg3A_1809 : f32 to vector<16xf32>
    %neg3A_1811 = arith.subf %neg3A_1810, %min3A_1798 : vector<16xf32>
    %sort3A_1812 = arith.constant dense<true> : vector<16xi1>
    %sort3A_1813, %sort3A_1814, %sort3A_1815 = tpu.sort %neg3A_1811, %neg3A_1811 masked %sort3A_1812 : (vector<16xf32>, vector<16xf32>, vector<16xi1>) -> (vector<16xi1>, vector<16xf32>, vector<16xf32>)
    %neg3A_1816 = arith.constant 0.000000e+00 : f32
    %neg3A_1817 = vector.broadcast %neg3A_1816 : f32 to vector<16xf32>
    %neg3A_1818 = arith.subf %neg3A_1817, %sort3A_1814 : vector<16xf32>
    %rev3A_1819 = arith.constant 15 : i32
    %rev3A_1820 = vector.broadcast %rev3A_1819 : i32 to vector<16xi32>
    %rev3A_1821 = tpu.iota {dimensions = array<i32: 0>} : vector<16xi32>
    %rev3A_1822 = arith.subi %rev3A_1820, %rev3A_1821 : vector<16xi32>
    %rev3A_1823 = tpu.dynamic_gather %neg3A_1808[%rev3A_1822] in [0] : vector<16xf32>, vector<16xi32> -> vector<16xf32>
    %max3A_1824 = arith.maximumf %neg3A_1771, %rev3A_1823 : vector<16xf32>
    %min3A_1825 = arith.minimumf %neg3A_1771, %rev3A_1823 : vector<16xf32>
    %neg3A_1826 = arith.constant 0.000000e+00 : f32
    %neg3A_1827 = vector.broadcast %neg3A_1826 : f32 to vector<16xf32>
    %neg3A_1828 = arith.subf %neg3A_1827, %max3A_1824 : vector<16xf32>
    %sort3A_1829 = arith.constant dense<true> : vector<16xi1>
    %sort3A_1830, %sort3A_1831, %sort3A_1832 = tpu.sort %neg3A_1828, %neg3A_1828 masked %sort3A_1829 : (vector<16xf32>, vector<16xf32>, vector<16xi1>) -> (vector<16xi1>, vector<16xf32>, vector<16xf32>)
    %neg3A_1833 = arith.constant 0.000000e+00 : f32
    %neg3A_1834 = vector.broadcast %neg3A_1833 : f32 to vector<16xf32>
    %neg3A_1835 = arith.subf %neg3A_1834, %sort3A_1831 : vector<16xf32>
    %neg3A_1836 = arith.constant 0.000000e+00 : f32
    %neg3A_1837 = vector.broadcast %neg3A_1836 : f32 to vector<16xf32>
    %neg3A_1838 = arith.subf %neg3A_1837, %min3A_1825 : vector<16xf32>
    %sort3A_1839 = arith.constant dense<true> : vector<16xi1>
    %sort3A_1840, %sort3A_1841, %sort3A_1842 = tpu.sort %neg3A_1838, %neg3A_1838 masked %sort3A_1839 : (vector<16xf32>, vector<16xf32>, vector<16xi1>) -> (vector<16xi1>, vector<16xf32>, vector<16xf32>)
    %neg3A_1843 = arith.constant 0.000000e+00 : f32
    %neg3A_1844 = vector.broadcast %neg3A_1843 : f32 to vector<16xf32>
    %neg3A_1845 = arith.subf %neg3A_1844, %sort3A_1841 : vector<16xf32>
    %neg3A_1846 = arith.constant 0.000000e+00 : f32
    %neg3A_1847 = vector.broadcast %neg3A_1846 : f32 to vector<16xf32>
    %neg3A_1848 = arith.subf %neg3A_1847, %scan3A_1669#4 : vector<16xf32>
    %sort3A_1849 = arith.constant dense<true> : vector<16xi1>
    %sort3A_1850, %sort3A_1851, %sort3A_1852 = tpu.sort %neg3A_1848, %neg3A_1848 masked %sort3A_1849 : (vector<16xf32>, vector<16xf32>, vector<16xi1>) -> (vector<16xi1>, vector<16xf32>, vector<16xf32>)
    %neg3A_1853 = arith.constant 0.000000e+00 : f32
    %neg3A_1854 = vector.broadcast %neg3A_1853 : f32 to vector<16xf32>
    %neg3A_1855 = arith.subf %neg3A_1854, %sort3A_1851 : vector<16xf32>
    %rev3A_1856 = arith.constant 15 : i32
    %rev3A_1857 = vector.broadcast %rev3A_1856 : i32 to vector<16xi32>
    %rev3A_1858 = tpu.iota {dimensions = array<i32: 0>} : vector<16xi32>
    %rev3A_1859 = arith.subi %rev3A_1857, %rev3A_1858 : vector<16xi32>
    %rev3A_1860 = tpu.dynamic_gather %neg3A_1855[%rev3A_1859] in [0] : vector<16xf32>, vector<16xi32> -> vector<16xf32>
    %max3A_1861 = arith.maximumf %neg3A_1845, %rev3A_1860 : vector<16xf32>
    %min3A_1862 = arith.minimumf %neg3A_1845, %rev3A_1860 : vector<16xf32>
    %neg3A_1863 = arith.constant 0.000000e+00 : f32
    %neg3A_1864 = vector.broadcast %neg3A_1863 : f32 to vector<16xf32>
    %neg3A_1865 = arith.subf %neg3A_1864, %max3A_1861 : vector<16xf32>
    %sort3A_1866 = arith.constant dense<true> : vector<16xi1>
    %sort3A_1867, %sort3A_1868, %sort3A_1869 = tpu.sort %neg3A_1865, %neg3A_1865 masked %sort3A_1866 : (vector<16xf32>, vector<16xf32>, vector<16xi1>) -> (vector<16xi1>, vector<16xf32>, vector<16xf32>)
    %neg3A_1870 = arith.constant 0.000000e+00 : f32
    %neg3A_1871 = vector.broadcast %neg3A_1870 : f32 to vector<16xf32>
    %neg3A_1872 = arith.subf %neg3A_1871, %sort3A_1868 : vector<16xf32>
    %neg3A_1873 = arith.constant 0.000000e+00 : f32
    %neg3A_1874 = vector.broadcast %neg3A_1873 : f32 to vector<16xf32>
    %neg3A_1875 = arith.subf %neg3A_1874, %min3A_1862 : vector<16xf32>
    %sort3A_1876 = arith.constant dense<true> : vector<16xi1>
    %sort3A_1877, %sort3A_1878, %sort3A_1879 = tpu.sort %neg3A_1875, %neg3A_1875 masked %sort3A_1876 : (vector<16xf32>, vector<16xf32>, vector<16xi1>) -> (vector<16xi1>, vector<16xf32>, vector<16xf32>)
    %neg3A_1880 = arith.constant 0.000000e+00 : f32
    %neg3A_1881 = vector.broadcast %neg3A_1880 : f32 to vector<16xf32>
    %neg3A_1882 = arith.subf %neg3A_1881, %sort3A_1878 : vector<16xf32>
    %rev3A_1883 = arith.constant 15 : i32
    %rev3A_1884 = vector.broadcast %rev3A_1883 : i32 to vector<16xi32>
    %rev3A_1885 = tpu.iota {dimensions = array<i32: 0>} : vector<16xi32>
    %rev3A_1886 = arith.subi %rev3A_1884, %rev3A_1885 : vector<16xi32>
    %rev3A_1887 = tpu.dynamic_gather %neg3A_1872[%rev3A_1886] in [0] : vector<16xf32>, vector<16xi32> -> vector<16xf32>
    %max3A_1888 = arith.maximumf %neg3A_1835, %rev3A_1887 : vector<16xf32>
    %min3A_1889 = arith.minimumf %neg3A_1835, %rev3A_1887 : vector<16xf32>
    %neg3A_1890 = arith.constant 0.000000e+00 : f32
    %neg3A_1891 = vector.broadcast %neg3A_1890 : f32 to vector<16xf32>
    %neg3A_1892 = arith.subf %neg3A_1891, %max3A_1888 : vector<16xf32>
    %sort3A_1893 = arith.constant dense<true> : vector<16xi1>
    %sort3A_1894, %sort3A_1895, %sort3A_1896 = tpu.sort %neg3A_1892, %neg3A_1892 masked %sort3A_1893 : (vector<16xf32>, vector<16xf32>, vector<16xi1>) -> (vector<16xi1>, vector<16xf32>, vector<16xf32>)
    %neg3A_1897 = arith.constant 0.000000e+00 : f32
    %neg3A_1898 = vector.broadcast %neg3A_1897 : f32 to vector<16xf32>
    %neg3A_1899 = arith.subf %neg3A_1898, %sort3A_1895 : vector<16xf32>
    %neg3A_1900 = arith.constant 0.000000e+00 : f32
    %neg3A_1901 = vector.broadcast %neg3A_1900 : f32 to vector<16xf32>
    %neg3A_1902 = arith.subf %neg3A_1901, %min3A_1889 : vector<16xf32>
    %sort3A_1903 = arith.constant dense<true> : vector<16xi1>
    %sort3A_1904, %sort3A_1905, %sort3A_1906 = tpu.sort %neg3A_1902, %neg3A_1902 masked %sort3A_1903 : (vector<16xf32>, vector<16xf32>, vector<16xi1>) -> (vector<16xi1>, vector<16xf32>, vector<16xf32>)
    %neg3A_1907 = arith.constant 0.000000e+00 : f32
    %neg3A_1908 = vector.broadcast %neg3A_1907 : f32 to vector<16xf32>
    %neg3A_1909 = arith.subf %neg3A_1908, %sort3A_1905 : vector<16xf32>
    %neg3A_1910 = arith.constant 0.000000e+00 : f32
    %neg3A_1911 = vector.broadcast %neg3A_1910 : f32 to vector<16xf32>
    %neg3A_1912 = arith.subf %neg3A_1911, %scan3A_1669#5 : vector<16xf32>
    %sort3A_1913 = arith.constant dense<true> : vector<16xi1>
    %sort3A_1914, %sort3A_1915, %sort3A_1916 = tpu.sort %neg3A_1912, %neg3A_1912 masked %sort3A_1913 : (vector<16xf32>, vector<16xf32>, vector<16xi1>) -> (vector<16xi1>, vector<16xf32>, vector<16xf32>)
    %neg3A_1917 = arith.constant 0.000000e+00 : f32
    %neg3A_1918 = vector.broadcast %neg3A_1917 : f32 to vector<16xf32>
    %neg3A_1919 = arith.subf %neg3A_1918, %sort3A_1915 : vector<16xf32>
    %rev3A_1920 = arith.constant 15 : i32
    %rev3A_1921 = vector.broadcast %rev3A_1920 : i32 to vector<16xi32>
    %rev3A_1922 = tpu.iota {dimensions = array<i32: 0>} : vector<16xi32>
    %rev3A_1923 = arith.subi %rev3A_1921, %rev3A_1922 : vector<16xi32>
    %rev3A_1924 = tpu.dynamic_gather %neg3A_1919[%rev3A_1923] in [0] : vector<16xf32>, vector<16xi32> -> vector<16xf32>
    %max3A_1925 = arith.maximumf %neg3A_1909, %rev3A_1924 : vector<16xf32>
    %min3A_1926 = arith.minimumf %neg3A_1909, %rev3A_1924 : vector<16xf32>
    %neg3A_1927 = arith.constant 0.000000e+00 : f32
    %neg3A_1928 = vector.broadcast %neg3A_1927 : f32 to vector<16xf32>
    %neg3A_1929 = arith.subf %neg3A_1928, %max3A_1925 : vector<16xf32>
    %sort3A_1930 = arith.constant dense<true> : vector<16xi1>
    %sort3A_1931, %sort3A_1932, %sort3A_1933 = tpu.sort %neg3A_1929, %neg3A_1929 masked %sort3A_1930 : (vector<16xf32>, vector<16xf32>, vector<16xi1>) -> (vector<16xi1>, vector<16xf32>, vector<16xf32>)
    %neg3A_1934 = arith.constant 0.000000e+00 : f32
    %neg3A_1935 = vector.broadcast %neg3A_1934 : f32 to vector<16xf32>
    %neg3A_1936 = arith.subf %neg3A_1935, %sort3A_1932 : vector<16xf32>
    %neg3A_1937 = arith.constant 0.000000e+00 : f32
    %neg3A_1938 = vector.broadcast %neg3A_1937 : f32 to vector<16xf32>
    %neg3A_1939 = arith.subf %neg3A_1938, %min3A_1926 : vector<16xf32>
    %sort3A_1940 = arith.constant dense<true> : vector<16xi1>
    %sort3A_1941, %sort3A_1942, %sort3A_1943 = tpu.sort %neg3A_1939, %neg3A_1939 masked %sort3A_1940 : (vector<16xf32>, vector<16xf32>, vector<16xi1>) -> (vector<16xi1>, vector<16xf32>, vector<16xf32>)
    %neg3A_1944 = arith.constant 0.000000e+00 : f32
    %neg3A_1945 = vector.broadcast %neg3A_1944 : f32 to vector<16xf32>
    %neg3A_1946 = arith.subf %neg3A_1945, %sort3A_1942 : vector<16xf32>
    %rev3A_1947 = arith.constant 15 : i32
    %rev3A_1948 = vector.broadcast %rev3A_1947 : i32 to vector<16xi32>
    %rev3A_1949 = tpu.iota {dimensions = array<i32: 0>} : vector<16xi32>
    %rev3A_1950 = arith.subi %rev3A_1948, %rev3A_1949 : vector<16xi32>
    %rev3A_1951 = tpu.dynamic_gather %neg3A_1936[%rev3A_1950] in [0] : vector<16xf32>, vector<16xi32> -> vector<16xf32>
    %max3A_1952 = arith.maximumf %neg3A_1899, %rev3A_1951 : vector<16xf32>
    %min3A_1953 = arith.minimumf %neg3A_1899, %rev3A_1951 : vector<16xf32>
    %neg3A_1954 = arith.constant 0.000000e+00 : f32
    %neg3A_1955 = vector.broadcast %neg3A_1954 : f32 to vector<16xf32>
    %neg3A_1956 = arith.subf %neg3A_1955, %max3A_1952 : vector<16xf32>
    %sort3A_1957 = arith.constant dense<true> : vector<16xi1>
    %sort3A_1958, %sort3A_1959, %sort3A_1960 = tpu.sort %neg3A_1956, %neg3A_1956 masked %sort3A_1957 : (vector<16xf32>, vector<16xf32>, vector<16xi1>) -> (vector<16xi1>, vector<16xf32>, vector<16xf32>)
    %neg3A_1961 = arith.constant 0.000000e+00 : f32
    %neg3A_1962 = vector.broadcast %neg3A_1961 : f32 to vector<16xf32>
    %neg3A_1963 = arith.subf %neg3A_1962, %sort3A_1959 : vector<16xf32>
    %neg3A_1964 = arith.constant 0.000000e+00 : f32
    %neg3A_1965 = vector.broadcast %neg3A_1964 : f32 to vector<16xf32>
    %neg3A_1966 = arith.subf %neg3A_1965, %min3A_1953 : vector<16xf32>
    %sort3A_1967 = arith.constant dense<true> : vector<16xi1>
    %sort3A_1968, %sort3A_1969, %sort3A_1970 = tpu.sort %neg3A_1966, %neg3A_1966 masked %sort3A_1967 : (vector<16xf32>, vector<16xf32>, vector<16xi1>) -> (vector<16xi1>, vector<16xf32>, vector<16xf32>)
    %neg3A_1971 = arith.constant 0.000000e+00 : f32
    %neg3A_1972 = vector.broadcast %neg3A_1971 : f32 to vector<16xf32>
    %neg3A_1973 = arith.subf %neg3A_1972, %sort3A_1969 : vector<16xf32>
    %neg3A_1974 = arith.constant 0.000000e+00 : f32
    %neg3A_1975 = vector.broadcast %neg3A_1974 : f32 to vector<16xf32>
    %neg3A_1976 = arith.subf %neg3A_1975, %scan3A_1669#6 : vector<16xf32>
    %sort3A_1977 = arith.constant dense<true> : vector<16xi1>
    %sort3A_1978, %sort3A_1979, %sort3A_1980 = tpu.sort %neg3A_1976, %neg3A_1976 masked %sort3A_1977 : (vector<16xf32>, vector<16xf32>, vector<16xi1>) -> (vector<16xi1>, vector<16xf32>, vector<16xf32>)
    %neg3A_1981 = arith.constant 0.000000e+00 : f32
    %neg3A_1982 = vector.broadcast %neg3A_1981 : f32 to vector<16xf32>
    %neg3A_1983 = arith.subf %neg3A_1982, %sort3A_1979 : vector<16xf32>
    %rev3A_1984 = arith.constant 15 : i32
    %rev3A_1985 = vector.broadcast %rev3A_1984 : i32 to vector<16xi32>
    %rev3A_1986 = tpu.iota {dimensions = array<i32: 0>} : vector<16xi32>
    %rev3A_1987 = arith.subi %rev3A_1985, %rev3A_1986 : vector<16xi32>
    %rev3A_1988 = tpu.dynamic_gather %neg3A_1983[%rev3A_1987] in [0] : vector<16xf32>, vector<16xi32> -> vector<16xf32>
    %max3A_1989 = arith.maximumf %neg3A_1973, %rev3A_1988 : vector<16xf32>
    %min3A_1990 = arith.minimumf %neg3A_1973, %rev3A_1988 : vector<16xf32>
    %neg3A_1991 = arith.constant 0.000000e+00 : f32
    %neg3A_1992 = vector.broadcast %neg3A_1991 : f32 to vector<16xf32>
    %neg3A_1993 = arith.subf %neg3A_1992, %max3A_1989 : vector<16xf32>
    %sort3A_1994 = arith.constant dense<true> : vector<16xi1>
    %sort3A_1995, %sort3A_1996, %sort3A_1997 = tpu.sort %neg3A_1993, %neg3A_1993 masked %sort3A_1994 : (vector<16xf32>, vector<16xf32>, vector<16xi1>) -> (vector<16xi1>, vector<16xf32>, vector<16xf32>)
    %neg3A_1998 = arith.constant 0.000000e+00 : f32
    %neg3A_1999 = vector.broadcast %neg3A_1998 : f32 to vector<16xf32>
    %neg3A_2000 = arith.subf %neg3A_1999, %sort3A_1996 : vector<16xf32>
    %neg3A_2001 = arith.constant 0.000000e+00 : f32
    %neg3A_2002 = vector.broadcast %neg3A_2001 : f32 to vector<16xf32>
    %neg3A_2003 = arith.subf %neg3A_2002, %min3A_1990 : vector<16xf32>
    %sort3A_2004 = arith.constant dense<true> : vector<16xi1>
    %sort3A_2005, %sort3A_2006, %sort3A_2007 = tpu.sort %neg3A_2003, %neg3A_2003 masked %sort3A_2004 : (vector<16xf32>, vector<16xf32>, vector<16xi1>) -> (vector<16xi1>, vector<16xf32>, vector<16xf32>)
    %neg3A_2008 = arith.constant 0.000000e+00 : f32
    %neg3A_2009 = vector.broadcast %neg3A_2008 : f32 to vector<16xf32>
    %neg3A_2010 = arith.subf %neg3A_2009, %sort3A_2006 : vector<16xf32>
    %rev3A_2011 = arith.constant 15 : i32
    %rev3A_2012 = vector.broadcast %rev3A_2011 : i32 to vector<16xi32>
    %rev3A_2013 = tpu.iota {dimensions = array<i32: 0>} : vector<16xi32>
    %rev3A_2014 = arith.subi %rev3A_2012, %rev3A_2013 : vector<16xi32>
    %rev3A_2015 = tpu.dynamic_gather %neg3A_2000[%rev3A_2014] in [0] : vector<16xf32>, vector<16xi32> -> vector<16xf32>
    %max3A_2016 = arith.maximumf %neg3A_1963, %rev3A_2015 : vector<16xf32>
    %min3A_2017 = arith.minimumf %neg3A_1963, %rev3A_2015 : vector<16xf32>
    %neg3A_2018 = arith.constant 0.000000e+00 : f32
    %neg3A_2019 = vector.broadcast %neg3A_2018 : f32 to vector<16xf32>
    %neg3A_2020 = arith.subf %neg3A_2019, %max3A_2016 : vector<16xf32>
    %sort3A_2021 = arith.constant dense<true> : vector<16xi1>
    %sort3A_2022, %sort3A_2023, %sort3A_2024 = tpu.sort %neg3A_2020, %neg3A_2020 masked %sort3A_2021 : (vector<16xf32>, vector<16xf32>, vector<16xi1>) -> (vector<16xi1>, vector<16xf32>, vector<16xf32>)
    %neg3A_2025 = arith.constant 0.000000e+00 : f32
    %neg3A_2026 = vector.broadcast %neg3A_2025 : f32 to vector<16xf32>
    %neg3A_2027 = arith.subf %neg3A_2026, %sort3A_2023 : vector<16xf32>
    %neg3A_2028 = arith.constant 0.000000e+00 : f32
    %neg3A_2029 = vector.broadcast %neg3A_2028 : f32 to vector<16xf32>
    %neg3A_2030 = arith.subf %neg3A_2029, %min3A_2017 : vector<16xf32>
    %sort3A_2031 = arith.constant dense<true> : vector<16xi1>
    %sort3A_2032, %sort3A_2033, %sort3A_2034 = tpu.sort %neg3A_2030, %neg3A_2030 masked %sort3A_2031 : (vector<16xf32>, vector<16xf32>, vector<16xi1>) -> (vector<16xi1>, vector<16xf32>, vector<16xf32>)
    %neg3A_2035 = arith.constant 0.000000e+00 : f32
    %neg3A_2036 = vector.broadcast %neg3A_2035 : f32 to vector<16xf32>
    %neg3A_2037 = arith.subf %neg3A_2036, %sort3A_2033 : vector<16xf32>
    %neg3A_2038 = arith.constant 0.000000e+00 : f32
    %neg3A_2039 = vector.broadcast %neg3A_2038 : f32 to vector<16xf32>
    %neg3A_2040 = arith.subf %neg3A_2039, %scan3A_1669#7 : vector<16xf32>
    %sort3A_2041 = arith.constant dense<true> : vector<16xi1>
    %sort3A_2042, %sort3A_2043, %sort3A_2044 = tpu.sort %neg3A_2040, %neg3A_2040 masked %sort3A_2041 : (vector<16xf32>, vector<16xf32>, vector<16xi1>) -> (vector<16xi1>, vector<16xf32>, vector<16xf32>)
    %neg3A_2045 = arith.constant 0.000000e+00 : f32
    %neg3A_2046 = vector.broadcast %neg3A_2045 : f32 to vector<16xf32>
    %neg3A_2047 = arith.subf %neg3A_2046, %sort3A_2043 : vector<16xf32>
    %rev3A_2048 = arith.constant 15 : i32
    %rev3A_2049 = vector.broadcast %rev3A_2048 : i32 to vector<16xi32>
    %rev3A_2050 = tpu.iota {dimensions = array<i32: 0>} : vector<16xi32>
    %rev3A_2051 = arith.subi %rev3A_2049, %rev3A_2050 : vector<16xi32>
    %rev3A_2052 = tpu.dynamic_gather %neg3A_2047[%rev3A_2051] in [0] : vector<16xf32>, vector<16xi32> -> vector<16xf32>
    %max3A_2053 = arith.maximumf %neg3A_2037, %rev3A_2052 : vector<16xf32>
    %min3A_2054 = arith.minimumf %neg3A_2037, %rev3A_2052 : vector<16xf32>
    %neg3A_2055 = arith.constant 0.000000e+00 : f32
    %neg3A_2056 = vector.broadcast %neg3A_2055 : f32 to vector<16xf32>
    %neg3A_2057 = arith.subf %neg3A_2056, %max3A_2053 : vector<16xf32>
    %sort3A_2058 = arith.constant dense<true> : vector<16xi1>
    %sort3A_2059, %sort3A_2060, %sort3A_2061 = tpu.sort %neg3A_2057, %neg3A_2057 masked %sort3A_2058 : (vector<16xf32>, vector<16xf32>, vector<16xi1>) -> (vector<16xi1>, vector<16xf32>, vector<16xf32>)
    %neg3A_2062 = arith.constant 0.000000e+00 : f32
    %neg3A_2063 = vector.broadcast %neg3A_2062 : f32 to vector<16xf32>
    %neg3A_2064 = arith.subf %neg3A_2063, %sort3A_2060 : vector<16xf32>
    %neg3A_2065 = arith.constant 0.000000e+00 : f32
    %neg3A_2066 = vector.broadcast %neg3A_2065 : f32 to vector<16xf32>
    %neg3A_2067 = arith.subf %neg3A_2066, %min3A_2054 : vector<16xf32>
    %sort3A_2068 = arith.constant dense<true> : vector<16xi1>
    %sort3A_2069, %sort3A_2070, %sort3A_2071 = tpu.sort %neg3A_2067, %neg3A_2067 masked %sort3A_2068 : (vector<16xf32>, vector<16xf32>, vector<16xi1>) -> (vector<16xi1>, vector<16xf32>, vector<16xf32>)
    %neg3A_2072 = arith.constant 0.000000e+00 : f32
    %neg3A_2073 = vector.broadcast %neg3A_2072 : f32 to vector<16xf32>
    %neg3A_2074 = arith.subf %neg3A_2073, %sort3A_2070 : vector<16xf32>
    %rev3A_2075 = arith.constant 15 : i32
    %rev3A_2076 = vector.broadcast %rev3A_2075 : i32 to vector<16xi32>
    %rev3A_2077 = tpu.iota {dimensions = array<i32: 0>} : vector<16xi32>
    %rev3A_2078 = arith.subi %rev3A_2076, %rev3A_2077 : vector<16xi32>
    %rev3A_2079 = tpu.dynamic_gather %neg3A_2064[%rev3A_2078] in [0] : vector<16xf32>, vector<16xi32> -> vector<16xf32>
    %max3A_2080 = arith.maximumf %neg3A_2027, %rev3A_2079 : vector<16xf32>
    %min3A_2081 = arith.minimumf %neg3A_2027, %rev3A_2079 : vector<16xf32>
    %neg3A_2082 = arith.constant 0.000000e+00 : f32
    %neg3A_2083 = vector.broadcast %neg3A_2082 : f32 to vector<16xf32>
    %neg3A_2084 = arith.subf %neg3A_2083, %max3A_2080 : vector<16xf32>
    %sort3A_2085 = arith.constant dense<true> : vector<16xi1>
    %sort3A_2086, %sort3A_2087, %sort3A_2088 = tpu.sort %neg3A_2084, %neg3A_2084 masked %sort3A_2085 : (vector<16xf32>, vector<16xf32>, vector<16xi1>) -> (vector<16xi1>, vector<16xf32>, vector<16xf32>)
    %neg3A_2089 = arith.constant 0.000000e+00 : f32
    %neg3A_2090 = vector.broadcast %neg3A_2089 : f32 to vector<16xf32>
    %neg3A_2091 = arith.subf %neg3A_2090, %sort3A_2087 : vector<16xf32>
    %neg3A_2092 = arith.constant 0.000000e+00 : f32
    %neg3A_2093 = vector.broadcast %neg3A_2092 : f32 to vector<16xf32>
    %neg3A_2094 = arith.subf %neg3A_2093, %min3A_2081 : vector<16xf32>
    %sort3A_2095 = arith.constant dense<true> : vector<16xi1>
    %sort3A_2096, %sort3A_2097, %sort3A_2098 = tpu.sort %neg3A_2094, %neg3A_2094 masked %sort3A_2095 : (vector<16xf32>, vector<16xf32>, vector<16xi1>) -> (vector<16xi1>, vector<16xf32>, vector<16xf32>)
    %neg3A_2099 = arith.constant 0.000000e+00 : f32
    %neg3A_2100 = vector.broadcast %neg3A_2099 : f32 to vector<16xf32>
    %neg3A_2101 = arith.subf %neg3A_2100, %sort3A_2097 : vector<16xf32>
    %slice3A_2102 = vector.extract_strided_slice %neg3A_2101 {offsets = [15], sizes = [1], strides = [1]} : vector<16xf32> to vector<1xf32>
    %squeeze3A_2103 = vector.extract %slice3A_2102[0] : f32 from vector<1xf32>
    %broadcast_in_dim3A_2104 = vector.broadcast %squeeze3A_2103 : f32 to vector<16xf32>
    %broadcast_in_dim3A_2105 = arith.constant 0 : i32
    %broadcast_in_dim3A_2106 = vector.broadcast %broadcast_in_dim3A_2105 : i32 to vector<16xi32>
    %scan3A_2107 = arith.constant 0 : i32
    %scan3A_2108 = arith.constant 64 : i32
    %scan3A_2109 = arith.addi %scan3A_2107, %scan3A_2108 : i32
    %scan3A_2110 = arith.constant 1 : i32
    %scan3A_2111 = scf.for %scan3A_2208 = %scan3A_2107 to %scan3A_2109 step %scan3A_2110 iter_args(%scan3A_2209 = %broadcast_in_dim3A_2106) -> (vector<16xi32>)  : i32 {
      %mul3A_2210 = arith.constant 4 : i32
      %mul3A_2211 = arith.muli %scan3A_2208, %mul3A_2210 : i32
      %get3A = arith.index_cast %mul3A_2211 : i32 to index
      %get3A_2212 = memref.load %arg7[%get3A] : memref<256xf32, #tpu.memory_space<smem>>
      %ge3A = arith.cmpf oge, %get3A_2212, %squeeze3A_2103 : f32
      %add3A_2213 = arith.constant 1 : i32
      %add3A_2214 = arith.addi %mul3A_2211, %add3A_2213 : i32
      %get3A_2215 = arith.index_cast %add3A_2214 : i32 to index
      %get3A_2216 = memref.load %arg7[%get3A_2215] : memref<256xf32, #tpu.memory_space<smem>>
      %ge3A_2217 = arith.cmpf oge, %get3A_2216, %squeeze3A_2103 : f32
      %or3A = arith.ori %ge3A, %ge3A_2217 : i1
      %add3A_2218 = arith.constant 2 : i32
      %add3A_2219 = arith.addi %mul3A_2211, %add3A_2218 : i32
      %get3A_2220 = arith.index_cast %add3A_2219 : i32 to index
      %get3A_2221 = memref.load %arg7[%get3A_2220] : memref<256xf32, #tpu.memory_space<smem>>
      %ge3A_2222 = arith.cmpf oge, %get3A_2221, %squeeze3A_2103 : f32
      %or3A_2223 = arith.ori %or3A, %ge3A_2222 : i1
      %add3A_2224 = arith.constant 3 : i32
      %add3A_2225 = arith.addi %mul3A_2211, %add3A_2224 : i32
      %get3A_2226 = arith.index_cast %add3A_2225 : i32 to index
      %get3A_2227 = memref.load %arg7[%get3A_2226] : memref<256xf32, #tpu.memory_space<smem>>
      %ge3A_2228 = arith.cmpf oge, %get3A_2227, %squeeze3A_2103 : f32
      %or3A_2229 = arith.ori %or3A_2223, %ge3A_2228 : i1
      %convert_element_type3A_2230 = arith.extui %or3A_2229 : i1 to i32
      %cond3A_2231 = arith.constant 0 : i32
      %cond3A_2232 = arith.cmpi ne, %convert_element_type3A_2230, %cond3A_2231 : i32
      %cond3A_2233 = scf.if %cond3A_2232 -> (vector<16xi32>) {
        %add3A_2234 = arith.constant 0 : i32
        %add3A_2235 = arith.addi %mul3A_2211, %add3A_2234 : i32
        %get3A_2236 = arith.index_cast %add3A_2235 : i32 to index
        %get3A_2237 = memref.load %arg7[%get3A_2236] : memref<256xf32, #tpu.memory_space<smem>>
        %ge3A_2238 = arith.cmpf oge, %get3A_2237, %squeeze3A_2103 : f32
        %add3A_2239 = arith.constant 0 : i32
        %add3A_2240 = arith.addi %mul3A_2211, %add3A_2239 : i32
        %convert_element_type3A_2241 = arith.extui %ge3A_2238 : i1 to i32
        %cond3A_2242 = arith.constant 0 : i32
        %cond3A_2243 = arith.cmpi ne, %convert_element_type3A_2241, %cond3A_2242 : i32
        %cond3A_2244 = scf.if %cond3A_2243 -> (vector<16xi32>) {
          %scan3A_2278 = arith.constant 0 : i32
          %scan3A_2279 = arith.constant 8 : i32
          %scan3A_2280 = arith.addi %scan3A_2278, %scan3A_2279 : i32
          %scan3A_2281 = arith.constant 1 : i32
          %scan3A_2282 = scf.for %scan3A_2284 = %scan3A_2278 to %scan3A_2280 step %scan3A_2281 iter_args(%scan3A_2285 = %scan3A_2209) -> (vector<16xi32>)  : i32 {
            %mul3A_2286 = arith.constant 128 : i32
            %mul3A_2287 = arith.muli %add3A_2240, %mul3A_2286 : i32
            %mul3A_2288 = arith.constant 16 : i32
            %mul3A_2289 = arith.muli %scan3A_2284, %mul3A_2288 : i32
            %add3A_2290 = arith.addi %mul3A_2287, %mul3A_2289 : i32
            %get3A_2291 = arith.index_cast %add3A_2290 : i32 to index
            %get3A_2292 = tpu.vector_load %arg5[%get3A_2291] {strides = array<i32>} : memref<32784xf32, #tpu.memory_space<vmem>>, vector<16xf32>,
            %ge3A_2293 = arith.cmpf oge, %get3A_2292, %broadcast_in_dim3A_2104 : vector<16xf32>
            %slice3A_2294 = vector.extract_strided_slice %scan3A_2285 {offsets = [0], sizes = [1], strides = [1]} : vector<16xi32> to vector<1xi32>
            %squeeze3A_2295 = vector.extract %slice3A_2294[0] : i32 from vector<1xi32>
            %mul3A_2296 = arith.constant 128 : i32
            %mul3A_2297 = arith.muli %add3A_2240, %mul3A_2296 : i32
            %mul3A_2298 = arith.constant 16 : i32
            %mul3A_2299 = arith.muli %scan3A_2284, %mul3A_2298 : i32
            %add3A_2300 = arith.addi %mul3A_2297, %mul3A_2299 : i32
            %add3A_2301 = vector.broadcast %add3A_2300 : i32 to vector<16xi32>
            %add3A_2302 = arith.addi %iota3A, %add3A_2301 : vector<16xi32>
            %swap3A_2303 = arith.index_cast %squeeze3A_2295 : i32 to index
            %swap3A_2304 = tpu.vector_load %arg6[%swap3A_2303] masked %ge3A_2293 {strides = array<i32>} : memref<32784xi32, #tpu.memory_space<vmem>>, vector<16xi32>, vector<16xi1>
            tpu.vector_store %arg6[%swap3A_2303], %add3A_2302 masked %ge3A_2293 {strides = array<i32>} : memref<32784xi32, #tpu.memory_space<vmem>>, vector<16xi32>, vector<16xi1>
            %all_reduce_population_count3A = tpu.all_reduce %ge3A_2293 {dim = 0 : i64, kind = #tpu.reduction_kind<sum>} : vector<16xi1> -> vector<16xi32>
            %add3A_2305 = arith.addi %scan3A_2285, %all_reduce_population_count3A : vector<16xi32>
            scf.yield %add3A_2305 : vector<16xi32>
          }
          %scan3A_2283 = arith.constant 8 : i32
          scf.yield %scan3A_2282 : vector<16xi32>
        } else {
          scf.yield %scan3A_2209 : vector<16xi32>
        }
        %add3A_2245 = arith.constant 1 : i32
        %add3A_2246 = arith.addi %mul3A_2211, %add3A_2245 : i32
        %get3A_2247 = arith.index_cast %add3A_2246 : i32 to index
        %get3A_2248 = memref.load %arg7[%get3A_2247] : memref<256xf32, #tpu.memory_space<smem>>
        %ge3A_2249 = arith.cmpf oge, %get3A_2248, %squeeze3A_2103 : f32
        %add3A_2250 = arith.constant 1 : i32
        %add3A_2251 = arith.addi %mul3A_2211, %add3A_2250 : i32
        %convert_element_type3A_2252 = arith.extui %ge3A_2249 : i1 to i32
        %cond3A_2253 = arith.constant 0 : i32
        %cond3A_2254 = arith.cmpi ne, %convert_element_type3A_2252, %cond3A_2253 : i32
        %cond3A_2255 = scf.if %cond3A_2254 -> (vector<16xi32>) {
          %scan3A_2278 = arith.constant 0 : i32
          %scan3A_2279 = arith.constant 8 : i32
          %scan3A_2280 = arith.addi %scan3A_2278, %scan3A_2279 : i32
          %scan3A_2281 = arith.constant 1 : i32
          %scan3A_2282 = scf.for %scan3A_2284 = %scan3A_2278 to %scan3A_2280 step %scan3A_2281 iter_args(%scan3A_2285 = %cond3A_2244) -> (vector<16xi32>)  : i32 {
            %mul3A_2286 = arith.constant 128 : i32
            %mul3A_2287 = arith.muli %add3A_2251, %mul3A_2286 : i32
            %mul3A_2288 = arith.constant 16 : i32
            %mul3A_2289 = arith.muli %scan3A_2284, %mul3A_2288 : i32
            %add3A_2290 = arith.addi %mul3A_2287, %mul3A_2289 : i32
            %get3A_2291 = arith.index_cast %add3A_2290 : i32 to index
            %get3A_2292 = tpu.vector_load %arg5[%get3A_2291] {strides = array<i32>} : memref<32784xf32, #tpu.memory_space<vmem>>, vector<16xf32>,
            %ge3A_2293 = arith.cmpf oge, %get3A_2292, %broadcast_in_dim3A_2104 : vector<16xf32>
            %slice3A_2294 = vector.extract_strided_slice %scan3A_2285 {offsets = [0], sizes = [1], strides = [1]} : vector<16xi32> to vector<1xi32>
            %squeeze3A_2295 = vector.extract %slice3A_2294[0] : i32 from vector<1xi32>
            %mul3A_2296 = arith.constant 128 : i32
            %mul3A_2297 = arith.muli %add3A_2251, %mul3A_2296 : i32
            %mul3A_2298 = arith.constant 16 : i32
            %mul3A_2299 = arith.muli %scan3A_2284, %mul3A_2298 : i32
            %add3A_2300 = arith.addi %mul3A_2297, %mul3A_2299 : i32
            %add3A_2301 = vector.broadcast %add3A_2300 : i32 to vector<16xi32>
            %add3A_2302 = arith.addi %iota3A, %add3A_2301 : vector<16xi32>
            %swap3A_2303 = arith.index_cast %squeeze3A_2295 : i32 to index
            %swap3A_2304 = tpu.vector_load %arg6[%swap3A_2303] masked %ge3A_2293 {strides = array<i32>} : memref<32784xi32, #tpu.memory_space<vmem>>, vector<16xi32>, vector<16xi1>
            tpu.vector_store %arg6[%swap3A_2303], %add3A_2302 masked %ge3A_2293 {strides = array<i32>} : memref<32784xi32, #tpu.memory_space<vmem>>, vector<16xi32>, vector<16xi1>
            %all_reduce_population_count3A = tpu.all_reduce %ge3A_2293 {dim = 0 : i64, kind = #tpu.reduction_kind<sum>} : vector<16xi1> -> vector<16xi32>
            %add3A_2305 = arith.addi %scan3A_2285, %all_reduce_population_count3A : vector<16xi32>
            scf.yield %add3A_2305 : vector<16xi32>
          }
          %scan3A_2283 = arith.constant 8 : i32
          scf.yield %scan3A_2282 : vector<16xi32>
        } else {
          scf.yield %cond3A_2244 : vector<16xi32>
        }
        %add3A_2256 = arith.constant 2 : i32
        %add3A_2257 = arith.addi %mul3A_2211, %add3A_2256 : i32
        %get3A_2258 = arith.index_cast %add3A_2257 : i32 to index
        %get3A_2259 = memref.load %arg7[%get3A_2258] : memref<256xf32, #tpu.memory_space<smem>>
        %ge3A_2260 = arith.cmpf oge, %get3A_2259, %squeeze3A_2103 : f32
        %add3A_2261 = arith.constant 2 : i32
        %add3A_2262 = arith.addi %mul3A_2211, %add3A_2261 : i32
        %convert_element_type3A_2263 = arith.extui %ge3A_2260 : i1 to i32
        %cond3A_2264 = arith.constant 0 : i32
        %cond3A_2265 = arith.cmpi ne, %convert_element_type3A_2263, %cond3A_2264 : i32
        %cond3A_2266 = scf.if %cond3A_2265 -> (vector<16xi32>) {
          %scan3A_2278 = arith.constant 0 : i32
          %scan3A_2279 = arith.constant 8 : i32
          %scan3A_2280 = arith.addi %scan3A_2278, %scan3A_2279 : i32
          %scan3A_2281 = arith.constant 1 : i32
          %scan3A_2282 = scf.for %scan3A_2284 = %scan3A_2278 to %scan3A_2280 step %scan3A_2281 iter_args(%scan3A_2285 = %cond3A_2255) -> (vector<16xi32>)  : i32 {
            %mul3A_2286 = arith.constant 128 : i32
            %mul3A_2287 = arith.muli %add3A_2262, %mul3A_2286 : i32
            %mul3A_2288 = arith.constant 16 : i32
            %mul3A_2289 = arith.muli %scan3A_2284, %mul3A_2288 : i32
            %add3A_2290 = arith.addi %mul3A_2287, %mul3A_2289 : i32
            %get3A_2291 = arith.index_cast %add3A_2290 : i32 to index
            %get3A_2292 = tpu.vector_load %arg5[%get3A_2291] {strides = array<i32>} : memref<32784xf32, #tpu.memory_space<vmem>>, vector<16xf32>,
            %ge3A_2293 = arith.cmpf oge, %get3A_2292, %broadcast_in_dim3A_2104 : vector<16xf32>
            %slice3A_2294 = vector.extract_strided_slice %scan3A_2285 {offsets = [0], sizes = [1], strides = [1]} : vector<16xi32> to vector<1xi32>
            %squeeze3A_2295 = vector.extract %slice3A_2294[0] : i32 from vector<1xi32>
            %mul3A_2296 = arith.constant 128 : i32
            %mul3A_2297 = arith.muli %add3A_2262, %mul3A_2296 : i32
            %mul3A_2298 = arith.constant 16 : i32
            %mul3A_2299 = arith.muli %scan3A_2284, %mul3A_2298 : i32
            %add3A_2300 = arith.addi %mul3A_2297, %mul3A_2299 : i32
            %add3A_2301 = vector.broadcast %add3A_2300 : i32 to vector<16xi32>
            %add3A_2302 = arith.addi %iota3A, %add3A_2301 : vector<16xi32>
            %swap3A_2303 = arith.index_cast %squeeze3A_2295 : i32 to index
            %swap3A_2304 = tpu.vector_load %arg6[%swap3A_2303] masked %ge3A_2293 {strides = array<i32>} : memref<32784xi32, #tpu.memory_space<vmem>>, vector<16xi32>, vector<16xi1>
            tpu.vector_store %arg6[%swap3A_2303], %add3A_2302 masked %ge3A_2293 {strides = array<i32>} : memref<32784xi32, #tpu.memory_space<vmem>>, vector<16xi32>, vector<16xi1>
            %all_reduce_population_count3A = tpu.all_reduce %ge3A_2293 {dim = 0 : i64, kind = #tpu.reduction_kind<sum>} : vector<16xi1> -> vector<16xi32>
            %add3A_2305 = arith.addi %scan3A_2285, %all_reduce_population_count3A : vector<16xi32>
            scf.yield %add3A_2305 : vector<16xi32>
          }
          %scan3A_2283 = arith.constant 8 : i32
          scf.yield %scan3A_2282 : vector<16xi32>
        } else {
          scf.yield %cond3A_2255 : vector<16xi32>
        }
        %add3A_2267 = arith.constant 3 : i32
        %add3A_2268 = arith.addi %mul3A_2211, %add3A_2267 : i32
        %get3A_2269 = arith.index_cast %add3A_2268 : i32 to index
        %get3A_2270 = memref.load %arg7[%get3A_2269] : memref<256xf32, #tpu.memory_space<smem>>
        %ge3A_2271 = arith.cmpf oge, %get3A_2270, %squeeze3A_2103 : f32
        %add3A_2272 = arith.constant 3 : i32
        %add3A_2273 = arith.addi %mul3A_2211, %add3A_2272 : i32
        %convert_element_type3A_2274 = arith.extui %ge3A_2271 : i1 to i32
        %cond3A_2275 = arith.constant 0 : i32
        %cond3A_2276 = arith.cmpi ne, %convert_element_type3A_2274, %cond3A_2275 : i32
        %cond3A_2277 = scf.if %cond3A_2276 -> (vector<16xi32>) {
          %scan3A_2278 = arith.constant 0 : i32
          %scan3A_2279 = arith.constant 8 : i32
          %scan3A_2280 = arith.addi %scan3A_2278, %scan3A_2279 : i32
          %scan3A_2281 = arith.constant 1 : i32
          %scan3A_2282 = scf.for %scan3A_2284 = %scan3A_2278 to %scan3A_2280 step %scan3A_2281 iter_args(%scan3A_2285 = %cond3A_2266) -> (vector<16xi32>)  : i32 {
            %mul3A_2286 = arith.constant 128 : i32
            %mul3A_2287 = arith.muli %add3A_2273, %mul3A_2286 : i32
            %mul3A_2288 = arith.constant 16 : i32
            %mul3A_2289 = arith.muli %scan3A_2284, %mul3A_2288 : i32
            %add3A_2290 = arith.addi %mul3A_2287, %mul3A_2289 : i32
            %get3A_2291 = arith.index_cast %add3A_2290 : i32 to index
            %get3A_2292 = tpu.vector_load %arg5[%get3A_2291] {strides = array<i32>} : memref<32784xf32, #tpu.memory_space<vmem>>, vector<16xf32>,
            %ge3A_2293 = arith.cmpf oge, %get3A_2292, %broadcast_in_dim3A_2104 : vector<16xf32>
            %slice3A_2294 = vector.extract_strided_slice %scan3A_2285 {offsets = [0], sizes = [1], strides = [1]} : vector<16xi32> to vector<1xi32>
            %squeeze3A_2295 = vector.extract %slice3A_2294[0] : i32 from vector<1xi32>
            %mul3A_2296 = arith.constant 128 : i32
            %mul3A_2297 = arith.muli %add3A_2273, %mul3A_2296 : i32
            %mul3A_2298 = arith.constant 16 : i32
            %mul3A_2299 = arith.muli %scan3A_2284, %mul3A_2298 : i32
            %add3A_2300 = arith.addi %mul3A_2297, %mul3A_2299 : i32
            %add3A_2301 = vector.broadcast %add3A_2300 : i32 to vector<16xi32>
            %add3A_2302 = arith.addi %iota3A, %add3A_2301 : vector<16xi32>
            %swap3A_2303 = arith.index_cast %squeeze3A_2295 : i32 to index
            %swap3A_2304 = tpu.vector_load %arg6[%swap3A_2303] masked %ge3A_2293 {strides = array<i32>} : memref<32784xi32, #tpu.memory_space<vmem>>, vector<16xi32>, vector<16xi1>
            tpu.vector_store %arg6[%swap3A_2303], %add3A_2302 masked %ge3A_2293 {strides = array<i32>} : memref<32784xi32, #tpu.memory_space<vmem>>, vector<16xi32>, vector<16xi1>
            %all_reduce_population_count3A = tpu.all_reduce %ge3A_2293 {dim = 0 : i64, kind = #tpu.reduction_kind<sum>} : vector<16xi1> -> vector<16xi32>
            %add3A_2305 = arith.addi %scan3A_2285, %all_reduce_population_count3A : vector<16xi32>
            scf.yield %add3A_2305 : vector<16xi32>
          }
          %scan3A_2283 = arith.constant 8 : i32
          scf.yield %scan3A_2282 : vector<16xi32>
        } else {
          scf.yield %cond3A_2266 : vector<16xi32>
        }
        scf.yield %cond3A_2277 : vector<16xi32>
      } else {
        scf.yield %scan3A_2209 : vector<16xi32>
      }
      scf.yield %cond3A_2233 : vector<16xi32>
    }
    %scan3A_2112 = arith.constant 64 : i32
    %slice3A_2113 = vector.extract_strided_slice %scan3A_2111 {offsets = [0], sizes = [1], strides = [1]} : vector<16xi32> to vector<1xi32>
    %squeeze3A_2114 = vector.extract %slice3A_2113[0] : i32 from vector<1xi32>
    %broadcast_in_dim3A_2115 = arith.constant 32768 : i32
    %broadcast_in_dim3A_2116 = vector.broadcast %broadcast_in_dim3A_2115 : i32 to vector<16xi32>
    %swap3A_2117 = arith.index_cast %squeeze3A_2114 : i32 to index
    %swap3A_2118 = tpu.vector_load %arg6[%swap3A_2117] {strides = array<i32>} : memref<32784xi32, #tpu.memory_space<vmem>>, vector<16xi32>,
    tpu.vector_store %arg6[%swap3A_2117], %broadcast_in_dim3A_2116 {strides = array<i32>} : memref<32784xi32, #tpu.memory_space<vmem>>, vector<16xi32>,
    %add3A_2119 = arith.constant 15 : i32
    %add3A_2120 = arith.addi %squeeze3A_2114, %add3A_2119 : i32
    %jit3A_2121 = arith.constant 16 : i32
    %div3A_2122 = arith.divsi %add3A_2120, %jit3A_2121 : i32
    %sign3A_2123 = arith.constant 0 : i32
    %sign3A_2124 = arith.cmpi sgt, %add3A_2120, %sign3A_2123 : i32
    %sign3A_2125 = arith.extui %sign3A_2124 : i1 to i32
    %sign3A_2126 = arith.constant 0 : i32
    %sign3A_2127 = arith.cmpi slt, %add3A_2120, %sign3A_2126 : i32
    %sign3A_2128 = arith.extui %sign3A_2127 : i1 to i32
    %sign3A_2129 = arith.subi %sign3A_2125, %sign3A_2128 : i32
    %sign3A_2130 = arith.constant 0 : i32
    %sign3A_2131 = arith.cmpi sgt, %jit3A_2121, %sign3A_2130 : i32
    %sign3A_2132 = arith.extui %sign3A_2131 : i1 to i32
    %sign3A_2133 = arith.constant 0 : i32
    %sign3A_2134 = arith.cmpi slt, %jit3A_2121, %sign3A_2133 : i32
    %sign3A_2135 = arith.extui %sign3A_2134 : i1 to i32
    %sign3A_2136 = arith.subi %sign3A_2132, %sign3A_2135 : i32
    %ne3A_2137 = arith.cmpi ne, %sign3A_2129, %sign3A_2136 : i32
    %rem3A_2138 = arith.remsi %add3A_2120, %jit3A_2121 : i32
    %ne3A_2139 = arith.constant 0 : i32
    %ne3A_2140 = arith.cmpi ne, %rem3A_2138, %ne3A_2139 : i32
    %and3A_2141 = arith.andi %ne3A_2137, %ne3A_2140 : i1
    %sub3A_2142 = arith.constant 1 : i32
    %sub3A_2143 = arith.subi %div3A_2122, %sub3A_2142 : i32
    %select_n3A_2144 = arith.select %and3A_2141, %sub3A_2143, %div3A_2122 : i32
    %while3A_2145 = arith.constant 0 : i32
    %while3A_2146 = arith.subi %select_n3A_2144, %while3A_2145 : i32
    %while3A_2147 = arith.addi %while3A_2145, %while3A_2146 : i32
    %while3A_2148 = arith.constant 1 : i32
    %while3A_2149 = arith.divsi %while3A_2146, %while3A_2148 : i32
    %while3A_2150 = arith.muli %while3A_2149, %while3A_2148 : i32
    %while3A_2151 = arith.addi %while3A_2145, %while3A_2150 : i32
    %while3A_2152 = arith.constant 1 : i32
    %while3A_2153:2 = scf.for %while3A_2208 = %while3A_2145 to %while3A_2151 step %while3A_2152 iter_args(%while3A_2209 = %broadcast_in_dim3A_3, %while3A_2210 = %broadcast_in_dim3A_3) -> (vector<16xf32>, vector<16xf32>)  : i32 {
      %mul3A_2211 = arith.constant 16 : i32
      %mul3A_2212 = arith.muli %while3A_2208, %mul3A_2211 : i32
      %get3A = arith.index_cast %mul3A_2212 : i32 to index
      %get3A_2213 = tpu.vector_load %arg6[%get3A] {strides = array<i32>} : memref<32784xi32, #tpu.memory_space<vmem>>, vector<16xi32>,
      %gather3A = tpu.vector_load_idx %arg5[%get3A_2213] : memref<32784xf32, #tpu.memory_space<vmem>>[vector<16xi32>], vector<16xf32>,
      %neg3A_2214 = arith.constant 0.000000e+00 : f32
      %neg3A_2215 = vector.broadcast %neg3A_2214 : f32 to vector<16xf32>
      %neg3A_2216 = arith.subf %neg3A_2215, %gather3A : vector<16xf32>
      %sort3A_2217 = arith.constant dense<true> : vector<16xi1>
      %sort3A_2218, %sort3A_2219, %sort3A_2220 = tpu.sort %neg3A_2216, %neg3A_2216 masked %sort3A_2217 : (vector<16xf32>, vector<16xf32>, vector<16xi1>) -> (vector<16xi1>, vector<16xf32>, vector<16xf32>)
      %neg3A_2221 = arith.constant 0.000000e+00 : f32
      %neg3A_2222 = vector.broadcast %neg3A_2221 : f32 to vector<16xf32>
      %neg3A_2223 = arith.subf %neg3A_2222, %sort3A_2219 : vector<16xf32>
      %rev3A_2224 = arith.constant 15 : i32
      %rev3A_2225 = vector.broadcast %rev3A_2224 : i32 to vector<16xi32>
      %rev3A_2226 = tpu.iota {dimensions = array<i32: 0>} : vector<16xi32>
      %rev3A_2227 = arith.subi %rev3A_2225, %rev3A_2226 : vector<16xi32>
      %rev3A_2228 = tpu.dynamic_gather %neg3A_2223[%rev3A_2227] in [0] : vector<16xf32>, vector<16xi32> -> vector<16xf32>
      %max3A_2229 = arith.maximumf %while3A_2210, %rev3A_2228 : vector<16xf32>
      %min3A_2230 = arith.minimumf %while3A_2210, %rev3A_2228 : vector<16xf32>
      %neg3A_2231 = arith.constant 0.000000e+00 : f32
      %neg3A_2232 = vector.broadcast %neg3A_2231 : f32 to vector<16xf32>
      %neg3A_2233 = arith.subf %neg3A_2232, %max3A_2229 : vector<16xf32>
      %sort3A_2234 = arith.constant dense<true> : vector<16xi1>
      %sort3A_2235, %sort3A_2236, %sort3A_2237 = tpu.sort %neg3A_2233, %neg3A_2233 masked %sort3A_2234 : (vector<16xf32>, vector<16xf32>, vector<16xi1>) -> (vector<16xi1>, vector<16xf32>, vector<16xf32>)
      %neg3A_2238 = arith.constant 0.000000e+00 : f32
      %neg3A_2239 = vector.broadcast %neg3A_2238 : f32 to vector<16xf32>
      %neg3A_2240 = arith.subf %neg3A_2239, %sort3A_2236 : vector<16xf32>
      %neg3A_2241 = arith.constant 0.000000e+00 : f32
      %neg3A_2242 = vector.broadcast %neg3A_2241 : f32 to vector<16xf32>
      %neg3A_2243 = arith.subf %neg3A_2242, %min3A_2230 : vector<16xf32>
      %sort3A_2244 = arith.constant dense<true> : vector<16xi1>
      %sort3A_2245, %sort3A_2246, %sort3A_2247 = tpu.sort %neg3A_2243, %neg3A_2243 masked %sort3A_2244 : (vector<16xf32>, vector<16xf32>, vector<16xi1>) -> (vector<16xi1>, vector<16xf32>, vector<16xf32>)
      %neg3A_2248 = arith.constant 0.000000e+00 : f32
      %neg3A_2249 = vector.broadcast %neg3A_2248 : f32 to vector<16xf32>
      %neg3A_2250 = arith.subf %neg3A_2249, %sort3A_2246 : vector<16xf32>
      %rev3A_2251 = arith.constant 15 : i32
      %rev3A_2252 = vector.broadcast %rev3A_2251 : i32 to vector<16xi32>
      %rev3A_2253 = tpu.iota {dimensions = array<i32: 0>} : vector<16xi32>
      %rev3A_2254 = arith.subi %rev3A_2252, %rev3A_2253 : vector<16xi32>
      %rev3A_2255 = tpu.dynamic_gather %neg3A_2240[%rev3A_2254] in [0] : vector<16xf32>, vector<16xi32> -> vector<16xf32>
      %max3A_2256 = arith.maximumf %while3A_2209, %rev3A_2255 : vector<16xf32>
      %min3A_2257 = arith.minimumf %while3A_2209, %rev3A_2255 : vector<16xf32>
      %neg3A_2258 = arith.constant 0.000000e+00 : f32
      %neg3A_2259 = vector.broadcast %neg3A_2258 : f32 to vector<16xf32>
      %neg3A_2260 = arith.subf %neg3A_2259, %max3A_2256 : vector<16xf32>
      %sort3A_2261 = arith.constant dense<true> : vector<16xi1>
      %sort3A_2262, %sort3A_2263, %sort3A_2264 = tpu.sort %neg3A_2260, %neg3A_2260 masked %sort3A_2261 : (vector<16xf32>, vector<16xf32>, vector<16xi1>) -> (vector<16xi1>, vector<16xf32>, vector<16xf32>)
      %neg3A_2265 = arith.constant 0.000000e+00 : f32
      %neg3A_2266 = vector.broadcast %neg3A_2265 : f32 to vector<16xf32>
      %neg3A_2267 = arith.subf %neg3A_2266, %sort3A_2263 : vector<16xf32>
      %neg3A_2268 = arith.constant 0.000000e+00 : f32
      %neg3A_2269 = vector.broadcast %neg3A_2268 : f32 to vector<16xf32>
      %neg3A_2270 = arith.subf %neg3A_2269, %min3A_2257 : vector<16xf32>
      %sort3A_2271 = arith.constant dense<true> : vector<16xi1>
      %sort3A_2272, %sort3A_2273, %sort3A_2274 = tpu.sort %neg3A_2270, %neg3A_2270 masked %sort3A_2271 : (vector<16xf32>, vector<16xf32>, vector<16xi1>) -> (vector<16xi1>, vector<16xf32>, vector<16xf32>)
      %neg3A_2275 = arith.constant 0.000000e+00 : f32
      %neg3A_2276 = vector.broadcast %neg3A_2275 : f32 to vector<16xf32>
      %neg3A_2277 = arith.subf %neg3A_2276, %sort3A_2273 : vector<16xf32>
      scf.yield %neg3A_2267, %neg3A_2277 : vector<16xf32>, vector<16xf32>
    }
    %while3A_2154 = arith.constant 1 : i32
    %while3A_2155:2 = scf.for %while3A_2208 = %while3A_2151 to %while3A_2147 step %while3A_2154 iter_args(%while3A_2209 = %while3A_2153#0, %while3A_2210 = %while3A_2153#1) -> (vector<16xf32>, vector<16xf32>)  : i32 {
      %mul3A_2211 = arith.constant 16 : i32
      %mul3A_2212 = arith.muli %while3A_2208, %mul3A_2211 : i32
      %get3A = arith.index_cast %mul3A_2212 : i32 to index
      %get3A_2213 = tpu.vector_load %arg6[%get3A] {strides = array<i32>} : memref<32784xi32, #tpu.memory_space<vmem>>, vector<16xi32>,
      %gather3A = tpu.vector_load_idx %arg5[%get3A_2213] : memref<32784xf32, #tpu.memory_space<vmem>>[vector<16xi32>], vector<16xf32>,
      %neg3A_2214 = arith.constant 0.000000e+00 : f32
      %neg3A_2215 = vector.broadcast %neg3A_2214 : f32 to vector<16xf32>
      %neg3A_2216 = arith.subf %neg3A_2215, %gather3A : vector<16xf32>
      %sort3A_2217 = arith.constant dense<true> : vector<16xi1>
      %sort3A_2218, %sort3A_2219, %sort3A_2220 = tpu.sort %neg3A_2216, %neg3A_2216 masked %sort3A_2217 : (vector<16xf32>, vector<16xf32>, vector<16xi1>) -> (vector<16xi1>, vector<16xf32>, vector<16xf32>)
      %neg3A_2221 = arith.constant 0.000000e+00 : f32
      %neg3A_2222 = vector.broadcast %neg3A_2221 : f32 to vector<16xf32>
      %neg3A_2223 = arith.subf %neg3A_2222, %sort3A_2219 : vector<16xf32>
      %rev3A_2224 = arith.constant 15 : i32
      %rev3A_2225 = vector.broadcast %rev3A_2224 : i32 to vector<16xi32>
      %rev3A_2226 = tpu.iota {dimensions = array<i32: 0>} : vector<16xi32>
      %rev3A_2227 = arith.subi %rev3A_2225, %rev3A_2226 : vector<16xi32>
      %rev3A_2228 = tpu.dynamic_gather %neg3A_2223[%rev3A_2227] in [0] : vector<16xf32>, vector<16xi32> -> vector<16xf32>
      %max3A_2229 = arith.maximumf %while3A_2210, %rev3A_2228 : vector<16xf32>
      %min3A_2230 = arith.minimumf %while3A_2210, %rev3A_2228 : vector<16xf32>
      %neg3A_2231 = arith.constant 0.000000e+00 : f32
      %neg3A_2232 = vector.broadcast %neg3A_2231 : f32 to vector<16xf32>
      %neg3A_2233 = arith.subf %neg3A_2232, %max3A_2229 : vector<16xf32>
      %sort3A_2234 = arith.constant dense<true> : vector<16xi1>
      %sort3A_2235, %sort3A_2236, %sort3A_2237 = tpu.sort %neg3A_2233, %neg3A_2233 masked %sort3A_2234 : (vector<16xf32>, vector<16xf32>, vector<16xi1>) -> (vector<16xi1>, vector<16xf32>, vector<16xf32>)
      %neg3A_2238 = arith.constant 0.000000e+00 : f32
      %neg3A_2239 = vector.broadcast %neg3A_2238 : f32 to vector<16xf32>
      %neg3A_2240 = arith.subf %neg3A_2239, %sort3A_2236 : vector<16xf32>
      %neg3A_2241 = arith.constant 0.000000e+00 : f32
      %neg3A_2242 = vector.broadcast %neg3A_2241 : f32 to vector<16xf32>
      %neg3A_2243 = arith.subf %neg3A_2242, %min3A_2230 : vector<16xf32>
      %sort3A_2244 = arith.constant dense<true> : vector<16xi1>
      %sort3A_2245, %sort3A_2246, %sort3A_2247 = tpu.sort %neg3A_2243, %neg3A_2243 masked %sort3A_2244 : (vector<16xf32>, vector<16xf32>, vector<16xi1>) -> (vector<16xi1>, vector<16xf32>, vector<16xf32>)
      %neg3A_2248 = arith.constant 0.000000e+00 : f32
      %neg3A_2249 = vector.broadcast %neg3A_2248 : f32 to vector<16xf32>
      %neg3A_2250 = arith.subf %neg3A_2249, %sort3A_2246 : vector<16xf32>
      %rev3A_2251 = arith.constant 15 : i32
      %rev3A_2252 = vector.broadcast %rev3A_2251 : i32 to vector<16xi32>
      %rev3A_2253 = tpu.iota {dimensions = array<i32: 0>} : vector<16xi32>
      %rev3A_2254 = arith.subi %rev3A_2252, %rev3A_2253 : vector<16xi32>
      %rev3A_2255 = tpu.dynamic_gather %neg3A_2240[%rev3A_2254] in [0] : vector<16xf32>, vector<16xi32> -> vector<16xf32>
      %max3A_2256 = arith.maximumf %while3A_2209, %rev3A_2255 : vector<16xf32>
      %min3A_2257 = arith.minimumf %while3A_2209, %rev3A_2255 : vector<16xf32>
      %neg3A_2258 = arith.constant 0.000000e+00 : f32
      %neg3A_2259 = vector.broadcast %neg3A_2258 : f32 to vector<16xf32>
      %neg3A_2260 = arith.subf %neg3A_2259, %max3A_2256 : vector<16xf32>
      %sort3A_2261 = arith.constant dense<true> : vector<16xi1>
      %sort3A_2262, %sort3A_2263, %sort3A_2264 = tpu.sort %neg3A_2260, %neg3A_2260 masked %sort3A_2261 : (vector<16xf32>, vector<16xf32>, vector<16xi1>) -> (vector<16xi1>, vector<16xf32>, vector<16xf32>)
      %neg3A_2265 = arith.constant 0.000000e+00 : f32
      %neg3A_2266 = vector.broadcast %neg3A_2265 : f32 to vector<16xf32>
      %neg3A_2267 = arith.subf %neg3A_2266, %sort3A_2263 : vector<16xf32>
      %neg3A_2268 = arith.constant 0.000000e+00 : f32
      %neg3A_2269 = vector.broadcast %neg3A_2268 : f32 to vector<16xf32>
      %neg3A_2270 = arith.subf %neg3A_2269, %min3A_2257 : vector<16xf32>
      %sort3A_2271 = arith.constant dense<true> : vector<16xi1>
      %sort3A_2272, %sort3A_2273, %sort3A_2274 = tpu.sort %neg3A_2270, %neg3A_2270 masked %sort3A_2271 : (vector<16xf32>, vector<16xf32>, vector<16xi1>) -> (vector<16xi1>, vector<16xf32>, vector<16xf32>)
      %neg3A_2275 = arith.constant 0.000000e+00 : f32
      %neg3A_2276 = vector.broadcast %neg3A_2275 : f32 to vector<16xf32>
      %neg3A_2277 = arith.subf %neg3A_2276, %sort3A_2273 : vector<16xf32>
      scf.yield %neg3A_2267, %neg3A_2277 : vector<16xf32>, vector<16xf32>
    }
    %slice3A_2156 = vector.extract_strided_slice %while3A_2155#1 {offsets = [15], sizes = [1], strides = [1]} : vector<16xf32> to vector<1xf32>
    %squeeze3A_2157 = vector.extract %slice3A_2156[0] : f32 from vector<1xf32>
    %broadcast_in_dim3A_2158 = vector.broadcast %squeeze3A_2157 : f32 to vector<16xf32>
    %broadcast_in_dim3A_2159 = arith.constant 0 : i32
    %broadcast_in_dim3A_2160 = vector.broadcast %broadcast_in_dim3A_2159 : i32 to vector<16xi32>
    %while3A_2161 = arith.constant 0 : i32
    %while3A_2162 = arith.subi %select_n3A_2144, %while3A_2161 : i32
    %while3A_2163 = arith.addi %while3A_2161, %while3A_2162 : i32
    %while3A_2164 = arith.constant 1 : i32
    %while3A_2165 = arith.divsi %while3A_2162, %while3A_2164 : i32
    %while3A_2166 = arith.muli %while3A_2165, %while3A_2164 : i32
    %while3A_2167 = arith.addi %while3A_2161, %while3A_2166 : i32
    %while3A_2168 = arith.constant 1 : i32
    %while3A_2169 = scf.for %while3A_2208 = %while3A_2161 to %while3A_2167 step %while3A_2168 iter_args(%while3A_2209 = %broadcast_in_dim3A_2160) -> (vector<16xi32>)  : i32 {
      %mul3A_2210 = arith.constant 16 : i32
      %mul3A_2211 = arith.muli %while3A_2208, %mul3A_2210 : i32
      %get3A = arith.index_cast %mul3A_2211 : i32 to index
      %get3A_2212 = tpu.vector_load %arg6[%get3A] {strides = array<i32>} : memref<32784xi32, #tpu.memory_space<vmem>>, vector<16xi32>,
      %gather3A = tpu.vector_load_idx %arg5[%get3A_2212] : memref<32784xf32, #tpu.memory_space<vmem>>[vector<16xi32>], vector<16xf32>,
      %gt3A = arith.cmpf ogt, %gather3A, %broadcast_in_dim3A_2158 : vector<16xf32>
      %all_reduce_population_count3A = tpu.all_reduce %gt3A {dim = 0 : i64, kind = #tpu.reduction_kind<sum>} : vector<16xi1> -> vector<16xi32>
      %add3A_2213 = arith.addi %while3A_2209, %all_reduce_population_count3A : vector<16xi32>
      scf.yield %add3A_2213 : vector<16xi32>
    }
    %while3A_2170 = arith.constant 1 : i32
    %while3A_2171 = scf.for %while3A_2208 = %while3A_2167 to %while3A_2163 step %while3A_2170 iter_args(%while3A_2209 = %while3A_2169) -> (vector<16xi32>)  : i32 {
      %mul3A_2210 = arith.constant 16 : i32
      %mul3A_2211 = arith.muli %while3A_2208, %mul3A_2210 : i32
      %get3A = arith.index_cast %mul3A_2211 : i32 to index
      %get3A_2212 = tpu.vector_load %arg6[%get3A] {strides = array<i32>} : memref<32784xi32, #tpu.memory_space<vmem>>, vector<16xi32>,
      %gather3A = tpu.vector_load_idx %arg5[%get3A_2212] : memref<32784xf32, #tpu.memory_space<vmem>>[vector<16xi32>], vector<16xf32>,
      %gt3A = arith.cmpf ogt, %gather3A, %broadcast_in_dim3A_2158 : vector<16xf32>
      %all_reduce_population_count3A = tpu.all_reduce %gt3A {dim = 0 : i64, kind = #tpu.reduction_kind<sum>} : vector<16xi1> -> vector<16xi32>
      %add3A_2213 = arith.addi %while3A_2209, %all_reduce_population_count3A : vector<16xi32>
      scf.yield %add3A_2213 : vector<16xi32>
    }
    %slice3A_2172 = vector.extract_strided_slice %while3A_2171 {offsets = [0], sizes = [1], strides = [1]} : vector<16xi32> to vector<1xi32>
    %squeeze3A_2173 = vector.extract %slice3A_2172[0] : i32 from vector<1xi32>
    %sub3A_2174 = arith.constant 32 : i32
    %sub3A_2175 = arith.subi %sub3A_2174, %squeeze3A_2173 : i32
    %eq3A_2176 = arith.constant 1 : i32
    %eq3A_2177 = arith.cmpi eq, %sub3A_2175, %eq3A_2176 : i32
    %convert_element_type3A_2178 = arith.extui %eq3A_2177 : i1 to i32
    %cond3A_2179 = arith.constant 0 : i32
    %cond3A_2180 = arith.constant 0 : i32
    %cond3A_2181 = arith.cmpi ne, %convert_element_type3A_2178, %cond3A_2180 : i32
    %cond3A_2182 = scf.if %cond3A_2181 -> (i32) {
      %broadcast_in_dim3A_2208 = arith.constant 2147483647 : i32
      %broadcast_in_dim3A_2209 = vector.broadcast %broadcast_in_dim3A_2208 : i32 to vector<16xi32>
      %while3A_2210 = arith.constant 0 : i32
      %while3A_2211 = arith.subi %select_n3A_2144, %while3A_2210 : i32
      %while3A_2212 = arith.addi %while3A_2210, %while3A_2211 : i32
      %while3A_2213 = arith.constant 1 : i32
      %while3A_2214 = arith.divsi %while3A_2211, %while3A_2213 : i32
      %while3A_2215 = arith.muli %while3A_2214, %while3A_2213 : i32
      %while3A_2216 = arith.addi %while3A_2210, %while3A_2215 : i32
      %while3A_2217 = arith.constant 1 : i32
      %while3A_2218 = scf.for %while3A_2233 = %while3A_2210 to %while3A_2216 step %while3A_2217 iter_args(%while3A_2234 = %broadcast_in_dim3A_2209) -> (vector<16xi32>)  : i32 {
        %mul3A_2235 = arith.constant 16 : i32
        %mul3A_2236 = arith.muli %while3A_2233, %mul3A_2235 : i32
        %get3A = arith.index_cast %mul3A_2236 : i32 to index
        %get3A_2237 = tpu.vector_load %arg6[%get3A] {strides = array<i32>} : memref<32784xi32, #tpu.memory_space<vmem>>, vector<16xi32>,
        %gather3A = tpu.vector_load_idx %arg5[%get3A_2237] : memref<32784xf32, #tpu.memory_space<vmem>>[vector<16xi32>], vector<16xf32>,
        %eq3A_2238 = arith.cmpf oeq, %gather3A, %broadcast_in_dim3A_2158 : vector<16xf32>
        %jit3A_2239 = arith.constant 2147483647 : i32
        %broadcast_in_dim3A_2240 = vector.broadcast %jit3A_2239 : i32 to vector<16xi32>
        %select_n3A_2241 = arith.select %eq3A_2238, %get3A_2237, %broadcast_in_dim3A_2240 : vector<16xi1>, vector<16xi32>
        %min3A_2242 = arith.minsi %while3A_2234, %select_n3A_2241 : vector<16xi32>
        scf.yield %min3A_2242 : vector<16xi32>
      }
      %while3A_2219 = arith.constant 1 : i32
      %while3A_2220 = scf.for %while3A_2233 = %while3A_2216 to %while3A_2212 step %while3A_2219 iter_args(%while3A_2234 = %while3A_2218) -> (vector<16xi32>)  : i32 {
        %mul3A_2235 = arith.constant 16 : i32
        %mul3A_2236 = arith.muli %while3A_2233, %mul3A_2235 : i32
        %get3A = arith.index_cast %mul3A_2236 : i32 to index
        %get3A_2237 = tpu.vector_load %arg6[%get3A] {strides = array<i32>} : memref<32784xi32, #tpu.memory_space<vmem>>, vector<16xi32>,
        %gather3A = tpu.vector_load_idx %arg5[%get3A_2237] : memref<32784xf32, #tpu.memory_space<vmem>>[vector<16xi32>], vector<16xf32>,
        %eq3A_2238 = arith.cmpf oeq, %gather3A, %broadcast_in_dim3A_2158 : vector<16xf32>
        %jit3A_2239 = arith.constant 2147483647 : i32
        %broadcast_in_dim3A_2240 = vector.broadcast %jit3A_2239 : i32 to vector<16xi32>
        %select_n3A_2241 = arith.select %eq3A_2238, %get3A_2237, %broadcast_in_dim3A_2240 : vector<16xi1>, vector<16xi32>
        %min3A_2242 = arith.minsi %while3A_2234, %select_n3A_2241 : vector<16xi32>
        scf.yield %min3A_2242 : vector<16xi32>
      }
      %neg3A_2221 = arith.constant 0 : i32
      %neg3A_2222 = vector.broadcast %neg3A_2221 : i32 to vector<16xi32>
      %neg3A_2223 = arith.subi %neg3A_2222, %while3A_2220 : vector<16xi32>
      %reduce_max3A = arith.constant true
      %reduce_max3A_2224 = vector.broadcast %reduce_max3A : i1 to vector<16xi1>
      %reduce_max3A_2225 = arith.constant -2147483648 : i32
      %reduce_max3A_2226 = vector.broadcast %reduce_max3A_2225 : i32 to vector<16xi32>
      %reduce_max3A_2227 = arith.xori %neg3A_2223, %reduce_max3A_2226 : vector<16xi32>
      %reduce_max3A_2228 = tpu.scan <max>, %reduce_max3A_2227 masked %reduce_max3A_2224 : vector<16xi32>, vector<16xi1> -> vector<16xi32>
      %reduce_max3A_2229 = arith.xori %reduce_max3A_2228, %reduce_max3A_2226 : vector<16xi32>
      %reduce_max3A_2230 = vector.extract %reduce_max3A_2229[15] : i32 from vector<16xi32>
      %neg3A_2231 = arith.constant 0 : i32
      %neg3A_2232 = arith.subi %neg3A_2231, %reduce_max3A_2230 : i32
      scf.yield %neg3A_2232 : i32
    } else {
      %scan3A_2208 = arith.constant 0 : i32
      %scan3A_2209 = arith.constant 0 : i32
      %scan3A_2210 = arith.constant 15 : i32
      %scan3A_2211 = arith.addi %scan3A_2209, %scan3A_2210 : i32
      %scan3A_2212 = arith.constant 1 : i32
      %scan3A_2213 = scf.for %scan3A_2215 = %scan3A_2209 to %scan3A_2211 step %scan3A_2212 iter_args(%scan3A_2216 = %scan3A_2208) -> (i32)  : i32 {
        %sub3A_2217 = arith.constant 14 : i32
        %sub3A_2218 = arith.subi %sub3A_2217, %scan3A_2215 : i32
        %shift_left3A = arith.constant 1 : i32
        %shift_left3A_2219 = arith.shli %shift_left3A, %sub3A_2218 : i32
        %or3A = arith.ori %scan3A_2216, %shift_left3A_2219 : i32
        %broadcast_in_dim3A_2220 = vector.broadcast %or3A : i32 to vector<16xi32>
        %broadcast_in_dim3A_2221 = arith.constant 0 : i32
        %broadcast_in_dim3A_2222 = vector.broadcast %broadcast_in_dim3A_2221 : i32 to vector<16xi32>
        %while3A_2223 = arith.constant 0 : i32
        %while3A_2224 = arith.subi %select_n3A_2144, %while3A_2223 : i32
        %while3A_2225 = arith.addi %while3A_2223, %while3A_2224 : i32
        %while3A_2226 = arith.constant 1 : i32
        %while3A_2227 = arith.divsi %while3A_2224, %while3A_2226 : i32
        %while3A_2228 = arith.muli %while3A_2227, %while3A_2226 : i32
        %while3A_2229 = arith.addi %while3A_2223, %while3A_2228 : i32
        %while3A_2230 = arith.constant 1 : i32
        %while3A_2231 = scf.for %while3A_2237 = %while3A_2223 to %while3A_2229 step %while3A_2230 iter_args(%while3A_2238 = %broadcast_in_dim3A_2222) -> (vector<16xi32>)  : i32 {
          %mul3A_2239 = arith.constant 16 : i32
          %mul3A_2240 = arith.muli %while3A_2237, %mul3A_2239 : i32
          %get3A = arith.index_cast %mul3A_2240 : i32 to index
          %get3A_2241 = tpu.vector_load %arg6[%get3A] {strides = array<i32>} : memref<32784xi32, #tpu.memory_space<vmem>>, vector<16xi32>,
          %gather3A = tpu.vector_load_idx %arg5[%get3A_2241] : memref<32784xf32, #tpu.memory_space<vmem>>[vector<16xi32>], vector<16xf32>,
          %eq3A_2242 = arith.cmpf oeq, %gather3A, %broadcast_in_dim3A_2158 : vector<16xf32>
          %lt3A_2243 = arith.cmpi slt, %get3A_2241, %broadcast_in_dim3A_2220 : vector<16xi32>
          %and3A_2244 = arith.andi %eq3A_2242, %lt3A_2243 : vector<16xi1>
          %all_reduce_population_count3A = tpu.all_reduce %and3A_2244 {dim = 0 : i64, kind = #tpu.reduction_kind<sum>} : vector<16xi1> -> vector<16xi32>
          %add3A_2245 = arith.addi %while3A_2238, %all_reduce_population_count3A : vector<16xi32>
          scf.yield %add3A_2245 : vector<16xi32>
        }
        %while3A_2232 = arith.constant 1 : i32
        %while3A_2233 = scf.for %while3A_2237 = %while3A_2229 to %while3A_2225 step %while3A_2232 iter_args(%while3A_2238 = %while3A_2231) -> (vector<16xi32>)  : i32 {
          %mul3A_2239 = arith.constant 16 : i32
          %mul3A_2240 = arith.muli %while3A_2237, %mul3A_2239 : i32
          %get3A = arith.index_cast %mul3A_2240 : i32 to index
          %get3A_2241 = tpu.vector_load %arg6[%get3A] {strides = array<i32>} : memref<32784xi32, #tpu.memory_space<vmem>>, vector<16xi32>,
          %gather3A = tpu.vector_load_idx %arg5[%get3A_2241] : memref<32784xf32, #tpu.memory_space<vmem>>[vector<16xi32>], vector<16xf32>,
          %eq3A_2242 = arith.cmpf oeq, %gather3A, %broadcast_in_dim3A_2158 : vector<16xf32>
          %lt3A_2243 = arith.cmpi slt, %get3A_2241, %broadcast_in_dim3A_2220 : vector<16xi32>
          %and3A_2244 = arith.andi %eq3A_2242, %lt3A_2243 : vector<16xi1>
          %all_reduce_population_count3A = tpu.all_reduce %and3A_2244 {dim = 0 : i64, kind = #tpu.reduction_kind<sum>} : vector<16xi1> -> vector<16xi32>
          %add3A_2245 = arith.addi %while3A_2238, %all_reduce_population_count3A : vector<16xi32>
          scf.yield %add3A_2245 : vector<16xi32>
        }
        %slice3A_2234 = vector.extract_strided_slice %while3A_2233 {offsets = [0], sizes = [1], strides = [1]} : vector<16xi32> to vector<1xi32>
        %squeeze3A_2235 = vector.extract %slice3A_2234[0] : i32 from vector<1xi32>
        %lt3A = arith.cmpi slt, %squeeze3A_2235, %sub3A_2175 : i32
        %select_n3A_2236 = arith.select %lt3A, %or3A, %scan3A_2216 : i32
        scf.yield %select_n3A_2236 : i32
      }
      %scan3A_2214 = arith.constant 15 : i32
      scf.yield %scan3A_2213 : i32
    }
    %bitcast_convert_type3A_2183 = arith.bitcast %squeeze3A_2157 : f32 to i32
    %eq3A_2184 = arith.constant 6 : i32
    %eq3A_2185 = vector.broadcast %eq3A_2184 : i32 to vector<16xi32>
    %eq3A_2186 = arith.cmpi eq, %iota3A, %eq3A_2185 : vector<16xi32>
    %broadcast_in_dim3A_2187 = vector.broadcast %bitcast_convert_type3A_2183 : i32 to vector<16xi32>
    %select_n3A_2188 = arith.select %eq3A_2186, %broadcast_in_dim3A_2187, %select_n3A_1654 : vector<16xi1>, vector<16xi32>
    %eq3A_2189 = arith.constant 7 : i32
    %eq3A_2190 = vector.broadcast %eq3A_2189 : i32 to vector<16xi32>
    %eq3A_2191 = arith.cmpi eq, %iota3A, %eq3A_2190 : vector<16xi32>
    %broadcast_in_dim3A_2192 = vector.broadcast %cond3A_2182 : i32 to vector<16xi32>
    %select_n3A_2193 = arith.select %eq3A_2191, %broadcast_in_dim3A_2192, %select_n3A_2188 : vector<16xi1>, vector<16xi32>
    %swap3A_2194 = arith.constant 0 : index
    %swap3A_2195 = tpu.vector_load %arg8[%swap3A_2194] {strides = array<i32>} : memref<16xi32, #tpu.memory_space<vmem>>, vector<16xi32>,
    tpu.vector_store %arg8[%swap3A_2194], %select_n3A_2193 {strides = array<i32>} : memref<16xi32, #tpu.memory_space<vmem>>, vector<16xi32>,
    %dma_start3A_2196 = arith.constant 0 : i32
    %dma_start3A_2197 = tpu.memref_slice %arg3[%add3A, %dma_start3A_2196] : memref<32x16xi32, #tpu.memory_space<hbm>> -> memref<1x16xi32, #tpu.memory_space<hbm>>
    %dma_start3A_2198 = tpu.memref_squeeze %dma_start3A_2197 : memref<1x16xi32, #tpu.memory_space<hbm>> -> memref<16xi32, #tpu.memory_space<hbm>>
    %dma_start3A_2199 = arith.constant 0 : i32
    %dma_start3A_2200 = tpu.memref_slice %arg3[%add3A, %dma_start3A_2199] : memref<32x16xi32, #tpu.memory_space<hbm>> -> memref<1x16xi32, #tpu.memory_space<hbm>>
    %dma_start3A_2201 = tpu.memref_squeeze %dma_start3A_2200 : memref<1x16xi32, #tpu.memory_space<hbm>> -> memref<16xi32, #tpu.memory_space<hbm>>
    tpu.enqueue_dma source(%arg8 : memref<16xi32, #tpu.memory_space<vmem>>) target(%dma_start3A_2201 : memref<16xi32, #tpu.memory_space<hbm>>) target_semaphore(%arg11 : memref<!tpu.dma_semaphore, #tpu.memory_space<semaphore_mem>>)
    %dma_wait3A_2202 = arith.constant 0 : i32
    %dma_wait3A_2203 = tpu.memref_slice %arg3[%add3A, %dma_wait3A_2202] : memref<32x16xi32, #tpu.memory_space<hbm>> -> memref<1x16xi32, #tpu.memory_space<hbm>>
    %dma_wait3A_2204 = tpu.memref_squeeze %dma_wait3A_2203 : memref<1x16xi32, #tpu.memory_space<hbm>> -> memref<16xi32, #tpu.memory_space<hbm>>
    %dma_wait3A_2205 = arith.constant 0 : i32
    %dma_wait3A_2206 = tpu.memref_slice %arg3[%add3A, %dma_wait3A_2205] : memref<32x16xi32, #tpu.memory_space<hbm>> -> memref<1x16xi32, #tpu.memory_space<hbm>>
    %dma_wait3A_2207 = tpu.memref_squeeze %dma_wait3A_2206 : memref<1x16xi32, #tpu.memory_space<hbm>> -> memref<16xi32, #tpu.memory_space<hbm>>
    tpu.wait_dma2 semaphore(%arg11 : memref<!tpu.dma_semaphore, #tpu.memory_space<semaphore_mem>>) src(%arg8 : memref<16xi32, #tpu.memory_space<vmem>>) dst(%dma_wait3A_2207 : memref<16xi32, #tpu.memory_space<hbm>>)
    return
  }
}

module attributes {stable_mosaic.version = 14 : i64} {
  func.func @_mask_body(%arg0: i32, %arg1: memref<32x32768xf32, #tpu.memory_space<vmem>>, %arg2: memref<32x1xf32, #tpu.memory_space<vmem>>, %arg3: memref<32x1xi32, #tpu.memory_space<vmem>>, %arg4: memref<32x32768xf32, #tpu.memory_space<vmem>>) attributes {dimension_semantics = [#tpu.dimension_semantics<arbitrary>], iteration_bounds = array<i64: 4>, scalar_prefetch = 0 : i64, scratch_operands = 0 : i64, tpu.core_type = #tpu.core_type<tc>, window_params = [{transform_indices = @transform_0, window_bounds = array<i64: 32, 32768>}, {transform_indices = @transform_1, window_bounds = array<i64: 32, 1>}, {transform_indices = @transform_2, window_bounds = array<i64: 32, 1>}, {transform_indices = @transform_3, window_bounds = array<i64: 32, 32768>}]} {
    %get3A = arith.constant 0 : index
    %get3A_0 = arith.constant 0 : index
    %get3A_1 = vector.load %arg1[%get3A, %get3A_0] : memref<32x32768xf32, #tpu.memory_space<vmem>>, vector<32x32768xf32>
    %get3A_2 = arith.constant 0 : index
    %get3A_3 = arith.constant 0 : index
    %get3A_4 = vector.load %arg2[%get3A_2, %get3A_3] : memref<32x1xf32, #tpu.memory_space<vmem>>, vector<32x1xf32>
    %get3A_5 = arith.constant 0 : index
    %get3A_6 = arith.constant 0 : index
    %get3A_7 = vector.load %arg3[%get3A_5, %get3A_6] : memref<32x1xi32, #tpu.memory_space<vmem>>, vector<32x1xi32>
    %iota3A = tpu.iota {dimensions = array<i32: 1>} : vector<32x32768xi32>
    %gt3A = vector.broadcast %get3A_4 : vector<32x1xf32> to vector<32x32768xf32>
    %gt3A_8 = arith.cmpf ogt, %get3A_1, %gt3A : vector<32x32768xf32>
    %eq3A = vector.broadcast %get3A_4 : vector<32x1xf32> to vector<32x32768xf32>
    %eq3A_9 = arith.cmpf oeq, %get3A_1, %eq3A : vector<32x32768xf32>
    %le3A = vector.broadcast %get3A_7 : vector<32x1xi32> to vector<32x32768xi32>
    %le3A_10 = arith.cmpi sle, %iota3A, %le3A : vector<32x32768xi32>
    %and3A = arith.andi %eq3A_9, %le3A_10 : vector<32x32768xi1>
    %or3A = arith.ori %gt3A_8, %and3A : vector<32x32768xi1>
    %max3A = arith.constant 0.000000e+00 : f32
    %max3A_11 = vector.broadcast %max3A : f32 to vector<32x32768xf32>
    %max3A_12 = arith.maximumf %get3A_1, %max3A_11 : vector<32x32768xf32>
    %jit3A = arith.constant 0.000000e+00 : f32
    %broadcast_in_dim3A = vector.broadcast %jit3A : f32 to vector<32x32768xf32>
    %select_n3A = arith.select %or3A, %max3A_12, %broadcast_in_dim3A : vector<32x32768xi1>, vector<32x32768xf32>
    %swap3A = arith.constant 0 : index
    %swap3A_13 = arith.constant 0 : index
    %swap3A_14 = vector.load %arg4[%swap3A, %swap3A_13] : memref<32x32768xf32, #tpu.memory_space<vmem>>, vector<32x32768xf32>
    tpu.vector_store %arg4[%swap3A, %swap3A_13], %select_n3A {strides = array<i32>} : memref<32x32768xf32, #tpu.memory_space<vmem>>, vector<32x32768xf32>,
    return
  }
  func.func @transform_0(%arg0: i32) -> (i32, i32) {
    %c0_i32 = arith.constant 0 : i32
    %c0_i32_0 = arith.constant 0 : i32
    return %arg0, %c0_i32 : i32, i32
  }
  func.func @transform_1(%arg0: i32) -> (i32, i32) {
    %c0_i32 = arith.constant 0 : i32
    %c0_i32_0 = arith.constant 0 : i32
    return %arg0, %c0_i32 : i32, i32
  }
  func.func @transform_2(%arg0: i32) -> (i32, i32) {
    %c0_i32 = arith.constant 0 : i32
    %c0_i32_0 = arith.constant 0 : i32
    return %arg0, %c0_i32 : i32, i32
  }
  func.func @transform_3(%arg0: i32) -> (i32, i32) {
    %c0_i32 = arith.constant 0 : i32
    %c0_i32_0 = arith.constant 0 : i32
    return %arg0, %c0_i32 : i32, i32
  }
}

</mosaic_0001>

<sc_bundles>
// kernel: kernel.4.cloned.1.call-start
scs
__scs_entry_jumppad:
0x0: {  	(pc) =	sbr.rel $0x88, $3  }
0x1: {  	(tag) =	ssettag $0x0;
	lr =	simm.s32 $0x1  }
0x2: {  	[smem:$0x3FA0] =	sst lr;
	_ =	strace $0xD0000000  }
0x3: {  	_ = 	snop  }
0x4: {  	_ = 	snop  }
0x5: {  	_ = 	snop  }
0x6: {  	_ = 	snop  }
0x7: {  	_ = 	snop  }
__scs_overlays_trampoline_lowered:
0x8: {  	[smem:$0x3FAF] =	sst s0  }
0x9: {  	[smem:$0x3FB0] =	sst s1  }
0xa: {  	[smem:$0x3FB1] =	sst s2  }
0xb: {  	[smem:$0x3FB2] =	sst s3  }
0xc: {  	[smem:$0x3FB3] =	sst s4  }
0xd: {  	[smem:$0x3FB4] =	sst s5  }
0xe: {  	[smem:$0x3FB5] =	sst s6  }
0xf: {  	[smem:$0x3FB6] =	sst s7  }
0x10: {  	[smem:$0x3FB7] =	sst s8  }
0x11: {  	[smem:$0x3FB8] =	sst s9;
	s0 =	simm.s32 @!p0 $0x0  }
0x12: {  	s1 =	sld [smem:$0x3F9E];
	s0 =	simm.s32 @p0 $0x1  }
0x13: {  	[smem:$0x3FB9] =	sst s0;
	s0 =	simm.s32 @!p1 $0x0  }
0x14: {  	s2 =	sld [smem:$0x3F9D];
	s0 =	simm.s32 @p1 $0x1  }
0x15: {  	[smem:$0x3FBA] =	sst s0;
	s0 =	simm.s32 @!p2 $0x0  }
0x16: {  	s3 =	sld [smem:$0x3FDB];
	s0 =	simm.s32 @p2 $0x1  }
0x17: {  	s4 =	simm.s32 $0x1BF5;
	[smem:$0x3FBC] =	sst s0  }
0x18: {  	s0 =	sld [smem:$0x3F9F];
	_ =	swait.ge [sflag:s4], $0x0  }
0x19: {  	s7 =	sld [smem:$0x3FA0]  }
0x1a: {  	s8 =	sadd.s32 $0xFFFFE003, lr  }
0x1b: {  	s9 =	sadd.s32 $0xFFFFFEF7, lr;
	s5 =	simm.s32 $0xFFFFFFFF;
	p2 =	slt.u32 s8, $0xFFFFF086  }
0x1c: {  	p1 =	slt.u32 s9, $0xF7A;
	s5 =	simm.s32 @!p2 $0x0  }
0x1d: {  	s5 =	simm.s32 @p1 $0x1;
	p0 =	seq.s32 s7, s2  }
0x1e: {  	s7 =	smul.u32 @!p0 $0xF7A, s2;
	p2 =	seq.s32 @!p0 s5, $0x0  }
0x1f: {  	s9 =	smul.u32 $0xF7A, s1;
	s8 =	simm.s32 @!p0 $0x1BF5;
	p2 =	por !p2, p0  }
0x20: {  	[sflag:s8] =	ssyncset.s32 @!p0 $0xFFFFF086;
	s6 =	sadd.s32 @!p0 s3, s7;
	s7 =	simm.s32 @!p0 $0x108  }
0x21: {  	s3 =	sadd.s32 s3, s9;
	s6 =	sadd.s32 @!p0 $0x88, s6;
	s7 =	simm.s32 @p2 $0x1082  }
0x22: {  	[simem:s7], [sflag:s8] =	dma.local @!p0 [hbm:s6], $0xF7A  }
0x23: {  	s9 =	sor.u32 $0xD0000000, s2;
	s6 =	simm.s32 $0x108;
	_ =	swait.ge @!p0 [sflag:s8], $0x0  }
0x24: {  	s3 =	sadd.s32 $0x88, s3;
	s6 =	simm.s32 @!p1 $0x1082;
	[sflag:s4] =	ssyncset.s32 $0xFFFFF086  }
0x25: {  	[simem:s6], [sflag:s4] =	dma.local [hbm:s3], $0xF7A  }
0x26: {  	[smem:$0x3FA0] =	sst s1;
	(tag) =	ssettag s2;
	_ =	strace s9  }
0x27: {  	s1 =	sld [smem:$0x3FB0]  }
0x28: {  	s2 =	sld [smem:$0x3FB1]  }
0x29: {  	s4 =	sld [smem:$0x3FB3]  }
0x2a: {  	p0 =	seq.s32 s5, $0x0;
	s5 =	sld [smem:$0x3FB4]  }
0x2b: {  	s6 =	sld [smem:$0x3FB5]  }
0x2c: {  	s7 =	sld [smem:$0x3FB6]  }
0x2d: {  	s3 =	simm.s32 $0x108;
	s8 =	sld [smem:$0x3FB7]  }
0x2e: {  	s3 =	simm.s32 @!p0 $0x1082;
	s9 =	sld [smem:$0x3FB8]  }
0x2f: {  	lr =	sadd.s32 s0, s3;
	s0 =	sld [smem:$0x3FAF]  }
0x30: {  	s3 =	sld [smem:$0x3FB2]  }
0x31: {  	[smem:$0x3FBB] =	sst s10  }
0x32: {  	s10 =	sld [smem:$0x3FB9];
	_ =	sdelay $0x3  }
0x33: {  	p0 =	seq.s32 s10, $0x1;
	s10 =	sld [smem:$0x3FBB];
	_ =	sdelay $0x3  }
0x34: {  	[smem:$0x3FBB] =	sst s10  }
0x35: {  	s10 =	sld [smem:$0x3FBA];
	_ =	sdelay $0x3  }
0x36: {  	p1 =	seq.s32 s10, $0x1;
	s10 =	sld [smem:$0x3FBB];
	_ =	sdelay $0x3  }
0x37: {  	[smem:$0x3FBB] =	sst s10  }
0x38: {  	s10 =	sld [smem:$0x3FBC]  }
0x39: {  	_ = 	snop;
	(pc) =	sbr.ind lr, $3  }
0x3a: {  	_ = 	snop  }
0x3b: {  	_ = 	snop  }
0x3c: {  	p2 =	seq.s32 s10, $0x1;
	s10 =	sld [smem:$0x3FBB]  }
0x3d: {  	_ =	shalt  }
0x3e: {  	_ =	shalt  }
0x3f: {  	_ =	shalt  }
0x40: {  	_ =	shalt  }
0x41: {  	_ =	shalt  }
0x42: {  	_ =	shalt  }
0x43: {  	_ =	shalt  }
0x44: {  	_ =	shalt  }
0x45: {  	_ =	shalt  }
0x46: {  	_ =	shalt  }
0x47: {  	_ =	shalt  }
0x48: {  	_ =	shalt  }
0x49: {  	_ =	shalt  }
0x4a: {  	_ =	shalt  }
0x4b: {  	_ =	shalt  }
0x4c: {  	_ =	shalt  }
0x4d: {  	_ =	shalt  }
0x4e: {  	_ =	shalt  }
0x4f: {  	_ =	shalt  }
0x50: {  	_ =	shalt  }
0x51: {  	_ =	shalt  }
0x52: {  	_ =	shalt  }
0x53: {  	_ =	shalt  }
0x54: {  	_ =	shalt  }
0x55: {  	_ =	shalt  }
0x56: {  	_ =	shalt  }
0x57: {  	_ =	shalt  }
0x58: {  	_ =	shalt  }
0x59: {  	_ =	shalt  }
0x5a: {  	_ =	shalt  }
0x5b: {  	_ =	shalt  }
0x5c: {  	_ =	shalt  }
0x5d: {  	_ =	shalt  }
0x5e: {  	_ =	shalt  }
0x5f: {  	_ =	shalt  }
0x60: {  	_ =	shalt  }
0x61: {  	_ =	shalt  }
0x62: {  	_ =	shalt  }
0x63: {  	_ =	shalt  }
0x64: {  	_ =	shalt  }
0x65: {  	_ =	shalt  }
0x66: {  	_ =	shalt  }
0x67: {  	_ =	shalt  }
0x68: {  	_ =	shalt  }
0x69: {  	_ =	shalt  }
0x6a: {  	_ =	shalt  }
0x6b: {  	_ =	shalt  }
0x6c: {  	_ =	shalt  }
0x6d: {  	_ =	shalt  }
0x6e: {  	_ =	shalt  }
0x6f: {  	_ =	shalt  }
0x70: {  	_ =	shalt  }
0x71: {  	_ =	shalt  }
0x72: {  	_ =	shalt  }
0x73: {  	_ =	shalt  }
0x74: {  	_ =	shalt  }
0x75: {  	_ =	shalt  }
0x76: {  	_ =	shalt  }
0x77: {  	_ =	shalt  }
0x78: {  	_ =	shalt  }
0x79: {  	_ =	shalt  }
0x7a: {  	_ =	shalt  }
0x7b: {  	_ =	shalt  }
0x7c: {  	_ =	shalt  }
0x7d: {  	_ =	shalt  }
0x7e: {  	_ =	shalt  }
0x7f: {  	_ =	shalt  }
0x80: {  	_ =	shalt  }
0x81: {  	_ =	shalt  }
0x82: {  	_ =	shalt  }
0x83: {  	_ =	shalt  }
0x84: {  	_ =	shalt  }
0x85: {  	_ =	shalt  }
0x86: {  	_ =	shalt  }
0x87: {  	_ =	shalt  }
.Lfunc_end0:
.L_simem_size_0:
called_computation_lowered:
.L_overlay_start_0:
0x88: {  	s2 =	sld [smem:$0x3FD9]  }
0x89: {  	s3 =	sld [smem:$0x3FFE];
	_ =	sdelay $0x1  }
0x8a: {  	s1 =	srdreg.scid  }
0x8b: {  	s0 =	sand.u32 $0x1, s1  }
0x8c: {  	s18 =	sshll.u32 s0, $0xA;
	s2 =	sadd.s32 s3, s2  }
0x8d: {  	s2 =	sadd.s32 s2, s18  }
0x8e: {  	[smem:$0x3FC7] =	sst s2  }
0x8f: {  	_ = 	snop  }
0x90: {  	s2 =	sld [smem:$0x3FC9]  }
0x91: {  	s19 =	sld [smem:$0x3FD0];
	(tm) =	ssettm $0x1  }
0x92: {  	s4 =	sld [smem:$0x3FFB];
	_ =	sdelay $0x3  }
0x93: {  	_ =	strace s4  }
0x94: {  	s4 =	sld [smem:$0x3FFC];
	_ =	sdelay $0x3  }
0x95: {  	_ =	strace s4  }
0x96: {  	s4 =	sld [smem:$0x3FFD];
	_ =	sdelay $0x3  }
0x97: {  	_ =	strace s4  }
0x98: {  	_ =	strace $0x8FFFFFFF  }
0x99: {  	s20 =	sld [smem:$0x3FDB];
	_ =	sdelay $0x1  }
0x9a: {  	s5 =	simm.s32 $_scs_section_size  }
0x9b: {  	s6 =	simm.s32 $_size__tile_overlayer_lowered;
	s7 =	simm.s32 $_tile_overlayer_lowered  }
0x9c: {  	s23 =	simm.s32 $0x1BFF;
	s22 =	sshll.u32 s7, $0x1;
	s4 =	sadd.s32 s5, s20  }
0x9d: {  	s8 =	simm.s32 $0x0;
	s21 =	sshll.u32 s6, $0x1;
	s6 =	sadd.s32 s22, s4  }
0x9e: {  	[timem:s8], [sflag:s23] =	dma.local [hbm:s6], s21  }
0x9f: {  	_ =	swait.ge [sflag:s23], s21  }
0xa0: {  	s5 =	ssub.s32 $0x0, s21;
	[sflag:s23] =	ssyncset.done $0x0  }
0xa1: {  	[sflag:s23] =	ssyncadd.s32 s5;
	_ =	sdelay $0x1  }
0xa2: {  	s24 =	simm.s32 $0x1B8B  }
0xa3: {  	_ =	swait.ge [sflag:s24], $0x1  }
0xa4: {  	[sflag:s24] =	ssyncset.done $0x0  }
0xa5: {  	s25 =	simm.s32 $0x1B8E;
	[sflag:s24] =	ssyncadd.s32 $0xFFFFFFFF  }
0xa6: {  	s26 =	simm.s32 $execute0_lowered;
	[smem:$0x3FD2] =	sst s25  }
0xa7: {  	s5 =	sshll.u32 s26, $0x1;
	_ =	strace $0x80000046;
	[dreg:$0x1] =	wrdreg $0xFFFFFFFF  }
0xa8: {  	s28 =	simm.s32 $_size_execute0_lowered;
	s4 =	sadd.s32 s4, s5;
	[dreg:$0x0] =	wrdreg $0x0  }
0xa9: {  	s5 =	sshll.u32 s28, $0x1;
	[dreg:$0x2] =	wrdreg s4  }
0xaa: {  	[dreg:$0x3] =	wrdreg s5  }
0xab: {  	[dreg:$0x4] =	wrdreg $0xC0  }
0xac: {  	_ =	task [dreg:s8], $0x5FFFF  }
0xad: {  	[dreg:$0x1] =	wrdreg $0xFFFFFFFF  }
0xae: {  	[dreg:$0x0] =	wrdreg $0x60  }
0xaf: {  	[dreg:$0x2] =	wrdreg s2  }
0xb0: {  	[dreg:$0x3] =	wrdreg s19  }
0xb1: {  	[dreg:$0x4] =	wrdreg $0x9  }
0xb2: {  	_ =	task.clear_ibuf [dreg:s8], $0x5FFFF;
	_ =	strace $0x90000046  }
0xb3: {  	s29 =	simm.s32 $0x9;
	_ =	strace $0x80000048  }
0xb4: {  	_ =	swait.ge [sflag:s29], $0x1  }
0xb5: {  	[sflag:s29] =	ssyncadd.s32 $0xFFFFFFFF  }
0xb6: {  	_ =	strace $0x90000048  }
0xb7: {  	_ =	sfence  }
0xb8: {  	s30 =	sld [smem:$0x0];
	_ =	sdelay $0x2  }
0xb9: {  	s31 =	sshll.u32 s1, $0xD;
	s1 =	sshrl.u32 s1, $0x2  }
0xba: {  	s3 =	sand.u32 $0x4000, s31;
	s1 =	sadd.s32 s1, s30  }
0xbb: {  	s0 =	sor.u32 s3, s0;
	s1 =	sshll.u32 s1, $0x11  }
0xbc: {  	s0 =	sor.u32 s1, s0  }
0xbd: {  	s0 =	sadd.s32 $0x8F2B, s0  }
0xbe: {  	[sflag:s0] =	ssyncadd.remote.s32 $0x1  }
0xbf: {  	_ =	sfence.sel $0xFFFF  }
0xc0: {  	[dreg:$0x0] =	wrdreg $0xFFFFFFFF;
	(pc) =	sbr.abs _section_cstart, $3  }
0xc1: {  	[dreg:$0x1] =	wrdreg $0xFFFFFFFF  }
0xc2: {  	_ =	task.clear_ibuf [dreg:s8], $0x2FFFF;
	_ =	strace $0x9FFFFFFF  }
0xc3: {  	(tm) =	ssettm $0x7FFFFFFF  }
tec
execute0_lowered:
.L_overlay_start_1:
0x0: {  	(tag) =	ssettag $0x1  }
0x1: {  	s0 =	rddreg [dreg:$0x0]  }
0x2: {  	s1 =	rddreg [dreg:$0x1]  }
0x3: {  	s2 =	srdreg.scid;
	s7 =	stileid.u32;
	s9 =	simm.s32 $0x80  }
0x4: {  	s10 =	simm.s32 $0x400;
	s11 =	simm.s32 $0x1;
	s12 =	simm.s32 $0x8080  }
0x5: {  	s13 =	simm.s32 $0x2;
	s15 =	simm.s32 $0x3;
	s16 =	simm.s32 $0x4000  }
0x6: {  	s17 =	simm.s32 $0x0;
	s4 =	sand.u32 $0x1, s2;
	s2 =	simm.s32 $0x0  }
0x7: {  	s5 =	sshll.u32 s7, $0xF;
	s30 =	sshll.u32 s7, $0x5;
	s3 =	sshll.u32 s4, $0x6  }
0x8: {  	[smem:$0x7FF] =	sst s2;
	s6 =	ssub.s32 $0x2, s4;
	s3 =	sor.u32 s3, s5  }
.Ltmp0:
0x9: {  	s4 =	sshll.u32 s4, $0x4;
	s3 =	sadd.s32 s0, s3;
	(pc) =	sbr.rel .LBB2_1-.Ltmp0, $4  }
0xa: {  	v0 =	vlaneseq.u32;
	_ =	strace $0x80000047;
	s25 =	sshrl.u32 s6, $0x1;
	s28 =	sadd.s32 $0x10, s3  }
0xb: {  	v1 =	vmul.u32 $0xFFFFFFFF, v0;
	s1 =	sadd.s32 s1, s4;
	s29 =	sadd.s32 $0x20, s3;
	[dreg:$0x3] =	wrdreg s28  }
0xc: {  	v2 =	vimm.s32 $0x8000;
	vm0 =	vcmask $0xB08;
	s26 =	ssub.s32 s6, s25;
	s31 =	sadd.s32 $0x30, s3;
	[dreg:$0x4] =	wrdreg s29  }
0xd: {  	vm1 =	vcmask $0x1310;
	vm2 =	vcmask $0x1B18;
	v1 =	vadd.s32 $0xF, v1;
	s7 =	sadd.s32 s30, s1;
	s8 =	smax.u32 s26, $0x1;
	[dreg:$0x5] =	wrdreg s31  }
.LBB2_197:
0xe: {  	v10 =	vimm.s32 $0x7FFFFFFF  }
.LBB2_202:
0xf: {  	_ =	sdelay $0x3  }
0x10: {  	v11 =	vld.idx.msk [tilespmem:v8+s12+$0x0], $0xffff;
	_ =	sdelay $0x1  }
0x11: {  	vm3 =	veq.f32 @p0 v9, v6  }
0x12: {  	v9 =	vnsel @p0 vm3, $0x7FFFFFFF, v12  }
0x13: {  	vm3 =	vlt.s32 @p0 v10, v9  }
0x14: {  	v9 =	vsel @p0 vm3, v10, v9;
	vm3 =	veq.f32 v11, v6  }
0x15: {  	v6 =	vpsel p0, v9, v7;
	v7 =	vnsel vm3, $0x7FFFFFFF, v8  }
0x16: {  	vm3 =	vlt.s32 v6, v7  }
0x17: {  	v6 =	vsel vm3, v6, v7  }
0x18: {  	v6 =	vsub.s32 $0x80000000, v6  }
0x19: {  	(xrf0) =	vmax.scan.msk.u32 $0xffff, v6;
	_ =	sdelay $0x5  }
0x1a: {  	v6, _, _ =	vpop (xrf0)  }
0x1b: {  	(v2sf) =	vpush v6, $0xF;
	_ =	sdelay $0xe  }
0x1c: {  	s0 =	spop (v2sf)  }
0x1d: {  	s0 =	sxor.u32 $0x7FFFFFFF, s0  }
0x1e: {  	s20 =	sadd.s32 $0x1, s0  }
.LBB2_209:
0x1f: {  	v4 =	vbroadcast v4, $0xF;
	_ =	sdelay $0x1  }
0x20: {  	vm3 =	veq.s32 v0, $0x5;
	v63 =	vbroadcast v5, $0xF;
	v3 =	vsel vm1, v4, v3  }
0x21: {  	v3 =	vsel vm3, s19, v3  }
0x22: {  	s17 =	sadd.s32 $0x1, s17;
	vm3 =	veq.s32 v0, $0x7;
	v3 =	vsel vm2, v63, v3  }
0x23: {  	p0 =	sne.s32 s17, s8;
	v3 =	vsel vm3, s20, v3  }
.Ltmp1:
0x24: {  	s0 =	simm.s32 $0x18180;
	[tilespmem:$0x18180] =	vst v3;
	(pc) =	sbr.rel @!p0 .LBB2_210-.Ltmp1, $4  }
0x25: {  	[hbm4b:s7+s2] =	stream.linear.scatter [tilespmem:s0], [sflag:$0x3], $0x80, $0x38;
	[tilespmem:$0x18200] =	vst v63  }
0x26: {  	_ =	swait.ge [sflag:s15], $0x80  }
0x27: {  	[sflag:s15] =	ssyncset.done $0x0  }
0x28: {  	[sflag:s15] =	ssyncadd.s32 $0xFFFFFF80  }
.LBB2_1:
0x29: {  	v3 =	vimm.f32 $-Inf  }
0x2a: {  	[tilespmem:$0x8000] =	vst v3  }
0x2b: {  	[tilespmem:$0x10080] =	vst v3  }
0x2c: {  	[tilespmem:s2], [sflag:$0x1] =	stream.strided.gather [hbm4b:s3+s9], $0x8000, s10, s9, $0x38;
	[tilespmem:$0x18200] =	vst v63  }
0x2d: {  	_ =	swait.ge [sflag:s11], $0x8000  }
0x2e: {  	[sflag:s11] =	ssyncset.done $0x0  }
0x2f: {  	s28 =	simm.s32 $0x40;
	s0 =	rddreg [dreg:$0x3];
	[sflag:s11] =	ssyncadd.s32 $0xFFFF8000  }
0x30: {  	[tilespmem:s12], [sflag:$0x2] =	stream.strided.gather [hbm4b:s0+s9], $0x8000, s10, s9, $0x38;
	[tilespmem:$0x18200] =	vst v63  }
0x31: {  	v4 =	vld [tilespmem:s28+$0xFFFFFFC0]  }
0x32: {  	v5 =	vld [tilespmem:s28+$0xFFFFFFD0]  }
0x33: {  	v6 =	vld [tilespmem:s28+$0xFFFFFFE0]  }
0x34: {  	v7 =	vld [tilespmem:s28+$0xFFFFFFF0]  }
0x35: {  	v8 =	vld [tilespmem:s28+$0x0]  }
0x36: {  	v9 =	vld [tilespmem:s28+$0x10]  }
0x37: {  	v10 =	vld [tilespmem:s28+$0x20]  }
0x38: {  	s29 =	simm.s32 $0xC0;
	v11 =	vld [tilespmem:s28+$0x30]  }
0x39: {  	v12 =	vld [tilespmem:s29+$0xFFFFFFC0]  }
0x3a: {  	v13 =	vld [tilespmem:s29+$0xFFFFFFD0]  }
0x3b: {  	v14 =	vld [tilespmem:s29+$0xFFFFFFE0]  }
0x3c: {  	v15 =	vld [tilespmem:s29+$0xFFFFFFF0]  }
0x3d: {  	v16 =	vld [tilespmem:s29+$0x0]  }
0x3e: {  	v19 =	vld [tilespmem:s29+$0x20];
	v18 =	vmax.f32 v4, v5  }
0x3f: {  	v23 =	vld [tilespmem:s29+$0x30];
	v20 =	vmax.f32 v6, v7;
	v21 =	vmax.f32 v8, v9;
	v22 =	vmax.f32 v10, v11  }
0x40: {  	v17 =	vld [tilespmem:s29+$0x10];
	v18 =	vmax.f32 v18, v20;
	v20 =	vmax.f32 v21, v22  }
0x41: {  	v18 =	vmax.f32 v18, v20  }
0x42: {  	(xrf0) =	vmax.scan.msk.f32 $0xffff, v18  }
0x43: {  	v5 =	vmax.f32 v3, v5;
	v6 =	vmax.f32 v3, v6;
	v7 =	vmax.f32 v3, v7  }
0x44: {  	v25 =	vmax.f32 v19, v23;
	v5 =	vmax.f32 v5, v13;
	v24 =	vmax.f32 v6, v14  }
0x45: {  	s30 =	simm.s32 $0x140;
	v6 =	vmax.f32 v12, v13;
	v13 =	vmax.f32 v14, v15;
	v14 =	vmax.f32 v16, v17  }
0x46: {  	v62 =	vld [tilespmem:s30+$0xFFFFFFF0];
	v4 =	vmax.f32 v3, v4;
	v6 =	vmax.f32 v6, v13;
	v13 =	vmax.f32 v14, v25  }
0x47: {  	v26 =	vld [tilespmem:s30+$0x10];
	v8 =	vmax.f32 v3, v8;
	v9 =	vmax.f32 v3, v9;
	v6 =	vmax.f32 v6, v13  }
0x48: {  	v63 =	vld [tilespmem:s30+$0x20];
	v10 =	vmax.f32 v3, v10;
	v3 =	vmax.f32 v3, v11;
	v11 =	vmax.f32 v7, v15;
	v7, _, _ =	vpop (xrf0);
	(xrf0) =	vmax.scan.msk.f32 $0xffff, v6  }
0x49: {  	v4 =	vmax.f32 v4, v12;
	v12 =	vld [tilespmem:s30+$0x0];
	_ =	sdelay $0x1  }
0x4a: {  	v61 =	vld [tilespmem:s30+$0xFFFFFFC0];
	v8 =	vmax.f32 v8, v16;
	v16 =	vmax.f32 v10, v19  }
0x4b: {  	v27 =	vld [tilespmem:s30+$0x30]  }
0x4c: {  	v20 =	vld [tilespmem:s30+$0xFFFFFFD0];
	v15 =	vmax.f32 v11, v62;
	(v2sf) =	vpush v7, $0xF  }
0x4d: {  	s31 =	simm.s32 $0x1C0;
	v18 =	vld [tilespmem:s30+$0xFFFFFFE0];
	v14 =	vmax.f32 v8, v12;
	v11 =	vmax.f32 v12, v26;
	v12 =	vmax.f32 v16, v63;
	v16, _, _ =	vpop (xrf0)  }
0x4e: {  	v10 =	vld [tilespmem:s31+$0xFFFFFFE0];
	(v2sf) =	vpush v16, $0xF  }
0x4f: {  	v7 =	vld [tilespmem:s31+$0xFFFFFFD0]  }
0x50: {  	v9 =	vmax.f32 v9, v17;
	v23 =	vmax.f32 v3, v23;
	v6 =	vld [tilespmem:s31+$0xFFFFFFC0]  }
0x51: {  	v17 =	vmax.f32 v4, v61;
	v4 =	vld [tilespmem:s31+$0xFFFFFFF0];
	v13 =	vmax.f32 v9, v26;
	v8 =	vmax.f32 v61, v20  }
0x52: {  	v3 =	vld [tilespmem:s31+$0x0];
	v24 =	vmax.f32 v24, v18;
	v9 =	vmax.f32 v18, v62;
	v18 =	vmax.f32 v63, v27  }
0x53: {  	v19 =	vmax.f32 v5, v20;
	v5 =	vld [tilespmem:s31+$0x10];
	v8 =	vmax.f32 v8, v9;
	v11 =	vmax.f32 v11, v18  }
0x54: {  	s20 =	simm.s32 $0x4;
	s18 =	simm.s32 $0x8;
	s19 =	simm.s32 $0xC;
	v9 =	vld [tilespmem:s31+$0x20];
	v18 =	vmax.f32 v19, v7;
	v19 =	vmax.f32 v8, v11  }
0x55: {  	s22 =	simm.s32 $0x10;
	s21 =	simm.s32 $0x0;
	s0 =	simm.s32 $0x240;
	v17 =	vmax.f32 v17, v6;
	v8 =	vld [tilespmem:s31+$0x30];
	v11 =	vmax.f32 v23, v27;
	v16 =	vmax.f32 v24, v10;
	(xrf0) =	vmax.scan.msk.f32 $0xffff, v19  }
.LBB2_2:
0x56: {  	v19 =	vld [tilespmem:s0+$0xFFFFFFC0];
	p0 =	sne.s32 s22, $0x3FC;
	v15 =	vmax.f32 v15, v4;
	v20 =	vmov v4  }
0x57: {  	v21 =	vld [tilespmem:s0+$0xFFFFFFD0];
	v14 =	vmax.f32 v14, v3  }
0x58: {  	v22 =	vld [tilespmem:s0+$0xFFFFFFE0];
	v13 =	vmax.f32 v13, v5  }
.Ltmp2:
0x59: {  	v6 =	vmax.f32 v6, v7;
	v4 =	vld [tilespmem:s0+$0xFFFFFFF0];
	v12 =	vmax.f32 v12, v9;
	(pc) =	sbr.rel @p0 .LBB2_2-.Ltmp2, $4  }
0x5a: {  	v25 =	vmax.f32 v10, v20;
	v20 =	vmax.f32 v3, v5;
	v3 =	vld [tilespmem:s0+$0x0];
	v9 =	vmax.f32 v9, v8  }
0x5b: {  	s1 =	sshra.s32 s21, $0x2;
	s21 =	smov.u32 s20;
	v23 =	vmax.f32 v6, v25;
	v5 =	vld [tilespmem:s0+$0x10];
	v17 =	vmax.f32 v17, v19;
	v24 =	vmax.f32 v20, v9;
	v10, _, _ =	vpop (xrf0);
	s4 =	spop (v2sf)  }
0x5c: {  	s20 =	smov.u32 s18;
	s18 =	smov.u32 s19;
	v6 =	vmovc v19;
	v9 =	vld [tilespmem:s0+$0x20];
	v18 =	vmax.f32 v18, v21;
	v20 =	vmax.f32 v23, v24;
	(v2sf) =	vpush v10, $0xF;
	[smem:s1] =	sst s4;
	v7 =	vmovc v21  }
0x5d: {  	s19 =	smov.u32 s22;
	s22 =	sadd.s32 $0x4, s22;
	v11 =	vmax.f32 v11, v8;
	v16 =	vmax.f32 v16, v22;
	v8 =	vld [tilespmem:s0+$0x30];
	s0 =	sadd.s32 $0x80, s0;
	(xrf0) =	vmax.scan.msk.f32 $0xffff, v20;
	v10 =	vmov v22  }
0x5e: {  	v17 =	vsub.f32 $0.0e+00, v17  }
0x5f: {  	v18 =	vsub.f32 $0.0e+00, v18  }
0x60: {  	(xrf1) =	vsort.ascd.msk.f32 $0xffff, v17, v17  }
0x61: {  	(xrf1) =	vsort.ascd.msk.f32 $0xffff, v18, v18;
	_ =	sdelay $0xc  }
0x62: {  	v17, _, _ =	vpop (xrf1)  }
0x63: {  	v18, _, _ =	vpop (xrf1)  }
0x64: {  	v18 =	vsub.f32 $0.0e+00, v18;
	_ =	sdelay $0x1  }
0x65: {  	v17 =	vsub.f32 $0.0e+00, v17;
	v18 =	vperm.xlane v18, v1;
	_ =	sdelay $0x1  }
0x66: {  	v19 =	vmax.f32 v17, v18  }
0x67: {  	v17 =	vmin.f32 v17, v18;
	v41 =	vsub.f32 $0.0e+00, v19  }
0x68: {  	v17 =	vsub.f32 $0.0e+00, v17  }
0x69: {  	v16 =	vsub.f32 $0.0e+00, v16;
	(xrf1) =	vsort.ascd.msk.f32 $0xffff, v41, v41  }
0x6a: {  	(xrf1) =	vsort.ascd.msk.f32 $0xffff, v17, v17  }
0x6b: {  	(xrf1) =	vsort.ascd.msk.f32 $0xffff, v16, v16;
	_ =	sdelay $0xb  }
0x6c: {  	v42, _, _ =	vpop (xrf1)  }
0x6d: {  	v17, _, _ =	vpop (xrf1)  }
0x6e: {  	v43, _, _ =	vpop (xrf1)  }
0x6f: {  	v18 =	vsub.f32 $0.0e+00, v43;
	_ =	sdelay $0x1  }
0x70: {  	v17 =	vsub.f32 $0.0e+00, v17;
	v18 =	vperm.xlane v18, v1;
	_ =	sdelay $0x1  }
0x71: {  	v17 =	vmax.f32 v17, v18  }
0x72: {  	v17 =	vsub.f32 $0.0e+00, v17;
	_ =	sdelay $0x1  }
0x73: {  	(xrf1) =	vsort.ascd.msk.f32 $0xffff, v17, v17;
	_ =	sdelay $0xd  }
0x74: {  	v17, _, _ =	vpop (xrf1)  }
0x75: {  	v17 =	vsub.f32 $0.0e+00, v17;
	_ =	sdelay $0x1  }
0x76: {  	v16 =	vsub.f32 $0.0e+00, v42;
	v17 =	vperm.xlane v17, v1;
	_ =	sdelay $0x1  }
0x77: {  	v44 =	vmax.f32 v16, v17  }
0x78: {  	v16 =	vmin.f32 v16, v17;
	v45 =	vsub.f32 $0.0e+00, v44  }
0x79: {  	v15 =	vmax.f32 v15, v4;
	v16 =	vsub.f32 $0.0e+00, v16  }
0x7a: {  	v15 =	vsub.f32 $0.0e+00, v15;
	(xrf1) =	vsort.ascd.msk.f32 $0xffff, v45, v45  }
0x7b: {  	(xrf1) =	vsort.ascd.msk.f32 $0xffff, v16, v16  }
0x7c: {  	(xrf1) =	vsort.ascd.msk.f32 $0xffff, v15, v15;
	_ =	sdelay $0xb  }
0x7d: {  	v46, _, _ =	vpop (xrf1)  }
0x7e: {  	v16, _, _ =	vpop (xrf1)  }
0x7f: {  	v47, _, _ =	vpop (xrf1)  }
0x80: {  	v17 =	vsub.f32 $0.0e+00, v47;
	_ =	sdelay $0x1  }
0x81: {  	v16 =	vsub.f32 $0.0e+00, v16;
	v17 =	vperm.xlane v17, v1;
	_ =	sdelay $0x1  }
0x82: {  	v16 =	vmax.f32 v16, v17  }
0x83: {  	v16 =	vsub.f32 $0.0e+00, v16;
	_ =	sdelay $0x1  }
0x84: {  	(xrf1) =	vsort.ascd.msk.f32 $0xffff, v16, v16;
	_ =	sdelay $0xd  }
0x85: {  	v16, _, _ =	vpop (xrf1)  }
0x86: {  	v16 =	vsub.f32 $0.0e+00, v16;
	_ =	sdelay $0x1  }
0x87: {  	v15 =	vsub.f32 $0.0e+00, v46;
	v16 =	vperm.xlane v16, v1;
	_ =	sdelay $0x1  }
0x88: {  	v48 =	vmax.f32 v15, v16  }
0x89: {  	v15 =	vmin.f32 v15, v16;
	v49 =	vsub.f32 $0.0e+00, v48  }
0x8a: {  	v14 =	vmax.f32 v14, v3;
	v15 =	vsub.f32 $0.0e+00, v15  }
0x8b: {  	v14 =	vsub.f32 $0.0e+00, v14;
	(xrf1) =	vsort.ascd.msk.f32 $0xffff, v49, v49  }
0x8c: {  	(xrf1) =	vsort.ascd.msk.f32 $0xffff, v15, v15  }
0x8d: {  	(xrf1) =	vsort.ascd.msk.f32 $0xffff, v14, v14;
	_ =	sdelay $0xb  }
0x8e: {  	v50, _, _ =	vpop (xrf1)  }
0x8f: {  	v15, _, _ =	vpop (xrf1)  }
0x90: {  	v51, _, _ =	vpop (xrf1)  }
0x91: {  	v16 =	vsub.f32 $0.0e+00, v51;
	_ =	sdelay $0x1  }
0x92: {  	v15 =	vsub.f32 $0.0e+00, v15;
	v16 =	vperm.xlane v16, v1;
	_ =	sdelay $0x1  }
0x93: {  	v15 =	vmax.f32 v15, v16  }
0x94: {  	v15 =	vsub.f32 $0.0e+00, v15;
	_ =	sdelay $0x1  }
0x95: {  	(xrf1) =	vsort.ascd.msk.f32 $0xffff, v15, v15;
	_ =	sdelay $0xd  }
0x96: {  	v15, _, _ =	vpop (xrf1)  }
0x97: {  	v15 =	vsub.f32 $0.0e+00, v15;
	_ =	sdelay $0x1  }
0x98: {  	v14 =	vsub.f32 $0.0e+00, v50;
	v15 =	vperm.xlane v15, v1;
	_ =	sdelay $0x1  }
0x99: {  	v52 =	vmax.f32 v14, v15  }
0x9a: {  	v14 =	vmin.f32 v14, v15;
	v53 =	vsub.f32 $0.0e+00, v52  }
0x9b: {  	v13 =	vmax.f32 v13, v5;
	v14 =	vsub.f32 $0.0e+00, v14  }
0x9c: {  	v13 =	vsub.f32 $0.0e+00, v13;
	(xrf1) =	vsort.ascd.msk.f32 $0xffff, v53, v53  }
0x9d: {  	(xrf1) =	vsort.ascd.msk.f32 $0xffff, v14, v14  }
0x9e: {  	(xrf1) =	vsort.ascd.msk.f32 $0xffff, v13, v13;
	_ =	sdelay $0xb  }
0x9f: {  	v54, _, _ =	vpop (xrf1)  }
0xa0: {  	v14, _, _ =	vpop (xrf1)  }
0xa1: {  	v55, _, _ =	vpop (xrf1)  }
0xa2: {  	v15 =	vsub.f32 $0.0e+00, v55;
	_ =	sdelay $0x1  }
0xa3: {  	v14 =	vsub.f32 $0.0e+00, v14;
	v15 =	vperm.xlane v15, v1;
	_ =	sdelay $0x1  }
0xa4: {  	v14 =	vmax.f32 v14, v15  }
0xa5: {  	v14 =	vsub.f32 $0.0e+00, v14;
	_ =	sdelay $0x1  }
0xa6: {  	(xrf1) =	vsort.ascd.msk.f32 $0xffff, v14, v14;
	_ =	sdelay $0xd  }
0xa7: {  	v14, _, _ =	vpop (xrf1)  }
0xa8: {  	v14 =	vsub.f32 $0.0e+00, v14;
	_ =	sdelay $0x1  }
0xa9: {  	v13 =	vsub.f32 $0.0e+00, v54;
	v14 =	vperm.xlane v14, v1;
	_ =	sdelay $0x1  }
0xaa: {  	v56 =	vmax.f32 v13, v14  }
0xab: {  	v13 =	vmin.f32 v13, v14;
	v57 =	vsub.f32 $0.0e+00, v56  }
0xac: {  	v12 =	vmax.f32 v12, v9;
	v13 =	vsub.f32 $0.0e+00, v13  }
0xad: {  	v12 =	vsub.f32 $0.0e+00, v12;
	(xrf1) =	vsort.ascd.msk.f32 $0xffff, v57, v57  }
0xae: {  	(xrf1) =	vsort.ascd.msk.f32 $0xffff, v13, v13  }
0xaf: {  	(xrf1) =	vsort.ascd.msk.f32 $0xffff, v12, v12;
	_ =	sdelay $0xb  }
0xb0: {  	v58, _, _ =	vpop (xrf1)  }
0xb1: {  	v13, _, _ =	vpop (xrf1)  }
0xb2: {  	v59, _, _ =	vpop (xrf1)  }
0xb3: {  	v14 =	vsub.f32 $0.0e+00, v59;
	_ =	sdelay $0x1  }
0xb4: {  	v13 =	vsub.f32 $0.0e+00, v13;
	v14 =	vperm.xlane v14, v1;
	_ =	sdelay $0x1  }
0xb5: {  	v13 =	vmax.f32 v13, v14  }
0xb6: {  	v13 =	vsub.f32 $0.0e+00, v13;
	_ =	sdelay $0x1  }
0xb7: {  	(xrf1) =	vsort.ascd.msk.f32 $0xffff, v13, v13;
	_ =	sdelay $0xd  }
0xb8: {  	v13, _, _ =	vpop (xrf1)  }
0xb9: {  	v13 =	vsub.f32 $0.0e+00, v13;
	_ =	sdelay $0x1  }
0xba: {  	v12 =	vsub.f32 $0.0e+00, v58;
	v13 =	vperm.xlane v13, v1;
	_ =	sdelay $0x1  }
0xbb: {  	v60 =	vmax.f32 v12, v13  }
0xbc: {  	v12 =	vmin.f32 v12, v13;
	v61 =	vsub.f32 $0.0e+00, v60  }
0xbd: {  	v11 =	vmax.f32 v11, v8;
	v12 =	vsub.f32 $0.0e+00, v12  }
0xbe: {  	v11 =	vsub.f32 $0.0e+00, v11;
	(xrf1) =	vsort.ascd.msk.f32 $0xffff, v61, v61  }
0xbf: {  	(xrf1) =	vsort.ascd.msk.f32 $0xffff, v12, v12  }
0xc0: {  	(xrf1) =	vsort.ascd.msk.f32 $0xffff, v11, v11;
	_ =	sdelay $0xb  }
0xc1: {  	v62, _, _ =	vpop (xrf1)  }
0xc2: {  	v12, _, _ =	vpop (xrf1)  }
0xc3: {  	v63, _, _ =	vpop (xrf1)  }
0xc4: {  	v13 =	vsub.f32 $0.0e+00, v63;
	_ =	sdelay $0x1  }
0xc5: {  	v12 =	vsub.f32 $0.0e+00, v12;
	v13 =	vperm.xlane v13, v1;
	_ =	sdelay $0x1  }
0xc6: {  	v12 =	vmax.f32 v12, v13  }
0xc7: {  	v12 =	vsub.f32 $0.0e+00, v12;
	_ =	sdelay $0x1  }
0xc8: {  	(xrf1) =	vsort.ascd.msk.f32 $0xffff, v12, v12;
	_ =	sdelay $0xd  }
0xc9: {  	v12, _, _ =	vpop (xrf1)  }
0xca: {  	v12 =	vsub.f32 $0.0e+00, v12;
	_ =	sdelay $0x1  }
0xcb: {  	v11 =	vsub.f32 $0.0e+00, v62;
	v12 =	vperm.xlane v12, v1;
	_ =	sdelay $0x1  }
0xcc: {  	v11 =	vmin.f32 v11, v12  }
0xcd: {  	v11 =	vsub.f32 $0.0e+00, v11;
	_ =	sdelay $0x1  }
0xce: {  	(xrf1) =	vsort.ascd.msk.f32 $0xffff, v11, v11;
	_ =	sdelay $0x2  }
0xcf: {  	v6 =	vmax.f32 v6, v7  }
0xd0: {  	v4 =	vmax.f32 v10, v4;
	v3 =	vmax.f32 v3, v5;
	v5 =	vmax.f32 v9, v8  }
0xd1: {  	v4 =	vmax.f32 v6, v4;
	v3 =	vmax.f32 v3, v5  }
0xd2: {  	v3 =	vmax.f32 v4, v3  }
0xd3: {  	(xrf0) =	vmax.scan.msk.f32 $0xffff, v3;
	_ =	sdelay $0x4  }
0xd4: {  	v3, _, _ =	vpop (xrf0)  }
0xd5: {  	(v2sf) =	vpush v3, $0xF;
	v3, _, _ =	vpop (xrf0)  }
0xd6: {  	(v2sf) =	vpush v3, $0xF;
	v3, _, _ =	vpop (xrf1)  }
0xd7: {  	(v2sf) =	vpush v3, $0xF;
	_ =	sdelay $0xa  }
0xd8: {  	s0 =	spop (v2sf);
	s1 =	sshra.s32 s21, $0x2;
	s24 =	sshra.s32 s20, $0x2  }
0xd9: {  	s26 =	sshra.s32 s18, $0x2;
	s29 =	sshra.s32 s19, $0x2;
	s4 =	spop (v2sf)  }
0xda: {  	s19 =	simm.s32 $0x0;
	[smem:s1] =	sst s0;
	s25 =	spop (v2sf)  }
.Ltmp3:
0xdb: {  	s20 =	simm.s32 $0x80;
	s30 =	spop (v2sf);
	(pc) =	sbr.rel .LBB2_4-.Ltmp3, $4  }
0xdc: {  	s21 =	simm.s32 $0x100;
	[smem:s24] =	sst s4;
	s31 =	spop (v2sf)  }
0xdd: {  	s22 =	simm.s32 $0x180;
	s23 =	simm.s32 $0x180;
	s18 =	ssub.f32 $0.0e+00, s31  }
0xde: {  	s28 =	simm.s32 $0x0;
	s24 =	simm.s32 $0x100;
	[smem:s26] =	sst s25  }
0xdf: {  	v4 =	vimm.s32 $0x0;
	s25 =	simm.s32 $0x80;
	s26 =	simm.s32 $0x0;
	[smem:s29] =	sst s30;
	v3 =	vmov s18  }
.LBB2_21:
0xe0: {  	s28 =	sadd.s32 $0x1, s28  }
0xe1: {  	p0 =	sne.s32 s28, $0x40  }
.Ltmp4:
0xe2: {  	_ = 	snop;
	(pc) =	sbr.rel @!p0 .LBB2_22-.Ltmp4, $4  }
0xe3: {  	_ = 	snop  }
0xe4: {  	s26 =	sadd.s32 $0x200, s26;
	s19 =	sadd.s32 $0x200, s19  }
0xe5: {  	s25 =	sadd.s32 $0x200, s25;
	s20 =	sadd.s32 $0x200, s20;
	s24 =	sadd.s32 $0x200, s24  }
0xe6: {  	s21 =	sadd.s32 $0x200, s21;
	s22 =	sadd.s32 $0x200, s22;
	s23 =	sadd.s32 $0x200, s23  }
.LBB2_4:
0xe7: {  	s0 =	sshll.u32 s28, $0x2  }
0xe8: {  	s1 =	sld [smem:s0+$0x0];
	_ =	sdelay $0x1  }
0xe9: {  	s31 =	sld [smem:s0+$0x1]  }
0xea: {  	p0 =	sge.f32 s1, s18;
	_ =	sdelay $0x1  }
0xeb: {  	s30 =	sld [smem:s0+$0x2];
	p1 =	sge.f32 @!p0 s31, s18  }
0xec: {  	_ = 	snop  }
0xed: {  	p1 =	por p0, p1  }
0xee: {  	s29 =	sld [smem:s0+$0x3];
	p2 =	sge.f32 @!p1 s30, s18  }
0xef: {  	_ = 	snop  }
0xf0: {  	p1 =	por p1, p2  }
0xf1: {  	p2 =	sge.f32 @!p1 s29, s18;
	_ =	sdelay $0x1  }
0xf2: {  	p1 =	por p1, p2  }
.Ltmp5:
0xf3: {  	_ = 	snop;
	(pc) =	sbr.rel @!p1 .LBB2_21-.Ltmp5, $1  }
0xf4: {  	_ =	sdelay $0x3  }
.Ltmp6:
0xf5: {  	(pc) =	sbr.rel @!p0 .LBB2_9-.Ltmp6, $1  }
0xf6: {  	_ =	sdelay $0x3  }
0xf7: {  	(v2sf) =	vpush v4, $0x0;
	_ =	sdelay $0x3  }
0xf8: {  	s0 =	sadd.s32 $0x0, s26  }
0xf9: {  	v5 =	vld [tilespmem:s0+$0x0];
	_ =	sdelay $0x4  }
0xfa: {  	vm3 =	vge.f32 v5, v3  }
0xfb: {  	v5 =	vmpcnt.ones.xlane vm3;
	_ =	sdelay $0x1  }
0xfc: {  	v4 =	vadd.s32 v4, v5  }
0xfd: {  	s1 =	simm.s32 $0x80;
	(v2sf) =	vpush v4, $0x0  }
0xfe: {  	s14 =	simm.s32 $0x10;
	s0 =	smov.u32 s19;
	v5 =	vor.u32 s19, v0;
	s4 =	spop (v2sf)  }
.LBB2_7:
0xff: {  	s5 =	sadd.s32 s14, s26  }
0x100: {  	[tilespmem:s4+$0x10100] =	vst.msk vm3, v5;
	s0 =	sadd.s32 $0x10, s0;
	s4 =	smov.u32 s1;
	s6 =	sadd.s32 $0x40, s1  }
0x101: {  	p0 =	sne.s32 s1, $0x1C0;
	v5 =	vld [tilespmem:s5+$0x0];
	_ =	sdelay $0x4  }
0x102: {  	vm3 =	vge.f32 v5, v3  }
0x103: {  	v5 =	vmpcnt.ones.xlane vm3  }
.Ltmp7:
0x104: {  	(pc) =	sbr.rel @p0 .LBB2_7-.Ltmp7, $3  }
0x105: {  	v4 =	vadd.s32 v4, v5  }
0x106: {  	(v2sf) =	vpush v4, $0x0;
	_ =	sdelay $0x1  }
0x107: {  	s14 =	sshra.s32 s4, $0x2;
	s1 =	smov.u32 s6;
	v5 =	vor.u32 s0, v0;
	s4 =	spop (v2sf)  }
0x108: {  	_ =	sdelay $0x3  }
0x109: {  	s1 =	sadd.s32 s14, s26;
	[tilespmem:s4+$0x10100] =	vst.msk vm3, v5  }
0x10a: {  	v5 =	vld [tilespmem:s1+$0x0];
	_ =	sdelay $0x4  }
0x10b: {  	vm3 =	vge.f32 v5, v3  }
0x10c: {  	s0 =	sadd.s32 $0x10, s0;
	v5 =	vmpcnt.ones.xlane vm3  }
0x10d: {  	v6 =	vor.u32 s0, v0;
	s14 =	spop (v2sf)  }
0x10e: {  	v4 =	vadd.s32 v4, v5;
	[tilespmem:s14+$0x10100] =	vst.msk vm3, v6  }
.LBB2_9:
0x10f: {  	p0 =	sge.f32 s31, s18  }
.Ltmp8:
0x110: {  	_ = 	snop;
	(pc) =	sbr.rel @!p0 .LBB2_13-.Ltmp8, $1  }
0x111: {  	_ =	sdelay $0x3  }
0x112: {  	(v2sf) =	vpush v4, $0x0;
	_ =	sdelay $0x3  }
0x113: {  	s0 =	sadd.s32 $0x0, s25  }
0x114: {  	v5 =	vld [tilespmem:s0+$0x0];
	_ =	sdelay $0x4  }
0x115: {  	vm3 =	vge.f32 v5, v3  }
0x116: {  	v5 =	vmpcnt.ones.xlane vm3;
	_ =	sdelay $0x1  }
0x117: {  	v4 =	vadd.s32 v4, v5  }
0x118: {  	s1 =	simm.s32 $0x80;
	(v2sf) =	vpush v4, $0x0  }
0x119: {  	s14 =	simm.s32 $0x10;
	s0 =	smov.u32 s20;
	v5 =	vor.u32 s20, v0;
	s4 =	spop (v2sf)  }
.LBB2_11:
0x11a: {  	s5 =	sadd.s32 s14, s25  }
0x11b: {  	[tilespmem:s4+$0x10100] =	vst.msk vm3, v5;
	s0 =	sadd.s32 $0x10, s0;
	s4 =	smov.u32 s1;
	s6 =	sadd.s32 $0x40, s1  }
0x11c: {  	p0 =	sne.s32 s1, $0x1C0;
	v5 =	vld [tilespmem:s5+$0x0];
	_ =	sdelay $0x4  }
0x11d: {  	vm3 =	vge.f32 v5, v3  }
0x11e: {  	v5 =	vmpcnt.ones.xlane vm3  }
.Ltmp9:
0x11f: {  	(pc) =	sbr.rel @p0 .LBB2_11-.Ltmp9, $3  }
0x120: {  	v4 =	vadd.s32 v4, v5  }
0x121: {  	(v2sf) =	vpush v4, $0x0;
	_ =	sdelay $0x1  }
0x122: {  	s14 =	sshra.s32 s4, $0x2;
	s1 =	smov.u32 s6;
	v5 =	vor.u32 s0, v0;
	s4 =	spop (v2sf)  }
0x123: {  	_ =	sdelay $0x3  }
0x124: {  	s1 =	sadd.s32 s14, s25;
	[tilespmem:s4+$0x10100] =	vst.msk vm3, v5  }
0x125: {  	v5 =	vld [tilespmem:s1+$0x0];
	_ =	sdelay $0x4  }
0x126: {  	vm3 =	vge.f32 v5, v3  }
0x127: {  	s0 =	sadd.s32 $0x10, s0;
	v5 =	vmpcnt.ones.xlane vm3  }
0x128: {  	v6 =	vor.u32 s0, v0;
	s31 =	spop (v2sf)  }
0x129: {  	v4 =	vadd.s32 v4, v5;
	[tilespmem:s31+$0x10100] =	vst.msk vm3, v6  }
.LBB2_13:
0x12a: {  	p0 =	sge.f32 s30, s18  }
.Ltmp10:
0x12b: {  	_ = 	snop;
	(pc) =	sbr.rel @!p0 .LBB2_17-.Ltmp10, $1  }
0x12c: {  	_ =	sdelay $0x3  }
0x12d: {  	(v2sf) =	vpush v4, $0x0;
	_ =	sdelay $0x3  }
0x12e: {  	s0 =	sadd.s32 $0x0, s24  }
0x12f: {  	v5 =	vld [tilespmem:s0+$0x0];
	_ =	sdelay $0x4  }
0x130: {  	vm3 =	vge.f32 v5, v3  }
0x131: {  	v5 =	vmpcnt.ones.xlane vm3;
	_ =	sdelay $0x1  }
0x132: {  	v4 =	vadd.s32 v4, v5  }
0x133: {  	s1 =	simm.s32 $0x80;
	(v2sf) =	vpush v4, $0x0  }
0x134: {  	s14 =	simm.s32 $0x10;
	s0 =	smov.u32 s21;
	v5 =	vor.u32 s21, v0;
	s4 =	spop (v2sf)  }
.LBB2_15:
0x135: {  	s5 =	sadd.s32 s14, s24  }
0x136: {  	[tilespmem:s4+$0x10100] =	vst.msk vm3, v5;
	s0 =	sadd.s32 $0x10, s0;
	s4 =	smov.u32 s1;
	s6 =	sadd.s32 $0x40, s1  }
0x137: {  	p0 =	sne.s32 s1, $0x1C0;
	v5 =	vld [tilespmem:s5+$0x0];
	_ =	sdelay $0x4  }
0x138: {  	vm3 =	vge.f32 v5, v3  }
0x139: {  	v5 =	vmpcnt.ones.xlane vm3  }
.Ltmp11:
0x13a: {  	(pc) =	sbr.rel @p0 .LBB2_15-.Ltmp11, $3  }
0x13b: {  	v4 =	vadd.s32 v4, v5  }
0x13c: {  	(v2sf) =	vpush v4, $0x0;
	_ =	sdelay $0x1  }
0x13d: {  	s14 =	sshra.s32 s4, $0x2;
	s1 =	smov.u32 s6;
	v5 =	vor.u32 s0, v0;
	s4 =	spop (v2sf)  }
0x13e: {  	_ =	sdelay $0x3  }
0x13f: {  	s1 =	sadd.s32 s14, s24;
	[tilespmem:s4+$0x10100] =	vst.msk vm3, v5  }
0x140: {  	v5 =	vld [tilespmem:s1+$0x0];
	_ =	sdelay $0x4  }
0x141: {  	vm3 =	vge.f32 v5, v3  }
0x142: {  	s0 =	sadd.s32 $0x10, s0;
	v5 =	vmpcnt.ones.xlane vm3  }
0x143: {  	v6 =	vor.u32 s0, v0;
	s31 =	spop (v2sf)  }
0x144: {  	v4 =	vadd.s32 v4, v5;
	[tilespmem:s31+$0x10100] =	vst.msk vm3, v6  }
.LBB2_17:
0x145: {  	p0 =	sge.f32 s29, s18  }
.Ltmp12:
0x146: {  	_ = 	snop;
	(pc) =	sbr.rel @!p0 .LBB2_21-.Ltmp12, $1  }
0x147: {  	_ =	sdelay $0x3  }
0x148: {  	(v2sf) =	vpush v4, $0x0;
	_ =	sdelay $0x3  }
0x149: {  	s0 =	sadd.s32 $0x0, s23  }
0x14a: {  	v5 =	vld [tilespmem:s0+$0x0];
	_ =	sdelay $0x4  }
0x14b: {  	vm3 =	vge.f32 v5, v3  }
0x14c: {  	v5 =	vmpcnt.ones.xlane vm3;
	_ =	sdelay $0x1  }
0x14d: {  	v4 =	vadd.s32 v4, v5  }
0x14e: {  	s1 =	simm.s32 $0x80;
	(v2sf) =	vpush v4, $0x0  }
0x14f: {  	s14 =	simm.s32 $0x10;
	s0 =	smov.u32 s22;
	v5 =	vor.u32 s22, v0;
	s4 =	spop (v2sf)  }
.LBB2_19:
0x150: {  	s5 =	sadd.s32 s14, s23  }
0x151: {  	[tilespmem:s4+$0x10100] =	vst.msk vm3, v5;
	s0 =	sadd.s32 $0x10, s0;
	s4 =	smov.u32 s1;
	s6 =	sadd.s32 $0x40, s1  }
0x152: {  	p0 =	sne.s32 s1, $0x1C0;
	v5 =	vld [tilespmem:s5+$0x0];
	_ =	sdelay $0x4  }
0x153: {  	vm3 =	vge.f32 v5, v3  }
0x154: {  	v5 =	vmpcnt.ones.xlane vm3  }
.Ltmp13:
0x155: {  	(pc) =	sbr.rel @p0 .LBB2_19-.Ltmp13, $3  }
0x156: {  	v4 =	vadd.s32 v4, v5  }
0x157: {  	(v2sf) =	vpush v4, $0x0;
	_ =	sdelay $0x1  }
0x158: {  	s14 =	sshra.s32 s4, $0x2;
	s1 =	smov.u32 s6;
	v5 =	vor.u32 s0, v0;
	s4 =	spop (v2sf)  }
0x159: {  	_ =	sdelay $0x3  }
0x15a: {  	s1 =	sadd.s32 s14, s23;
	[tilespmem:s4+$0x10100] =	vst.msk vm3, v5  }
0x15b: {  	v5 =	vld [tilespmem:s1+$0x0];
	_ =	sdelay $0x3  }
.Ltmp14:
0x15c: {  	_ = 	snop;
	(pc) =	sbr.rel .LBB2_21-.Ltmp14, $4  }
0x15d: {  	vm3 =	vge.f32 v5, v3  }
0x15e: {  	s0 =	sadd.s32 $0x10, s0;
	v5 =	vmpcnt.ones.xlane vm3  }
0x15f: {  	v6 =	vor.u32 s0, v0;
	s31 =	spop (v2sf)  }
0x160: {  	v4 =	vadd.s32 v4, v5;
	[tilespmem:s31+$0x10100] =	vst.msk vm3, v6  }
.LBB2_22:
0x161: {  	(v2sf) =	vpush v4, $0x0;
	_ =	sdelay $0xe  }
0x162: {  	s0 =	spop (v2sf)  }
0x163: {  	s1 =	sadd.s32 $0xF, s0  }
0x164: {  	s4 =	sand.u32 $0xF, s1  }
0x165: {  	s31 =	sshra.s32 s1, $0x1F;
	p1 =	slt.s32 s1, $0x1;
	p0 =	sne.s32 s4, $0x0  }
0x166: {  	s4 =	sshrl.u32 s31, $0x1C;
	p0 =	por !p1, !p0  }
0x167: {  	s1 =	sadd.s32 s4, s1;
	s4 =	simm.s32 $0x1;
	p0 =	por !p0, !p0  }
0x168: {  	s1 =	sshra.s32 s1, $0x4;
	s4 =	simm.s32 @!p0 $0x0  }
0x169: {  	s18 =	ssub.s32 s1, s4  }
0x16a: {  	p0 =	slt.s32 s18, $0x1  }
.Ltmp15:
0x16b: {  	_ = 	snop;
	(pc) =	sbr.rel @p0 .LBB2_23-.Ltmp15, $2  }
0x16c: {  	_ =	sdelay $0x2  }
0x16d: {  	v4 =	vimm.f32 $-Inf;
	[tilespmem:s0+$0x10100] =	vst v2;
	s0 =	simm.s32 $0x10100  }
0x16e: {  	p2 =	sne.s32 s18, $0x1  }
.Ltmp16:
0x16f: {  	_ = 	snop;
	(pc) =	sbr.rel @!p2 .LBB2_25-.Ltmp16, $2  }
0x170: {  	_ =	sdelay $0x2  }
0x171: {  	v5 =	vld [tilespmem:s0+$0x0];
	s1 =	sadd.s32 $0xFFFFFFFF, s18;
	p1 =	por $0x0, $0x0  }
0x172: {  	_ =	sdelay $0x7  }
0x173: {  	v3 =	vld.idx.msk [tilespmem:v5+s2+$0x0], $0xffff;
	_ =	sdelay $0x4  }
0x174: {  	v3 =	vsub.f32 $0.0e+00, v3;
	_ =	sdelay $0x1  }
0x175: {  	(xrf1) =	vsort.ascd.msk.f32 $0xffff, v3, v3;
	_ =	sdelay $0xd  }
0x176: {  	v3, _, _ =	vpop (xrf1)  }
0x177: {  	v3 =	vsub.f32 $0.0e+00, v3;
	_ =	sdelay $0x1  }
0x178: {  	v3 =	vperm.xlane v3, v1;
	_ =	sdelay $0x1  }
0x179: {  	v3 =	vmax.f32 v4, v3  }
0x17a: {  	v3 =	vsub.f32 $0.0e+00, v3  }
0x17b: {  	p3 =	sne.s32 s1, $0x1  }
.Ltmp17:
0x17c: {  	(xrf1) =	vsort.ascd.msk.f32 $0xffff, v3, v3;
	(pc) =	sbr.rel @!p3 .LBB2_27-.Ltmp17, $3  }
0x17d: {  	_ =	sdelay $0x1  }
0x17e: {  	s19 =	sadd.s32 $0x10, s0  }
0x17f: {  	s20 =	sadd.s32 $0xFFFFFFFF, s1;
	p2 =	por $0x1, $0x1;
	v5 =	vld [tilespmem:s19+$0x0];
	v3 =	vimm.f32 $-Inf  }
.LBB2_28:
0x180: {  	p3 =	sne.s32 s20, $0x1;
	_ =	sdelay $0x6  }
0x181: {  	v5 =	vld.idx.msk [tilespmem:v5+s2+$0x0], $0xffff;
	_ =	sdelay $0x1  }
0x182: {  	v6, _, _ =	vpop (xrf1)  }
0x183: {  	v6 =	vsub.f32 $0.0e+00, v6;
	_ =	sdelay $0x1  }
0x184: {  	v6 =	vperm.xlane v6, v1  }
0x185: {  	v5 =	vsub.f32 $0.0e+00, v5  }
0x186: {  	v7 =	vmax.f32 v3, v6;
	v3 =	vmin.f32 v3, v6  }
0x187: {  	(xrf1) =	vsort.ascd.msk.f32 $0xffff, v5, v5;
	v5 =	vsub.f32 $0.0e+00, v7;
	v3 =	vsub.f32 $0.0e+00, v3;
	_ =	sdelay $0x1  }
0x188: {  	(xrf1) =	vsort.ascd.msk.f32 $0xffff, v3, v3  }
0x189: {  	(xrf1) =	vsort.ascd.msk.f32 $0xffff, v5, v5;
	_ =	sdelay $0xa  }
0x18a: {  	v3, _, _ =	vpop (xrf1)  }
0x18b: {  	v7 =	vsub.f32 $0.0e+00, v3  }
0x18c: {  	v5, _, _ =	vpop (xrf1)  }
0x18d: {  	v6 =	vperm.xlane v7, v1;
	v5 =	vsub.f32 $0.0e+00, v5;
	v3, _, _ =	vpop (xrf1)  }
0x18e: {  	v3 =	vsub.f32 $0.0e+00, v3  }
0x18f: {  	v5 =	vmax.f32 v5, v6  }
0x190: {  	v5 =	vsub.f32 $0.0e+00, v5;
	_ =	sdelay $0x1  }
.Ltmp18:
0x191: {  	(xrf1) =	vsort.ascd.msk.f32 $0xffff, v5, v5;
	(pc) =	sbr.rel @p3 .LBB2_28-.Ltmp18, $3  }
0x192: {  	_ =	sdelay $0x1  }
0x193: {  	s19 =	sadd.s32 $0x10, s19  }
0x194: {  	s20 =	sadd.s32 $0xFFFFFFFF, s20;
	v5 =	vld [tilespmem:s19+$0x0]  }
.LBB2_29:
0x195: {  	_ =	sdelay $0x8  }
0x196: {  	v5 =	vld.idx.msk [tilespmem:v5+s2+$0x0], $0xffff;
	v6, _, _ =	vpop @p2 (xrf1)  }
0x197: {  	v6 =	vsub.f32 @p2 $0.0e+00, v6;
	_ =	sdelay $0x1  }
0x198: {  	v6 =	vperm.xlane @p2 v6, v1;
	_ =	sdelay $0x1  }
0x199: {  	v5 =	vsub.f32 $0.0e+00, v5;
	v7 =	vmin.f32 @p2 v3, v6  }
0x19a: {  	v7 =	vsub.f32 @p2 $0.0e+00, v7  }
0x19b: {  	(xrf1) =	vsort.ascd.msk.f32 $0xffff, v5, v5  }
0x19c: {  	(xrf1) =	vsort.ascd.msk.f32 @p2 $0xffff, v7, v7;
	_ =	sdelay $0xc  }
0x19d: {  	v5, _, _ =	vpop (xrf1)  }
0x19e: {  	v5 =	vsub.f32 $0.0e+00, v5;
	v7, _, _ =	vpop @p2 (xrf1)  }
0x19f: {  	v7 =	vsub.f32 @p2 $0.0e+00, v7  }
0x1a0: {  	v5 =	vperm.xlane v5, v1  }
0x1a1: {  	v3 =	vmax.f32 @p2 v3, v6;
	v6 =	vpsel p2, v7, v4  }
0x1a2: {  	v3 =	vsub.f32 @p2 $0.0e+00, v3;
	v5 =	vmax.f32 v6, v5  }
0x1a3: {  	v5 =	vsub.f32 $0.0e+00, v5  }
0x1a4: {  	(xrf1) =	vsort.ascd.msk.f32 @p2 $0xffff, v3, v3  }
0x1a5: {  	(xrf1) =	vsort.ascd.msk.f32 $0xffff, v5, v5;
	_ =	sdelay $0xc  }
0x1a6: {  	v3, _, _ =	vpop @p2 (xrf1)  }
0x1a7: {  	v5, _, _ =	vpop (xrf1)  }
0x1a8: {  	v5 =	vsub.f32 $0.0e+00, v5  }
0x1a9: {  	v3 =	vsub.f32 @p2 $0.0e+00, v3  }
0x1aa: {  	v5 =	vperm.xlane v5, v1  }
0x1ab: {  	v3 =	vpsel p2, v3, v4  }
0x1ac: {  	v4 =	vmin.f32 v3, v5  }
0x1ad: {  	v4 =	vsub.f32 $0.0e+00, v4  }
0x1ae: {  	v3 =	vmax.f32 v3, v5  }
0x1af: {  	v3 =	vsub.f32 $0.0e+00, v3;
	(xrf1) =	vsort.ascd.msk.f32 $0xffff, v4, v4;
	_ =	sdelay $0x1  }
0x1b0: {  	(xrf1) =	vsort.ascd.msk.f32 $0xffff, v3, v3;
	_ =	sdelay $0x9  }
0x1b1: {  	p2 =	sne.s32 s18, $0x1  }
.Ltmp19:
0x1b2: {  	_ = 	snop;
	(pc) =	sbr.rel @!p2 .LBB2_30-.Ltmp19, $4  }
0x1b3: {  	v3, _, _ =	vpop (xrf1)  }
0x1b4: {  	v4 =	vsub.f32 $0.0e+00, v3  }
0x1b5: {  	s0 =	simm.s32 $0x10100;
	v3, _, _ =	vpop (xrf1)  }
0x1b6: {  	v6 =	vld [tilespmem:s0+$0x0];
	s0 =	sadd.s32 $0xFFFFFFFF, s18;
	v5 =	vimm.s32 $0x0;
	v3 =	vbroadcast v4, $0xF  }
0x1b7: {  	_ =	sdelay $0x3  }
0x1b8: {  	p3 =	sne.s32 s0, $0x1  }
.Ltmp20:
0x1b9: {  	_ = 	snop;
	(pc) =	sbr.rel @!p3 .LBB2_32-.Ltmp20, $3  }
0x1ba: {  	_ =	sdelay $0x1  }
0x1bb: {  	s1 =	simm.s32 $0x10110;
	v8 =	vld.idx.msk [tilespmem:v6+s2+$0x0], $0xffff  }
0x1bc: {  	s19 =	sadd.s32 $0xFFFFFFFF, s0;
	p1 =	por $0x1, $0x1;
	v7 =	vimm.s32 $0x0;
	v6 =	vld [tilespmem:s1+$0x0]  }
.LBB2_33:
0x1bd: {  	p3 =	sne.s32 s19, $0x1;
	_ =	sdelay $0x3  }
.Ltmp21:
0x1be: {  	vm3 =	vgt.f32 v8, v3;
	(pc) =	sbr.rel @p3 .LBB2_33-.Ltmp21, $3  }
0x1bf: {  	v9 =	vmpcnt.ones.xlane vm3;
	_ =	sdelay $0x1  }
0x1c0: {  	s1 =	sadd.s32 $0x10, s1;
	v7 =	vadd.s32 v7, v9;
	v8 =	vld.idx.msk [tilespmem:v6+s2+$0x0], $0xffff  }
0x1c1: {  	s19 =	sadd.s32 $0xFFFFFFFF, s19;
	v6 =	vld [tilespmem:s1+$0x0]  }
.LBB2_34:
0x1c2: {  	_ =	sdelay $0x7  }
0x1c3: {  	v6 =	vld.idx.msk [tilespmem:v6+s2+$0x0], $0xffff;
	_ =	sdelay $0x2  }
0x1c4: {  	vm3 =	vgt.f32 @p1 v8, v3  }
0x1c5: {  	v8 =	vmpcnt.ones.xlane @p1 vm3  }
0x1c6: {  	vm3 =	vgt.f32 v6, v3  }
0x1c7: {  	v6 =	vadd.s32 @p1 v7, v8;
	v7 =	vmpcnt.ones.xlane vm3  }
0x1c8: {  	v5 =	vpsel p1, v6, v5  }
0x1c9: {  	v5 =	vadd.s32 v5, v7  }
0x1ca: {  	(v2sf) =	vpush v5, $0x0;
	_ =	sdelay $0xe  }
0x1cb: {  	s1 =	spop (v2sf)  }
0x1cc: {  	p1 =	seq.s32 s1, $0x1F  }
.Ltmp22:
0x1cd: {  	_ = 	snop;
	(pc) =	sbr.rel @!p1 .LBB2_35-.Ltmp22, $1  }
0x1ce: {  	_ =	sdelay $0x3  }
.Ltmp23:
0x1cf: {  	(pc) =	sbr.rel @!p2 .LBB2_41-.Ltmp23, $3  }
0x1d0: {  	_ =	sdelay $0x1  }
0x1d1: {  	s1 =	simm.s32 $0x10100  }
0x1d2: {  	v5 =	vimm.s32 $0x7FFFFFFF;
	p0 =	por $0x0, $0x0;
	v6 =	vld [tilespmem:s1+$0x0]  }
0x1d3: {  	_ =	sdelay $0x2  }
0x1d4: {  	p1 =	sne.s32 s0, $0x1  }
.Ltmp24:
0x1d5: {  	_ = 	snop;
	(pc) =	sbr.rel @!p1 .LBB2_43-.Ltmp24, $4  }
0x1d6: {  	_ = 	snop  }
0x1d7: {  	s1 =	simm.s32 $0x10110  }
0x1d8: {  	v9 =	vld [tilespmem:s1+$0x0]  }
0x1d9: {  	s0 =	sadd.s32 $0xFFFFFFFF, s0;
	p0 =	por $0x1, $0x1;
	v8 =	vimm.s32 $0x7FFFFFFF;
	v7 =	vld.idx.msk [tilespmem:v6+s2+$0x0], $0xffff  }
.LBB2_44:
0x1da: {  	p1 =	sne.s32 s0, $0x1;
	_ =	sdelay $0x3  }
.Ltmp25:
0x1db: {  	vm3 =	veq.f32 v7, v3;
	(pc) =	sbr.rel @p1 .LBB2_44-.Ltmp25, $4  }
0x1dc: {  	v10 =	vnsel vm3, $0x7FFFFFFF, v6;
	v6 =	vmov v9  }
0x1dd: {  	vm3 =	vlt.s32 v8, v10  }
0x1de: {  	s1 =	sadd.s32 $0x10, s1;
	v8 =	vsel vm3, v8, v10;
	v7 =	vld.idx.msk [tilespmem:v9+s2+$0x0], $0xffff  }
0x1df: {  	s0 =	sadd.s32 $0xFFFFFFFF, s0;
	v9 =	vld [tilespmem:s1+$0x0]  }
0x1e0: {  	_ =	sdelay $0x3  }
0x1e1: {  	v10 =	vmov v6;
	v6 =	vmov v9  }
.LBB2_46:
0x1e2: {  	_ =	sdelay $0x3  }
0x1e3: {  	v9 =	vld.idx.msk [tilespmem:v6+s2+$0x0], $0xffff;
	_ =	sdelay $0x1  }
0x1e4: {  	vm3 =	veq.f32 @p0 v7, v3  }
0x1e5: {  	v7 =	vnsel @p0 vm3, $0x7FFFFFFF, v10  }
0x1e6: {  	vm3 =	vlt.s32 @p0 v8, v7  }
0x1e7: {  	v7 =	vsel @p0 vm3, v8, v7;
	vm3 =	veq.f32 v9, v3  }
0x1e8: {  	v3 =	vpsel p0, v7, v5;
	v5 =	vnsel vm3, $0x7FFFFFFF, v6  }
0x1e9: {  	vm3 =	vlt.s32 v3, v5  }
0x1ea: {  	v3 =	vsel vm3, v3, v5  }
0x1eb: {  	v3 =	vsub.s32 $0x80000000, v3  }
0x1ec: {  	(xrf0) =	vmax.scan.msk.u32 $0xffff, v3;
	_ =	sdelay $0x5  }
0x1ed: {  	v3, _, _ =	vpop (xrf0)  }
0x1ee: {  	(v2sf) =	vpush v3, $0xF;
	_ =	sdelay $0xe  }
0x1ef: {  	s0 =	spop (v2sf)  }
0x1f0: {  	s0 =	sxor.u32 $0x7FFFFFFF, s0  }
0x1f1: {  	s19 =	sadd.s32 $0x1, s0  }
.LBB2_53:
0x1f2: {  	_ =	swait.ge [sflag:s13], $0x8000  }
0x1f3: {  	s18 =	simm.s32 $0x0;
	[sflag:s13] =	ssyncset.done $0x0  }
0x1f4: {  	s28 =	simm.s32 $0x80C0;
	s0 =	rddreg [dreg:$0x4];
	[sflag:s13] =	ssyncadd.s32 $0xFFFF8000  }
0x1f5: {  	[tilespmem:s18], [sflag:$0x1] =	stream.strided.gather [hbm4b:s0+s9], $0x8000, s10, s9, $0x38;
	[tilespmem:$0x18200] =	vst v63  }
0x1f6: {  	v3 =	vld [tilespmem:s28+$0xFFFFFFC0]  }
0x1f7: {  	v5 =	vld [tilespmem:s28+$0xFFFFFFD0]  }
0x1f8: {  	v6 =	vld [tilespmem:s28+$0xFFFFFFE0]  }
0x1f9: {  	v7 =	vld [tilespmem:s28+$0xFFFFFFF0]  }
0x1fa: {  	v8 =	vld [tilespmem:s28+$0x0]  }
0x1fb: {  	v9 =	vld [tilespmem:s28+$0x10]  }
0x1fc: {  	v10 =	vld [tilespmem:s28+$0x20]  }
0x1fd: {  	s29 =	simm.s32 $0x8140;
	v11 =	vld [tilespmem:s28+$0x30]  }
0x1fe: {  	v12 =	vld [tilespmem:s29+$0xFFFFFFC0]  }
0x1ff: {  	v13 =	vld [tilespmem:s29+$0xFFFFFFD0]  }
0x200: {  	v14 =	vld [tilespmem:s29+$0xFFFFFFE0]  }
0x201: {  	v16 =	vld [tilespmem:s29+$0x0]  }
0x202: {  	v17 =	vld [tilespmem:s29+$0x10]  }
0x203: {  	v19 =	vld [tilespmem:s29+$0x20];
	v18 =	vmax.f32 v3, v5  }
0x204: {  	v23 =	vld [tilespmem:s29+$0x30];
	v20 =	vmax.f32 v6, v7;
	v21 =	vmax.f32 v8, v9;
	v22 =	vmax.f32 v10, v11  }
0x205: {  	v15 =	vld [tilespmem:s29+$0xFFFFFFF0];
	v18 =	vmax.f32 v18, v20;
	v20 =	vmax.f32 v21, v22  }
0x206: {  	v24 =	vimm.f32 $-Inf;
	v18 =	vmax.f32 v18, v20  }
0x207: {  	s30 =	simm.s32 $0x81C0;
	v3 =	vmax.f32 v24, v3;
	v5 =	vmax.f32 v24, v5;
	(xrf0) =	vmax.scan.msk.f32 $0xffff, v18  }
0x208: {  	v59 =	vld [tilespmem:s30+$0xFFFFFFC0];
	v6 =	vmax.f32 v24, v6;
	v7 =	vmax.f32 v24, v7;
	v8 =	vmax.f32 v24, v8  }
0x209: {  	v60 =	vld [tilespmem:s30+$0xFFFFFFF0];
	v25 =	vmax.f32 v16, v17;
	v26 =	vmax.f32 v19, v23;
	v3 =	vmax.f32 v3, v12  }
0x20a: {  	v27 =	vld [tilespmem:s30+$0x10];
	v6 =	vmax.f32 v6, v14;
	v12 =	vmax.f32 v12, v13;
	v14 =	vmax.f32 v14, v15  }
0x20b: {  	v5 =	vmax.f32 v5, v13;
	v13 =	vld [tilespmem:s30+$0x0];
	v12 =	vmax.f32 v12, v14;
	v14 =	vmax.f32 v25, v26  }
0x20c: {  	v15 =	vmax.f32 v7, v15;
	v20 =	vld [tilespmem:s30+$0xFFFFFFD0];
	v7 =	vmax.f32 v12, v14  }
0x20d: {  	s31 =	simm.s32 $0x8240;
	v18 =	vld [tilespmem:s30+$0xFFFFFFE0];
	v14 =	vmax.f32 v8, v16;
	v8, _, _ =	vpop (xrf0);
	(xrf0) =	vmax.scan.msk.f32 $0xffff, v7  }
0x20e: {  	v7 =	vld [tilespmem:s31+$0xFFFFFFC0]  }
0x20f: {  	v9 =	vmax.f32 v24, v9  }
0x210: {  	v9 =	vmax.f32 v9, v17;
	v17 =	vmax.f32 v3, v59;
	v16 =	vmax.f32 v15, v60  }
0x211: {  	v15 =	vmax.f32 v14, v13;
	v14 =	vmax.f32 v9, v27;
	v9 =	vmax.f32 v59, v20  }
0x212: {  	v61 =	vld [tilespmem:s30+$0x20];
	v62 =	vmax.f32 v6, v18;
	v18 =	vmax.f32 v18, v60;
	(v2sf) =	vpush v8, $0xF  }
0x213: {  	v12 =	vld [tilespmem:s30+$0x30];
	v9 =	vmax.f32 v9, v18;
	v18 =	vmax.f32 v17, v7;
	v17, _, _ =	vpop (xrf0)  }
0x214: {  	v11 =	vmax.f32 v24, v11;
	(v2sf) =	vpush v17, $0xF  }
0x215: {  	v23 =	vmax.f32 v11, v23;
	v11 =	vld [tilespmem:s31+$0xFFFFFFE0]  }
0x216: {  	v10 =	vmax.f32 v24, v10;
	v8 =	vld [tilespmem:s31+$0xFFFFFFD0]  }
0x217: {  	v10 =	vmax.f32 v10, v19;
	v19 =	vmax.f32 v5, v20;
	v5 =	vld [tilespmem:s31+$0xFFFFFFF0]  }
0x218: {  	v3 =	vld [tilespmem:s31+$0x0];
	v20 =	vmax.f32 v13, v27;
	v63 =	vmax.f32 v61, v12  }
0x219: {  	v6 =	vld [tilespmem:s31+$0x10];
	v20 =	vmax.f32 v20, v63  }
0x21a: {  	s21 =	simm.s32 $0x4;
	s20 =	simm.s32 $0x8;
	v13 =	vmax.f32 v10, v61;
	v10 =	vld [tilespmem:s31+$0x20];
	v20 =	vmax.f32 v9, v20  }
0x21b: {  	s22 =	simm.s32 $0xC;
	s23 =	simm.s32 $0x10;
	s0 =	simm.s32 $0x82C0;
	v12 =	vmax.f32 v23, v12;
	v9 =	vld [tilespmem:s31+$0x30];
	v19 =	vmax.f32 v19, v8;
	(xrf0) =	vmax.scan.msk.f32 $0xffff, v20;
	v17 =	vmax.f32 v62, v11  }
.LBB2_54:
0x21c: {  	v20 =	vld [tilespmem:s0+$0xFFFFFFC0];
	p0 =	sne.s32 s23, $0x3FC;
	v16 =	vmax.f32 v16, v5;
	v21 =	vmov v5  }
0x21d: {  	v22 =	vld [tilespmem:s0+$0xFFFFFFD0];
	v15 =	vmax.f32 v15, v3  }
0x21e: {  	v23 =	vld [tilespmem:s0+$0xFFFFFFE0];
	v14 =	vmax.f32 v14, v6  }
.Ltmp26:
0x21f: {  	v7 =	vmax.f32 v7, v8;
	v5 =	vld [tilespmem:s0+$0xFFFFFFF0];
	v13 =	vmax.f32 v13, v10;
	(pc) =	sbr.rel @p0 .LBB2_54-.Ltmp26, $4  }
0x220: {  	v26 =	vmax.f32 v11, v21;
	v21 =	vmax.f32 v3, v6;
	v3 =	vld [tilespmem:s0+$0x0];
	v10 =	vmax.f32 v10, v9  }
0x221: {  	s1 =	sshra.s32 s18, $0x2;
	s18 =	smov.u32 s21;
	v24 =	vmax.f32 v7, v26;
	v6 =	vld [tilespmem:s0+$0x10];
	v18 =	vmax.f32 v18, v20;
	v25 =	vmax.f32 v21, v10;
	v11, _, _ =	vpop (xrf0);
	s4 =	spop (v2sf)  }
0x222: {  	s21 =	smov.u32 s20;
	s20 =	smov.u32 s22;
	v7 =	vmovc v20;
	v10 =	vld [tilespmem:s0+$0x20];
	v19 =	vmax.f32 v19, v22;
	v21 =	vmax.f32 v24, v25;
	(v2sf) =	vpush v11, $0xF;
	[smem:s1] =	sst s4;
	v8 =	vmovc v22  }
0x223: {  	s22 =	smov.u32 s23;
	s23 =	sadd.s32 $0x4, s23;
	v12 =	vmax.f32 v12, v9;
	v17 =	vmax.f32 v17, v23;
	v9 =	vld [tilespmem:s0+$0x30];
	s0 =	sadd.s32 $0x80, s0;
	(xrf0) =	vmax.scan.msk.f32 $0xffff, v21;
	v11 =	vmov v23  }
0x224: {  	v18 =	vsub.f32 $0.0e+00, v18  }
0x225: {  	v19 =	vsub.f32 $0.0e+00, v19  }
0x226: {  	(xrf1) =	vsort.ascd.msk.f32 $0xffff, v18, v18  }
0x227: {  	(xrf1) =	vsort.ascd.msk.f32 $0xffff, v19, v19;
	_ =	sdelay $0xc  }
0x228: {  	v18, _, _ =	vpop (xrf1)  }
0x229: {  	v19, _, _ =	vpop (xrf1)  }
0x22a: {  	v19 =	vsub.f32 $0.0e+00, v19;
	_ =	sdelay $0x1  }
0x22b: {  	v18 =	vsub.f32 $0.0e+00, v18;
	v19 =	vperm.xlane v19, v1;
	_ =	sdelay $0x1  }
0x22c: {  	v20 =	vmax.f32 v18, v19  }
0x22d: {  	v18 =	vmin.f32 v18, v19;
	v41 =	vsub.f32 $0.0e+00, v20  }
0x22e: {  	v18 =	vsub.f32 $0.0e+00, v18  }
0x22f: {  	v17 =	vsub.f32 $0.0e+00, v17;
	(xrf1) =	vsort.ascd.msk.f32 $0xffff, v41, v41  }
0x230: {  	(xrf1) =	vsort.ascd.msk.f32 $0xffff, v18, v18  }
0x231: {  	(xrf1) =	vsort.ascd.msk.f32 $0xffff, v17, v17;
	_ =	sdelay $0xb  }
0x232: {  	v42, _, _ =	vpop (xrf1)  }
0x233: {  	v18, _, _ =	vpop (xrf1)  }
0x234: {  	v43, _, _ =	vpop (xrf1)  }
0x235: {  	v19 =	vsub.f32 $0.0e+00, v43;
	_ =	sdelay $0x1  }
0x236: {  	v18 =	vsub.f32 $0.0e+00, v18;
	v19 =	vperm.xlane v19, v1;
	_ =	sdelay $0x1  }
0x237: {  	v18 =	vmax.f32 v18, v19  }
0x238: {  	v18 =	vsub.f32 $0.0e+00, v18;
	_ =	sdelay $0x1  }
0x239: {  	(xrf1) =	vsort.ascd.msk.f32 $0xffff, v18, v18;
	_ =	sdelay $0xd  }
0x23a: {  	v18, _, _ =	vpop (xrf1)  }
0x23b: {  	v18 =	vsub.f32 $0.0e+00, v18;
	_ =	sdelay $0x1  }
0x23c: {  	v17 =	vsub.f32 $0.0e+00, v42;
	v18 =	vperm.xlane v18, v1;
	_ =	sdelay $0x1  }
0x23d: {  	v44 =	vmax.f32 v17, v18  }
0x23e: {  	v17 =	vmin.f32 v17, v18;
	v45 =	vsub.f32 $0.0e+00, v44  }
0x23f: {  	v16 =	vmax.f32 v16, v5;
	v17 =	vsub.f32 $0.0e+00, v17  }
0x240: {  	v16 =	vsub.f32 $0.0e+00, v16;
	(xrf1) =	vsort.ascd.msk.f32 $0xffff, v45, v45  }
0x241: {  	(xrf1) =	vsort.ascd.msk.f32 $0xffff, v17, v17  }
0x242: {  	(xrf1) =	vsort.ascd.msk.f32 $0xffff, v16, v16;
	_ =	sdelay $0xb  }
0x243: {  	v46, _, _ =	vpop (xrf1)  }
0x244: {  	v17, _, _ =	vpop (xrf1)  }
0x245: {  	v47, _, _ =	vpop (xrf1)  }
0x246: {  	v18 =	vsub.f32 $0.0e+00, v47;
	_ =	sdelay $0x1  }
0x247: {  	v17 =	vsub.f32 $0.0e+00, v17;
	v18 =	vperm.xlane v18, v1;
	_ =	sdelay $0x1  }
0x248: {  	v17 =	vmax.f32 v17, v18  }
0x249: {  	v17 =	vsub.f32 $0.0e+00, v17;
	_ =	sdelay $0x1  }
0x24a: {  	(xrf1) =	vsort.ascd.msk.f32 $0xffff, v17, v17;
	_ =	sdelay $0xd  }
0x24b: {  	v17, _, _ =	vpop (xrf1)  }
0x24c: {  	v17 =	vsub.f32 $0.0e+00, v17;
	_ =	sdelay $0x1  }
0x24d: {  	v16 =	vsub.f32 $0.0e+00, v46;
	v17 =	vperm.xlane v17, v1;
	_ =	sdelay $0x1  }
0x24e: {  	v48 =	vmax.f32 v16, v17  }
0x24f: {  	v16 =	vmin.f32 v16, v17;
	v49 =	vsub.f32 $0.0e+00, v48  }
0x250: {  	v15 =	vmax.f32 v15, v3;
	v16 =	vsub.f32 $0.0e+00, v16  }
0x251: {  	v15 =	vsub.f32 $0.0e+00, v15;
	(xrf1) =	vsort.ascd.msk.f32 $0xffff, v49, v49  }
0x252: {  	(xrf1) =	vsort.ascd.msk.f32 $0xffff, v16, v16  }
0x253: {  	(xrf1) =	vsort.ascd.msk.f32 $0xffff, v15, v15;
	_ =	sdelay $0xb  }
0x254: {  	v50, _, _ =	vpop (xrf1)  }
0x255: {  	v16, _, _ =	vpop (xrf1)  }
0x256: {  	v51, _, _ =	vpop (xrf1)  }
0x257: {  	v17 =	vsub.f32 $0.0e+00, v51;
	_ =	sdelay $0x1  }
0x258: {  	v16 =	vsub.f32 $0.0e+00, v16;
	v17 =	vperm.xlane v17, v1;
	_ =	sdelay $0x1  }
0x259: {  	v16 =	vmax.f32 v16, v17  }
0x25a: {  	v16 =	vsub.f32 $0.0e+00, v16;
	_ =	sdelay $0x1  }
0x25b: {  	(xrf1) =	vsort.ascd.msk.f32 $0xffff, v16, v16;
	_ =	sdelay $0xd  }
0x25c: {  	v16, _, _ =	vpop (xrf1)  }
0x25d: {  	v16 =	vsub.f32 $0.0e+00, v16;
	_ =	sdelay $0x1  }
0x25e: {  	v15 =	vsub.f32 $0.0e+00, v50;
	v16 =	vperm.xlane v16, v1;
	_ =	sdelay $0x1  }
0x25f: {  	v52 =	vmax.f32 v15, v16  }
0x260: {  	v15 =	vmin.f32 v15, v16;
	v53 =	vsub.f32 $0.0e+00, v52  }
0x261: {  	v14 =	vmax.f32 v14, v6;
	v15 =	vsub.f32 $0.0e+00, v15  }
0x262: {  	v14 =	vsub.f32 $0.0e+00, v14;
	(xrf1) =	vsort.ascd.msk.f32 $0xffff, v53, v53  }
0x263: {  	(xrf1) =	vsort.ascd.msk.f32 $0xffff, v15, v15  }
0x264: {  	(xrf1) =	vsort.ascd.msk.f32 $0xffff, v14, v14;
	_ =	sdelay $0xb  }
0x265: {  	v54, _, _ =	vpop (xrf1)  }
0x266: {  	v15, _, _ =	vpop (xrf1)  }
0x267: {  	v55, _, _ =	vpop (xrf1)  }
0x268: {  	v16 =	vsub.f32 $0.0e+00, v55;
	_ =	sdelay $0x1  }
0x269: {  	v15 =	vsub.f32 $0.0e+00, v15;
	v16 =	vperm.xlane v16, v1;
	_ =	sdelay $0x1  }
0x26a: {  	v15 =	vmax.f32 v15, v16  }
0x26b: {  	v15 =	vsub.f32 $0.0e+00, v15;
	_ =	sdelay $0x1  }
0x26c: {  	(xrf1) =	vsort.ascd.msk.f32 $0xffff, v15, v15;
	_ =	sdelay $0xd  }
0x26d: {  	v15, _, _ =	vpop (xrf1)  }
0x26e: {  	v15 =	vsub.f32 $0.0e+00, v15;
	_ =	sdelay $0x1  }
0x26f: {  	v14 =	vsub.f32 $0.0e+00, v54;
	v15 =	vperm.xlane v15, v1;
	_ =	sdelay $0x1  }
0x270: {  	v56 =	vmax.f32 v14, v15  }
0x271: {  	v14 =	vmin.f32 v14, v15;
	v57 =	vsub.f32 $0.0e+00, v56  }
0x272: {  	v13 =	vmax.f32 v13, v10;
	v14 =	vsub.f32 $0.0e+00, v14  }
0x273: {  	v13 =	vsub.f32 $0.0e+00, v13;
	(xrf1) =	vsort.ascd.msk.f32 $0xffff, v57, v57  }
0x274: {  	(xrf1) =	vsort.ascd.msk.f32 $0xffff, v14, v14  }
0x275: {  	(xrf1) =	vsort.ascd.msk.f32 $0xffff, v13, v13;
	_ =	sdelay $0xb  }
0x276: {  	v58, _, _ =	vpop (xrf1)  }
0x277: {  	v14, _, _ =	vpop (xrf1)  }
0x278: {  	v59, _, _ =	vpop (xrf1)  }
0x279: {  	v15 =	vsub.f32 $0.0e+00, v59;
	_ =	sdelay $0x1  }
0x27a: {  	v14 =	vsub.f32 $0.0e+00, v14;
	v15 =	vperm.xlane v15, v1;
	_ =	sdelay $0x1  }
0x27b: {  	v14 =	vmax.f32 v14, v15  }
0x27c: {  	v14 =	vsub.f32 $0.0e+00, v14;
	_ =	sdelay $0x1  }
0x27d: {  	(xrf1) =	vsort.ascd.msk.f32 $0xffff, v14, v14;
	_ =	sdelay $0xd  }
0x27e: {  	v14, _, _ =	vpop (xrf1)  }
0x27f: {  	v14 =	vsub.f32 $0.0e+00, v14;
	_ =	sdelay $0x1  }
0x280: {  	v13 =	vsub.f32 $0.0e+00, v58;
	v14 =	vperm.xlane v14, v1;
	_ =	sdelay $0x1  }
0x281: {  	v60 =	vmax.f32 v13, v14  }
0x282: {  	v13 =	vmin.f32 v13, v14;
	v61 =	vsub.f32 $0.0e+00, v60  }
0x283: {  	v12 =	vmax.f32 v12, v9;
	v13 =	vsub.f32 $0.0e+00, v13  }
0x284: {  	v12 =	vsub.f32 $0.0e+00, v12;
	(xrf1) =	vsort.ascd.msk.f32 $0xffff, v61, v61  }
0x285: {  	(xrf1) =	vsort.ascd.msk.f32 $0xffff, v13, v13  }
0x286: {  	(xrf1) =	vsort.ascd.msk.f32 $0xffff, v12, v12;
	_ =	sdelay $0xb  }
0x287: {  	v62, _, _ =	vpop (xrf1)  }
0x288: {  	v13, _, _ =	vpop (xrf1)  }
0x289: {  	v63, _, _ =	vpop (xrf1)  }
0x28a: {  	v14 =	vsub.f32 $0.0e+00, v63;
	_ =	sdelay $0x1  }
0x28b: {  	v13 =	vsub.f32 $0.0e+00, v13;
	v14 =	vperm.xlane v14, v1;
	_ =	sdelay $0x1  }
0x28c: {  	v13 =	vmax.f32 v13, v14  }
0x28d: {  	v13 =	vsub.f32 $0.0e+00, v13;
	_ =	sdelay $0x1  }
0x28e: {  	(xrf1) =	vsort.ascd.msk.f32 $0xffff, v13, v13;
	_ =	sdelay $0xd  }
0x28f: {  	v13, _, _ =	vpop (xrf1)  }
0x290: {  	v13 =	vsub.f32 $0.0e+00, v13;
	_ =	sdelay $0x1  }
0x291: {  	v12 =	vsub.f32 $0.0e+00, v62;
	v13 =	vperm.xlane v13, v1;
	_ =	sdelay $0x1  }
0x292: {  	v12 =	vmin.f32 v12, v13  }
0x293: {  	v12 =	vsub.f32 $0.0e+00, v12;
	_ =	sdelay $0x1  }
0x294: {  	(xrf1) =	vsort.ascd.msk.f32 $0xffff, v12, v12;
	_ =	sdelay $0x2  }
0x295: {  	v7 =	vmax.f32 v7, v8  }
0x296: {  	v5 =	vmax.f32 v11, v5;
	v3 =	vmax.f32 v3, v6;
	v6 =	vmax.f32 v10, v9  }
0x297: {  	v5 =	vmax.f32 v7, v5;
	v3 =	vmax.f32 v3, v6  }
0x298: {  	v3 =	vmax.f32 v5, v3  }
0x299: {  	(xrf0) =	vmax.scan.msk.f32 $0xffff, v3;
	_ =	sdelay $0x4  }
0x29a: {  	v3, _, _ =	vpop (xrf0)  }
0x29b: {  	(v2sf) =	vpush v3, $0xF;
	v3, _, _ =	vpop (xrf0)  }
0x29c: {  	(v2sf) =	vpush v3, $0xF;
	v3, _, _ =	vpop (xrf1)  }
0x29d: {  	(v2sf) =	vpush v3, $0xF;
	_ =	sdelay $0xa  }
0x29e: {  	s0 =	spop (v2sf);
	s1 =	sshra.s32 s18, $0x2;
	s23 =	sshra.s32 s21, $0x2  }
0x29f: {  	s25 =	sshra.s32 s20, $0x2;
	s26 =	sshra.s32 s22, $0x2;
	s4 =	spop (v2sf)  }
0x2a0: {  	s20 =	simm.s32 $0x8080;
	[smem:s1] =	sst s0;
	s24 =	spop (v2sf)  }
.Ltmp27:
0x2a1: {  	s22 =	simm.s32 $0x8100;
	s30 =	spop (v2sf);
	(pc) =	sbr.rel .LBB2_56-.Ltmp27, $4  }
0x2a2: {  	s28 =	simm.s32 $0x8200;
	[smem:s23] =	sst s4;
	s31 =	spop (v2sf)  }
0x2a3: {  	s29 =	simm.s32 $0x0;
	s1 =	simm.s32 $0x0;
	s18 =	ssub.f32 $0.0e+00, s31  }
0x2a4: {  	s23 =	simm.s32 $0x80;
	[smem:s25] =	sst s24;
	s24 =	simm.s32 $0x8180  }
0x2a5: {  	v5 =	vimm.s32 $0x0;
	s25 =	simm.s32 $0x100;
	[smem:s26] =	sst s30;
	s26 =	simm.s32 $0x180;
	v3 =	vmov s18  }
.LBB2_73:
0x2a6: {  	s29 =	sadd.s32 $0x1, s29  }
0x2a7: {  	p0 =	sne.s32 s29, $0x40  }
.Ltmp28:
0x2a8: {  	_ = 	snop;
	(pc) =	sbr.rel @!p0 .LBB2_74-.Ltmp28, $4  }
0x2a9: {  	_ = 	snop  }
0x2aa: {  	s20 =	sadd.s32 $0x200, s20;
	s1 =	sadd.s32 $0x200, s1  }
0x2ab: {  	s22 =	sadd.s32 $0x200, s22;
	s23 =	sadd.s32 $0x200, s23;
	s24 =	sadd.s32 $0x200, s24  }
0x2ac: {  	s25 =	sadd.s32 $0x200, s25;
	s26 =	sadd.s32 $0x200, s26;
	s28 =	sadd.s32 $0x200, s28  }
.LBB2_56:
0x2ad: {  	s4 =	sshll.u32 s29, $0x2  }
0x2ae: {  	s5 =	sld [smem:s4+$0x0];
	_ =	sdelay $0x1  }
0x2af: {  	s0 =	sld [smem:s4+$0x1]  }
0x2b0: {  	p0 =	sge.f32 s5, s18;
	_ =	sdelay $0x1  }
0x2b1: {  	s31 =	sld [smem:s4+$0x2];
	p1 =	sge.f32 @!p0 s0, s18  }
0x2b2: {  	_ = 	snop  }
0x2b3: {  	p1 =	por p0, p1  }
0x2b4: {  	s30 =	sld [smem:s4+$0x3];
	p2 =	sge.f32 @!p1 s31, s18  }
0x2b5: {  	_ = 	snop  }
0x2b6: {  	p1 =	por p1, p2  }
0x2b7: {  	p2 =	sge.f32 @!p1 s30, s18;
	_ =	sdelay $0x1  }
0x2b8: {  	p1 =	por p1, p2  }
.Ltmp29:
0x2b9: {  	_ = 	snop;
	(pc) =	sbr.rel @!p1 .LBB2_73-.Ltmp29, $1  }
0x2ba: {  	_ =	sdelay $0x3  }
.Ltmp30:
0x2bb: {  	(pc) =	sbr.rel @!p0 .LBB2_61-.Ltmp30, $1  }
0x2bc: {  	_ =	sdelay $0x3  }
0x2bd: {  	(v2sf) =	vpush v5, $0x0;
	_ =	sdelay $0x3  }
0x2be: {  	s4 =	sadd.s32 $0x0, s20  }
0x2bf: {  	v6 =	vld [tilespmem:s4+$0x0];
	_ =	sdelay $0x4  }
0x2c0: {  	vm3 =	vge.f32 v6, v3  }
0x2c1: {  	v6 =	vmpcnt.ones.xlane vm3;
	_ =	sdelay $0x1  }
0x2c2: {  	v5 =	vadd.s32 v5, v6  }
0x2c3: {  	s14 =	simm.s32 $0x80;
	(v2sf) =	vpush v5, $0x0  }
0x2c4: {  	s21 =	smov.u32 s1;
	s4 =	simm.s32 $0x10;
	v6 =	vor.u32 s1, v0;
	s5 =	spop (v2sf)  }
.LBB2_59:
0x2c5: {  	s4 =	sadd.s32 s4, s20  }
0x2c6: {  	[tilespmem:s5+$0x10100] =	vst.msk vm3, v6;
	s21 =	sadd.s32 $0x10, s21;
	s5 =	smov.u32 s14;
	s6 =	sadd.s32 $0x40, s14  }
0x2c7: {  	p0 =	sne.s32 s14, $0x1C0;
	v6 =	vld [tilespmem:s4+$0x0];
	_ =	sdelay $0x4  }
0x2c8: {  	vm3 =	vge.f32 v6, v3  }
0x2c9: {  	v6 =	vmpcnt.ones.xlane vm3  }
.Ltmp31:
0x2ca: {  	(pc) =	sbr.rel @p0 .LBB2_59-.Ltmp31, $3  }
0x2cb: {  	v5 =	vadd.s32 v5, v6  }
0x2cc: {  	(v2sf) =	vpush v5, $0x0;
	_ =	sdelay $0x1  }
0x2cd: {  	s4 =	sshra.s32 s5, $0x2;
	s14 =	smov.u32 s6;
	v6 =	vor.u32 s21, v0;
	s5 =	spop (v2sf)  }
0x2ce: {  	_ =	sdelay $0x3  }
0x2cf: {  	s4 =	sadd.s32 s4, s20;
	[tilespmem:s5+$0x10100] =	vst.msk vm3, v6  }
0x2d0: {  	v6 =	vld [tilespmem:s4+$0x0];
	_ =	sdelay $0x4  }
0x2d1: {  	vm3 =	vge.f32 v6, v3  }
0x2d2: {  	s14 =	sadd.s32 $0x10, s21;
	v6 =	vmpcnt.ones.xlane vm3  }
0x2d3: {  	v7 =	vor.u32 s14, v0;
	s21 =	spop (v2sf)  }
0x2d4: {  	v5 =	vadd.s32 v5, v6;
	[tilespmem:s21+$0x10100] =	vst.msk vm3, v7  }
.LBB2_61:
0x2d5: {  	p0 =	sge.f32 s0, s18  }
.Ltmp32:
0x2d6: {  	_ = 	snop;
	(pc) =	sbr.rel @!p0 .LBB2_65-.Ltmp32, $1  }
0x2d7: {  	_ =	sdelay $0x3  }
0x2d8: {  	(v2sf) =	vpush v5, $0x0;
	_ =	sdelay $0x3  }
0x2d9: {  	s0 =	sadd.s32 $0x0, s22  }
0x2da: {  	v6 =	vld [tilespmem:s0+$0x0];
	_ =	sdelay $0x4  }
0x2db: {  	vm3 =	vge.f32 v6, v3  }
0x2dc: {  	v6 =	vmpcnt.ones.xlane vm3;
	_ =	sdelay $0x1  }
0x2dd: {  	v5 =	vadd.s32 v5, v6  }
0x2de: {  	s14 =	simm.s32 $0x80;
	(v2sf) =	vpush v5, $0x0  }
0x2df: {  	s4 =	simm.s32 $0x10;
	s0 =	smov.u32 s23;
	v6 =	vor.u32 s23, v0;
	s5 =	spop (v2sf)  }
.LBB2_63:
0x2e0: {  	s4 =	sadd.s32 s4, s22  }
0x2e1: {  	[tilespmem:s5+$0x10100] =	vst.msk vm3, v6;
	s0 =	sadd.s32 $0x10, s0;
	s5 =	smov.u32 s14;
	s6 =	sadd.s32 $0x40, s14  }
0x2e2: {  	p0 =	sne.s32 s14, $0x1C0;
	v6 =	vld [tilespmem:s4+$0x0];
	_ =	sdelay $0x4  }
0x2e3: {  	vm3 =	vge.f32 v6, v3  }
0x2e4: {  	v6 =	vmpcnt.ones.xlane vm3  }
.Ltmp33:
0x2e5: {  	(pc) =	sbr.rel @p0 .LBB2_63-.Ltmp33, $3  }
0x2e6: {  	v5 =	vadd.s32 v5, v6  }
0x2e7: {  	(v2sf) =	vpush v5, $0x0;
	_ =	sdelay $0x1  }
0x2e8: {  	s4 =	sshra.s32 s5, $0x2;
	s14 =	smov.u32 s6;
	v6 =	vor.u32 s0, v0;
	s5 =	spop (v2sf)  }
0x2e9: {  	_ =	sdelay $0x3  }
0x2ea: {  	s4 =	sadd.s32 s4, s22;
	[tilespmem:s5+$0x10100] =	vst.msk vm3, v6  }
0x2eb: {  	v6 =	vld [tilespmem:s4+$0x0];
	_ =	sdelay $0x4  }
0x2ec: {  	vm3 =	vge.f32 v6, v3  }
0x2ed: {  	s0 =	sadd.s32 $0x10, s0;
	v6 =	vmpcnt.ones.xlane vm3  }
0x2ee: {  	v7 =	vor.u32 s0, v0;
	s21 =	spop (v2sf)  }
0x2ef: {  	v5 =	vadd.s32 v5, v6;
	[tilespmem:s21+$0x10100] =	vst.msk vm3, v7  }
.LBB2_65:
0x2f0: {  	p0 =	sge.f32 s31, s18  }
.Ltmp34:
0x2f1: {  	_ = 	snop;
	(pc) =	sbr.rel @!p0 .LBB2_69-.Ltmp34, $1  }
0x2f2: {  	_ =	sdelay $0x3  }
0x2f3: {  	(v2sf) =	vpush v5, $0x0;
	_ =	sdelay $0x3  }
0x2f4: {  	s0 =	sadd.s32 $0x0, s24  }
0x2f5: {  	v6 =	vld [tilespmem:s0+$0x0];
	_ =	sdelay $0x4  }
0x2f6: {  	vm3 =	vge.f32 v6, v3  }
0x2f7: {  	v6 =	vmpcnt.ones.xlane vm3;
	_ =	sdelay $0x1  }
0x2f8: {  	v5 =	vadd.s32 v5, v6  }
0x2f9: {  	s14 =	simm.s32 $0x80;
	(v2sf) =	vpush v5, $0x0  }
0x2fa: {  	s4 =	simm.s32 $0x10;
	s0 =	smov.u32 s25;
	v6 =	vor.u32 s25, v0;
	s5 =	spop (v2sf)  }
.LBB2_67:
0x2fb: {  	s4 =	sadd.s32 s4, s24  }
0x2fc: {  	[tilespmem:s5+$0x10100] =	vst.msk vm3, v6;
	s0 =	sadd.s32 $0x10, s0;
	s5 =	smov.u32 s14;
	s6 =	sadd.s32 $0x40, s14  }
0x2fd: {  	p0 =	sne.s32 s14, $0x1C0;
	v6 =	vld [tilespmem:s4+$0x0];
	_ =	sdelay $0x4  }
0x2fe: {  	vm3 =	vge.f32 v6, v3  }
0x2ff: {  	v6 =	vmpcnt.ones.xlane vm3  }
.Ltmp35:
0x300: {  	(pc) =	sbr.rel @p0 .LBB2_67-.Ltmp35, $3  }
0x301: {  	v5 =	vadd.s32 v5, v6  }
0x302: {  	(v2sf) =	vpush v5, $0x0;
	_ =	sdelay $0x1  }
0x303: {  	s4 =	sshra.s32 s5, $0x2;
	s14 =	smov.u32 s6;
	v6 =	vor.u32 s0, v0;
	s5 =	spop (v2sf)  }
0x304: {  	_ =	sdelay $0x3  }
0x305: {  	s4 =	sadd.s32 s4, s24;
	[tilespmem:s5+$0x10100] =	vst.msk vm3, v6  }
0x306: {  	v6 =	vld [tilespmem:s4+$0x0];
	_ =	sdelay $0x4  }
0x307: {  	vm3 =	vge.f32 v6, v3  }
0x308: {  	s0 =	sadd.s32 $0x10, s0;
	v6 =	vmpcnt.ones.xlane vm3  }
0x309: {  	v7 =	vor.u32 s0, v0;
	s31 =	spop (v2sf)  }
0x30a: {  	v5 =	vadd.s32 v5, v6;
	[tilespmem:s31+$0x10100] =	vst.msk vm3, v7  }
.LBB2_69:
0x30b: {  	p0 =	sge.f32 s30, s18  }
.Ltmp36:
0x30c: {  	_ = 	snop;
	(pc) =	sbr.rel @!p0 .LBB2_73-.Ltmp36, $1  }
0x30d: {  	_ =	sdelay $0x3  }
0x30e: {  	(v2sf) =	vpush v5, $0x0;
	_ =	sdelay $0x3  }
0x30f: {  	s0 =	sadd.s32 $0x0, s28  }
0x310: {  	v6 =	vld [tilespmem:s0+$0x0];
	_ =	sdelay $0x4  }
0x311: {  	vm3 =	vge.f32 v6, v3  }
0x312: {  	v6 =	vmpcnt.ones.xlane vm3;
	_ =	sdelay $0x1  }
0x313: {  	v5 =	vadd.s32 v5, v6  }
0x314: {  	s14 =	simm.s32 $0x80;
	(v2sf) =	vpush v5, $0x0  }
0x315: {  	s4 =	simm.s32 $0x10;
	s0 =	smov.u32 s26;
	v6 =	vor.u32 s26, v0;
	s5 =	spop (v2sf)  }
.LBB2_71:
0x316: {  	s4 =	sadd.s32 s4, s28  }
0x317: {  	[tilespmem:s5+$0x10100] =	vst.msk vm3, v6;
	s0 =	sadd.s32 $0x10, s0;
	s5 =	smov.u32 s14;
	s6 =	sadd.s32 $0x40, s14  }
0x318: {  	p0 =	sne.s32 s14, $0x1C0;
	v6 =	vld [tilespmem:s4+$0x0];
	_ =	sdelay $0x4  }
0x319: {  	vm3 =	vge.f32 v6, v3  }
0x31a: {  	v6 =	vmpcnt.ones.xlane vm3  }
.Ltmp37:
0x31b: {  	(pc) =	sbr.rel @p0 .LBB2_71-.Ltmp37, $3  }
0x31c: {  	v5 =	vadd.s32 v5, v6  }
0x31d: {  	(v2sf) =	vpush v5, $0x0;
	_ =	sdelay $0x1  }
0x31e: {  	s4 =	sshra.s32 s5, $0x2;
	s14 =	smov.u32 s6;
	v6 =	vor.u32 s0, v0;
	s5 =	spop (v2sf)  }
0x31f: {  	_ =	sdelay $0x3  }
0x320: {  	s4 =	sadd.s32 s4, s28;
	[tilespmem:s5+$0x10100] =	vst.msk vm3, v6  }
0x321: {  	v6 =	vld [tilespmem:s4+$0x0];
	_ =	sdelay $0x3  }
.Ltmp38:
0x322: {  	_ = 	snop;
	(pc) =	sbr.rel .LBB2_73-.Ltmp38, $4  }
0x323: {  	vm3 =	vge.f32 v6, v3  }
0x324: {  	s0 =	sadd.s32 $0x10, s0;
	v6 =	vmpcnt.ones.xlane vm3  }
0x325: {  	v7 =	vor.u32 s0, v0;
	s31 =	spop (v2sf)  }
0x326: {  	v5 =	vadd.s32 v5, v6;
	[tilespmem:s31+$0x10100] =	vst.msk vm3, v7  }
.LBB2_74:
0x327: {  	(v2sf) =	vpush v5, $0x0;
	_ =	sdelay $0xe  }
0x328: {  	s0 =	spop (v2sf)  }
0x329: {  	s1 =	sadd.s32 $0xF, s0  }
0x32a: {  	s4 =	sand.u32 $0xF, s1  }
0x32b: {  	s31 =	sshra.s32 s1, $0x1F;
	p1 =	slt.s32 s1, $0x1;
	p0 =	sne.s32 s4, $0x0  }
0x32c: {  	s4 =	sshrl.u32 s31, $0x1C;
	p0 =	por !p1, !p0  }
0x32d: {  	s1 =	sadd.s32 s4, s1;
	s4 =	simm.s32 $0x1;
	p0 =	por !p0, !p0  }
0x32e: {  	s1 =	sshra.s32 s1, $0x4;
	s4 =	simm.s32 @!p0 $0x0  }
0x32f: {  	s20 =	ssub.s32 s1, s4  }
0x330: {  	p0 =	slt.s32 s20, $0x1  }
.Ltmp39:
0x331: {  	_ = 	snop;
	(pc) =	sbr.rel @p0 .LBB2_75-.Ltmp39, $2  }
0x332: {  	_ =	sdelay $0x2  }
0x333: {  	v3 =	vimm.f32 $-Inf;
	[tilespmem:s0+$0x10100] =	vst v2;
	s0 =	simm.s32 $0x10100  }
0x334: {  	p2 =	sne.s32 s20, $0x1  }
.Ltmp40:
0x335: {  	_ = 	snop;
	(pc) =	sbr.rel @!p2 .LBB2_77-.Ltmp40, $2  }
0x336: {  	_ =	sdelay $0x2  }
0x337: {  	v6 =	vld [tilespmem:s0+$0x0];
	s1 =	sadd.s32 $0xFFFFFFFF, s20;
	p1 =	por $0x0, $0x0  }
0x338: {  	_ =	sdelay $0x7  }
0x339: {  	v5 =	vld.idx.msk [tilespmem:v6+s12+$0x0], $0xffff;
	_ =	sdelay $0x4  }
0x33a: {  	v5 =	vsub.f32 $0.0e+00, v5;
	_ =	sdelay $0x1  }
0x33b: {  	(xrf1) =	vsort.ascd.msk.f32 $0xffff, v5, v5;
	_ =	sdelay $0xd  }
0x33c: {  	v5, _, _ =	vpop (xrf1)  }
0x33d: {  	v5 =	vsub.f32 $0.0e+00, v5;
	_ =	sdelay $0x1  }
0x33e: {  	v5 =	vperm.xlane v5, v1;
	_ =	sdelay $0x1  }
0x33f: {  	v5 =	vmax.f32 v3, v5  }
0x340: {  	v5 =	vsub.f32 $0.0e+00, v5  }
0x341: {  	p3 =	sne.s32 s1, $0x1  }
.Ltmp41:
0x342: {  	(xrf1) =	vsort.ascd.msk.f32 $0xffff, v5, v5;
	(pc) =	sbr.rel @!p3 .LBB2_79-.Ltmp41, $3  }
0x343: {  	_ =	sdelay $0x1  }
0x344: {  	s18 =	sadd.s32 $0x10, s0  }
0x345: {  	s21 =	sadd.s32 $0xFFFFFFFF, s1;
	p2 =	por $0x1, $0x1;
	v6 =	vld [tilespmem:s18+$0x0];
	v5 =	vimm.f32 $-Inf  }
.LBB2_80:
0x346: {  	p3 =	sne.s32 s21, $0x1;
	_ =	sdelay $0x6  }
0x347: {  	v6 =	vld.idx.msk [tilespmem:v6+s12+$0x0], $0xffff;
	_ =	sdelay $0x1  }
0x348: {  	v7, _, _ =	vpop (xrf1)  }
0x349: {  	v7 =	vsub.f32 $0.0e+00, v7;
	_ =	sdelay $0x1  }
0x34a: {  	v7 =	vperm.xlane v7, v1  }
0x34b: {  	v6 =	vsub.f32 $0.0e+00, v6  }
0x34c: {  	v8 =	vmax.f32 v5, v7;
	v5 =	vmin.f32 v5, v7  }
0x34d: {  	(xrf1) =	vsort.ascd.msk.f32 $0xffff, v6, v6;
	v6 =	vsub.f32 $0.0e+00, v8;
	v5 =	vsub.f32 $0.0e+00, v5;
	_ =	sdelay $0x1  }
0x34e: {  	(xrf1) =	vsort.ascd.msk.f32 $0xffff, v5, v5  }
0x34f: {  	(xrf1) =	vsort.ascd.msk.f32 $0xffff, v6, v6;
	_ =	sdelay $0xa  }
0x350: {  	v5, _, _ =	vpop (xrf1)  }
0x351: {  	v8 =	vsub.f32 $0.0e+00, v5  }
0x352: {  	v6, _, _ =	vpop (xrf1)  }
0x353: {  	v7 =	vperm.xlane v8, v1;
	v6 =	vsub.f32 $0.0e+00, v6;
	v5, _, _ =	vpop (xrf1)  }
0x354: {  	v5 =	vsub.f32 $0.0e+00, v5  }
0x355: {  	v6 =	vmax.f32 v6, v7  }
0x356: {  	v6 =	vsub.f32 $0.0e+00, v6;
	_ =	sdelay $0x1  }
.Ltmp42:
0x357: {  	(xrf1) =	vsort.ascd.msk.f32 $0xffff, v6, v6;
	(pc) =	sbr.rel @p3 .LBB2_80-.Ltmp42, $3  }
0x358: {  	_ =	sdelay $0x1  }
0x359: {  	s18 =	sadd.s32 $0x10, s18  }
0x35a: {  	s21 =	sadd.s32 $0xFFFFFFFF, s21;
	v6 =	vld [tilespmem:s18+$0x0]  }
.LBB2_81:
0x35b: {  	_ =	sdelay $0x8  }
0x35c: {  	v6 =	vld.idx.msk [tilespmem:v6+s12+$0x0], $0xffff;
	v7, _, _ =	vpop @p2 (xrf1)  }
0x35d: {  	v7 =	vsub.f32 @p2 $0.0e+00, v7;
	_ =	sdelay $0x1  }
0x35e: {  	v7 =	vperm.xlane @p2 v7, v1;
	_ =	sdelay $0x1  }
0x35f: {  	v6 =	vsub.f32 $0.0e+00, v6;
	v8 =	vmin.f32 @p2 v5, v7  }
0x360: {  	v8 =	vsub.f32 @p2 $0.0e+00, v8  }
0x361: {  	(xrf1) =	vsort.ascd.msk.f32 $0xffff, v6, v6  }
0x362: {  	(xrf1) =	vsort.ascd.msk.f32 @p2 $0xffff, v8, v8;
	_ =	sdelay $0xc  }
0x363: {  	v6, _, _ =	vpop (xrf1)  }
0x364: {  	v6 =	vsub.f32 $0.0e+00, v6;
	v8, _, _ =	vpop @p2 (xrf1)  }
0x365: {  	v8 =	vsub.f32 @p2 $0.0e+00, v8  }
0x366: {  	v6 =	vperm.xlane v6, v1  }
0x367: {  	v5 =	vmax.f32 @p2 v5, v7;
	v7 =	vpsel p2, v8, v3  }
0x368: {  	v5 =	vsub.f32 @p2 $0.0e+00, v5;
	v6 =	vmax.f32 v7, v6  }
0x369: {  	v6 =	vsub.f32 $0.0e+00, v6  }
0x36a: {  	(xrf1) =	vsort.ascd.msk.f32 @p2 $0xffff, v5, v5  }
0x36b: {  	(xrf1) =	vsort.ascd.msk.f32 $0xffff, v6, v6;
	_ =	sdelay $0xc  }
0x36c: {  	v5, _, _ =	vpop @p2 (xrf1)  }
0x36d: {  	v6, _, _ =	vpop (xrf1)  }
0x36e: {  	v6 =	vsub.f32 $0.0e+00, v6  }
0x36f: {  	v5 =	vsub.f32 @p2 $0.0e+00, v5  }
0x370: {  	v6 =	vperm.xlane v6, v1  }
0x371: {  	v3 =	vpsel p2, v5, v3  }
0x372: {  	v5 =	vmin.f32 v3, v6  }
0x373: {  	v5 =	vsub.f32 $0.0e+00, v5  }
0x374: {  	v3 =	vmax.f32 v3, v6  }
0x375: {  	v3 =	vsub.f32 $0.0e+00, v3;
	(xrf1) =	vsort.ascd.msk.f32 $0xffff, v5, v5;
	_ =	sdelay $0x1  }
0x376: {  	(xrf1) =	vsort.ascd.msk.f32 $0xffff, v3, v3;
	_ =	sdelay $0x9  }
0x377: {  	p2 =	sne.s32 s20, $0x1  }
.Ltmp43:
0x378: {  	_ = 	snop;
	(pc) =	sbr.rel @!p2 .LBB2_82-.Ltmp43, $4  }
0x379: {  	v3, _, _ =	vpop (xrf1)  }
0x37a: {  	v3 =	vsub.f32 $0.0e+00, v3  }
0x37b: {  	s0 =	simm.s32 $0x10100;
	v5, _, _ =	vpop (xrf1)  }
0x37c: {  	v7 =	vld [tilespmem:s0+$0x0];
	s0 =	sadd.s32 $0xFFFFFFFF, s20;
	v6 =	vimm.s32 $0x0;
	v5 =	vbroadcast v3, $0xF  }
0x37d: {  	_ =	sdelay $0x3  }
0x37e: {  	p3 =	sne.s32 s0, $0x1  }
.Ltmp44:
0x37f: {  	_ = 	snop;
	(pc) =	sbr.rel @!p3 .LBB2_84-.Ltmp44, $3  }
0x380: {  	_ =	sdelay $0x1  }
0x381: {  	s1 =	simm.s32 $0x10110;
	v9 =	vld.idx.msk [tilespmem:v7+s12+$0x0], $0xffff  }
0x382: {  	s18 =	sadd.s32 $0xFFFFFFFF, s0;
	p1 =	por $0x1, $0x1;
	v8 =	vimm.s32 $0x0;
	v7 =	vld [tilespmem:s1+$0x0]  }
.LBB2_85:
0x383: {  	p3 =	sne.s32 s18, $0x1;
	_ =	sdelay $0x3  }
.Ltmp45:
0x384: {  	vm3 =	vgt.f32 v9, v5;
	(pc) =	sbr.rel @p3 .LBB2_85-.Ltmp45, $3  }
0x385: {  	v10 =	vmpcnt.ones.xlane vm3;
	_ =	sdelay $0x1  }
0x386: {  	s1 =	sadd.s32 $0x10, s1;
	v8 =	vadd.s32 v8, v10;
	v9 =	vld.idx.msk [tilespmem:v7+s12+$0x0], $0xffff  }
0x387: {  	s18 =	sadd.s32 $0xFFFFFFFF, s18;
	v7 =	vld [tilespmem:s1+$0x0]  }
.LBB2_86:
0x388: {  	_ =	sdelay $0x7  }
0x389: {  	v7 =	vld.idx.msk [tilespmem:v7+s12+$0x0], $0xffff;
	_ =	sdelay $0x2  }
0x38a: {  	vm3 =	vgt.f32 @p1 v9, v5  }
0x38b: {  	v9 =	vmpcnt.ones.xlane @p1 vm3  }
0x38c: {  	vm3 =	vgt.f32 v7, v5  }
0x38d: {  	v7 =	vadd.s32 @p1 v8, v9;
	v63 =	vmpcnt.ones.xlane vm3  }
0x38e: {  	v6 =	vpsel p1, v7, v6  }
0x38f: {  	v6 =	vadd.s32 v6, v63  }
0x390: {  	(v2sf) =	vpush v6, $0x0;
	_ =	sdelay $0xe  }
0x391: {  	s1 =	spop (v2sf)  }
0x392: {  	p1 =	seq.s32 s1, $0x1F  }
.Ltmp46:
0x393: {  	_ = 	snop;
	(pc) =	sbr.rel @!p1 .LBB2_87-.Ltmp46, $1  }
0x394: {  	_ =	sdelay $0x3  }
.Ltmp47:
0x395: {  	(pc) =	sbr.rel @!p2 .LBB2_93-.Ltmp47, $3  }
0x396: {  	_ =	sdelay $0x1  }
0x397: {  	s1 =	simm.s32 $0x10100  }
0x398: {  	v6 =	vimm.s32 $0x7FFFFFFF;
	p0 =	por $0x0, $0x0;
	v7 =	vld [tilespmem:s1+$0x0]  }
0x399: {  	_ =	sdelay $0x2  }
0x39a: {  	p1 =	sne.s32 s0, $0x1  }
.Ltmp48:
0x39b: {  	_ = 	snop;
	(pc) =	sbr.rel @!p1 .LBB2_95-.Ltmp48, $4  }
0x39c: {  	_ = 	snop  }
0x39d: {  	s1 =	simm.s32 $0x10110  }
0x39e: {  	v10 =	vld [tilespmem:s1+$0x0]  }
0x39f: {  	s0 =	sadd.s32 $0xFFFFFFFF, s0;
	p0 =	por $0x1, $0x1;
	v9 =	vimm.s32 $0x7FFFFFFF;
	v8 =	vld.idx.msk [tilespmem:v7+s12+$0x0], $0xffff  }
.LBB2_96:
0x3a0: {  	p1 =	sne.s32 s0, $0x1;
	_ =	sdelay $0x3  }
.Ltmp49:
0x3a1: {  	vm3 =	veq.f32 v8, v5;
	(pc) =	sbr.rel @p1 .LBB2_96-.Ltmp49, $4  }
0x3a2: {  	v11 =	vnsel vm3, $0x7FFFFFFF, v7;
	v7 =	vmov v10  }
0x3a3: {  	vm3 =	vlt.s32 v9, v11  }
0x3a4: {  	s1 =	sadd.s32 $0x10, s1;
	v9 =	vsel vm3, v9, v11;
	v8 =	vld.idx.msk [tilespmem:v10+s12+$0x0], $0xffff  }
0x3a5: {  	s0 =	sadd.s32 $0xFFFFFFFF, s0;
	v10 =	vld [tilespmem:s1+$0x0]  }
0x3a6: {  	_ =	sdelay $0x3  }
0x3a7: {  	v11 =	vmov v7;
	v7 =	vmov v10  }
.LBB2_98:
0x3a8: {  	_ =	sdelay $0x3  }
0x3a9: {  	v10 =	vld.idx.msk [tilespmem:v7+s12+$0x0], $0xffff;
	_ =	sdelay $0x1  }
0x3aa: {  	vm3 =	veq.f32 @p0 v8, v5  }
0x3ab: {  	v8 =	vnsel @p0 vm3, $0x7FFFFFFF, v11  }
0x3ac: {  	vm3 =	vlt.s32 @p0 v9, v8  }
0x3ad: {  	v8 =	vsel @p0 vm3, v9, v8;
	vm3 =	veq.f32 v10, v5  }
0x3ae: {  	v5 =	vpsel p0, v8, v6;
	v6 =	vnsel vm3, $0x7FFFFFFF, v7  }
0x3af: {  	vm3 =	vlt.s32 v5, v6  }
0x3b0: {  	v5 =	vsel vm3, v5, v6  }
0x3b1: {  	v5 =	vsub.s32 $0x80000000, v5  }
0x3b2: {  	(xrf0) =	vmax.scan.msk.u32 $0xffff, v5;
	_ =	sdelay $0x5  }
0x3b3: {  	v5, _, _ =	vpop (xrf0)  }
0x3b4: {  	(v2sf) =	vpush v5, $0xF;
	_ =	sdelay $0xe  }
0x3b5: {  	s0 =	spop (v2sf)  }
0x3b6: {  	s0 =	sxor.u32 $0x7FFFFFFF, s0  }
0x3b7: {  	s18 =	sadd.s32 $0x1, s0  }
.LBB2_105:
0x3b8: {  	_ =	swait.ge [sflag:s11], $0x8000  }
0x3b9: {  	[sflag:s11] =	ssyncset.done $0x0  }
0x3ba: {  	s28 =	simm.s32 $0x40;
	s0 =	rddreg [dreg:$0x5];
	[sflag:s11] =	ssyncadd.s32 $0xFFFF8000  }
0x3bb: {  	[tilespmem:s12], [sflag:$0x2] =	stream.strided.gather [hbm4b:s0+s9], $0x8000, s10, s9, $0x38;
	[tilespmem:$0x18200] =	vst v63  }
0x3bc: {  	v5 =	vld [tilespmem:s28+$0xFFFFFFC0]  }
0x3bd: {  	v6 =	vld [tilespmem:s28+$0xFFFFFFD0]  }
0x3be: {  	v7 =	vld [tilespmem:s28+$0xFFFFFFE0]  }
0x3bf: {  	v8 =	vld [tilespmem:s28+$0xFFFFFFF0]  }
0x3c0: {  	v9 =	vld [tilespmem:s28+$0x0]  }
0x3c1: {  	v10 =	vld [tilespmem:s28+$0x10]  }
0x3c2: {  	v11 =	vld [tilespmem:s28+$0x20]  }
0x3c3: {  	s29 =	simm.s32 $0xC0;
	v12 =	vld [tilespmem:s28+$0x30]  }
0x3c4: {  	v13 =	vld [tilespmem:s29+$0xFFFFFFC0]  }
0x3c5: {  	v14 =	vld [tilespmem:s29+$0xFFFFFFD0]  }
0x3c6: {  	v15 =	vld [tilespmem:s29+$0xFFFFFFE0]  }
0x3c7: {  	v16 =	vld [tilespmem:s29+$0xFFFFFFF0]  }
0x3c8: {  	v18 =	vimm.f32 $-Inf;
	v17 =	vld [tilespmem:s29+$0x0]  }
0x3c9: {  	v19 =	vld [tilespmem:s29+$0x10];
	v20 =	vmax.f32 v18, v5;
	v5 =	vmax.f32 v5, v6  }
0x3ca: {  	v21 =	vld [tilespmem:s29+$0x20];
	v22 =	vmax.f32 v7, v8;
	v23 =	vmax.f32 v9, v10;
	v24 =	vmax.f32 v11, v12  }
0x3cb: {  	v25 =	vld [tilespmem:s29+$0x30];
	v5 =	vmax.f32 v5, v22;
	v22 =	vmax.f32 v23, v24  }
0x3cc: {  	v6 =	vmax.f32 v18, v6;
	v7 =	vmax.f32 v18, v7;
	v5 =	vmax.f32 v5, v22  }
0x3cd: {  	v8 =	vmax.f32 v18, v8;
	v9 =	vmax.f32 v18, v9;
	v10 =	vmax.f32 v18, v10;
	(xrf0) =	vmax.scan.msk.f32 $0xffff, v5  }
0x3ce: {  	s30 =	simm.s32 $0x140;
	v11 =	vmax.f32 v18, v11;
	v12 =	vmax.f32 v18, v12;
	v6 =	vmax.f32 v6, v14  }
0x3cf: {  	v26 =	vld [tilespmem:s30+$0xFFFFFFF0];
	v7 =	vmax.f32 v7, v15;
	v18 =	vmax.f32 v8, v16;
	v8 =	vmax.f32 v15, v16  }
0x3d0: {  	v23 =	vld [tilespmem:s30+$0xFFFFFFC0];
	v15 =	vmax.f32 v21, v25;
	v5 =	vmax.f32 v13, v14;
	v14 =	vmax.f32 v17, v19  }
0x3d1: {  	v22 =	vld [tilespmem:s30+$0xFFFFFFD0];
	v5 =	vmax.f32 v5, v8;
	v8 =	vmax.f32 v14, v15  }
0x3d2: {  	v63 =	vld [tilespmem:s30+$0xFFFFFFE0];
	v8 =	vmax.f32 v5, v8  }
0x3d3: {  	v4 =	vbroadcast v4, $0xF;
	v28 =	vld [tilespmem:s30+$0x30];
	v15 =	vmax.f32 v9, v17;
	v9, _, _ =	vpop (xrf0);
	(xrf0) =	vmax.scan.msk.f32 $0xffff, v8  }
0x3d4: {  	vm3 =	vmmov $0x1;
	v14 =	vld [tilespmem:s30+$0x20]  }
0x3d5: {  	v4 =	vnsel vm3, $0x0, v4;
	vm3 =	veq.s32 v0, $0x1;
	v20 =	vmax.f32 v20, v13  }
0x3d6: {  	v17 =	vmax.f32 v18, v26;
	v5 =	vsel vm3, s19, v4;
	v18 =	vmax.f32 v23, v22  }
0x3d7: {  	v4 =	vmax.f32 v10, v19;
	v10 =	vmax.f32 v11, v21;
	v19 =	vmax.f32 v63, v26  }
0x3d8: {  	v27 =	vld [tilespmem:s30+$0x10];
	v11 =	vmax.f32 v20, v23;
	v20 =	vmax.f32 v6, v22;
	(v2sf) =	vpush v9, $0xF  }
0x3d9: {  	s31 =	simm.s32 $0x1C0;
	v13 =	vld [tilespmem:s30+$0x0];
	v22 =	vmax.f32 v14, v28;
	v14 =	vmax.f32 v10, v14;
	v10 =	vmax.f32 v18, v19;
	v18, _, _ =	vpop (xrf0)  }
0x3da: {  	v25 =	vmax.f32 v12, v25;
	v12 =	vld [tilespmem:s31+$0xFFFFFFE0];
	(v2sf) =	vpush v18, $0xF  }
0x3db: {  	v8 =	vld [tilespmem:s31+$0xFFFFFFC0]  }
0x3dc: {  	v9 =	vld [tilespmem:s31+$0xFFFFFFD0]  }
0x3dd: {  	v6 =	vld [tilespmem:s31+$0xFFFFFFF0]  }
0x3de: {  	v16 =	vmax.f32 v15, v13;
	v15 =	vmax.f32 v4, v27;
	v4 =	vld [tilespmem:s31+$0x0];
	v13 =	vmax.f32 v13, v27  }
0x3df: {  	v21 =	vmax.f32 v7, v63;
	v7 =	vld [tilespmem:s31+$0x10];
	v13 =	vmax.f32 v13, v22  }
0x3e0: {  	s20 =	simm.s32 $0x0;
	s21 =	simm.s32 $0x4;
	s22 =	simm.s32 $0xC;
	v22 =	vmax.f32 v10, v13;
	v19 =	vmax.f32 v11, v8;
	v11 =	vld [tilespmem:s31+$0x20]  }
0x3e1: {  	s23 =	simm.s32 $0x10;
	s0 =	simm.s32 $0x240;
	s19 =	simm.s32 $0x8;
	v10 =	vld [tilespmem:s31+$0x30];
	v13 =	vmax.f32 v25, v28;
	v20 =	vmax.f32 v20, v9;
	(xrf0) =	vmax.scan.msk.f32 $0xffff, v22;
	v18 =	vmax.f32 v21, v12  }
.LBB2_106:
0x3e2: {  	v21 =	vld [tilespmem:s0+$0xFFFFFFC0];
	p0 =	sne.s32 s23, $0x3FC;
	v17 =	vmax.f32 v17, v6;
	v22 =	vmov v6  }
0x3e3: {  	v23 =	vld [tilespmem:s0+$0xFFFFFFD0];
	v16 =	vmax.f32 v16, v4  }
0x3e4: {  	v24 =	vld [tilespmem:s0+$0xFFFFFFE0];
	v15 =	vmax.f32 v15, v7  }
.Ltmp50:
0x3e5: {  	v8 =	vmax.f32 v8, v9;
	v6 =	vld [tilespmem:s0+$0xFFFFFFF0];
	v14 =	vmax.f32 v14, v11;
	(pc) =	sbr.rel @p0 .LBB2_106-.Ltmp50, $4  }
0x3e6: {  	v27 =	vmax.f32 v12, v22;
	v22 =	vmax.f32 v4, v7;
	v4 =	vld [tilespmem:s0+$0x0];
	v11 =	vmax.f32 v11, v10  }
0x3e7: {  	s1 =	sshra.s32 s20, $0x2;
	s20 =	smov.u32 s21;
	v25 =	vmax.f32 v8, v27;
	v7 =	vld [tilespmem:s0+$0x10];
	v19 =	vmax.f32 v19, v21;
	v26 =	vmax.f32 v22, v11;
	v12, _, _ =	vpop (xrf0);
	s4 =	spop (v2sf)  }
0x3e8: {  	s21 =	smov.u32 s19;
	s19 =	smov.u32 s22;
	v8 =	vmovc v21;
	v11 =	vld [tilespmem:s0+$0x20];
	v20 =	vmax.f32 v20, v23;
	v22 =	vmax.f32 v25, v26;
	(v2sf) =	vpush v12, $0xF;
	[smem:s1] =	sst s4;
	v9 =	vmovc v23  }
0x3e9: {  	s22 =	smov.u32 s23;
	s23 =	sadd.s32 $0x4, s23;
	v13 =	vmax.f32 v13, v10;
	v18 =	vmax.f32 v18, v24;
	v10 =	vld [tilespmem:s0+$0x30];
	s0 =	sadd.s32 $0x80, s0;
	(xrf0) =	vmax.scan.msk.f32 $0xffff, v22;
	v12 =	vmov v24  }
0x3ea: {  	v19 =	vsub.f32 $0.0e+00, v19  }
0x3eb: {  	v20 =	vsub.f32 $0.0e+00, v20  }
0x3ec: {  	(xrf1) =	vsort.ascd.msk.f32 $0xffff, v19, v19  }
0x3ed: {  	(xrf1) =	vsort.ascd.msk.f32 $0xffff, v20, v20;
	_ =	sdelay $0xc  }
0x3ee: {  	v19, _, _ =	vpop (xrf1)  }
0x3ef: {  	v20, _, _ =	vpop (xrf1)  }
0x3f0: {  	v20 =	vsub.f32 $0.0e+00, v20;
	_ =	sdelay $0x1  }
0x3f1: {  	v19 =	vsub.f32 $0.0e+00, v19;
	v20 =	vperm.xlane v20, v1;
	_ =	sdelay $0x1  }
0x3f2: {  	v21 =	vmax.f32 v19, v20  }
0x3f3: {  	v19 =	vmin.f32 v19, v20;
	v41 =	vsub.f32 $0.0e+00, v21  }
0x3f4: {  	v19 =	vsub.f32 $0.0e+00, v19  }
0x3f5: {  	v18 =	vsub.f32 $0.0e+00, v18;
	(xrf1) =	vsort.ascd.msk.f32 $0xffff, v41, v41  }
0x3f6: {  	(xrf1) =	vsort.ascd.msk.f32 $0xffff, v19, v19  }
0x3f7: {  	(xrf1) =	vsort.ascd.msk.f32 $0xffff, v18, v18;
	_ =	sdelay $0xb  }
0x3f8: {  	v42, _, _ =	vpop (xrf1)  }
0x3f9: {  	v19, _, _ =	vpop (xrf1)  }
0x3fa: {  	v43, _, _ =	vpop (xrf1)  }
0x3fb: {  	v20 =	vsub.f32 $0.0e+00, v43;
	_ =	sdelay $0x1  }
0x3fc: {  	v19 =	vsub.f32 $0.0e+00, v19;
	v20 =	vperm.xlane v20, v1;
	_ =	sdelay $0x1  }
0x3fd: {  	v19 =	vmax.f32 v19, v20  }
0x3fe: {  	v19 =	vsub.f32 $0.0e+00, v19;
	_ =	sdelay $0x1  }
0x3ff: {  	(xrf1) =	vsort.ascd.msk.f32 $0xffff, v19, v19;
	_ =	sdelay $0xd  }
0x400: {  	v19, _, _ =	vpop (xrf1)  }
0x401: {  	v19 =	vsub.f32 $0.0e+00, v19;
	_ =	sdelay $0x1  }
0x402: {  	v18 =	vsub.f32 $0.0e+00, v42;
	v19 =	vperm.xlane v19, v1;
	_ =	sdelay $0x1  }
0x403: {  	v44 =	vmax.f32 v18, v19  }
0x404: {  	v18 =	vmin.f32 v18, v19;
	v45 =	vsub.f32 $0.0e+00, v44  }
0x405: {  	v17 =	vmax.f32 v17, v6;
	v18 =	vsub.f32 $0.0e+00, v18  }
0x406: {  	v17 =	vsub.f32 $0.0e+00, v17;
	(xrf1) =	vsort.ascd.msk.f32 $0xffff, v45, v45  }
0x407: {  	(xrf1) =	vsort.ascd.msk.f32 $0xffff, v18, v18  }
0x408: {  	(xrf1) =	vsort.ascd.msk.f32 $0xffff, v17, v17;
	_ =	sdelay $0xb  }
0x409: {  	v46, _, _ =	vpop (xrf1)  }
0x40a: {  	v18, _, _ =	vpop (xrf1)  }
0x40b: {  	v47, _, _ =	vpop (xrf1)  }
0x40c: {  	v19 =	vsub.f32 $0.0e+00, v47;
	_ =	sdelay $0x1  }
0x40d: {  	v18 =	vsub.f32 $0.0e+00, v18;
	v19 =	vperm.xlane v19, v1;
	_ =	sdelay $0x1  }
0x40e: {  	v18 =	vmax.f32 v18, v19  }
0x40f: {  	v18 =	vsub.f32 $0.0e+00, v18;
	_ =	sdelay $0x1  }
0x410: {  	(xrf1) =	vsort.ascd.msk.f32 $0xffff, v18, v18;
	_ =	sdelay $0xd  }
0x411: {  	v18, _, _ =	vpop (xrf1)  }
0x412: {  	v18 =	vsub.f32 $0.0e+00, v18;
	_ =	sdelay $0x1  }
0x413: {  	v17 =	vsub.f32 $0.0e+00, v46;
	v18 =	vperm.xlane v18, v1;
	_ =	sdelay $0x1  }
0x414: {  	v48 =	vmax.f32 v17, v18  }
0x415: {  	v17 =	vmin.f32 v17, v18;
	v49 =	vsub.f32 $0.0e+00, v48  }
0x416: {  	v16 =	vmax.f32 v16, v4;
	v17 =	vsub.f32 $0.0e+00, v17  }
0x417: {  	v16 =	vsub.f32 $0.0e+00, v16;
	(xrf1) =	vsort.ascd.msk.f32 $0xffff, v49, v49  }
0x418: {  	(xrf1) =	vsort.ascd.msk.f32 $0xffff, v17, v17  }
0x419: {  	(xrf1) =	vsort.ascd.msk.f32 $0xffff, v16, v16;
	_ =	sdelay $0xb  }
0x41a: {  	v50, _, _ =	vpop (xrf1)  }
0x41b: {  	v17, _, _ =	vpop (xrf1)  }
0x41c: {  	v51, _, _ =	vpop (xrf1)  }
0x41d: {  	v18 =	vsub.f32 $0.0e+00, v51;
	_ =	sdelay $0x1  }
0x41e: {  	v17 =	vsub.f32 $0.0e+00, v17;
	v18 =	vperm.xlane v18, v1;
	_ =	sdelay $0x1  }
0x41f: {  	v17 =	vmax.f32 v17, v18  }
0x420: {  	v17 =	vsub.f32 $0.0e+00, v17;
	_ =	sdelay $0x1  }
0x421: {  	(xrf1) =	vsort.ascd.msk.f32 $0xffff, v17, v17;
	_ =	sdelay $0xd  }
0x422: {  	v17, _, _ =	vpop (xrf1)  }
0x423: {  	v17 =	vsub.f32 $0.0e+00, v17;
	_ =	sdelay $0x1  }
0x424: {  	v16 =	vsub.f32 $0.0e+00, v50;
	v17 =	vperm.xlane v17, v1;
	_ =	sdelay $0x1  }
0x425: {  	v52 =	vmax.f32 v16, v17  }
0x426: {  	v16 =	vmin.f32 v16, v17;
	v53 =	vsub.f32 $0.0e+00, v52  }
0x427: {  	v15 =	vmax.f32 v15, v7;
	v16 =	vsub.f32 $0.0e+00, v16  }
0x428: {  	v15 =	vsub.f32 $0.0e+00, v15;
	(xrf1) =	vsort.ascd.msk.f32 $0xffff, v53, v53  }
0x429: {  	(xrf1) =	vsort.ascd.msk.f32 $0xffff, v16, v16  }
0x42a: {  	(xrf1) =	vsort.ascd.msk.f32 $0xffff, v15, v15;
	_ =	sdelay $0xb  }
0x42b: {  	v54, _, _ =	vpop (xrf1)  }
0x42c: {  	v16, _, _ =	vpop (xrf1)  }
0x42d: {  	v55, _, _ =	vpop (xrf1)  }
0x42e: {  	v17 =	vsub.f32 $0.0e+00, v55;
	_ =	sdelay $0x1  }
0x42f: {  	v16 =	vsub.f32 $0.0e+00, v16;
	v17 =	vperm.xlane v17, v1;
	_ =	sdelay $0x1  }
0x430: {  	v16 =	vmax.f32 v16, v17  }
0x431: {  	v16 =	vsub.f32 $0.0e+00, v16;
	_ =	sdelay $0x1  }
0x432: {  	(xrf1) =	vsort.ascd.msk.f32 $0xffff, v16, v16;
	_ =	sdelay $0xd  }
0x433: {  	v16, _, _ =	vpop (xrf1)  }
0x434: {  	v16 =	vsub.f32 $0.0e+00, v16;
	_ =	sdelay $0x1  }
0x435: {  	v15 =	vsub.f32 $0.0e+00, v54;
	v16 =	vperm.xlane v16, v1;
	_ =	sdelay $0x1  }
0x436: {  	v56 =	vmax.f32 v15, v16  }
0x437: {  	v15 =	vmin.f32 v15, v16;
	v57 =	vsub.f32 $0.0e+00, v56  }
0x438: {  	v14 =	vmax.f32 v14, v11;
	v15 =	vsub.f32 $0.0e+00, v15  }
0x439: {  	v14 =	vsub.f32 $0.0e+00, v14;
	(xrf1) =	vsort.ascd.msk.f32 $0xffff, v57, v57  }
0x43a: {  	(xrf1) =	vsort.ascd.msk.f32 $0xffff, v15, v15  }
0x43b: {  	(xrf1) =	vsort.ascd.msk.f32 $0xffff, v14, v14;
	_ =	sdelay $0xb  }
0x43c: {  	v58, _, _ =	vpop (xrf1)  }
0x43d: {  	v15, _, _ =	vpop (xrf1)  }
0x43e: {  	v59, _, _ =	vpop (xrf1)  }
0x43f: {  	v16 =	vsub.f32 $0.0e+00, v59;
	_ =	sdelay $0x1  }
0x440: {  	v15 =	vsub.f32 $0.0e+00, v15;
	v16 =	vperm.xlane v16, v1;
	_ =	sdelay $0x1  }
0x441: {  	v15 =	vmax.f32 v15, v16  }
0x442: {  	v15 =	vsub.f32 $0.0e+00, v15;
	_ =	sdelay $0x1  }
0x443: {  	(xrf1) =	vsort.ascd.msk.f32 $0xffff, v15, v15;
	_ =	sdelay $0xd  }
0x444: {  	v15, _, _ =	vpop (xrf1)  }
0x445: {  	v15 =	vsub.f32 $0.0e+00, v15;
	_ =	sdelay $0x1  }
0x446: {  	v14 =	vsub.f32 $0.0e+00, v58;
	v15 =	vperm.xlane v15, v1;
	_ =	sdelay $0x1  }
0x447: {  	v60 =	vmax.f32 v14, v15  }
0x448: {  	v14 =	vmin.f32 v14, v15;
	v61 =	vsub.f32 $0.0e+00, v60  }
0x449: {  	v13 =	vmax.f32 v13, v10;
	v14 =	vsub.f32 $0.0e+00, v14  }
0x44a: {  	v13 =	vsub.f32 $0.0e+00, v13;
	(xrf1) =	vsort.ascd.msk.f32 $0xffff, v61, v61  }
0x44b: {  	(xrf1) =	vsort.ascd.msk.f32 $0xffff, v14, v14  }
0x44c: {  	(xrf1) =	vsort.ascd.msk.f32 $0xffff, v13, v13;
	_ =	sdelay $0xb  }
0x44d: {  	v62, _, _ =	vpop (xrf1)  }
0x44e: {  	v14, _, _ =	vpop (xrf1)  }
0x44f: {  	v63, _, _ =	vpop (xrf1)  }
0x450: {  	v15 =	vsub.f32 $0.0e+00, v63;
	_ =	sdelay $0x1  }
0x451: {  	v14 =	vsub.f32 $0.0e+00, v14;
	v15 =	vperm.xlane v15, v1;
	_ =	sdelay $0x1  }
0x452: {  	v14 =	vmax.f32 v14, v15  }
0x453: {  	v14 =	vsub.f32 $0.0e+00, v14;
	_ =	sdelay $0x1  }
0x454: {  	(xrf1) =	vsort.ascd.msk.f32 $0xffff, v14, v14;
	_ =	sdelay $0xd  }
0x455: {  	v14, _, _ =	vpop (xrf1)  }
0x456: {  	v14 =	vsub.f32 $0.0e+00, v14;
	_ =	sdelay $0x1  }
0x457: {  	v13 =	vsub.f32 $0.0e+00, v62;
	v14 =	vperm.xlane v14, v1;
	_ =	sdelay $0x1  }
0x458: {  	v13 =	vmin.f32 v13, v14  }
0x459: {  	v13 =	vsub.f32 $0.0e+00, v13;
	_ =	sdelay $0x1  }
0x45a: {  	(xrf1) =	vsort.ascd.msk.f32 $0xffff, v13, v13;
	_ =	sdelay $0x2  }
0x45b: {  	v8 =	vmax.f32 v8, v9  }
0x45c: {  	v6 =	vmax.f32 v12, v6;
	v4 =	vmax.f32 v4, v7;
	v7 =	vmax.f32 v11, v10  }
0x45d: {  	v6 =	vmax.f32 v8, v6;
	v4 =	vmax.f32 v4, v7  }
0x45e: {  	v4 =	vmax.f32 v6, v4  }
0x45f: {  	(xrf0) =	vmax.scan.msk.f32 $0xffff, v4;
	_ =	sdelay $0x4  }
0x460: {  	v4, _, _ =	vpop (xrf0)  }
0x461: {  	(v2sf) =	vpush v4, $0xF;
	v4, _, _ =	vpop (xrf0)  }
0x462: {  	(v2sf) =	vpush v4, $0xF;
	v4, _, _ =	vpop (xrf1)  }
0x463: {  	(v2sf) =	vpush v4, $0xF;
	_ =	sdelay $0xa  }
0x464: {  	s0 =	spop (v2sf);
	s1 =	sshra.s32 s20, $0x2;
	s23 =	sshra.s32 s21, $0x2  }
0x465: {  	s25 =	sshra.s32 s19, $0x2;
	s26 =	sshra.s32 s22, $0x2;
	s4 =	spop (v2sf)  }
0x466: {  	s20 =	simm.s32 $0x0;
	[smem:s1] =	sst s0;
	s24 =	spop (v2sf)  }
.Ltmp51:
0x467: {  	s21 =	simm.s32 $0x80;
	s30 =	spop (v2sf);
	(pc) =	sbr.rel .LBB2_108-.Ltmp51, $4  }
0x468: {  	s22 =	simm.s32 $0x100;
	[smem:s23] =	sst s4;
	s31 =	spop (v2sf)  }
0x469: {  	s28 =	simm.s32 $0x0;
	s29 =	simm.s32 $0x0;
	s19 =	ssub.f32 $0.0e+00, s31  }
0x46a: {  	s23 =	simm.s32 $0x180;
	[smem:s25] =	sst s24;
	s24 =	simm.s32 $0x180  }
0x46b: {  	v6 =	vimm.s32 $0x0;
	s25 =	simm.s32 $0x100;
	[smem:s26] =	sst s30;
	s26 =	simm.s32 $0x80;
	v4 =	vmov s19  }
.LBB2_125:
0x46c: {  	s29 =	sadd.s32 $0x1, s29  }
0x46d: {  	p0 =	sne.s32 s29, $0x40  }
.Ltmp52:
0x46e: {  	_ = 	snop;
	(pc) =	sbr.rel @!p0 .LBB2_126-.Ltmp52, $4  }
0x46f: {  	_ = 	snop  }
0x470: {  	s28 =	sadd.s32 $0x200, s28;
	s20 =	sadd.s32 $0x200, s20  }
0x471: {  	s26 =	sadd.s32 $0x200, s26;
	s21 =	sadd.s32 $0x200, s21;
	s25 =	sadd.s32 $0x200, s25  }
0x472: {  	s22 =	sadd.s32 $0x200, s22;
	s23 =	sadd.s32 $0x200, s23;
	s24 =	sadd.s32 $0x200, s24  }
.LBB2_108:
0x473: {  	s1 =	sshll.u32 s29, $0x2  }
0x474: {  	s4 =	sld [smem:s1+$0x0];
	_ =	sdelay $0x1  }
0x475: {  	s0 =	sld [smem:s1+$0x1]  }
0x476: {  	p0 =	sge.f32 s4, s19;
	_ =	sdelay $0x1  }
0x477: {  	s31 =	sld [smem:s1+$0x2];
	p1 =	sge.f32 @!p0 s0, s19  }
0x478: {  	_ = 	snop  }
0x479: {  	p1 =	por p0, p1  }
0x47a: {  	s30 =	sld [smem:s1+$0x3];
	p2 =	sge.f32 @!p1 s31, s19  }
0x47b: {  	_ = 	snop  }
0x47c: {  	p1 =	por p1, p2  }
0x47d: {  	p2 =	sge.f32 @!p1 s30, s19;
	_ =	sdelay $0x1  }
0x47e: {  	p1 =	por p1, p2  }
.Ltmp53:
0x47f: {  	_ = 	snop;
	(pc) =	sbr.rel @!p1 .LBB2_125-.Ltmp53, $1  }
0x480: {  	_ =	sdelay $0x3  }
.Ltmp54:
0x481: {  	(pc) =	sbr.rel @!p0 .LBB2_113-.Ltmp54, $1  }
0x482: {  	_ =	sdelay $0x3  }
0x483: {  	(v2sf) =	vpush v6, $0x0;
	_ =	sdelay $0x3  }
0x484: {  	s1 =	sadd.s32 $0x0, s28  }
0x485: {  	v7 =	vld [tilespmem:s1+$0x0];
	_ =	sdelay $0x4  }
0x486: {  	vm3 =	vge.f32 v7, v4  }
0x487: {  	v7 =	vmpcnt.ones.xlane vm3;
	_ =	sdelay $0x1  }
0x488: {  	v6 =	vadd.s32 v6, v7  }
0x489: {  	s14 =	simm.s32 $0x80;
	(v2sf) =	vpush v6, $0x0  }
0x48a: {  	s4 =	simm.s32 $0x10;
	s1 =	smov.u32 s20;
	v7 =	vor.u32 s20, v0;
	s5 =	spop (v2sf)  }
.LBB2_111:
0x48b: {  	s4 =	sadd.s32 s4, s28  }
0x48c: {  	[tilespmem:s5+$0x10100] =	vst.msk vm3, v7;
	s1 =	sadd.s32 $0x10, s1;
	s5 =	smov.u32 s14;
	s6 =	sadd.s32 $0x40, s14  }
0x48d: {  	p0 =	sne.s32 s14, $0x1C0;
	v7 =	vld [tilespmem:s4+$0x0];
	_ =	sdelay $0x4  }
0x48e: {  	vm3 =	vge.f32 v7, v4  }
0x48f: {  	v7 =	vmpcnt.ones.xlane vm3  }
.Ltmp55:
0x490: {  	(pc) =	sbr.rel @p0 .LBB2_111-.Ltmp55, $3  }
0x491: {  	v6 =	vadd.s32 v6, v7  }
0x492: {  	(v2sf) =	vpush v6, $0x0;
	_ =	sdelay $0x1  }
0x493: {  	s4 =	sshra.s32 s5, $0x2;
	s14 =	smov.u32 s6;
	v7 =	vor.u32 s1, v0;
	s5 =	spop (v2sf)  }
0x494: {  	_ =	sdelay $0x3  }
0x495: {  	s4 =	sadd.s32 s4, s28;
	[tilespmem:s5+$0x10100] =	vst.msk vm3, v7  }
0x496: {  	v7 =	vld [tilespmem:s4+$0x0];
	_ =	sdelay $0x4  }
0x497: {  	vm3 =	vge.f32 v7, v4  }
0x498: {  	s1 =	sadd.s32 $0x10, s1;
	v7 =	vmpcnt.ones.xlane vm3  }
0x499: {  	v8 =	vor.u32 s1, v0;
	s14 =	spop (v2sf)  }
0x49a: {  	v6 =	vadd.s32 v6, v7;
	[tilespmem:s14+$0x10100] =	vst.msk vm3, v8  }
.LBB2_113:
0x49b: {  	p0 =	sge.f32 s0, s19  }
.Ltmp56:
0x49c: {  	_ = 	snop;
	(pc) =	sbr.rel @!p0 .LBB2_117-.Ltmp56, $1  }
0x49d: {  	_ =	sdelay $0x3  }
0x49e: {  	(v2sf) =	vpush v6, $0x0;
	_ =	sdelay $0x3  }
0x49f: {  	s0 =	sadd.s32 $0x0, s26  }
0x4a0: {  	v7 =	vld [tilespmem:s0+$0x0];
	_ =	sdelay $0x4  }
0x4a1: {  	vm3 =	vge.f32 v7, v4  }
0x4a2: {  	v7 =	vmpcnt.ones.xlane vm3;
	_ =	sdelay $0x1  }
0x4a3: {  	v6 =	vadd.s32 v6, v7  }
0x4a4: {  	s1 =	simm.s32 $0x80;
	(v2sf) =	vpush v6, $0x0  }
0x4a5: {  	s4 =	simm.s32 $0x10;
	s0 =	smov.u32 s21;
	v7 =	vor.u32 s21, v0;
	s5 =	spop (v2sf)  }
.LBB2_115:
0x4a6: {  	s4 =	sadd.s32 s4, s26  }
0x4a7: {  	[tilespmem:s5+$0x10100] =	vst.msk vm3, v7;
	s0 =	sadd.s32 $0x10, s0;
	s5 =	smov.u32 s1;
	s6 =	sadd.s32 $0x40, s1  }
0x4a8: {  	p0 =	sne.s32 s1, $0x1C0;
	v7 =	vld [tilespmem:s4+$0x0];
	_ =	sdelay $0x4  }
0x4a9: {  	vm3 =	vge.f32 v7, v4  }
0x4aa: {  	v7 =	vmpcnt.ones.xlane vm3  }
.Ltmp57:
0x4ab: {  	(pc) =	sbr.rel @p0 .LBB2_115-.Ltmp57, $3  }
0x4ac: {  	v6 =	vadd.s32 v6, v7  }
0x4ad: {  	(v2sf) =	vpush v6, $0x0;
	_ =	sdelay $0x1  }
0x4ae: {  	s4 =	sshra.s32 s5, $0x2;
	s1 =	smov.u32 s6;
	v7 =	vor.u32 s0, v0;
	s5 =	spop (v2sf)  }
0x4af: {  	_ =	sdelay $0x3  }
0x4b0: {  	s1 =	sadd.s32 s4, s26;
	[tilespmem:s5+$0x10100] =	vst.msk vm3, v7  }
0x4b1: {  	v7 =	vld [tilespmem:s1+$0x0];
	_ =	sdelay $0x4  }
0x4b2: {  	vm3 =	vge.f32 v7, v4  }
0x4b3: {  	s0 =	sadd.s32 $0x10, s0;
	v7 =	vmpcnt.ones.xlane vm3  }
0x4b4: {  	v8 =	vor.u32 s0, v0;
	s14 =	spop (v2sf)  }
0x4b5: {  	v6 =	vadd.s32 v6, v7;
	[tilespmem:s14+$0x10100] =	vst.msk vm3, v8  }
.LBB2_117:
0x4b6: {  	p0 =	sge.f32 s31, s19  }
.Ltmp58:
0x4b7: {  	_ = 	snop;
	(pc) =	sbr.rel @!p0 .LBB2_121-.Ltmp58, $1  }
0x4b8: {  	_ =	sdelay $0x3  }
0x4b9: {  	(v2sf) =	vpush v6, $0x0;
	_ =	sdelay $0x3  }
0x4ba: {  	s0 =	sadd.s32 $0x0, s25  }
0x4bb: {  	v7 =	vld [tilespmem:s0+$0x0];
	_ =	sdelay $0x4  }
0x4bc: {  	vm3 =	vge.f32 v7, v4  }
0x4bd: {  	v7 =	vmpcnt.ones.xlane vm3;
	_ =	sdelay $0x1  }
0x4be: {  	v6 =	vadd.s32 v6, v7  }
0x4bf: {  	s1 =	simm.s32 $0x80;
	(v2sf) =	vpush v6, $0x0  }
0x4c0: {  	s4 =	simm.s32 $0x10;
	s0 =	smov.u32 s22;
	v7 =	vor.u32 s22, v0;
	s5 =	spop (v2sf)  }
.LBB2_119:
0x4c1: {  	s4 =	sadd.s32 s4, s25  }
0x4c2: {  	[tilespmem:s5+$0x10100] =	vst.msk vm3, v7;
	s0 =	sadd.s32 $0x10, s0;
	s5 =	smov.u32 s1;
	s6 =	sadd.s32 $0x40, s1  }
0x4c3: {  	p0 =	sne.s32 s1, $0x1C0;
	v7 =	vld [tilespmem:s4+$0x0];
	_ =	sdelay $0x4  }
0x4c4: {  	vm3 =	vge.f32 v7, v4  }
0x4c5: {  	v7 =	vmpcnt.ones.xlane vm3  }
.Ltmp59:
0x4c6: {  	(pc) =	sbr.rel @p0 .LBB2_119-.Ltmp59, $3  }
0x4c7: {  	v6 =	vadd.s32 v6, v7  }
0x4c8: {  	(v2sf) =	vpush v6, $0x0;
	_ =	sdelay $0x1  }
0x4c9: {  	s4 =	sshra.s32 s5, $0x2;
	s1 =	smov.u32 s6;
	v7 =	vor.u32 s0, v0;
	s5 =	spop (v2sf)  }
0x4ca: {  	_ =	sdelay $0x3  }
0x4cb: {  	s1 =	sadd.s32 s4, s25;
	[tilespmem:s5+$0x10100] =	vst.msk vm3, v7  }
0x4cc: {  	v7 =	vld [tilespmem:s1+$0x0];
	_ =	sdelay $0x4  }
0x4cd: {  	vm3 =	vge.f32 v7, v4  }
0x4ce: {  	s0 =	sadd.s32 $0x10, s0;
	v7 =	vmpcnt.ones.xlane vm3  }
0x4cf: {  	v8 =	vor.u32 s0, v0;
	s31 =	spop (v2sf)  }
0x4d0: {  	v6 =	vadd.s32 v6, v7;
	[tilespmem:s31+$0x10100] =	vst.msk vm3, v8  }
.LBB2_121:
0x4d1: {  	p0 =	sge.f32 s30, s19  }
.Ltmp60:
0x4d2: {  	_ = 	snop;
	(pc) =	sbr.rel @!p0 .LBB2_125-.Ltmp60, $1  }
0x4d3: {  	_ =	sdelay $0x3  }
0x4d4: {  	(v2sf) =	vpush v6, $0x0;
	_ =	sdelay $0x3  }
0x4d5: {  	s0 =	sadd.s32 $0x0, s24  }
0x4d6: {  	v7 =	vld [tilespmem:s0+$0x0];
	_ =	sdelay $0x4  }
0x4d7: {  	vm3 =	vge.f32 v7, v4  }
0x4d8: {  	v7 =	vmpcnt.ones.xlane vm3;
	_ =	sdelay $0x1  }
0x4d9: {  	v6 =	vadd.s32 v6, v7  }
0x4da: {  	s1 =	simm.s32 $0x80;
	(v2sf) =	vpush v6, $0x0  }
0x4db: {  	s4 =	simm.s32 $0x10;
	s0 =	smov.u32 s23;
	v7 =	vor.u32 s23, v0;
	s5 =	spop (v2sf)  }
.LBB2_123:
0x4dc: {  	s4 =	sadd.s32 s4, s24  }
0x4dd: {  	[tilespmem:s5+$0x10100] =	vst.msk vm3, v7;
	s0 =	sadd.s32 $0x10, s0;
	s5 =	smov.u32 s1;
	s6 =	sadd.s32 $0x40, s1  }
0x4de: {  	p0 =	sne.s32 s1, $0x1C0;
	v7 =	vld [tilespmem:s4+$0x0];
	_ =	sdelay $0x4  }
0x4df: {  	vm3 =	vge.f32 v7, v4  }
0x4e0: {  	v7 =	vmpcnt.ones.xlane vm3  }
.Ltmp61:
0x4e1: {  	(pc) =	sbr.rel @p0 .LBB2_123-.Ltmp61, $3  }
0x4e2: {  	v6 =	vadd.s32 v6, v7  }
0x4e3: {  	(v2sf) =	vpush v6, $0x0;
	_ =	sdelay $0x1  }
0x4e4: {  	s4 =	sshra.s32 s5, $0x2;
	s1 =	smov.u32 s6;
	v7 =	vor.u32 s0, v0;
	s5 =	spop (v2sf)  }
0x4e5: {  	_ =	sdelay $0x3  }
0x4e6: {  	s1 =	sadd.s32 s4, s24;
	[tilespmem:s5+$0x10100] =	vst.msk vm3, v7  }
0x4e7: {  	v7 =	vld [tilespmem:s1+$0x0];
	_ =	sdelay $0x3  }
.Ltmp62:
0x4e8: {  	_ = 	snop;
	(pc) =	sbr.rel .LBB2_125-.Ltmp62, $4  }
0x4e9: {  	vm3 =	vge.f32 v7, v4  }
0x4ea: {  	s0 =	sadd.s32 $0x10, s0;
	v7 =	vmpcnt.ones.xlane vm3  }
0x4eb: {  	v8 =	vor.u32 s0, v0;
	s31 =	spop (v2sf)  }
0x4ec: {  	v6 =	vadd.s32 v6, v7;
	[tilespmem:s31+$0x10100] =	vst.msk vm3, v8  }
.LBB2_126:
0x4ed: {  	(v2sf) =	vpush v6, $0x0;
	_ =	sdelay $0xe  }
0x4ee: {  	s0 =	spop (v2sf)  }
0x4ef: {  	s1 =	sadd.s32 $0xF, s0  }
0x4f0: {  	s4 =	sand.u32 $0xF, s1  }
0x4f1: {  	s31 =	sshra.s32 s1, $0x1F;
	p1 =	slt.s32 s1, $0x1;
	p0 =	sne.s32 s4, $0x0  }
0x4f2: {  	s4 =	sshrl.u32 s31, $0x1C;
	p0 =	por !p1, !p0  }
0x4f3: {  	s1 =	sadd.s32 s4, s1;
	s4 =	simm.s32 $0x1;
	p0 =	por !p0, !p0  }
0x4f4: {  	s1 =	sshra.s32 s1, $0x4;
	s4 =	simm.s32 @!p0 $0x0  }
0x4f5: {  	s20 =	ssub.s32 s1, s4  }
0x4f6: {  	p0 =	slt.s32 s20, $0x1  }
.Ltmp63:
0x4f7: {  	_ = 	snop;
	(pc) =	sbr.rel @p0 .LBB2_127-.Ltmp63, $2  }
0x4f8: {  	_ =	sdelay $0x2  }
0x4f9: {  	v4 =	vimm.f32 $-Inf;
	[tilespmem:s0+$0x10100] =	vst v2;
	s0 =	simm.s32 $0x10100  }
0x4fa: {  	p2 =	sne.s32 s20, $0x1  }
.Ltmp64:
0x4fb: {  	_ = 	snop;
	(pc) =	sbr.rel @!p2 .LBB2_129-.Ltmp64, $2  }
0x4fc: {  	_ =	sdelay $0x2  }
0x4fd: {  	v7 =	vld [tilespmem:s0+$0x0];
	s1 =	sadd.s32 $0xFFFFFFFF, s20;
	p1 =	por $0x0, $0x0  }
0x4fe: {  	_ =	sdelay $0x7  }
0x4ff: {  	v6 =	vld.idx.msk [tilespmem:v7+s2+$0x0], $0xffff;
	_ =	sdelay $0x4  }
0x500: {  	v6 =	vsub.f32 $0.0e+00, v6;
	_ =	sdelay $0x1  }
0x501: {  	(xrf1) =	vsort.ascd.msk.f32 $0xffff, v6, v6;
	_ =	sdelay $0xd  }
0x502: {  	v6, _, _ =	vpop (xrf1)  }
0x503: {  	v6 =	vsub.f32 $0.0e+00, v6;
	_ =	sdelay $0x1  }
0x504: {  	v6 =	vperm.xlane v6, v1;
	_ =	sdelay $0x1  }
0x505: {  	v6 =	vmax.f32 v4, v6  }
0x506: {  	v6 =	vsub.f32 $0.0e+00, v6  }
0x507: {  	p3 =	sne.s32 s1, $0x1  }
.Ltmp65:
0x508: {  	(xrf1) =	vsort.ascd.msk.f32 $0xffff, v6, v6;
	(pc) =	sbr.rel @!p3 .LBB2_131-.Ltmp65, $3  }
0x509: {  	_ =	sdelay $0x1  }
0x50a: {  	s19 =	sadd.s32 $0x10, s0  }
0x50b: {  	s21 =	sadd.s32 $0xFFFFFFFF, s1;
	p2 =	por $0x1, $0x1;
	v7 =	vld [tilespmem:s19+$0x0];
	v6 =	vimm.f32 $-Inf  }
.LBB2_132:
0x50c: {  	p3 =	sne.s32 s21, $0x1;
	_ =	sdelay $0x6  }
0x50d: {  	v7 =	vld.idx.msk [tilespmem:v7+s2+$0x0], $0xffff;
	_ =	sdelay $0x1  }
0x50e: {  	v8, _, _ =	vpop (xrf1)  }
0x50f: {  	v8 =	vsub.f32 $0.0e+00, v8;
	_ =	sdelay $0x1  }
0x510: {  	v8 =	vperm.xlane v8, v1  }
0x511: {  	v7 =	vsub.f32 $0.0e+00, v7  }
0x512: {  	v9 =	vmax.f32 v6, v8;
	v6 =	vmin.f32 v6, v8  }
0x513: {  	(xrf1) =	vsort.ascd.msk.f32 $0xffff, v7, v7;
	v7 =	vsub.f32 $0.0e+00, v9;
	v6 =	vsub.f32 $0.0e+00, v6;
	_ =	sdelay $0x1  }
0x514: {  	(xrf1) =	vsort.ascd.msk.f32 $0xffff, v6, v6  }
0x515: {  	(xrf1) =	vsort.ascd.msk.f32 $0xffff, v7, v7;
	_ =	sdelay $0xa  }
0x516: {  	v6, _, _ =	vpop (xrf1)  }
0x517: {  	v9 =	vsub.f32 $0.0e+00, v6  }
0x518: {  	v7, _, _ =	vpop (xrf1)  }
0x519: {  	v8 =	vperm.xlane v9, v1;
	v7 =	vsub.f32 $0.0e+00, v7;
	v6, _, _ =	vpop (xrf1)  }
0x51a: {  	v6 =	vsub.f32 $0.0e+00, v6  }
0x51b: {  	v7 =	vmax.f32 v7, v8  }
0x51c: {  	v7 =	vsub.f32 $0.0e+00, v7;
	_ =	sdelay $0x1  }
.Ltmp66:
0x51d: {  	(xrf1) =	vsort.ascd.msk.f32 $0xffff, v7, v7;
	(pc) =	sbr.rel @p3 .LBB2_132-.Ltmp66, $3  }
0x51e: {  	_ =	sdelay $0x1  }
0x51f: {  	s19 =	sadd.s32 $0x10, s19  }
0x520: {  	s21 =	sadd.s32 $0xFFFFFFFF, s21;
	v7 =	vld [tilespmem:s19+$0x0]  }
.LBB2_133:
0x521: {  	_ =	sdelay $0x8  }
0x522: {  	v7 =	vld.idx.msk [tilespmem:v7+s2+$0x0], $0xffff;
	v8, _, _ =	vpop @p2 (xrf1)  }
0x523: {  	v8 =	vsub.f32 @p2 $0.0e+00, v8;
	_ =	sdelay $0x1  }
0x524: {  	v8 =	vperm.xlane @p2 v8, v1;
	_ =	sdelay $0x1  }
0x525: {  	v7 =	vsub.f32 $0.0e+00, v7;
	v9 =	vmin.f32 @p2 v6, v8  }
0x526: {  	v9 =	vsub.f32 @p2 $0.0e+00, v9  }
0x527: {  	(xrf1) =	vsort.ascd.msk.f32 $0xffff, v7, v7  }
0x528: {  	(xrf1) =	vsort.ascd.msk.f32 @p2 $0xffff, v9, v9;
	_ =	sdelay $0xc  }
0x529: {  	v7, _, _ =	vpop (xrf1)  }
0x52a: {  	v7 =	vsub.f32 $0.0e+00, v7;
	v9, _, _ =	vpop @p2 (xrf1)  }
0x52b: {  	v9 =	vsub.f32 @p2 $0.0e+00, v9  }
0x52c: {  	v7 =	vperm.xlane v7, v1  }
0x52d: {  	v6 =	vmax.f32 @p2 v6, v8;
	v8 =	vpsel p2, v9, v4  }
0x52e: {  	v6 =	vsub.f32 @p2 $0.0e+00, v6;
	v7 =	vmax.f32 v8, v7  }
0x52f: {  	v7 =	vsub.f32 $0.0e+00, v7  }
0x530: {  	(xrf1) =	vsort.ascd.msk.f32 @p2 $0xffff, v6, v6  }
0x531: {  	(xrf1) =	vsort.ascd.msk.f32 $0xffff, v7, v7;
	_ =	sdelay $0xc  }
0x532: {  	v6, _, _ =	vpop @p2 (xrf1)  }
0x533: {  	v7, _, _ =	vpop (xrf1)  }
0x534: {  	v7 =	vsub.f32 $0.0e+00, v7  }
0x535: {  	v6 =	vsub.f32 @p2 $0.0e+00, v6  }
0x536: {  	v7 =	vperm.xlane v7, v1  }
0x537: {  	v4 =	vpsel p2, v6, v4  }
0x538: {  	v6 =	vmin.f32 v4, v7  }
0x539: {  	v6 =	vsub.f32 $0.0e+00, v6  }
0x53a: {  	v4 =	vmax.f32 v4, v7  }
0x53b: {  	v4 =	vsub.f32 $0.0e+00, v4;
	(xrf1) =	vsort.ascd.msk.f32 $0xffff, v6, v6;
	_ =	sdelay $0x1  }
0x53c: {  	(xrf1) =	vsort.ascd.msk.f32 $0xffff, v4, v4;
	_ =	sdelay $0x9  }
0x53d: {  	p2 =	sne.s32 s20, $0x1  }
.Ltmp67:
0x53e: {  	_ = 	snop;
	(pc) =	sbr.rel @!p2 .LBB2_134-.Ltmp67, $4  }
0x53f: {  	v4, _, _ =	vpop (xrf1)  }
0x540: {  	v4 =	vsub.f32 $0.0e+00, v4  }
0x541: {  	s0 =	simm.s32 $0x10100;
	v6, _, _ =	vpop (xrf1)  }
0x542: {  	v8 =	vld [tilespmem:s0+$0x0];
	s0 =	sadd.s32 $0xFFFFFFFF, s20;
	v7 =	vimm.s32 $0x0;
	v6 =	vbroadcast v4, $0xF  }
0x543: {  	_ =	sdelay $0x3  }
0x544: {  	p3 =	sne.s32 s0, $0x1  }
.Ltmp68:
0x545: {  	_ = 	snop;
	(pc) =	sbr.rel @!p3 .LBB2_136-.Ltmp68, $3  }
0x546: {  	_ =	sdelay $0x1  }
0x547: {  	s1 =	simm.s32 $0x10110;
	v10 =	vld.idx.msk [tilespmem:v8+s2+$0x0], $0xffff  }
0x548: {  	s19 =	sadd.s32 $0xFFFFFFFF, s0;
	p1 =	por $0x1, $0x1;
	v9 =	vimm.s32 $0x0;
	v8 =	vld [tilespmem:s1+$0x0]  }
.LBB2_137:
0x549: {  	p3 =	sne.s32 s19, $0x1;
	_ =	sdelay $0x3  }
.Ltmp69:
0x54a: {  	vm3 =	vgt.f32 v10, v6;
	(pc) =	sbr.rel @p3 .LBB2_137-.Ltmp69, $3  }
0x54b: {  	v11 =	vmpcnt.ones.xlane vm3;
	_ =	sdelay $0x1  }
0x54c: {  	s1 =	sadd.s32 $0x10, s1;
	v9 =	vadd.s32 v9, v11;
	v10 =	vld.idx.msk [tilespmem:v8+s2+$0x0], $0xffff  }
0x54d: {  	s19 =	sadd.s32 $0xFFFFFFFF, s19;
	v8 =	vld [tilespmem:s1+$0x0]  }
.LBB2_138:
0x54e: {  	_ =	sdelay $0x7  }
0x54f: {  	v8 =	vld.idx.msk [tilespmem:v8+s2+$0x0], $0xffff;
	_ =	sdelay $0x2  }
0x550: {  	vm3 =	vgt.f32 @p1 v10, v6  }
0x551: {  	v10 =	vmpcnt.ones.xlane @p1 vm3  }
0x552: {  	vm3 =	vgt.f32 v8, v6  }
0x553: {  	v8 =	vadd.s32 @p1 v9, v10;
	v63 =	vmpcnt.ones.xlane vm3  }
0x554: {  	v7 =	vpsel p1, v8, v7  }
0x555: {  	v7 =	vadd.s32 v7, v63  }
0x556: {  	(v2sf) =	vpush v7, $0x0;
	_ =	sdelay $0xe  }
0x557: {  	s1 =	spop (v2sf)  }
0x558: {  	p1 =	seq.s32 s1, $0x1F  }
.Ltmp70:
0x559: {  	_ = 	snop;
	(pc) =	sbr.rel @!p1 .LBB2_139-.Ltmp70, $1  }
0x55a: {  	_ =	sdelay $0x3  }
.Ltmp71:
0x55b: {  	(pc) =	sbr.rel @!p2 .LBB2_145-.Ltmp71, $3  }
0x55c: {  	_ =	sdelay $0x1  }
0x55d: {  	s1 =	simm.s32 $0x10100  }
0x55e: {  	v7 =	vimm.s32 $0x7FFFFFFF;
	p0 =	por $0x0, $0x0;
	v8 =	vld [tilespmem:s1+$0x0]  }
0x55f: {  	_ =	sdelay $0x2  }
0x560: {  	p1 =	sne.s32 s0, $0x1  }
.Ltmp72:
0x561: {  	_ = 	snop;
	(pc) =	sbr.rel @!p1 .LBB2_147-.Ltmp72, $4  }
0x562: {  	_ = 	snop  }
0x563: {  	s1 =	simm.s32 $0x10110  }
0x564: {  	v11 =	vld [tilespmem:s1+$0x0]  }
0x565: {  	s0 =	sadd.s32 $0xFFFFFFFF, s0;
	p0 =	por $0x1, $0x1;
	v10 =	vimm.s32 $0x7FFFFFFF;
	v9 =	vld.idx.msk [tilespmem:v8+s2+$0x0], $0xffff  }
.LBB2_148:
0x566: {  	p1 =	sne.s32 s0, $0x1;
	_ =	sdelay $0x3  }
.Ltmp73:
0x567: {  	vm3 =	veq.f32 v9, v6;
	(pc) =	sbr.rel @p1 .LBB2_148-.Ltmp73, $4  }
0x568: {  	v12 =	vnsel vm3, $0x7FFFFFFF, v8;
	v8 =	vmov v11  }
0x569: {  	vm3 =	vlt.s32 v10, v12  }
0x56a: {  	s1 =	sadd.s32 $0x10, s1;
	v10 =	vsel vm3, v10, v12;
	v9 =	vld.idx.msk [tilespmem:v11+s2+$0x0], $0xffff  }
0x56b: {  	s0 =	sadd.s32 $0xFFFFFFFF, s0;
	v11 =	vld [tilespmem:s1+$0x0]  }
0x56c: {  	_ =	sdelay $0x3  }
0x56d: {  	v12 =	vmov v8;
	v8 =	vmov v11  }
.LBB2_150:
0x56e: {  	_ =	sdelay $0x3  }
0x56f: {  	v11 =	vld.idx.msk [tilespmem:v8+s2+$0x0], $0xffff;
	_ =	sdelay $0x1  }
0x570: {  	vm3 =	veq.f32 @p0 v9, v6  }
0x571: {  	v9 =	vnsel @p0 vm3, $0x7FFFFFFF, v12  }
0x572: {  	vm3 =	vlt.s32 @p0 v10, v9  }
0x573: {  	v9 =	vsel @p0 vm3, v10, v9;
	vm3 =	veq.f32 v11, v6  }
0x574: {  	v6 =	vpsel p0, v9, v7;
	v7 =	vnsel vm3, $0x7FFFFFFF, v8  }
0x575: {  	vm3 =	vlt.s32 v6, v7  }
0x576: {  	v6 =	vsel vm3, v6, v7  }
0x577: {  	v6 =	vsub.s32 $0x80000000, v6  }
0x578: {  	(xrf0) =	vmax.scan.msk.u32 $0xffff, v6;
	_ =	sdelay $0x5  }
0x579: {  	v6, _, _ =	vpop (xrf0)  }
0x57a: {  	(v2sf) =	vpush v6, $0xF;
	_ =	sdelay $0xe  }
0x57b: {  	s0 =	spop (v2sf)  }
0x57c: {  	s0 =	sxor.u32 $0x7FFFFFFF, s0  }
0x57d: {  	s19 =	sadd.s32 $0x1, s0  }
.LBB2_157:
0x57e: {  	_ =	swait.ge [sflag:s13], $0x8000  }
0x57f: {  	[sflag:s13] =	ssyncset.done $0x0  }
0x580: {  	s0 =	simm.s32 $0x80C0;
	[sflag:s13] =	ssyncadd.s32 $0xFFFF8000  }
0x581: {  	v6 =	vld [tilespmem:s0+$0xFFFFFFC0]  }
0x582: {  	v7 =	vld [tilespmem:s0+$0xFFFFFFD0]  }
0x583: {  	v8 =	vld [tilespmem:s0+$0xFFFFFFE0]  }
0x584: {  	v9 =	vld [tilespmem:s0+$0xFFFFFFF0]  }
0x585: {  	v10 =	vld [tilespmem:s0+$0x0]  }
0x586: {  	v11 =	vld [tilespmem:s0+$0x10]  }
0x587: {  	v12 =	vld [tilespmem:s0+$0x20]  }
0x588: {  	s29 =	simm.s32 $0x8140;
	v13 =	vld [tilespmem:s0+$0x30]  }
0x589: {  	v14 =	vld [tilespmem:s29+$0xFFFFFFC0]  }
0x58a: {  	v15 =	vld [tilespmem:s29+$0xFFFFFFD0]  }
0x58b: {  	v16 =	vld [tilespmem:s29+$0xFFFFFFE0]  }
0x58c: {  	v3 =	vbroadcast v3, $0xF;
	v17 =	vld [tilespmem:s29+$0xFFFFFFF0]  }
0x58d: {  	v20 =	vld [tilespmem:s29+$0x20]  }
0x58e: {  	v3 =	vsel vm0, v3, v5;
	v24 =	vld [tilespmem:s29+$0x30];
	v5 =	vmax.f32 v6, v7  }
0x58f: {  	v18 =	vld [tilespmem:s29+$0x0];
	v21 =	vmax.f32 v8, v9;
	v22 =	vmax.f32 v10, v11;
	v23 =	vmax.f32 v12, v13  }
0x590: {  	v19 =	vld [tilespmem:s29+$0x10];
	v5 =	vmax.f32 v5, v21;
	v21 =	vmax.f32 v22, v23  }
0x591: {  	v25 =	vimm.f32 $-Inf;
	v5 =	vmax.f32 v5, v21  }
0x592: {  	v7 =	vmax.f32 v25, v7;
	v8 =	vmax.f32 v25, v8;
	(xrf0) =	vmax.scan.msk.f32 $0xffff, v5  }
0x593: {  	s30 =	simm.s32 $0x81C0;
	v9 =	vmax.f32 v25, v9;
	v27 =	vmax.f32 v20, v24;
	v7 =	vmax.f32 v7, v15  }
0x594: {  	v26 =	vld [tilespmem:s30+$0xFFFFFFF0];
	v5 =	vmax.f32 v25, v11;
	v11 =	vmax.f32 v25, v12;
	v12 =	vmax.f32 v8, v16  }
0x595: {  	v22 =	vld [tilespmem:s30+$0xFFFFFFC0];
	v8 =	vmax.f32 v14, v15;
	v15 =	vmax.f32 v16, v17;
	v16 =	vmax.f32 v18, v19  }
0x596: {  	v23 =	vld [tilespmem:s30+$0xFFFFFFE0];
	v8 =	vmax.f32 v8, v15;
	v15 =	vmax.f32 v16, v27  }
0x597: {  	v6 =	vmax.f32 v25, v6;
	v21 =	vld [tilespmem:s30+$0xFFFFFFD0];
	v8 =	vmax.f32 v8, v15  }
0x598: {  	s31 =	simm.s32 $0x8240;
	v6 =	vmax.f32 v6, v14;
	v14 =	vld [tilespmem:s30+$0x0];
	v16 =	vmax.f32 v9, v17;
	v9, _, _ =	vpop (xrf0);
	(xrf0) =	vmax.scan.msk.f32 $0xffff, v8  }
0x599: {  	v8 =	vld [tilespmem:s31+$0xFFFFFFC0]  }
0x59a: {  	v10 =	vmax.f32 v25, v10  }
0x59b: {  	v10 =	vmax.f32 v10, v18;
	v18 =	vmax.f32 v6, v22  }
0x59c: {  	v28 =	vld [tilespmem:s30+$0x10];
	v5 =	vmax.f32 v5, v19;
	v17 =	vmax.f32 v16, v26;
	v19 =	vmax.f32 v23, v26  }
0x59d: {  	v62 =	vld [tilespmem:s30+$0x20];
	v16 =	vmax.f32 v10, v14;
	v10 =	vmax.f32 v22, v21;
	(v2sf) =	vpush v9, $0xF  }
0x59e: {  	v63 =	vld [tilespmem:s30+$0x30];
	v10 =	vmax.f32 v10, v19;
	v19 =	vmax.f32 v18, v8;
	v18, _, _ =	vpop (xrf0)  }
0x59f: {  	(v2sf) =	vpush v18, $0xF  }
0x5a0: {  	v29 =	vmax.f32 v12, v23;
	v12 =	vld [tilespmem:s31+$0xFFFFFFE0]  }
0x5a1: {  	v9 =	vld [tilespmem:s31+$0xFFFFFFD0]  }
0x5a2: {  	vm3 =	veq.s32 v0, $0x3;
	v11 =	vmax.f32 v11, v20;
	v15 =	vmax.f32 v5, v28;
	v6 =	vld [tilespmem:s31+$0xFFFFFFF0]  }
0x5a3: {  	v5 =	vld [tilespmem:s31+$0x0];
	v20 =	vmax.f32 v7, v21;
	v21 =	vmax.f32 v14, v28;
	v22 =	vmax.f32 v62, v63  }
0x5a4: {  	v3 =	vsel vm3, s18, v3;
	v13 =	vmax.f32 v25, v13;
	v7 =	vld [tilespmem:s31+$0x10];
	v21 =	vmax.f32 v21, v22  }
0x5a5: {  	s20 =	simm.s32 $0x0;
	s21 =	simm.s32 $0x4;
	s22 =	simm.s32 $0xC;
	v13 =	vmax.f32 v13, v24;
	v14 =	vmax.f32 v11, v62;
	v11 =	vld [tilespmem:s31+$0x20];
	v21 =	vmax.f32 v10, v21  }
0x5a6: {  	s23 =	simm.s32 $0x10;
	s18 =	simm.s32 $0x8;
	s0 =	simm.s32 $0x82C0;
	v13 =	vmax.f32 v13, v63;
	v10 =	vld [tilespmem:s31+$0x30];
	v20 =	vmax.f32 v20, v9;
	(xrf0) =	vmax.scan.msk.f32 $0xffff, v21;
	v18 =	vmax.f32 v29, v12  }
.LBB2_158:
0x5a7: {  	v21 =	vld [tilespmem:s0+$0xFFFFFFC0];
	p0 =	sne.s32 s23, $0x3FC;
	v17 =	vmax.f32 v17, v6;
	v22 =	vmov v6  }
0x5a8: {  	v23 =	vld [tilespmem:s0+$0xFFFFFFD0];
	v16 =	vmax.f32 v16, v5  }
0x5a9: {  	v24 =	vld [tilespmem:s0+$0xFFFFFFE0];
	v15 =	vmax.f32 v15, v7  }
.Ltmp74:
0x5aa: {  	v8 =	vmax.f32 v8, v9;
	v6 =	vld [tilespmem:s0+$0xFFFFFFF0];
	v14 =	vmax.f32 v14, v11;
	(pc) =	sbr.rel @p0 .LBB2_158-.Ltmp74, $4  }
0x5ab: {  	v27 =	vmax.f32 v12, v22;
	v22 =	vmax.f32 v5, v7;
	v5 =	vld [tilespmem:s0+$0x0];
	v11 =	vmax.f32 v11, v10  }
0x5ac: {  	s1 =	sshra.s32 s20, $0x2;
	s20 =	smov.u32 s21;
	v25 =	vmax.f32 v8, v27;
	v7 =	vld [tilespmem:s0+$0x10];
	v19 =	vmax.f32 v19, v21;
	v26 =	vmax.f32 v22, v11;
	v12, _, _ =	vpop (xrf0);
	s4 =	spop (v2sf)  }
0x5ad: {  	s21 =	smov.u32 s18;
	s18 =	smov.u32 s22;
	v8 =	vmovc v21;
	v11 =	vld [tilespmem:s0+$0x20];
	v20 =	vmax.f32 v20, v23;
	v22 =	vmax.f32 v25, v26;
	(v2sf) =	vpush v12, $0xF;
	[smem:s1] =	sst s4;
	v9 =	vmovc v23  }
0x5ae: {  	s22 =	smov.u32 s23;
	s23 =	sadd.s32 $0x4, s23;
	v13 =	vmax.f32 v13, v10;
	v18 =	vmax.f32 v18, v24;
	v10 =	vld [tilespmem:s0+$0x30];
	s0 =	sadd.s32 $0x80, s0;
	(xrf0) =	vmax.scan.msk.f32 $0xffff, v22;
	v12 =	vmov v24  }
0x5af: {  	v19 =	vsub.f32 $0.0e+00, v19  }
0x5b0: {  	v20 =	vsub.f32 $0.0e+00, v20  }
0x5b1: {  	(xrf1) =	vsort.ascd.msk.f32 $0xffff, v19, v19  }
0x5b2: {  	(xrf1) =	vsort.ascd.msk.f32 $0xffff, v20, v20;
	_ =	sdelay $0xc  }
0x5b3: {  	v19, _, _ =	vpop (xrf1)  }
0x5b4: {  	v20, _, _ =	vpop (xrf1)  }
0x5b5: {  	v20 =	vsub.f32 $0.0e+00, v20;
	_ =	sdelay $0x1  }
0x5b6: {  	v19 =	vsub.f32 $0.0e+00, v19;
	v20 =	vperm.xlane v20, v1;
	_ =	sdelay $0x1  }
0x5b7: {  	v21 =	vmax.f32 v19, v20  }
0x5b8: {  	v19 =	vmin.f32 v19, v20;
	v41 =	vsub.f32 $0.0e+00, v21  }
0x5b9: {  	v19 =	vsub.f32 $0.0e+00, v19  }
0x5ba: {  	v18 =	vsub.f32 $0.0e+00, v18;
	(xrf1) =	vsort.ascd.msk.f32 $0xffff, v41, v41  }
0x5bb: {  	(xrf1) =	vsort.ascd.msk.f32 $0xffff, v19, v19  }
0x5bc: {  	(xrf1) =	vsort.ascd.msk.f32 $0xffff, v18, v18;
	_ =	sdelay $0xb  }
0x5bd: {  	v42, _, _ =	vpop (xrf1)  }
0x5be: {  	v19, _, _ =	vpop (xrf1)  }
0x5bf: {  	v43, _, _ =	vpop (xrf1)  }
0x5c0: {  	v20 =	vsub.f32 $0.0e+00, v43;
	_ =	sdelay $0x1  }
0x5c1: {  	v19 =	vsub.f32 $0.0e+00, v19;
	v20 =	vperm.xlane v20, v1;
	_ =	sdelay $0x1  }
0x5c2: {  	v19 =	vmax.f32 v19, v20  }
0x5c3: {  	v19 =	vsub.f32 $0.0e+00, v19;
	_ =	sdelay $0x1  }
0x5c4: {  	(xrf1) =	vsort.ascd.msk.f32 $0xffff, v19, v19;
	_ =	sdelay $0xd  }
0x5c5: {  	v19, _, _ =	vpop (xrf1)  }
0x5c6: {  	v19 =	vsub.f32 $0.0e+00, v19;
	_ =	sdelay $0x1  }
0x5c7: {  	v18 =	vsub.f32 $0.0e+00, v42;
	v19 =	vperm.xlane v19, v1;
	_ =	sdelay $0x1  }
0x5c8: {  	v44 =	vmax.f32 v18, v19  }
0x5c9: {  	v18 =	vmin.f32 v18, v19;
	v45 =	vsub.f32 $0.0e+00, v44  }
0x5ca: {  	v17 =	vmax.f32 v17, v6;
	v18 =	vsub.f32 $0.0e+00, v18  }
0x5cb: {  	v17 =	vsub.f32 $0.0e+00, v17;
	(xrf1) =	vsort.ascd.msk.f32 $0xffff, v45, v45  }
0x5cc: {  	(xrf1) =	vsort.ascd.msk.f32 $0xffff, v18, v18  }
0x5cd: {  	(xrf1) =	vsort.ascd.msk.f32 $0xffff, v17, v17;
	_ =	sdelay $0xb  }
0x5ce: {  	v46, _, _ =	vpop (xrf1)  }
0x5cf: {  	v18, _, _ =	vpop (xrf1)  }
0x5d0: {  	v47, _, _ =	vpop (xrf1)  }
0x5d1: {  	v19 =	vsub.f32 $0.0e+00, v47;
	_ =	sdelay $0x1  }
0x5d2: {  	v18 =	vsub.f32 $0.0e+00, v18;
	v19 =	vperm.xlane v19, v1;
	_ =	sdelay $0x1  }
0x5d3: {  	v18 =	vmax.f32 v18, v19  }
0x5d4: {  	v18 =	vsub.f32 $0.0e+00, v18;
	_ =	sdelay $0x1  }
0x5d5: {  	(xrf1) =	vsort.ascd.msk.f32 $0xffff, v18, v18;
	_ =	sdelay $0xd  }
0x5d6: {  	v18, _, _ =	vpop (xrf1)  }
0x5d7: {  	v18 =	vsub.f32 $0.0e+00, v18;
	_ =	sdelay $0x1  }
0x5d8: {  	v17 =	vsub.f32 $0.0e+00, v46;
	v18 =	vperm.xlane v18, v1;
	_ =	sdelay $0x1  }
0x5d9: {  	v48 =	vmax.f32 v17, v18  }
0x5da: {  	v17 =	vmin.f32 v17, v18;
	v49 =	vsub.f32 $0.0e+00, v48  }
0x5db: {  	v16 =	vmax.f32 v16, v5;
	v17 =	vsub.f32 $0.0e+00, v17  }
0x5dc: {  	v16 =	vsub.f32 $0.0e+00, v16;
	(xrf1) =	vsort.ascd.msk.f32 $0xffff, v49, v49  }
0x5dd: {  	(xrf1) =	vsort.ascd.msk.f32 $0xffff, v17, v17  }
0x5de: {  	(xrf1) =	vsort.ascd.msk.f32 $0xffff, v16, v16;
	_ =	sdelay $0xb  }
0x5df: {  	v50, _, _ =	vpop (xrf1)  }
0x5e0: {  	v17, _, _ =	vpop (xrf1)  }
0x5e1: {  	v51, _, _ =	vpop (xrf1)  }
0x5e2: {  	v18 =	vsub.f32 $0.0e+00, v51;
	_ =	sdelay $0x1  }
0x5e3: {  	v17 =	vsub.f32 $0.0e+00, v17;
	v18 =	vperm.xlane v18, v1;
	_ =	sdelay $0x1  }
0x5e4: {  	v17 =	vmax.f32 v17, v18  }
0x5e5: {  	v17 =	vsub.f32 $0.0e+00, v17;
	_ =	sdelay $0x1  }
0x5e6: {  	(xrf1) =	vsort.ascd.msk.f32 $0xffff, v17, v17;
	_ =	sdelay $0xd  }
0x5e7: {  	v17, _, _ =	vpop (xrf1)  }
0x5e8: {  	v17 =	vsub.f32 $0.0e+00, v17;
	_ =	sdelay $0x1  }
0x5e9: {  	v16 =	vsub.f32 $0.0e+00, v50;
	v17 =	vperm.xlane v17, v1;
	_ =	sdelay $0x1  }
0x5ea: {  	v52 =	vmax.f32 v16, v17  }
0x5eb: {  	v16 =	vmin.f32 v16, v17;
	v53 =	vsub.f32 $0.0e+00, v52  }
0x5ec: {  	v15 =	vmax.f32 v15, v7;
	v16 =	vsub.f32 $0.0e+00, v16  }
0x5ed: {  	v15 =	vsub.f32 $0.0e+00, v15;
	(xrf1) =	vsort.ascd.msk.f32 $0xffff, v53, v53  }
0x5ee: {  	(xrf1) =	vsort.ascd.msk.f32 $0xffff, v16, v16  }
0x5ef: {  	(xrf1) =	vsort.ascd.msk.f32 $0xffff, v15, v15;
	_ =	sdelay $0xb  }
0x5f0: {  	v54, _, _ =	vpop (xrf1)  }
0x5f1: {  	v16, _, _ =	vpop (xrf1)  }
0x5f2: {  	v55, _, _ =	vpop (xrf1)  }
0x5f3: {  	v17 =	vsub.f32 $0.0e+00, v55;
	_ =	sdelay $0x1  }
0x5f4: {  	v16 =	vsub.f32 $0.0e+00, v16;
	v17 =	vperm.xlane v17, v1;
	_ =	sdelay $0x1  }
0x5f5: {  	v16 =	vmax.f32 v16, v17  }
0x5f6: {  	v16 =	vsub.f32 $0.0e+00, v16;
	_ =	sdelay $0x1  }
0x5f7: {  	(xrf1) =	vsort.ascd.msk.f32 $0xffff, v16, v16;
	_ =	sdelay $0xd  }
0x5f8: {  	v16, _, _ =	vpop (xrf1)  }
0x5f9: {  	v16 =	vsub.f32 $0.0e+00, v16;
	_ =	sdelay $0x1  }
0x5fa: {  	v15 =	vsub.f32 $0.0e+00, v54;
	v16 =	vperm.xlane v16, v1;
	_ =	sdelay $0x1  }
0x5fb: {  	v56 =	vmax.f32 v15, v16  }
0x5fc: {  	v15 =	vmin.f32 v15, v16;
	v57 =	vsub.f32 $0.0e+00, v56  }
0x5fd: {  	v14 =	vmax.f32 v14, v11;
	v15 =	vsub.f32 $0.0e+00, v15  }
0x5fe: {  	v14 =	vsub.f32 $0.0e+00, v14;
	(xrf1) =	vsort.ascd.msk.f32 $0xffff, v57, v57  }
0x5ff: {  	(xrf1) =	vsort.ascd.msk.f32 $0xffff, v15, v15  }
0x600: {  	(xrf1) =	vsort.ascd.msk.f32 $0xffff, v14, v14;
	_ =	sdelay $0xb  }
0x601: {  	v58, _, _ =	vpop (xrf1)  }
0x602: {  	v15, _, _ =	vpop (xrf1)  }
0x603: {  	v59, _, _ =	vpop (xrf1)  }
0x604: {  	v16 =	vsub.f32 $0.0e+00, v59;
	_ =	sdelay $0x1  }
0x605: {  	v15 =	vsub.f32 $0.0e+00, v15;
	v16 =	vperm.xlane v16, v1;
	_ =	sdelay $0x1  }
0x606: {  	v15 =	vmax.f32 v15, v16  }
0x607: {  	v15 =	vsub.f32 $0.0e+00, v15;
	_ =	sdelay $0x1  }
0x608: {  	(xrf1) =	vsort.ascd.msk.f32 $0xffff, v15, v15;
	_ =	sdelay $0xd  }
0x609: {  	v15, _, _ =	vpop (xrf1)  }
0x60a: {  	v15 =	vsub.f32 $0.0e+00, v15;
	_ =	sdelay $0x1  }
0x60b: {  	v14 =	vsub.f32 $0.0e+00, v58;
	v15 =	vperm.xlane v15, v1;
	_ =	sdelay $0x1  }
0x60c: {  	v60 =	vmax.f32 v14, v15  }
0x60d: {  	v14 =	vmin.f32 v14, v15;
	v61 =	vsub.f32 $0.0e+00, v60  }
0x60e: {  	v13 =	vmax.f32 v13, v10;
	v14 =	vsub.f32 $0.0e+00, v14  }
0x60f: {  	v13 =	vsub.f32 $0.0e+00, v13;
	(xrf1) =	vsort.ascd.msk.f32 $0xffff, v61, v61  }
0x610: {  	(xrf1) =	vsort.ascd.msk.f32 $0xffff, v14, v14  }
0x611: {  	(xrf1) =	vsort.ascd.msk.f32 $0xffff, v13, v13;
	_ =	sdelay $0xb  }
0x612: {  	v62, _, _ =	vpop (xrf1)  }
0x613: {  	v14, _, _ =	vpop (xrf1)  }
0x614: {  	v63, _, _ =	vpop (xrf1)  }
0x615: {  	v15 =	vsub.f32 $0.0e+00, v63;
	_ =	sdelay $0x1  }
0x616: {  	v14 =	vsub.f32 $0.0e+00, v14;
	v15 =	vperm.xlane v15, v1;
	_ =	sdelay $0x1  }
0x617: {  	v14 =	vmax.f32 v14, v15  }
0x618: {  	v14 =	vsub.f32 $0.0e+00, v14;
	_ =	sdelay $0x1  }
0x619: {  	(xrf1) =	vsort.ascd.msk.f32 $0xffff, v14, v14;
	_ =	sdelay $0xd  }
0x61a: {  	v14, _, _ =	vpop (xrf1)  }
0x61b: {  	v14 =	vsub.f32 $0.0e+00, v14;
	_ =	sdelay $0x1  }
0x61c: {  	v13 =	vsub.f32 $0.0e+00, v62;
	v14 =	vperm.xlane v14, v1;
	_ =	sdelay $0x1  }
0x61d: {  	v13 =	vmin.f32 v13, v14  }
0x61e: {  	v13 =	vsub.f32 $0.0e+00, v13;
	_ =	sdelay $0x1  }
0x61f: {  	(xrf1) =	vsort.ascd.msk.f32 $0xffff, v13, v13;
	_ =	sdelay $0x2  }
0x620: {  	v8 =	vmax.f32 v8, v9  }
0x621: {  	v6 =	vmax.f32 v12, v6;
	v5 =	vmax.f32 v5, v7;
	v7 =	vmax.f32 v11, v10  }
0x622: {  	v6 =	vmax.f32 v8, v6;
	v5 =	vmax.f32 v5, v7  }
0x623: {  	v5 =	vmax.f32 v6, v5  }
0x624: {  	(xrf0) =	vmax.scan.msk.f32 $0xffff, v5;
	_ =	sdelay $0x4  }
0x625: {  	v5, _, _ =	vpop (xrf0)  }
0x626: {  	(v2sf) =	vpush v5, $0xF;
	v5, _, _ =	vpop (xrf0)  }
0x627: {  	(v2sf) =	vpush v5, $0xF;
	v5, _, _ =	vpop (xrf1)  }
0x628: {  	(v2sf) =	vpush v5, $0xF;
	_ =	sdelay $0xa  }
0x629: {  	s0 =	spop (v2sf);
	s1 =	sshra.s32 s20, $0x2;
	s23 =	sshra.s32 s21, $0x2  }
0x62a: {  	s25 =	sshra.s32 s18, $0x2;
	s26 =	sshra.s32 s22, $0x2;
	s4 =	spop (v2sf)  }
0x62b: {  	s20 =	simm.s32 $0x8080;
	[smem:s1] =	sst s0;
	s24 =	spop (v2sf)  }
.Ltmp75:
0x62c: {  	s21 =	simm.s32 $0x0;
	s30 =	spop (v2sf);
	(pc) =	sbr.rel .LBB2_160-.Ltmp75, $4  }
0x62d: {  	s22 =	simm.s32 $0x8100;
	[smem:s23] =	sst s4;
	s31 =	spop (v2sf)  }
0x62e: {  	s28 =	simm.s32 $0x8200;
	s29 =	simm.s32 $0x0;
	s18 =	ssub.f32 $0.0e+00, s31  }
0x62f: {  	s23 =	simm.s32 $0x80;
	[smem:s25] =	sst s24;
	s24 =	simm.s32 $0x8180  }
0x630: {  	v6 =	vimm.s32 $0x0;
	s25 =	simm.s32 $0x100;
	[smem:s26] =	sst s30;
	s26 =	simm.s32 $0x180;
	v5 =	vmov s18  }
.LBB2_177:
0x631: {  	s29 =	sadd.s32 $0x1, s29  }
0x632: {  	p0 =	sne.s32 s29, $0x40  }
.Ltmp76:
0x633: {  	_ = 	snop;
	(pc) =	sbr.rel @!p0 .LBB2_178-.Ltmp76, $4  }
0x634: {  	_ = 	snop  }
0x635: {  	s20 =	sadd.s32 $0x200, s20;
	s21 =	sadd.s32 $0x200, s21  }
0x636: {  	s22 =	sadd.s32 $0x200, s22;
	s23 =	sadd.s32 $0x200, s23;
	s24 =	sadd.s32 $0x200, s24  }
0x637: {  	s25 =	sadd.s32 $0x200, s25;
	s26 =	sadd.s32 $0x200, s26;
	s28 =	sadd.s32 $0x200, s28  }
.LBB2_160:
0x638: {  	s1 =	sshll.u32 s29, $0x2  }
0x639: {  	s4 =	sld [smem:s1+$0x0];
	_ =	sdelay $0x1  }
0x63a: {  	s0 =	sld [smem:s1+$0x1]  }
0x63b: {  	p0 =	sge.f32 s4, s18;
	_ =	sdelay $0x1  }
0x63c: {  	s31 =	sld [smem:s1+$0x2];
	p1 =	sge.f32 @!p0 s0, s18  }
0x63d: {  	_ = 	snop  }
0x63e: {  	p1 =	por p0, p1  }
0x63f: {  	s30 =	sld [smem:s1+$0x3];
	p2 =	sge.f32 @!p1 s31, s18  }
0x640: {  	_ = 	snop  }
0x641: {  	p1 =	por p1, p2  }
0x642: {  	p2 =	sge.f32 @!p1 s30, s18;
	_ =	sdelay $0x1  }
0x643: {  	p1 =	por p1, p2  }
.Ltmp77:
0x644: {  	_ = 	snop;
	(pc) =	sbr.rel @!p1 .LBB2_177-.Ltmp77, $1  }
0x645: {  	_ =	sdelay $0x3  }
.Ltmp78:
0x646: {  	(pc) =	sbr.rel @!p0 .LBB2_165-.Ltmp78, $1  }
0x647: {  	_ =	sdelay $0x3  }
0x648: {  	(v2sf) =	vpush v6, $0x0;
	_ =	sdelay $0x3  }
0x649: {  	s1 =	sadd.s32 $0x0, s20  }
0x64a: {  	v7 =	vld [tilespmem:s1+$0x0];
	_ =	sdelay $0x4  }
0x64b: {  	vm3 =	vge.f32 v7, v5  }
0x64c: {  	v7 =	vmpcnt.ones.xlane vm3;
	_ =	sdelay $0x1  }
0x64d: {  	v6 =	vadd.s32 v6, v7  }
0x64e: {  	s14 =	simm.s32 $0x80;
	(v2sf) =	vpush v6, $0x0  }
0x64f: {  	s4 =	simm.s32 $0x10;
	s1 =	smov.u32 s21;
	v7 =	vor.u32 s21, v0;
	s5 =	spop (v2sf)  }
.LBB2_163:
0x650: {  	s4 =	sadd.s32 s4, s20  }
0x651: {  	[tilespmem:s5+$0x10100] =	vst.msk vm3, v7;
	s1 =	sadd.s32 $0x10, s1;
	s5 =	smov.u32 s14;
	s6 =	sadd.s32 $0x40, s14  }
0x652: {  	p0 =	sne.s32 s14, $0x1C0;
	v7 =	vld [tilespmem:s4+$0x0];
	_ =	sdelay $0x4  }
0x653: {  	vm3 =	vge.f32 v7, v5  }
0x654: {  	v7 =	vmpcnt.ones.xlane vm3  }
.Ltmp79:
0x655: {  	(pc) =	sbr.rel @p0 .LBB2_163-.Ltmp79, $3  }
0x656: {  	v6 =	vadd.s32 v6, v7  }
0x657: {  	(v2sf) =	vpush v6, $0x0;
	_ =	sdelay $0x1  }
0x658: {  	s4 =	sshra.s32 s5, $0x2;
	s14 =	smov.u32 s6;
	v7 =	vor.u32 s1, v0;
	s5 =	spop (v2sf)  }
0x659: {  	_ =	sdelay $0x3  }
0x65a: {  	s4 =	sadd.s32 s4, s20;
	[tilespmem:s5+$0x10100] =	vst.msk vm3, v7  }
0x65b: {  	v7 =	vld [tilespmem:s4+$0x0];
	_ =	sdelay $0x4  }
0x65c: {  	vm3 =	vge.f32 v7, v5  }
0x65d: {  	s1 =	sadd.s32 $0x10, s1;
	v7 =	vmpcnt.ones.xlane vm3  }
0x65e: {  	v8 =	vor.u32 s1, v0;
	s14 =	spop (v2sf)  }
0x65f: {  	v6 =	vadd.s32 v6, v7;
	[tilespmem:s14+$0x10100] =	vst.msk vm3, v8  }
.LBB2_165:
0x660: {  	p0 =	sge.f32 s0, s18  }
.Ltmp80:
0x661: {  	_ = 	snop;
	(pc) =	sbr.rel @!p0 .LBB2_169-.Ltmp80, $1  }
0x662: {  	_ =	sdelay $0x3  }
0x663: {  	(v2sf) =	vpush v6, $0x0;
	_ =	sdelay $0x3  }
0x664: {  	s0 =	sadd.s32 $0x0, s22  }
0x665: {  	v7 =	vld [tilespmem:s0+$0x0];
	_ =	sdelay $0x4  }
0x666: {  	vm3 =	vge.f32 v7, v5  }
0x667: {  	v7 =	vmpcnt.ones.xlane vm3;
	_ =	sdelay $0x1  }
0x668: {  	v6 =	vadd.s32 v6, v7  }
0x669: {  	s1 =	simm.s32 $0x80;
	(v2sf) =	vpush v6, $0x0  }
0x66a: {  	s4 =	simm.s32 $0x10;
	s0 =	smov.u32 s23;
	v7 =	vor.u32 s23, v0;
	s5 =	spop (v2sf)  }
.LBB2_167:
0x66b: {  	s4 =	sadd.s32 s4, s22  }
0x66c: {  	[tilespmem:s5+$0x10100] =	vst.msk vm3, v7;
	s0 =	sadd.s32 $0x10, s0;
	s5 =	smov.u32 s1;
	s6 =	sadd.s32 $0x40, s1  }
0x66d: {  	p0 =	sne.s32 s1, $0x1C0;
	v7 =	vld [tilespmem:s4+$0x0];
	_ =	sdelay $0x4  }
0x66e: {  	vm3 =	vge.f32 v7, v5  }
0x66f: {  	v7 =	vmpcnt.ones.xlane vm3  }
.Ltmp81:
0x670: {  	(pc) =	sbr.rel @p0 .LBB2_167-.Ltmp81, $3  }
0x671: {  	v6 =	vadd.s32 v6, v7  }
0x672: {  	(v2sf) =	vpush v6, $0x0;
	_ =	sdelay $0x1  }
0x673: {  	s4 =	sshra.s32 s5, $0x2;
	s1 =	smov.u32 s6;
	v7 =	vor.u32 s0, v0;
	s5 =	spop (v2sf)  }
0x674: {  	_ =	sdelay $0x3  }
0x675: {  	s1 =	sadd.s32 s4, s22;
	[tilespmem:s5+$0x10100] =	vst.msk vm3, v7  }
0x676: {  	v7 =	vld [tilespmem:s1+$0x0];
	_ =	sdelay $0x4  }
0x677: {  	vm3 =	vge.f32 v7, v5  }
0x678: {  	s0 =	sadd.s32 $0x10, s0;
	v7 =	vmpcnt.ones.xlane vm3  }
0x679: {  	v8 =	vor.u32 s0, v0;
	s14 =	spop (v2sf)  }
0x67a: {  	v6 =	vadd.s32 v6, v7;
	[tilespmem:s14+$0x10100] =	vst.msk vm3, v8  }
.LBB2_169:
0x67b: {  	p0 =	sge.f32 s31, s18  }
.Ltmp82:
0x67c: {  	_ = 	snop;
	(pc) =	sbr.rel @!p0 .LBB2_173-.Ltmp82, $1  }
0x67d: {  	_ =	sdelay $0x3  }
0x67e: {  	(v2sf) =	vpush v6, $0x0;
	_ =	sdelay $0x3  }
0x67f: {  	s0 =	sadd.s32 $0x0, s24  }
0x680: {  	v7 =	vld [tilespmem:s0+$0x0];
	_ =	sdelay $0x4  }
0x681: {  	vm3 =	vge.f32 v7, v5  }
0x682: {  	v7 =	vmpcnt.ones.xlane vm3;
	_ =	sdelay $0x1  }
0x683: {  	v6 =	vadd.s32 v6, v7  }
0x684: {  	s1 =	simm.s32 $0x80;
	(v2sf) =	vpush v6, $0x0  }
0x685: {  	s4 =	simm.s32 $0x10;
	s0 =	smov.u32 s25;
	v7 =	vor.u32 s25, v0;
	s5 =	spop (v2sf)  }
.LBB2_171:
0x686: {  	s4 =	sadd.s32 s4, s24  }
0x687: {  	[tilespmem:s5+$0x10100] =	vst.msk vm3, v7;
	s0 =	sadd.s32 $0x10, s0;
	s5 =	smov.u32 s1;
	s6 =	sadd.s32 $0x40, s1  }
0x688: {  	p0 =	sne.s32 s1, $0x1C0;
	v7 =	vld [tilespmem:s4+$0x0];
	_ =	sdelay $0x4  }
0x689: {  	vm3 =	vge.f32 v7, v5  }
0x68a: {  	v7 =	vmpcnt.ones.xlane vm3  }
.Ltmp83:
0x68b: {  	(pc) =	sbr.rel @p0 .LBB2_171-.Ltmp83, $3  }
0x68c: {  	v6 =	vadd.s32 v6, v7  }
0x68d: {  	(v2sf) =	vpush v6, $0x0;
	_ =	sdelay $0x1  }
0x68e: {  	s4 =	sshra.s32 s5, $0x2;
	s1 =	smov.u32 s6;
	v7 =	vor.u32 s0, v0;
	s5 =	spop (v2sf)  }
0x68f: {  	_ =	sdelay $0x3  }
0x690: {  	s1 =	sadd.s32 s4, s24;
	[tilespmem:s5+$0x10100] =	vst.msk vm3, v7  }
0x691: {  	v7 =	vld [tilespmem:s1+$0x0];
	_ =	sdelay $0x4  }
0x692: {  	vm3 =	vge.f32 v7, v5  }
0x693: {  	s0 =	sadd.s32 $0x10, s0;
	v7 =	vmpcnt.ones.xlane vm3  }
0x694: {  	v8 =	vor.u32 s0, v0;
	s31 =	spop (v2sf)  }
0x695: {  	v6 =	vadd.s32 v6, v7;
	[tilespmem:s31+$0x10100] =	vst.msk vm3, v8  }
.LBB2_173:
0x696: {  	p0 =	sge.f32 s30, s18  }
.Ltmp84:
0x697: {  	_ = 	snop;
	(pc) =	sbr.rel @!p0 .LBB2_177-.Ltmp84, $1  }
0x698: {  	_ =	sdelay $0x3  }
0x699: {  	(v2sf) =	vpush v6, $0x0;
	_ =	sdelay $0x3  }
0x69a: {  	s0 =	sadd.s32 $0x0, s28  }
0x69b: {  	v7 =	vld [tilespmem:s0+$0x0];
	_ =	sdelay $0x4  }
0x69c: {  	vm3 =	vge.f32 v7, v5  }
0x69d: {  	v7 =	vmpcnt.ones.xlane vm3;
	_ =	sdelay $0x1  }
0x69e: {  	v6 =	vadd.s32 v6, v7  }
0x69f: {  	s1 =	simm.s32 $0x80;
	(v2sf) =	vpush v6, $0x0  }
0x6a0: {  	s4 =	simm.s32 $0x10;
	s0 =	smov.u32 s26;
	v7 =	vor.u32 s26, v0;
	s5 =	spop (v2sf)  }
.LBB2_175:
0x6a1: {  	s4 =	sadd.s32 s4, s28  }
0x6a2: {  	[tilespmem:s5+$0x10100] =	vst.msk vm3, v7;
	s0 =	sadd.s32 $0x10, s0;
	s5 =	smov.u32 s1;
	s6 =	sadd.s32 $0x40, s1  }
0x6a3: {  	p0 =	sne.s32 s1, $0x1C0;
	v7 =	vld [tilespmem:s4+$0x0];
	_ =	sdelay $0x4  }
0x6a4: {  	vm3 =	vge.f32 v7, v5  }
0x6a5: {  	v7 =	vmpcnt.ones.xlane vm3  }
.Ltmp85:
0x6a6: {  	(pc) =	sbr.rel @p0 .LBB2_175-.Ltmp85, $3  }
0x6a7: {  	v6 =	vadd.s32 v6, v7  }
0x6a8: {  	(v2sf) =	vpush v6, $0x0;
	_ =	sdelay $0x1  }
0x6a9: {  	s4 =	sshra.s32 s5, $0x2;
	s1 =	smov.u32 s6;
	v7 =	vor.u32 s0, v0;
	s5 =	spop (v2sf)  }
0x6aa: {  	_ =	sdelay $0x3  }
0x6ab: {  	s1 =	sadd.s32 s4, s28;
	[tilespmem:s5+$0x10100] =	vst.msk vm3, v7  }
0x6ac: {  	v7 =	vld [tilespmem:s1+$0x0];
	_ =	sdelay $0x3  }
.Ltmp86:
0x6ad: {  	_ = 	snop;
	(pc) =	sbr.rel .LBB2_177-.Ltmp86, $4  }
0x6ae: {  	vm3 =	vge.f32 v7, v5  }
0x6af: {  	s0 =	sadd.s32 $0x10, s0;
	v7 =	vmpcnt.ones.xlane vm3  }
0x6b0: {  	v8 =	vor.u32 s0, v0;
	s31 =	spop (v2sf)  }
0x6b1: {  	v6 =	vadd.s32 v6, v7;
	[tilespmem:s31+$0x10100] =	vst.msk vm3, v8  }
.LBB2_178:
0x6b2: {  	(v2sf) =	vpush v6, $0x0;
	_ =	sdelay $0xe  }
0x6b3: {  	s0 =	spop (v2sf)  }
0x6b4: {  	s1 =	sadd.s32 $0xF, s0  }
0x6b5: {  	s4 =	sand.u32 $0xF, s1  }
0x6b6: {  	s31 =	sshra.s32 s1, $0x1F;
	p1 =	slt.s32 s1, $0x1;
	p0 =	sne.s32 s4, $0x0  }
0x6b7: {  	s4 =	sshrl.u32 s31, $0x1C;
	p0 =	por !p1, !p0  }
0x6b8: {  	s1 =	sadd.s32 s4, s1;
	s4 =	simm.s32 $0x1;
	p0 =	por !p0, !p0  }
0x6b9: {  	s1 =	sshra.s32 s1, $0x4;
	s4 =	simm.s32 @!p0 $0x0  }
0x6ba: {  	s18 =	ssub.s32 s1, s4  }
0x6bb: {  	p0 =	slt.s32 s18, $0x1  }
.Ltmp87:
0x6bc: {  	_ = 	snop;
	(pc) =	sbr.rel @p0 .LBB2_179-.Ltmp87, $2  }
0x6bd: {  	_ =	sdelay $0x2  }
0x6be: {  	v5 =	vimm.f32 $-Inf;
	[tilespmem:s0+$0x10100] =	vst v2;
	s0 =	simm.s32 $0x10100  }
0x6bf: {  	p2 =	sne.s32 s18, $0x1  }
.Ltmp88:
0x6c0: {  	_ = 	snop;
	(pc) =	sbr.rel @!p2 .LBB2_181-.Ltmp88, $2  }
0x6c1: {  	_ =	sdelay $0x2  }
0x6c2: {  	v7 =	vld [tilespmem:s0+$0x0];
	s1 =	sadd.s32 $0xFFFFFFFF, s18;
	p1 =	por $0x0, $0x0  }
0x6c3: {  	_ =	sdelay $0x7  }
0x6c4: {  	v6 =	vld.idx.msk [tilespmem:v7+s12+$0x0], $0xffff;
	_ =	sdelay $0x4  }
0x6c5: {  	v6 =	vsub.f32 $0.0e+00, v6;
	_ =	sdelay $0x1  }
0x6c6: {  	(xrf1) =	vsort.ascd.msk.f32 $0xffff, v6, v6;
	_ =	sdelay $0xd  }
0x6c7: {  	v6, _, _ =	vpop (xrf1)  }
0x6c8: {  	v6 =	vsub.f32 $0.0e+00, v6;
	_ =	sdelay $0x1  }
0x6c9: {  	v6 =	vperm.xlane v6, v1;
	_ =	sdelay $0x1  }
0x6ca: {  	v6 =	vmax.f32 v5, v6  }
0x6cb: {  	v6 =	vsub.f32 $0.0e+00, v6  }
0x6cc: {  	p3 =	sne.s32 s1, $0x1  }
.Ltmp89:
0x6cd: {  	(xrf1) =	vsort.ascd.msk.f32 $0xffff, v6, v6;
	(pc) =	sbr.rel @!p3 .LBB2_183-.Ltmp89, $3  }
0x6ce: {  	_ =	sdelay $0x1  }
0x6cf: {  	s20 =	sadd.s32 $0x10, s0  }
0x6d0: {  	s21 =	sadd.s32 $0xFFFFFFFF, s1;
	p2 =	por $0x1, $0x1;
	v7 =	vld [tilespmem:s20+$0x0];
	v6 =	vimm.f32 $-Inf  }
.LBB2_184:
0x6d1: {  	p3 =	sne.s32 s21, $0x1;
	_ =	sdelay $0x6  }
0x6d2: {  	v7 =	vld.idx.msk [tilespmem:v7+s12+$0x0], $0xffff;
	_ =	sdelay $0x1  }
0x6d3: {  	v8, _, _ =	vpop (xrf1)  }
0x6d4: {  	v8 =	vsub.f32 $0.0e+00, v8;
	_ =	sdelay $0x1  }
0x6d5: {  	v8 =	vperm.xlane v8, v1  }
0x6d6: {  	v7 =	vsub.f32 $0.0e+00, v7  }
0x6d7: {  	v9 =	vmax.f32 v6, v8;
	v6 =	vmin.f32 v6, v8  }
0x6d8: {  	(xrf1) =	vsort.ascd.msk.f32 $0xffff, v7, v7;
	v7 =	vsub.f32 $0.0e+00, v9;
	v6 =	vsub.f32 $0.0e+00, v6;
	_ =	sdelay $0x1  }
0x6d9: {  	(xrf1) =	vsort.ascd.msk.f32 $0xffff, v6, v6  }
0x6da: {  	(xrf1) =	vsort.ascd.msk.f32 $0xffff, v7, v7;
	_ =	sdelay $0xa  }
0x6db: {  	v6, _, _ =	vpop (xrf1)  }
0x6dc: {  	v9 =	vsub.f32 $0.0e+00, v6  }
0x6dd: {  	v7, _, _ =	vpop (xrf1)  }
0x6de: {  	v8 =	vperm.xlane v9, v1;
	v7 =	vsub.f32 $0.0e+00, v7;
	v6, _, _ =	vpop (xrf1)  }
0x6df: {  	v6 =	vsub.f32 $0.0e+00, v6  }
0x6e0: {  	v7 =	vmax.f32 v7, v8  }
0x6e1: {  	v7 =	vsub.f32 $0.0e+00, v7;
	_ =	sdelay $0x1  }
.Ltmp90:
0x6e2: {  	(xrf1) =	vsort.ascd.msk.f32 $0xffff, v7, v7;
	(pc) =	sbr.rel @p3 .LBB2_184-.Ltmp90, $3  }
0x6e3: {  	_ =	sdelay $0x1  }
0x6e4: {  	s20 =	sadd.s32 $0x10, s20  }
0x6e5: {  	s21 =	sadd.s32 $0xFFFFFFFF, s21;
	v7 =	vld [tilespmem:s20+$0x0]  }
.LBB2_185:
0x6e6: {  	_ =	sdelay $0x8  }
0x6e7: {  	v7 =	vld.idx.msk [tilespmem:v7+s12+$0x0], $0xffff;
	v8, _, _ =	vpop @p2 (xrf1)  }
0x6e8: {  	v8 =	vsub.f32 @p2 $0.0e+00, v8;
	_ =	sdelay $0x1  }
0x6e9: {  	v8 =	vperm.xlane @p2 v8, v1;
	_ =	sdelay $0x1  }
0x6ea: {  	v7 =	vsub.f32 $0.0e+00, v7;
	v9 =	vmin.f32 @p2 v6, v8  }
0x6eb: {  	v9 =	vsub.f32 @p2 $0.0e+00, v9  }
0x6ec: {  	(xrf1) =	vsort.ascd.msk.f32 $0xffff, v7, v7  }
0x6ed: {  	(xrf1) =	vsort.ascd.msk.f32 @p2 $0xffff, v9, v9;
	_ =	sdelay $0xc  }
0x6ee: {  	v7, _, _ =	vpop (xrf1)  }
0x6ef: {  	v7 =	vsub.f32 $0.0e+00, v7;
	v9, _, _ =	vpop @p2 (xrf1)  }
0x6f0: {  	v9 =	vsub.f32 @p2 $0.0e+00, v9  }
0x6f1: {  	v7 =	vperm.xlane v7, v1  }
0x6f2: {  	v6 =	vmax.f32 @p2 v6, v8;
	v8 =	vpsel p2, v9, v5  }
0x6f3: {  	v6 =	vsub.f32 @p2 $0.0e+00, v6;
	v7 =	vmax.f32 v8, v7  }
0x6f4: {  	v7 =	vsub.f32 $0.0e+00, v7  }
0x6f5: {  	(xrf1) =	vsort.ascd.msk.f32 @p2 $0xffff, v6, v6  }
0x6f6: {  	(xrf1) =	vsort.ascd.msk.f32 $0xffff, v7, v7;
	_ =	sdelay $0xc  }
0x6f7: {  	v6, _, _ =	vpop @p2 (xrf1)  }
0x6f8: {  	v7, _, _ =	vpop (xrf1)  }
0x6f9: {  	v7 =	vsub.f32 $0.0e+00, v7  }
0x6fa: {  	v6 =	vsub.f32 @p2 $0.0e+00, v6  }
0x6fb: {  	v7 =	vperm.xlane v7, v1  }
0x6fc: {  	v5 =	vpsel p2, v6, v5  }
0x6fd: {  	v6 =	vmin.f32 v5, v7  }
0x6fe: {  	v6 =	vsub.f32 $0.0e+00, v6  }
0x6ff: {  	v5 =	vmax.f32 v5, v7  }
0x700: {  	v5 =	vsub.f32 $0.0e+00, v5;
	(xrf1) =	vsort.ascd.msk.f32 $0xffff, v6, v6;
	_ =	sdelay $0x1  }
0x701: {  	(xrf1) =	vsort.ascd.msk.f32 $0xffff, v5, v5;
	_ =	sdelay $0x9  }
0x702: {  	p2 =	sne.s32 s18, $0x1  }
.Ltmp91:
0x703: {  	_ = 	snop;
	(pc) =	sbr.rel @!p2 .LBB2_186-.Ltmp91, $4  }
0x704: {  	v5, _, _ =	vpop (xrf1)  }
0x705: {  	v5 =	vsub.f32 $0.0e+00, v5  }
0x706: {  	s0 =	simm.s32 $0x10100;
	v6, _, _ =	vpop (xrf1)  }
0x707: {  	v8 =	vld [tilespmem:s0+$0x0];
	s0 =	sadd.s32 $0xFFFFFFFF, s18;
	v7 =	vimm.s32 $0x0;
	v6 =	vbroadcast v5, $0xF  }
0x708: {  	_ =	sdelay $0x3  }
0x709: {  	p3 =	sne.s32 s0, $0x1  }
.Ltmp92:
0x70a: {  	_ = 	snop;
	(pc) =	sbr.rel @!p3 .LBB2_188-.Ltmp92, $3  }
0x70b: {  	_ =	sdelay $0x1  }
0x70c: {  	s1 =	simm.s32 $0x10110;
	v10 =	vld.idx.msk [tilespmem:v8+s12+$0x0], $0xffff  }
0x70d: {  	s20 =	sadd.s32 $0xFFFFFFFF, s0;
	p1 =	por $0x1, $0x1;
	v9 =	vimm.s32 $0x0;
	v8 =	vld [tilespmem:s1+$0x0]  }
.LBB2_189:
0x70e: {  	p3 =	sne.s32 s20, $0x1;
	_ =	sdelay $0x3  }
.Ltmp93:
0x70f: {  	vm3 =	vgt.f32 v10, v6;
	(pc) =	sbr.rel @p3 .LBB2_189-.Ltmp93, $3  }
0x710: {  	v11 =	vmpcnt.ones.xlane vm3;
	_ =	sdelay $0x1  }
0x711: {  	s1 =	sadd.s32 $0x10, s1;
	v9 =	vadd.s32 v9, v11;
	v10 =	vld.idx.msk [tilespmem:v8+s12+$0x0], $0xffff  }
0x712: {  	s20 =	sadd.s32 $0xFFFFFFFF, s20;
	v8 =	vld [tilespmem:s1+$0x0]  }
.LBB2_190:
0x713: {  	_ =	sdelay $0x7  }
0x714: {  	v8 =	vld.idx.msk [tilespmem:v8+s12+$0x0], $0xffff;
	_ =	sdelay $0x2  }
0x715: {  	vm3 =	vgt.f32 @p1 v10, v6  }
0x716: {  	v10 =	vmpcnt.ones.xlane @p1 vm3  }
0x717: {  	vm3 =	vgt.f32 v8, v6  }
0x718: {  	v8 =	vadd.s32 @p1 v9, v10;
	v63 =	vmpcnt.ones.xlane vm3  }
0x719: {  	v7 =	vpsel p1, v8, v7  }
0x71a: {  	v7 =	vadd.s32 v7, v63  }
0x71b: {  	(v2sf) =	vpush v7, $0x0;
	_ =	sdelay $0xe  }
0x71c: {  	s1 =	spop (v2sf)  }
0x71d: {  	p1 =	seq.s32 s1, $0x1F  }
.Ltmp94:
0x71e: {  	_ = 	snop;
	(pc) =	sbr.rel @!p1 .LBB2_191-.Ltmp94, $1  }
0x71f: {  	_ =	sdelay $0x3  }
.Ltmp95:
0x720: {  	s1 =	simm.s32 $0x10100;
	(pc) =	sbr.rel @!p2 .LBB2_197-.Ltmp95, $2  }
0x721: {  	v8 =	vld [tilespmem:s1+$0x0];
	_ =	sdelay $0x2  }
0x722: {  	v7 =	vimm.s32 $0x7FFFFFFF;
	p0 =	por $0x0, $0x0  }
0x723: {  	_ = 	snop  }
0x724: {  	p1 =	sne.s32 s0, $0x1  }
.Ltmp96:
0x725: {  	_ = 	snop;
	(pc) =	sbr.rel @!p1 .LBB2_199-.Ltmp96, $3  }
0x726: {  	_ =	sdelay $0x1  }
0x727: {  	s1 =	simm.s32 $0x10110;
	v9 =	vld.idx.msk [tilespmem:v8+s12+$0x0], $0xffff  }
0x728: {  	s0 =	sadd.s32 $0xFFFFFFFF, s0;
	p0 =	por $0x1, $0x1;
	v10 =	vimm.s32 $0x7FFFFFFF;
	v11 =	vld [tilespmem:s1+$0x0]  }
.LBB2_200:
0x729: {  	p1 =	sne.s32 s0, $0x1;
	_ =	sdelay $0x3  }
.Ltmp97:
0x72a: {  	vm3 =	veq.f32 v9, v6;
	(pc) =	sbr.rel @p1 .LBB2_200-.Ltmp97, $4  }
0x72b: {  	v12 =	vnsel vm3, $0x7FFFFFFF, v8;
	v8 =	vmov v11  }
0x72c: {  	vm3 =	vlt.s32 v10, v12  }
0x72d: {  	s1 =	sadd.s32 $0x10, s1;
	v10 =	vsel vm3, v10, v12;
	v9 =	vld.idx.msk [tilespmem:v11+s12+$0x0], $0xffff  }
0x72e: {  	s0 =	sadd.s32 $0xFFFFFFFF, s0;
	v11 =	vld [tilespmem:s1+$0x0]  }
.Ltmp98:
0x72f: {  	_ = 	snop;
	(pc) =	sbr.rel .LBB2_202-.Ltmp98, $2  }
0x730: {  	_ =	sdelay $0x2  }
0x731: {  	v12 =	vmov v8;
	v8 =	vmov v11  }
.LBB2_23:
.Ltmp99:
0x732: {  	(pc) =	sbr.rel .LBB2_36-.Ltmp99, $2  }
0x733: {  	_ =	sdelay $0x2  }
0x734: {  	s20 =	simm.s32 $0x20;
	v3 =	vimm.f32 $-Inf  }
.LBB2_75:
.Ltmp100:
0x735: {  	(pc) =	sbr.rel .LBB2_88-.Ltmp100, $2  }
0x736: {  	_ =	sdelay $0x2  }
0x737: {  	s21 =	simm.s32 $0x20;
	v5 =	vimm.f32 $-Inf  }
.LBB2_127:
.Ltmp101:
0x738: {  	(pc) =	sbr.rel .LBB2_140-.Ltmp101, $2  }
0x739: {  	_ =	sdelay $0x2  }
0x73a: {  	s21 =	simm.s32 $0x20;
	v6 =	vimm.f32 $-Inf  }
.LBB2_179:
.Ltmp102:
0x73b: {  	(pc) =	sbr.rel .LBB2_192-.Ltmp102, $2  }
0x73c: {  	_ =	sdelay $0x2  }
0x73d: {  	s21 =	simm.s32 $0x20;
	v6 =	vimm.f32 $-Inf  }
.LBB2_35:
0x73e: {  	s20 =	ssub.s32 $0x20, s1  }
.LBB2_36:
.Ltmp103:
0x73f: {  	(pc) =	sbr.rel .LBB2_37-.Ltmp103, $2  }
0x740: {  	_ =	sdelay $0x2  }
0x741: {  	s19 =	simm.s32 $0x0;
	s21 =	simm.s32 $0x0  }
.LBB2_87:
0x742: {  	s21 =	ssub.s32 $0x20, s1  }
.LBB2_88:
.Ltmp104:
0x743: {  	(pc) =	sbr.rel .LBB2_89-.Ltmp104, $2  }
0x744: {  	_ =	sdelay $0x2  }
0x745: {  	s18 =	simm.s32 $0x0;
	s22 =	simm.s32 $0x0  }
.LBB2_139:
0x746: {  	s21 =	ssub.s32 $0x20, s1  }
.LBB2_140:
.Ltmp105:
0x747: {  	(pc) =	sbr.rel .LBB2_141-.Ltmp105, $2  }
0x748: {  	_ =	sdelay $0x2  }
0x749: {  	s19 =	simm.s32 $0x0;
	s22 =	simm.s32 $0x0  }
.LBB2_191:
0x74a: {  	s21 =	ssub.s32 $0x20, s1  }
.LBB2_192:
.Ltmp106:
0x74b: {  	(pc) =	sbr.rel .LBB2_193-.Ltmp106, $2  }
0x74c: {  	_ =	sdelay $0x2  }
0x74d: {  	s20 =	simm.s32 $0x0;
	s22 =	simm.s32 $0x0  }
.LBB2_39:
0x74e: {  	v8 =	vimm.s32 $0x0  }
.LBB2_51:
0x74f: {  	_ =	sdelay $0x3  }
0x750: {  	v10 =	vld.idx.msk [tilespmem:v7+s2+$0x0], $0xffff;
	_ =	sdelay $0x2  }
0x751: {  	vm4 =	vlt.s32 @p1 v11, v6;
	vm3 =	veq.f32 @p1 v9, v3  }
0x752: {  	vm3 =	vmand @p1 vm4, vm3  }
0x753: {  	vm15 =	vlt.s32 v7, v6;
	v9 =	vmpcnt.ones.xlane @p1 vm3;
	vm3 =	veq.f32 v10, v3  }
0x754: {  	vm3 =	vmand vm15, vm3  }
0x755: {  	v6 =	vadd.s32 @p1 v8, v9;
	v7 =	vmpcnt.ones.xlane vm3  }
0x756: {  	v5 =	vpsel p1, v6, v5  }
0x757: {  	v5 =	vadd.s32 v5, v7  }
.LBB2_52:
0x758: {  	(v2sf) =	vpush v5, $0x0;
	_ =	sdelay $0xa  }
0x759: {  	s21 =	sadd.s32 $0x1, s21  }
0x75a: {  	p2 =	sne.s32 s21, $0xF  }
.Ltmp107:
0x75b: {  	_ = 	snop;
	(pc) =	sbr.rel @!p2 .LBB2_53-.Ltmp107, $4  }
0x75c: {  	_ = 	snop  }
0x75d: {  	s0 =	spop (v2sf)  }
0x75e: {  	p1 =	slt.s32 s0, s20  }
0x75f: {  	s19 =	smov.u32 @p1 s22  }
.LBB2_37:
.Ltmp108:
0x760: {  	(pc) =	sbr.rel @p0 .LBB2_52-.Ltmp108, $3  }
0x761: {  	_ =	sdelay $0x1  }
0x762: {  	s0 =	sshrl.u32 s16, s21  }
0x763: {  	v5 =	vimm.s32 $0x0;
	s22 =	sor.u32 s0, s19  }
0x764: {  	p2 =	sne.s32 s18, $0x1  }
.Ltmp109:
0x765: {  	s0 =	simm.s32 $0x10100;
	(pc) =	sbr.rel @!p2 .LBB2_39-.Ltmp109, $2  }
0x766: {  	v7 =	vld [tilespmem:s0+$0x0];
	_ =	sdelay $0x2  }
0x767: {  	v6 =	vmov s22;
	s1 =	sadd.s32 $0xFFFFFFFF, s18;
	p1 =	por $0x0, $0x0  }
0x768: {  	_ = 	snop  }
0x769: {  	p2 =	sne.s32 s1, $0x1  }
.Ltmp110:
0x76a: {  	_ = 	snop;
	(pc) =	sbr.rel @!p2 .LBB2_48-.Ltmp110, $3  }
0x76b: {  	_ =	sdelay $0x1  }
0x76c: {  	s0 =	simm.s32 $0x10110;
	v9 =	vld.idx.msk [tilespmem:v7+s2+$0x0], $0xffff  }
0x76d: {  	s1 =	sadd.s32 $0xFFFFFFFF, s1;
	p1 =	por $0x1, $0x1;
	v8 =	vimm.s32 $0x0;
	v10 =	vld [tilespmem:s0+$0x0]  }
.LBB2_49:
0x76e: {  	p2 =	sne.s32 s1, $0x1;
	_ =	sdelay $0x3  }
.Ltmp111:
0x76f: {  	vm4 =	vlt.s32 v7, v6;
	vm3 =	veq.f32 v9, v3;
	v7 =	vmov v10;
	(pc) =	sbr.rel @p2 .LBB2_49-.Ltmp111, $4  }
0x770: {  	vm3 =	vmand vm4, vm3  }
0x771: {  	v11 =	vmpcnt.ones.xlane vm3  }
0x772: {  	s0 =	sadd.s32 $0x10, s0;
	v9 =	vld.idx.msk [tilespmem:v10+s2+$0x0], $0xffff  }
0x773: {  	s1 =	sadd.s32 $0xFFFFFFFF, s1;
	v8 =	vadd.s32 v8, v11;
	v10 =	vld [tilespmem:s0+$0x0]  }
.Ltmp112:
0x774: {  	_ = 	snop;
	(pc) =	sbr.rel .LBB2_51-.Ltmp112, $2  }
0x775: {  	_ =	sdelay $0x2  }
0x776: {  	v11 =	vmov v7;
	v7 =	vmov v10  }
.LBB2_48:
.Ltmp113:
0x777: {  	_ = 	snop;
	(pc) =	sbr.rel .LBB2_51-.Ltmp113, $2  }
0x778: {  	_ =	sdelay $0x2  }
0x779: {  	v11 =	vmov v7;
	v8 =	vimm.s32 $0x0;
	v7 =	vmov v10  }
.LBB2_91:
0x77a: {  	v9 =	vimm.s32 $0x0  }
.LBB2_103:
0x77b: {  	_ =	sdelay $0x3  }
0x77c: {  	v11 =	vld.idx.msk [tilespmem:v8+s12+$0x0], $0xffff;
	_ =	sdelay $0x2  }
0x77d: {  	vm4 =	vlt.s32 @p1 v12, v7;
	vm3 =	veq.f32 @p1 v10, v5  }
0x77e: {  	vm3 =	vmand @p1 vm4, vm3  }
0x77f: {  	vm15 =	vlt.s32 v8, v7;
	v10 =	vmpcnt.ones.xlane @p1 vm3;
	vm3 =	veq.f32 v11, v5  }
0x780: {  	vm3 =	vmand vm15, vm3  }
0x781: {  	v7 =	vadd.s32 @p1 v9, v10;
	v8 =	vmpcnt.ones.xlane vm3  }
0x782: {  	v6 =	vpsel p1, v7, v6  }
0x783: {  	v6 =	vadd.s32 v6, v8  }
.LBB2_104:
0x784: {  	(v2sf) =	vpush v6, $0x0;
	_ =	sdelay $0xa  }
0x785: {  	s22 =	sadd.s32 $0x1, s22  }
0x786: {  	p2 =	sne.s32 s22, $0xF  }
.Ltmp114:
0x787: {  	_ = 	snop;
	(pc) =	sbr.rel @!p2 .LBB2_105-.Ltmp114, $4  }
0x788: {  	_ = 	snop  }
0x789: {  	s0 =	spop (v2sf)  }
0x78a: {  	p1 =	slt.s32 s0, s21  }
0x78b: {  	s18 =	smov.u32 @p1 s23  }
.LBB2_89:
.Ltmp115:
0x78c: {  	(pc) =	sbr.rel @p0 .LBB2_104-.Ltmp115, $3  }
0x78d: {  	_ =	sdelay $0x1  }
0x78e: {  	s0 =	sshrl.u32 s16, s22  }
0x78f: {  	v6 =	vimm.s32 $0x0;
	s23 =	sor.u32 s0, s18  }
0x790: {  	p2 =	sne.s32 s20, $0x1  }
.Ltmp116:
0x791: {  	s0 =	simm.s32 $0x10100;
	(pc) =	sbr.rel @!p2 .LBB2_91-.Ltmp116, $2  }
0x792: {  	v8 =	vld [tilespmem:s0+$0x0];
	_ =	sdelay $0x2  }
0x793: {  	v7 =	vmov s23;
	s1 =	sadd.s32 $0xFFFFFFFF, s20;
	p1 =	por $0x0, $0x0  }
0x794: {  	_ = 	snop  }
0x795: {  	p2 =	sne.s32 s1, $0x1  }
.Ltmp117:
0x796: {  	_ = 	snop;
	(pc) =	sbr.rel @!p2 .LBB2_100-.Ltmp117, $3  }
0x797: {  	_ =	sdelay $0x1  }
0x798: {  	s0 =	simm.s32 $0x10110;
	v10 =	vld.idx.msk [tilespmem:v8+s12+$0x0], $0xffff  }
0x799: {  	s1 =	sadd.s32 $0xFFFFFFFF, s1;
	p1 =	por $0x1, $0x1;
	v9 =	vimm.s32 $0x0;
	v11 =	vld [tilespmem:s0+$0x0]  }
.LBB2_101:
0x79a: {  	p2 =	sne.s32 s1, $0x1;
	_ =	sdelay $0x3  }
.Ltmp118:
0x79b: {  	vm4 =	vlt.s32 v8, v7;
	vm3 =	veq.f32 v10, v5;
	v8 =	vmov v11;
	(pc) =	sbr.rel @p2 .LBB2_101-.Ltmp118, $4  }
0x79c: {  	vm3 =	vmand vm4, vm3  }
0x79d: {  	v12 =	vmpcnt.ones.xlane vm3  }
0x79e: {  	s0 =	sadd.s32 $0x10, s0;
	v10 =	vld.idx.msk [tilespmem:v11+s12+$0x0], $0xffff  }
0x79f: {  	s1 =	sadd.s32 $0xFFFFFFFF, s1;
	v9 =	vadd.s32 v9, v12;
	v11 =	vld [tilespmem:s0+$0x0]  }
.Ltmp119:
0x7a0: {  	_ = 	snop;
	(pc) =	sbr.rel .LBB2_103-.Ltmp119, $2  }
0x7a1: {  	_ =	sdelay $0x2  }
0x7a2: {  	v12 =	vmov v8;
	v8 =	vmov v11  }
.LBB2_100:
.Ltmp120:
0x7a3: {  	_ = 	snop;
	(pc) =	sbr.rel .LBB2_103-.Ltmp120, $2  }
0x7a4: {  	_ =	sdelay $0x2  }
0x7a5: {  	v12 =	vmov v8;
	v9 =	vimm.s32 $0x0;
	v8 =	vmov v11  }
.LBB2_143:
0x7a6: {  	v10 =	vimm.s32 $0x0  }
.LBB2_155:
0x7a7: {  	_ =	sdelay $0x3  }
0x7a8: {  	v12 =	vld.idx.msk [tilespmem:v9+s2+$0x0], $0xffff;
	_ =	sdelay $0x2  }
0x7a9: {  	vm4 =	vlt.s32 @p1 v13, v8;
	vm3 =	veq.f32 @p1 v11, v6  }
0x7aa: {  	vm3 =	vmand @p1 vm4, vm3  }
0x7ab: {  	vm15 =	vlt.s32 v9, v8;
	v11 =	vmpcnt.ones.xlane @p1 vm3;
	vm3 =	veq.f32 v12, v6  }
0x7ac: {  	vm3 =	vmand vm15, vm3  }
0x7ad: {  	v8 =	vadd.s32 @p1 v10, v11;
	v63 =	vmpcnt.ones.xlane vm3  }
0x7ae: {  	v7 =	vpsel p1, v8, v7  }
0x7af: {  	v7 =	vadd.s32 v7, v63  }
.LBB2_156:
0x7b0: {  	(v2sf) =	vpush v7, $0x0;
	_ =	sdelay $0xa  }
0x7b1: {  	s22 =	sadd.s32 $0x1, s22  }
0x7b2: {  	p2 =	sne.s32 s22, $0xF  }
.Ltmp121:
0x7b3: {  	_ = 	snop;
	(pc) =	sbr.rel @!p2 .LBB2_157-.Ltmp121, $4  }
0x7b4: {  	_ = 	snop  }
0x7b5: {  	s0 =	spop (v2sf)  }
0x7b6: {  	p1 =	slt.s32 s0, s21  }
0x7b7: {  	s19 =	smov.u32 @p1 s23  }
.LBB2_141:
.Ltmp122:
0x7b8: {  	(pc) =	sbr.rel @p0 .LBB2_156-.Ltmp122, $3  }
0x7b9: {  	_ =	sdelay $0x1  }
0x7ba: {  	s0 =	sshrl.u32 s16, s22  }
0x7bb: {  	v7 =	vimm.s32 $0x0;
	s23 =	sor.u32 s0, s19  }
0x7bc: {  	p2 =	sne.s32 s20, $0x1  }
.Ltmp123:
0x7bd: {  	s0 =	simm.s32 $0x10100;
	(pc) =	sbr.rel @!p2 .LBB2_143-.Ltmp123, $2  }
0x7be: {  	v9 =	vld [tilespmem:s0+$0x0];
	_ =	sdelay $0x2  }
0x7bf: {  	v8 =	vmov s23;
	s1 =	sadd.s32 $0xFFFFFFFF, s20;
	p1 =	por $0x0, $0x0  }
0x7c0: {  	_ = 	snop  }
0x7c1: {  	p2 =	sne.s32 s1, $0x1  }
.Ltmp124:
0x7c2: {  	_ = 	snop;
	(pc) =	sbr.rel @!p2 .LBB2_152-.Ltmp124, $3  }
0x7c3: {  	_ =	sdelay $0x1  }
0x7c4: {  	s0 =	simm.s32 $0x10110;
	v11 =	vld.idx.msk [tilespmem:v9+s2+$0x0], $0xffff  }
0x7c5: {  	s1 =	sadd.s32 $0xFFFFFFFF, s1;
	p1 =	por $0x1, $0x1;
	v10 =	vimm.s32 $0x0;
	v12 =	vld [tilespmem:s0+$0x0]  }
.LBB2_153:
0x7c6: {  	p2 =	sne.s32 s1, $0x1;
	_ =	sdelay $0x3  }
.Ltmp125:
0x7c7: {  	vm4 =	vlt.s32 v9, v8;
	vm3 =	veq.f32 v11, v6;
	v9 =	vmov v12;
	(pc) =	sbr.rel @p2 .LBB2_153-.Ltmp125, $4  }
0x7c8: {  	vm3 =	vmand vm4, vm3  }
0x7c9: {  	v13 =	vmpcnt.ones.xlane vm3  }
0x7ca: {  	s0 =	sadd.s32 $0x10, s0;
	v11 =	vld.idx.msk [tilespmem:v12+s2+$0x0], $0xffff  }
0x7cb: {  	s1 =	sadd.s32 $0xFFFFFFFF, s1;
	v10 =	vadd.s32 v10, v13;
	v12 =	vld [tilespmem:s0+$0x0]  }
.Ltmp126:
0x7cc: {  	_ = 	snop;
	(pc) =	sbr.rel .LBB2_155-.Ltmp126, $2  }
0x7cd: {  	_ =	sdelay $0x2  }
0x7ce: {  	v13 =	vmov v9;
	v9 =	vmov v12  }
.LBB2_152:
.Ltmp127:
0x7cf: {  	_ = 	snop;
	(pc) =	sbr.rel .LBB2_155-.Ltmp127, $2  }
0x7d0: {  	_ =	sdelay $0x2  }
0x7d1: {  	v13 =	vmov v9;
	v10 =	vimm.s32 $0x0;
	v9 =	vmov v12  }
.LBB2_195:
0x7d2: {  	v10 =	vimm.s32 $0x0  }
.LBB2_207:
0x7d3: {  	_ =	sdelay $0x3  }
0x7d4: {  	v12 =	vld.idx.msk [tilespmem:v9+s12+$0x0], $0xffff;
	_ =	sdelay $0x2  }
0x7d5: {  	vm4 =	vlt.s32 @p1 v13, v8;
	vm3 =	veq.f32 @p1 v11, v6  }
0x7d6: {  	vm3 =	vmand @p1 vm4, vm3  }
0x7d7: {  	vm15 =	vlt.s32 v9, v8;
	v11 =	vmpcnt.ones.xlane @p1 vm3;
	vm3 =	veq.f32 v12, v6  }
0x7d8: {  	vm3 =	vmand vm15, vm3  }
0x7d9: {  	v8 =	vadd.s32 @p1 v10, v11;
	v63 =	vmpcnt.ones.xlane vm3  }
0x7da: {  	v7 =	vpsel p1, v8, v7  }
0x7db: {  	v7 =	vadd.s32 v7, v63  }
.LBB2_208:
0x7dc: {  	(v2sf) =	vpush v7, $0x0;
	_ =	sdelay $0xa  }
0x7dd: {  	s22 =	sadd.s32 $0x1, s22  }
0x7de: {  	p2 =	sne.s32 s22, $0xF  }
.Ltmp128:
0x7df: {  	_ = 	snop;
	(pc) =	sbr.rel @!p2 .LBB2_209-.Ltmp128, $4  }
0x7e0: {  	_ = 	snop  }
0x7e1: {  	s0 =	spop (v2sf)  }
0x7e2: {  	p1 =	slt.s32 s0, s21  }
0x7e3: {  	s20 =	smov.u32 @p1 s23  }
.LBB2_193:
.Ltmp129:
0x7e4: {  	(pc) =	sbr.rel @p0 .LBB2_208-.Ltmp129, $3  }
0x7e5: {  	_ =	sdelay $0x1  }
0x7e6: {  	s0 =	sshrl.u32 s16, s22  }
0x7e7: {  	v7 =	vimm.s32 $0x0;
	s23 =	sor.u32 s0, s20  }
0x7e8: {  	p2 =	sne.s32 s18, $0x1  }
.Ltmp130:
0x7e9: {  	s0 =	simm.s32 $0x10100;
	(pc) =	sbr.rel @!p2 .LBB2_195-.Ltmp130, $2  }
0x7ea: {  	v9 =	vld [tilespmem:s0+$0x0];
	_ =	sdelay $0x2  }
0x7eb: {  	v8 =	vmov s23;
	s1 =	sadd.s32 $0xFFFFFFFF, s18;
	p1 =	por $0x0, $0x0  }
0x7ec: {  	_ = 	snop  }
0x7ed: {  	p2 =	sne.s32 s1, $0x1  }
.Ltmp131:
0x7ee: {  	_ = 	snop;
	(pc) =	sbr.rel @!p2 .LBB2_204-.Ltmp131, $3  }
0x7ef: {  	_ =	sdelay $0x1  }
0x7f0: {  	s0 =	simm.s32 $0x10110;
	v11 =	vld.idx.msk [tilespmem:v9+s12+$0x0], $0xffff  }
0x7f1: {  	s1 =	sadd.s32 $0xFFFFFFFF, s1;
	p1 =	por $0x1, $0x1;
	v10 =	vimm.s32 $0x0;
	v12 =	vld [tilespmem:s0+$0x0]  }
.LBB2_205:
0x7f2: {  	p2 =	sne.s32 s1, $0x1;
	_ =	sdelay $0x3  }
.Ltmp132:
0x7f3: {  	vm4 =	vlt.s32 v9, v8;
	vm3 =	veq.f32 v11, v6;
	v9 =	vmov v12;
	(pc) =	sbr.rel @p2 .LBB2_205-.Ltmp132, $4  }
0x7f4: {  	vm3 =	vmand vm4, vm3  }
0x7f5: {  	v13 =	vmpcnt.ones.xlane vm3  }
0x7f6: {  	s0 =	sadd.s32 $0x10, s0;
	v11 =	vld.idx.msk [tilespmem:v12+s12+$0x0], $0xffff  }
0x7f7: {  	s1 =	sadd.s32 $0xFFFFFFFF, s1;
	v10 =	vadd.s32 v10, v13;
	v12 =	vld [tilespmem:s0+$0x0]  }
.Ltmp133:
0x7f8: {  	_ = 	snop;
	(pc) =	sbr.rel .LBB2_207-.Ltmp133, $2  }
0x7f9: {  	_ =	sdelay $0x2  }
0x7fa: {  	v13 =	vmov v9;
	v9 =	vmov v12  }
.LBB2_204:
.Ltmp134:
0x7fb: {  	_ = 	snop;
	(pc) =	sbr.rel .LBB2_207-.Ltmp134, $2  }
0x7fc: {  	_ =	sdelay $0x2  }
0x7fd: {  	v13 =	vmov v9;
	v10 =	vimm.s32 $0x0;
	v9 =	vmov v12  }
.LBB2_25:
.Ltmp135:
0x7fe: {  	(pc) =	sbr.rel .LBB2_29-.Ltmp135, $2  }
0x7ff: {  	_ =	sdelay $0x2  }
0x800: {  	v3 =	vimm.f32 $-Inf;
	p2 =	por $0x0, $0x0  }
.LBB2_30:
.Ltmp136:
0x801: {  	(pc) =	sbr.rel .LBB2_34-.Ltmp136, $2  }
0x802: {  	_ =	sdelay $0x2  }
0x803: {  	v7 =	vimm.s32 $0x0  }
.LBB2_77:
.Ltmp137:
0x804: {  	(pc) =	sbr.rel .LBB2_81-.Ltmp137, $2  }
0x805: {  	_ =	sdelay $0x2  }
0x806: {  	v5 =	vimm.f32 $-Inf;
	p2 =	por $0x0, $0x0  }
.LBB2_82:
.Ltmp138:
0x807: {  	(pc) =	sbr.rel .LBB2_86-.Ltmp138, $2  }
0x808: {  	_ =	sdelay $0x2  }
0x809: {  	v8 =	vimm.s32 $0x0  }
.LBB2_129:
.Ltmp139:
0x80a: {  	(pc) =	sbr.rel .LBB2_133-.Ltmp139, $2  }
0x80b: {  	_ =	sdelay $0x2  }
0x80c: {  	v6 =	vimm.f32 $-Inf;
	p2 =	por $0x0, $0x0  }
.LBB2_134:
.Ltmp140:
0x80d: {  	(pc) =	sbr.rel .LBB2_138-.Ltmp140, $2  }
0x80e: {  	_ =	sdelay $0x2  }
0x80f: {  	v9 =	vimm.s32 $0x0  }
.LBB2_181:
.Ltmp141:
0x810: {  	(pc) =	sbr.rel .LBB2_185-.Ltmp141, $2  }
0x811: {  	_ =	sdelay $0x2  }
0x812: {  	v6 =	vimm.f32 $-Inf;
	p2 =	por $0x0, $0x0  }
.LBB2_186:
.Ltmp142:
0x813: {  	(pc) =	sbr.rel .LBB2_190-.Ltmp142, $2  }
0x814: {  	_ =	sdelay $0x2  }
0x815: {  	v9 =	vimm.s32 $0x0  }
.LBB2_27:
.Ltmp143:
0x816: {  	(pc) =	sbr.rel .LBB2_29-.Ltmp143, $2  }
0x817: {  	_ =	sdelay $0x2  }
0x818: {  	v3 =	vimm.f32 $-Inf  }
.LBB2_32:
.Ltmp144:
0x819: {  	(pc) =	sbr.rel .LBB2_34-.Ltmp144, $2  }
0x81a: {  	_ =	sdelay $0x2  }
0x81b: {  	v7 =	vimm.s32 $0x0  }
.LBB2_79:
.Ltmp145:
0x81c: {  	(pc) =	sbr.rel .LBB2_81-.Ltmp145, $2  }
0x81d: {  	_ =	sdelay $0x2  }
0x81e: {  	v5 =	vimm.f32 $-Inf  }
.LBB2_84:
.Ltmp146:
0x81f: {  	(pc) =	sbr.rel .LBB2_86-.Ltmp146, $2  }
0x820: {  	_ =	sdelay $0x2  }
0x821: {  	v8 =	vimm.s32 $0x0  }
.LBB2_131:
.Ltmp147:
0x822: {  	(pc) =	sbr.rel .LBB2_133-.Ltmp147, $2  }
0x823: {  	_ =	sdelay $0x2  }
0x824: {  	v6 =	vimm.f32 $-Inf  }
.LBB2_136:
.Ltmp148:
0x825: {  	(pc) =	sbr.rel .LBB2_138-.Ltmp148, $2  }
0x826: {  	_ =	sdelay $0x2  }
0x827: {  	v9 =	vimm.s32 $0x0  }
.LBB2_183:
.Ltmp149:
0x828: {  	(pc) =	sbr.rel .LBB2_185-.Ltmp149, $2  }
0x829: {  	_ =	sdelay $0x2  }
0x82a: {  	v6 =	vimm.f32 $-Inf  }
.LBB2_188:
.Ltmp150:
0x82b: {  	(pc) =	sbr.rel .LBB2_190-.Ltmp150, $2  }
0x82c: {  	_ =	sdelay $0x2  }
0x82d: {  	v9 =	vimm.s32 $0x0  }
.LBB2_41:
.Ltmp151:
0x82e: {  	(pc) =	sbr.rel .LBB2_46-.Ltmp151, $2  }
0x82f: {  	_ =	sdelay $0x2  }
0x830: {  	v8 =	vimm.s32 $0x7FFFFFFF  }
.LBB2_93:
.Ltmp152:
0x831: {  	(pc) =	sbr.rel .LBB2_98-.Ltmp152, $2  }
0x832: {  	_ =	sdelay $0x2  }
0x833: {  	v9 =	vimm.s32 $0x7FFFFFFF  }
.LBB2_145:
.Ltmp153:
0x834: {  	(pc) =	sbr.rel .LBB2_150-.Ltmp153, $2  }
0x835: {  	_ =	sdelay $0x2  }
0x836: {  	v10 =	vimm.s32 $0x7FFFFFFF  }
.LBB2_43:
.Ltmp154:
0x837: {  	(pc) =	sbr.rel .LBB2_46-.Ltmp154, $2  }
0x838: {  	_ =	sdelay $0x2  }
0x839: {  	v10 =	vmov v6;
	v8 =	vimm.s32 $0x7FFFFFFF;
	v6 =	vmov v9  }
.LBB2_95:
.Ltmp155:
0x83a: {  	(pc) =	sbr.rel .LBB2_98-.Ltmp155, $2  }
0x83b: {  	_ =	sdelay $0x2  }
0x83c: {  	v11 =	vmov v7;
	v9 =	vimm.s32 $0x7FFFFFFF;
	v7 =	vmov v10  }
.LBB2_147:
.Ltmp156:
0x83d: {  	(pc) =	sbr.rel .LBB2_150-.Ltmp156, $2  }
0x83e: {  	_ =	sdelay $0x2  }
0x83f: {  	v12 =	vmov v8;
	v10 =	vimm.s32 $0x7FFFFFFF;
	v8 =	vmov v11  }
.LBB2_199:
.Ltmp157:
0x840: {  	_ = 	snop;
	(pc) =	sbr.rel .LBB2_202-.Ltmp157, $2  }
0x841: {  	_ =	sdelay $0x2  }
0x842: {  	v12 =	vmov v8;
	v10 =	vimm.s32 $0x7FFFFFFF;
	v8 =	vmov v11  }
.LBB2_210:
0x843: {  	_ =	sfence.sel $0x180000  }
0x844: {  	[bflag:$0x0] =	sbarrier.arrive $0xFFFF  }
0x845: {  	_ =	strace $0x90000047  }
0x846: {  	s0 =	stileid.u32;
	[bflag:$0x2] =	sbarrier.arrive $0xFFFF  }
0x847: {  	p0 =	sne.s32 s0, $0x0;
	s0 =	rddreg [dreg:$0x2]  }
0x848: {  	s0 =	sadd.s32 @!p0 $0x100000, s0  }
0x849: {  	[sflag:s0] =	ssyncadd.tile.s32 @!p0 $0x1;
	_ =	shalt  }
.Lfunc_end2:
_tile_overlayer_lowered:
.L_overlay_start_2:
0x84a: {  	(tag) =	ssettag $0x2  }
0x84b: {  	s0 =	rddreg [dreg:$0x0];
	s2 =	stileid.u32  }
0x84c: {  	s1 =	rddreg [dreg:$0x1];
	p0 =	sne.s32 s2, $0x0  }
0x84d: {  	s3 =	rddreg [dreg:$0x2];
	[bflag:$0x3] =	sbarrier.arrive $0xFFFF;
	s2 =	simm.s32 @!p0 $0x1C04  }
0x84e: {  	[timem:s3], [sflag:s2] =	dma.local @!p0 [hbm:s0], s1  }
0x84f: {  	s0 =	simm.s32 @!p0 $0x4  }
0x850: {  	_ =	swait.ge @!p0 [sflag:s0], s1  }
0x851: {  	s1 =	ssub.s32 @!p0 $0x0, s1;
	[sflag:s0] =	ssyncset.done @!p0 $0x0  }
0x852: {  	[sflag:s0] =	ssyncadd.s32 @!p0 s1  }
0x853: {  	[bflag:$0x3] =	sbarrier.arrive $0xFFFF  }
0x854: {  	_ =	shalt  }

</sc_bundles>
